<compile_context>
chip_gen: v7x
topology: tpu7x:2x2x1
jax: 0.10.2.dev20260603
libtpu: 0.0.44.dev20260713+nightly
codegen_flags: <defaults>
</compile_context>

<pallas_src>
import functools

import jax
import jax.numpy as jnp
from jax import lax
from jax.experimental import pallas as pl
from jax.experimental.pallas import tpu as pltpu
from jax.experimental.pallas import tpu_sc as plsc

_N = 10000
_E = 640000
_D = 120
_DP = 128
_T = 5
_G = 16

_NC = 2
_NS = 16
_NW = _NC * _NS
_EPW = _E // _NW
_CH = 80
_NCHUNK = _EPW // _CH
_NP = 10240
_RPT = _NP // _NS

_SELU_ALPHA = 1.6732632423543772
_SELU_SCALE = 1.0507009873554805

_BLK = 1000
_NBLK = _N // _BLK


def _selu(x):
    return _SELU_SCALE * jnp.where(
        x > 0, x, _SELU_ALPHA * (jnp.exp(x) - 1.0))


def _edge_body(a_hbm, b_hbm, fst_hbm, sec_hbm, out_hbm,
               acc, fst_v, sec_v, arows, brows, sem):
    c = lax.axis_index("c")
    s = lax.axis_index("s")
    wid = c * _NS + s

    zero16 = jnp.zeros((16,), jnp.float32)

    def _zrow(r, carry):
        for j in range(_DP // 16):
            arows[r, pl.ds(j * 16, 16)] = zero16
        return carry

    lax.fori_loop(0, _CH, _zrow, 0)
    rbase = s * _RPT
    for k in range(_RPT // _CH):
        pltpu.sync_copy(arows, acc.at[pl.ds(rbase + k * _CH, _CH)])
    plsc.subcore_barrier()

    ebase = wid * _EPW

    def _chunk(k, carry):
        off = ebase + k * _CH
        pltpu.sync_copy(fst_hbm.at[pl.ds(off, _CH)], fst_v)
        pltpu.sync_copy(sec_hbm.at[pl.ds(off, _CH)], sec_v)
        cp_a = pltpu.async_copy(a_hbm.at[fst_v], arows, sem)
        cp_b = pltpu.async_copy(b_hbm.at[sec_v], brows, sem)
        cp_a.wait()
        cp_b.wait()

        def _row(r, inner):
            for j in range(_DP // 16):
                sl = pl.ds(j * 16, 16)
                x = arows[r, sl] + brows[r, sl]
                arows[r, sl] = _selu(x)
            return inner

        lax.fori_loop(0, _CH, _row, 0)
        pltpu.sync_copy(arows, acc.at[sec_v], add=True)
        return carry

    lax.fori_loop(0, _NCHUNK, _chunk, 0)
    plsc.subcore_barrier()
    pltpu.sync_copy(acc.at[pl.ds(rbase, _RPT)],
                    out_hbm.at[c, pl.ds(rbase, _RPT)])


@functools.cache
def _edge_pass_kernel():
    return pl.kernel(
        _edge_body,
        out_type=jax.ShapeDtypeStruct((_NC, _NP, _DP), jnp.float32),
        mesh=plsc.VectorSubcoreMesh(core_axis_name="c", subcore_axis_name="s",
                                    num_cores=_NC, num_subcores=_NS),
        scratch_types=[
            pltpu.VMEM_SHARED((_NP, _DP), jnp.float32),
            pltpu.VMEM((_CH,), jnp.int32),
            pltpu.VMEM((_CH,), jnp.int32),
            pltpu.VMEM((_CH, _DP), jnp.float32),
            pltpu.VMEM((_CH, _DP), jnp.float32),
            pltpu.SemaphoreType.DMA,
        ],
    )


def _msg0_body(h_ref, w1_ref, w2_ref, bm_ref, a_ref, b_ref):
    h = h_ref[...]
    a_ref[...] = jnp.dot(h, w1_ref[...], preferred_element_type=jnp.float32)
    b_ref[...] = (jnp.dot(h, w2_ref[...], preferred_element_type=jnp.float32)
                  + bm_ref[...])


def _gru_body(p_ref, h_ref, kc_ref, rkc_ref, bx_ref, br_ref,
              w1_ref, w2_ref, bm_ref, hn_ref, a_ref, b_ref):
    x = p_ref[0] + p_ref[1]
    h = h_ref[...]
    mx = jnp.dot(x, kc_ref[...], preferred_element_type=jnp.float32) + bx_ref[...]
    mh = jnp.dot(h, rkc_ref[...], preferred_element_type=jnp.float32) + br_ref[...]
    z = jax.nn.sigmoid(mx[:, :_DP] + mh[:, :_DP])
    r = jax.nn.sigmoid(mx[:, _DP:2 * _DP] + mh[:, _DP:2 * _DP])
    hh = jnp.tanh(mx[:, 2 * _DP:] + r * mh[:, 2 * _DP:])
    hn = z * h + (1.0 - z) * hh
    hn_ref[...] = hn
    a_ref[...] = jnp.dot(hn, w1_ref[...], preferred_element_type=jnp.float32)
    b_ref[...] = (jnp.dot(hn, w2_ref[...], preferred_element_type=jnp.float32)
                  + bm_ref[...])


def _readout_body(h_ref, gid_ref, wr1_ref, wr2_ref, wr3_ref,
                  br1_ref, br2_ref, br3_ref, out_ref):
    h = h_ref[...]
    ids = gid_ref[...]
    rows = []
    for g in range(_G):
        m = (ids == g).astype(jnp.float32)
        rows.append(jnp.sum(h * m, axis=0, keepdims=True))
    ec = jnp.concatenate(rows, axis=0)
    r1 = _selu(jnp.dot(ec, wr1_ref[...], preferred_element_type=jnp.float32)
               + br1_ref[...])
    r2 = _selu(jnp.dot(r1, wr2_ref[...], preferred_element_type=jnp.float32)
               + br2_ref[...])
    out_ref[...] = (jnp.dot(r2, wr3_ref[...], preferred_element_type=jnp.float32)
                    + br3_ref[...])


def _row_spec(shape):
    return pl.BlockSpec(shape, lambda i: (i,) + (0,) * (len(shape) - 1))


def _full_spec(shape):
    return pl.BlockSpec(shape, lambda i: (0,) * len(shape))


_msg0 = pl.pallas_call(
    _msg0_body,
    grid=(_NBLK,),
    in_specs=[_row_spec((_BLK, _DP)), _full_spec((_DP, _DP)),
              _full_spec((_DP, _DP)), _full_spec((1, _DP))],
    out_specs=[_row_spec((_BLK, _DP)), _row_spec((_BLK, _DP))],
    out_shape=[jax.ShapeDtypeStruct((_N, _DP), jnp.float32)] * 2,
)

_gru = pl.pallas_call(
    _gru_body,
    grid=(_NBLK,),
    in_specs=[
        pl.BlockSpec((_NC, _BLK, _DP), lambda i: (0, i, 0)),
        _row_spec((_BLK, _DP)),
        _full_spec((_DP, 3 * _DP)), _full_spec((_DP, 3 * _DP)),
        _full_spec((1, 3 * _DP)), _full_spec((1, 3 * _DP)),
        _full_spec((_DP, _DP)), _full_spec((_DP, _DP)), _full_spec((1, _DP)),
    ],
    out_specs=[_row_spec((_BLK, _DP))] * 3,
    out_shape=[jax.ShapeDtypeStruct((_N, _DP), jnp.float32)] * 3,
)

_readout = pl.pallas_call(
    _readout_body,
    out_shape=jax.ShapeDtypeStruct((_G, _DP), jnp.float32),
)


def _pad_mat(w):
    return jnp.pad(w, ((0, _DP - w.shape[0]), (0, _DP - w.shape[1])))


def _pad_vec(v):
    return jnp.pad(v, (0, _DP - v.shape[0])).reshape(1, _DP)


def kernel(link_state, states_graph_ids, states_first, states_second,
           states_num_edges, W_msg, b_msg, gru_kernel, gru_rkernel, gru_bias,
           W_r1, b_r1, W_r2, b_r2, W_r3, b_r3):
    f32 = jnp.float32
    h = jnp.pad(link_state.astype(f32), ((0, 0), (0, _DP - _D)))
    w1 = _pad_mat(W_msg[:_D])
    w2 = _pad_mat(W_msg[_D:])
    bm = _pad_vec(b_msg)
    kc = jnp.concatenate(
        [_pad_mat(gru_kernel[:, i * _D:(i + 1) * _D]) for i in range(3)], axis=1)
    rkc = jnp.concatenate(
        [_pad_mat(gru_rkernel[:, i * _D:(i + 1) * _D]) for i in range(3)], axis=1)
    bx = jnp.concatenate(
        [_pad_vec(gru_bias[0, i * _D:(i + 1) * _D]) for i in range(3)], axis=1)
    br = jnp.concatenate(
        [_pad_vec(gru_bias[1, i * _D:(i + 1) * _D]) for i in range(3)], axis=1)
    wr1 = _pad_mat(W_r1)
    wr2 = _pad_mat(W_r2)
    wr3 = _pad_mat(W_r3)
    br1 = _pad_vec(b_r1)
    br2 = _pad_vec(b_r2)
    br3 = _pad_vec(b_r3)
    fst = states_first.astype(jnp.int32)
    sec = states_second.astype(jnp.int32)
    gid = states_graph_ids.astype(jnp.int32).reshape(_N, 1)

    a, b = _msg0(h, w1, w2, bm)
    edge_pass = _edge_pass_kernel()
    for _ in range(_T):
        parts = edge_pass(a, b, fst, sec)
        h, a, b = _gru(parts, h, kc, rkc, bx, br, w1, w2, bm)
    out = _readout(h, gid, wr1, wr2, wr3, br1, br2, br3)
    return out[:, 0:1]

# --- scband reference (transcript-rebuilt; emitter-appended) ---
"""Pipeline reference for scband-my-model-67740224193235 (READ-ONLY COPY).

The authoritative reference and input builder live on the scoring server;
editing this copy changes nothing except your own understanding.
"""

import jax, jax.numpy as jnp
import numpy as np

N = 10000
E = 640000
D = 120
T = 5
G = 16

def setup_inputs(seed: int = 0) -> dict:
    key = jax.random.key(seed)
    ks = jax.random.split(key, 16)
    s = 1.0 / np.sqrt(D)
    inp = {}
    inp['link_state'] = jax.random.normal(ks[0], (N, D), dtype=jnp.float32)
    inp['states_graph_ids'] = jnp.sort(jax.random.randint(ks[1], (N,), 0, G, dtype=jnp.int32))
    inp['states_first'] = jax.random.randint(ks[2], (E,), 0, N, dtype=jnp.int32)
    inp['states_second'] = jax.random.randint(ks[3], (E,), 0, N, dtype=jnp.int32)
    inp['states_num_edges'] = N
    # Message MLP: Dense(2D -> D), selu
    inp['W_msg'] = jax.random.normal(ks[4], (2 * D, D), dtype=jnp.float32) * s
    inp['b_msg'] = jnp.zeros((D,), jnp.float32)
    # GRUCell (keras default reset_after=True): kernel [D,3D], recurrent_kernel [D,3D], bias [2,3D]
    inp['gru_kernel'] = jax.random.normal(ks[5], (D, 3 * D), dtype=jnp.float32) * s
    inp['gru_rkernel'] = jax.random.normal(ks[6], (D, 3 * D), dtype=jnp.float32) * s
    inp['gru_bias'] = jnp.zeros((2, 3 * D), jnp.float32)
    # Readout MLP: Dense(D->D) selu, Dense(D->D) selu, Dense(D->1)
    inp['W_r1'] = jax.random.normal(ks[7], (D, D), dtype=jnp.float32) * s
    inp['b_r1'] = jnp.zeros((D,), jnp.float32)
    inp['W_r2'] = jax.random.normal(ks[8], (D, D), dtype=jnp.float32) * s
    inp['b_r2'] = jnp.zeros((D,), jnp.float32)
    inp['W_r3'] = jax.random.normal(ks[9], (D, 1), dtype=jnp.float32) * 0.1 * s
    inp['b_r3'] = jnp.zeros((1,), jnp.float32)
    return inp

def _gru_cell(x, h, kernel, rkernel, bias):
    # keras GRUCell, reset_after=True
    mx = x @ kernel + bias[0]
    mi = h @ rkernel + bias[1]
    xz, xr, xh = jnp.split(mx, 3, axis=1)
    rz, rr, rh = jnp.split(mi, 3, axis=1)
    z = jax.nn.sigmoid(xz + rz)
    r = jax.nn.sigmoid(xr + rr)
    hh = jnp.tanh(xh + r * rh)
    return z * h + (1.0 - z) * hh

def reference(link_state, states_graph_ids, states_first, states_second, states_num_edges,
              W_msg, b_msg, gru_kernel, gru_rkernel, gru_bias,
              W_r1, b_r1, W_r2, b_r2, W_r3, b_r3):
    num_segments_static = link_state.shape[0]
    h = link_state + jnp.zeros((), link_state.dtype) * states_num_edges
    for _ in range(T):
        main_edges = jnp.take(h, states_first, axis=0)
        neigh_edges = jnp.take(h, states_second, axis=0)
        edges_concat = jnp.concatenate([main_edges, neigh_edges], axis=1)
        outputs = jax.nn.selu(edges_concat @ W_msg + b_msg)
        edges_inputs = jax.ops.segment_sum(outputs, states_second, num_segments=num_segments_static)
        h = _gru_cell(edges_inputs, h, gru_kernel, gru_rkernel, gru_bias)
    edges_combi = jax.ops.segment_sum(h, states_graph_ids, num_segments=G)
    r1 = jax.nn.selu(edges_combi @ W_r1 + b_r1)
    r2 = jax.nn.selu(r1 @ W_r2 + b_r2)
    r = r2 @ W_r3 + b_r3
    return r

if __name__ == "__main__":
    import jax
    _d = setup_inputs()
    print(jax.jit(kernel)(*tuple(_d.values())))

</pallas_src>

<mosaic_0001>
#map = affine_map<(d0, d1) -> (0, 0)>
#map1 = affine_map<(d0, d1) -> (0)>
#map2 = affine_map<(d0, d1) -> (0, 0, 0)>
module attributes {stable_mosaic.version = 14 : i64} {
  func.func @_edge_body(%arg0: i32, %arg1: i32, %arg2: memref<10000x128xf32, #tpu.memory_space<hbm>>, %arg3: memref<10000x128xf32, #tpu.memory_space<hbm>>, %arg4: memref<640000xi32, #tpu.memory_space<hbm>>, %arg5: memref<640000xi32, #tpu.memory_space<hbm>>, %arg6: memref<2x10240x128xf32, #tpu.memory_space<hbm>>, %arg7: memref<10240x128xf32, #tpu.memory_space<vmem_shared>>, %arg8: memref<80xi32, #tpu.memory_space<vmem>>, %arg9: memref<80xi32, #tpu.memory_space<vmem>>, %arg10: memref<80x128xf32, #tpu.memory_space<vmem>>, %arg11: memref<80x128xf32, #tpu.memory_space<vmem>>, %arg12: memref<!tpu.dma_semaphore, #tpu.memory_space<semaphore_mem>>) attributes {dimension_semantics = [#tpu.dimension_semantics<core_parallel>, #tpu.dimension_semantics<subcore_parallel>], iteration_bounds = array<i64: 2, 16>, scalar_prefetch = 0 : i64, scratch_operands = 6 : i64, tpu.core_type = #tpu.core_type<sc_vector_subcore>, window_params = [{transform_indices = #map}, {transform_indices = #map}, {transform_indices = #map1}, {transform_indices = #map1}, {transform_indices = #map2}]} {
    %mul3A = arith.constant 16 : i32
    %mul3A_0 = arith.muli %arg0, %mul3A : i32
    %add3A = arith.addi %mul3A_0, %arg1 : i32
    %broadcast_in_dim3A = arith.constant 0.000000e+00 : f32
    %broadcast_in_dim3A_1 = vector.broadcast %broadcast_in_dim3A : f32 to vector<16xf32>
    %scan3A = arith.constant 0 : i32
    %scan3A_2 = arith.constant 0 : i32
    %scan3A_3 = arith.constant 80 : i32
    %scan3A_4 = arith.addi %scan3A_2, %scan3A_3 : i32
    %scan3A_5 = arith.constant 1 : i32
    scf.for %scan3A_34 = %scan3A_2 to %scan3A_4 step %scan3A_5  : i32 {
      %swap3A = arith.index_cast %scan3A_34 : i32 to index
      %swap3A_35 = arith.constant 0 : index
      %swap3A_36 = tpu.vector_load %arg10[%swap3A, %swap3A_35] {strides = array<i32>} : memref<80x128xf32, #tpu.memory_space<vmem>>, vector<1x16xf32>,
      %swap3A_37 = vector.shape_cast %swap3A_36 : vector<1x16xf32> to vector<16xf32>
      %swap3A_38 = vector.shape_cast %broadcast_in_dim3A_1 : vector<16xf32> to vector<1x16xf32>
      tpu.vector_store %arg10[%swap3A, %swap3A_35], %swap3A_38 {strides = array<i32>} : memref<80x128xf32, #tpu.memory_space<vmem>>, vector<1x16xf32>,
      %swap3A_39 = arith.index_cast %scan3A_34 : i32 to index
      %swap3A_40 = arith.constant 16 : index
      %swap3A_41 = tpu.vector_load %arg10[%swap3A_39, %swap3A_40] {strides = array<i32>} : memref<80x128xf32, #tpu.memory_space<vmem>>, vector<1x16xf32>,
      %swap3A_42 = vector.shape_cast %swap3A_41 : vector<1x16xf32> to vector<16xf32>
      %swap3A_43 = vector.shape_cast %broadcast_in_dim3A_1 : vector<16xf32> to vector<1x16xf32>
      tpu.vector_store %arg10[%swap3A_39, %swap3A_40], %swap3A_43 {strides = array<i32>} : memref<80x128xf32, #tpu.memory_space<vmem>>, vector<1x16xf32>,
      %swap3A_44 = arith.index_cast %scan3A_34 : i32 to index
      %swap3A_45 = arith.constant 32 : index
      %swap3A_46 = tpu.vector_load %arg10[%swap3A_44, %swap3A_45] {strides = array<i32>} : memref<80x128xf32, #tpu.memory_space<vmem>>, vector<1x16xf32>,
      %swap3A_47 = vector.shape_cast %swap3A_46 : vector<1x16xf32> to vector<16xf32>
      %swap3A_48 = vector.shape_cast %broadcast_in_dim3A_1 : vector<16xf32> to vector<1x16xf32>
      tpu.vector_store %arg10[%swap3A_44, %swap3A_45], %swap3A_48 {strides = array<i32>} : memref<80x128xf32, #tpu.memory_space<vmem>>, vector<1x16xf32>,
      %swap3A_49 = arith.index_cast %scan3A_34 : i32 to index
      %swap3A_50 = arith.constant 48 : index
      %swap3A_51 = tpu.vector_load %arg10[%swap3A_49, %swap3A_50] {strides = array<i32>} : memref<80x128xf32, #tpu.memory_space<vmem>>, vector<1x16xf32>,
      %swap3A_52 = vector.shape_cast %swap3A_51 : vector<1x16xf32> to vector<16xf32>
      %swap3A_53 = vector.shape_cast %broadcast_in_dim3A_1 : vector<16xf32> to vector<1x16xf32>
      tpu.vector_store %arg10[%swap3A_49, %swap3A_50], %swap3A_53 {strides = array<i32>} : memref<80x128xf32, #tpu.memory_space<vmem>>, vector<1x16xf32>,
      %swap3A_54 = arith.index_cast %scan3A_34 : i32 to index
      %swap3A_55 = arith.constant 64 : index
      %swap3A_56 = tpu.vector_load %arg10[%swap3A_54, %swap3A_55] {strides = array<i32>} : memref<80x128xf32, #tpu.memory_space<vmem>>, vector<1x16xf32>,
      %swap3A_57 = vector.shape_cast %swap3A_56 : vector<1x16xf32> to vector<16xf32>
      %swap3A_58 = vector.shape_cast %broadcast_in_dim3A_1 : vector<16xf32> to vector<1x16xf32>
      tpu.vector_store %arg10[%swap3A_54, %swap3A_55], %swap3A_58 {strides = array<i32>} : memref<80x128xf32, #tpu.memory_space<vmem>>, vector<1x16xf32>,
      %swap3A_59 = arith.index_cast %scan3A_34 : i32 to index
      %swap3A_60 = arith.constant 80 : index
      %swap3A_61 = tpu.vector_load %arg10[%swap3A_59, %swap3A_60] {strides = array<i32>} : memref<80x128xf32, #tpu.memory_space<vmem>>, vector<1x16xf32>,
      %swap3A_62 = vector.shape_cast %swap3A_61 : vector<1x16xf32> to vector<16xf32>
      %swap3A_63 = vector.shape_cast %broadcast_in_dim3A_1 : vector<16xf32> to vector<1x16xf32>
      tpu.vector_store %arg10[%swap3A_59, %swap3A_60], %swap3A_63 {strides = array<i32>} : memref<80x128xf32, #tpu.memory_space<vmem>>, vector<1x16xf32>,
      %swap3A_64 = arith.index_cast %scan3A_34 : i32 to index
      %swap3A_65 = arith.constant 96 : index
      %swap3A_66 = tpu.vector_load %arg10[%swap3A_64, %swap3A_65] {strides = array<i32>} : memref<80x128xf32, #tpu.memory_space<vmem>>, vector<1x16xf32>,
      %swap3A_67 = vector.shape_cast %swap3A_66 : vector<1x16xf32> to vector<16xf32>
      %swap3A_68 = vector.shape_cast %broadcast_in_dim3A_1 : vector<16xf32> to vector<1x16xf32>
      tpu.vector_store %arg10[%swap3A_64, %swap3A_65], %swap3A_68 {strides = array<i32>} : memref<80x128xf32, #tpu.memory_space<vmem>>, vector<1x16xf32>,
      %swap3A_69 = arith.index_cast %scan3A_34 : i32 to index
      %swap3A_70 = arith.constant 112 : index
      %swap3A_71 = tpu.vector_load %arg10[%swap3A_69, %swap3A_70] {strides = array<i32>} : memref<80x128xf32, #tpu.memory_space<vmem>>, vector<1x16xf32>,
      %swap3A_72 = vector.shape_cast %swap3A_71 : vector<1x16xf32> to vector<16xf32>
      %swap3A_73 = vector.shape_cast %broadcast_in_dim3A_1 : vector<16xf32> to vector<1x16xf32>
      tpu.vector_store %arg10[%swap3A_69, %swap3A_70], %swap3A_73 {strides = array<i32>} : memref<80x128xf32, #tpu.memory_space<vmem>>, vector<1x16xf32>,
    }
    %scan3A_6 = arith.constant 80 : i32
    %mul3A_7 = arith.constant 640 : i32
    %mul3A_8 = arith.muli %arg1, %mul3A_7 : i32
    %add3A_9 = arith.constant 0 : i32
    %add3A_10 = arith.addi %mul3A_8, %add3A_9 : i32
    "tpu.region"() ({
      %run_scoped3A = tpu.sem_alloc : memref<!tpu.dma_semaphore, #tpu.memory_space<semaphore_mem>>
      %dma_start3A = arith.constant 0 : i32
      %dma_start3A_34 = tpu.memref_slice %arg7[%add3A_10, %dma_start3A] : memref<10240x128xf32, #tpu.memory_space<vmem_shared>> -> memref<80x128xf32, #tpu.memory_space<vmem_shared>>
      %dma_start3A_35 = arith.constant 0 : i32
      %dma_start3A_36 = tpu.memref_slice %arg7[%add3A_10, %dma_start3A_35] : memref<10240x128xf32, #tpu.memory_space<vmem_shared>> -> memref<80x128xf32, #tpu.memory_space<vmem_shared>>
      tpu.enqueue_dma source(%arg10 : memref<80x128xf32, #tpu.memory_space<vmem>>) target(%dma_start3A_36 : memref<80x128xf32, #tpu.memory_space<vmem_shared>>) target_semaphore(%run_scoped3A : memref<!tpu.dma_semaphore, #tpu.memory_space<semaphore_mem>>)
      %dma_wait3A = arith.constant 0 : i32
      %dma_wait3A_37 = tpu.memref_slice %arg7[%add3A_10, %dma_wait3A] : memref<10240x128xf32, #tpu.memory_space<vmem_shared>> -> memref<80x128xf32, #tpu.memory_space<vmem_shared>>
      %dma_wait3A_38 = arith.constant 0 : i32
      %dma_wait3A_39 = tpu.memref_slice %arg7[%add3A_10, %dma_wait3A_38] : memref<10240x128xf32, #tpu.memory_space<vmem_shared>> -> memref<80x128xf32, #tpu.memory_space<vmem_shared>>
      tpu.wait_dma2 semaphore(%run_scoped3A : memref<!tpu.dma_semaphore, #tpu.memory_space<semaphore_mem>>) src(%arg10 : memref<80x128xf32, #tpu.memory_space<vmem>>) dst(%dma_wait3A_39 : memref<80x128xf32, #tpu.memory_space<vmem_shared>>)
      tpu.yield
    }) : () -> ()
    %add3A_11 = arith.constant 80 : i32
    %add3A_12 = arith.addi %mul3A_8, %add3A_11 : i32
    "tpu.region"() ({
      %run_scoped3A = tpu.sem_alloc : memref<!tpu.dma_semaphore, #tpu.memory_space<semaphore_mem>>
      %dma_start3A = arith.constant 0 : i32
      %dma_start3A_34 = tpu.memref_slice %arg7[%add3A_12, %dma_start3A] : memref<10240x128xf32, #tpu.memory_space<vmem_shared>> -> memref<80x128xf32, #tpu.memory_space<vmem_shared>>
      %dma_start3A_35 = arith.constant 0 : i32
      %dma_start3A_36 = tpu.memref_slice %arg7[%add3A_12, %dma_start3A_35] : memref<10240x128xf32, #tpu.memory_space<vmem_shared>> -> memref<80x128xf32, #tpu.memory_space<vmem_shared>>
      tpu.enqueue_dma source(%arg10 : memref<80x128xf32, #tpu.memory_space<vmem>>) target(%dma_start3A_36 : memref<80x128xf32, #tpu.memory_space<vmem_shared>>) target_semaphore(%run_scoped3A : memref<!tpu.dma_semaphore, #tpu.memory_space<semaphore_mem>>)
      %dma_wait3A = arith.constant 0 : i32
      %dma_wait3A_37 = tpu.memref_slice %arg7[%add3A_12, %dma_wait3A] : memref<10240x128xf32, #tpu.memory_space<vmem_shared>> -> memref<80x128xf32, #tpu.memory_space<vmem_shared>>
      %dma_wait3A_38 = arith.constant 0 : i32
      %dma_wait3A_39 = tpu.memref_slice %arg7[%add3A_12, %dma_wait3A_38] : memref<10240x128xf32, #tpu.memory_space<vmem_shared>> -> memref<80x128xf32, #tpu.memory_space<vmem_shared>>
      tpu.wait_dma2 semaphore(%run_scoped3A : memref<!tpu.dma_semaphore, #tpu.memory_space<semaphore_mem>>) src(%arg10 : memref<80x128xf32, #tpu.memory_space<vmem>>) dst(%dma_wait3A_39 : memref<80x128xf32, #tpu.memory_space<vmem_shared>>)
      tpu.yield
    }) : () -> ()
    %add3A_13 = arith.constant 160 : i32
    %add3A_14 = arith.addi %mul3A_8, %add3A_13 : i32
    "tpu.region"() ({
      %run_scoped3A = tpu.sem_alloc : memref<!tpu.dma_semaphore, #tpu.memory_space<semaphore_mem>>
      %dma_start3A = arith.constant 0 : i32
      %dma_start3A_34 = tpu.memref_slice %arg7[%add3A_14, %dma_start3A] : memref<10240x128xf32, #tpu.memory_space<vmem_shared>> -> memref<80x128xf32, #tpu.memory_space<vmem_shared>>
      %dma_start3A_35 = arith.constant 0 : i32
      %dma_start3A_36 = tpu.memref_slice %arg7[%add3A_14, %dma_start3A_35] : memref<10240x128xf32, #tpu.memory_space<vmem_shared>> -> memref<80x128xf32, #tpu.memory_space<vmem_shared>>
      tpu.enqueue_dma source(%arg10 : memref<80x128xf32, #tpu.memory_space<vmem>>) target(%dma_start3A_36 : memref<80x128xf32, #tpu.memory_space<vmem_shared>>) target_semaphore(%run_scoped3A : memref<!tpu.dma_semaphore, #tpu.memory_space<semaphore_mem>>)
      %dma_wait3A = arith.constant 0 : i32
      %dma_wait3A_37 = tpu.memref_slice %arg7[%add3A_14, %dma_wait3A] : memref<10240x128xf32, #tpu.memory_space<vmem_shared>> -> memref<80x128xf32, #tpu.memory_space<vmem_shared>>
      %dma_wait3A_38 = arith.constant 0 : i32
      %dma_wait3A_39 = tpu.memref_slice %arg7[%add3A_14, %dma_wait3A_38] : memref<10240x128xf32, #tpu.memory_space<vmem_shared>> -> memref<80x128xf32, #tpu.memory_space<vmem_shared>>
      tpu.wait_dma2 semaphore(%run_scoped3A : memref<!tpu.dma_semaphore, #tpu.memory_space<semaphore_mem>>) src(%arg10 : memref<80x128xf32, #tpu.memory_space<vmem>>) dst(%dma_wait3A_39 : memref<80x128xf32, #tpu.memory_space<vmem_shared>>)
      tpu.yield
    }) : () -> ()
    %add3A_15 = arith.constant 240 : i32
    %add3A_16 = arith.addi %mul3A_8, %add3A_15 : i32
    "tpu.region"() ({
      %run_scoped3A = tpu.sem_alloc : memref<!tpu.dma_semaphore, #tpu.memory_space<semaphore_mem>>
      %dma_start3A = arith.constant 0 : i32
      %dma_start3A_34 = tpu.memref_slice %arg7[%add3A_16, %dma_start3A] : memref<10240x128xf32, #tpu.memory_space<vmem_shared>> -> memref<80x128xf32, #tpu.memory_space<vmem_shared>>
      %dma_start3A_35 = arith.constant 0 : i32
      %dma_start3A_36 = tpu.memref_slice %arg7[%add3A_16, %dma_start3A_35] : memref<10240x128xf32, #tpu.memory_space<vmem_shared>> -> memref<80x128xf32, #tpu.memory_space<vmem_shared>>
      tpu.enqueue_dma source(%arg10 : memref<80x128xf32, #tpu.memory_space<vmem>>) target(%dma_start3A_36 : memref<80x128xf32, #tpu.memory_space<vmem_shared>>) target_semaphore(%run_scoped3A : memref<!tpu.dma_semaphore, #tpu.memory_space<semaphore_mem>>)
      %dma_wait3A = arith.constant 0 : i32
      %dma_wait3A_37 = tpu.memref_slice %arg7[%add3A_16, %dma_wait3A] : memref<10240x128xf32, #tpu.memory_space<vmem_shared>> -> memref<80x128xf32, #tpu.memory_space<vmem_shared>>
      %dma_wait3A_38 = arith.constant 0 : i32
      %dma_wait3A_39 = tpu.memref_slice %arg7[%add3A_16, %dma_wait3A_38] : memref<10240x128xf32, #tpu.memory_space<vmem_shared>> -> memref<80x128xf32, #tpu.memory_space<vmem_shared>>
      tpu.wait_dma2 semaphore(%run_scoped3A : memref<!tpu.dma_semaphore, #tpu.memory_space<semaphore_mem>>) src(%arg10 : memref<80x128xf32, #tpu.memory_space<vmem>>) dst(%dma_wait3A_39 : memref<80x128xf32, #tpu.memory_space<vmem_shared>>)
      tpu.yield
    }) : () -> ()
    %add3A_17 = arith.constant 320 : i32
    %add3A_18 = arith.addi %mul3A_8, %add3A_17 : i32
    "tpu.region"() ({
      %run_scoped3A = tpu.sem_alloc : memref<!tpu.dma_semaphore, #tpu.memory_space<semaphore_mem>>
      %dma_start3A = arith.constant 0 : i32
      %dma_start3A_34 = tpu.memref_slice %arg7[%add3A_18, %dma_start3A] : memref<10240x128xf32, #tpu.memory_space<vmem_shared>> -> memref<80x128xf32, #tpu.memory_space<vmem_shared>>
      %dma_start3A_35 = arith.constant 0 : i32
      %dma_start3A_36 = tpu.memref_slice %arg7[%add3A_18, %dma_start3A_35] : memref<10240x128xf32, #tpu.memory_space<vmem_shared>> -> memref<80x128xf32, #tpu.memory_space<vmem_shared>>
      tpu.enqueue_dma source(%arg10 : memref<80x128xf32, #tpu.memory_space<vmem>>) target(%dma_start3A_36 : memref<80x128xf32, #tpu.memory_space<vmem_shared>>) target_semaphore(%run_scoped3A : memref<!tpu.dma_semaphore, #tpu.memory_space<semaphore_mem>>)
      %dma_wait3A = arith.constant 0 : i32
      %dma_wait3A_37 = tpu.memref_slice %arg7[%add3A_18, %dma_wait3A] : memref<10240x128xf32, #tpu.memory_space<vmem_shared>> -> memref<80x128xf32, #tpu.memory_space<vmem_shared>>
      %dma_wait3A_38 = arith.constant 0 : i32
      %dma_wait3A_39 = tpu.memref_slice %arg7[%add3A_18, %dma_wait3A_38] : memref<10240x128xf32, #tpu.memory_space<vmem_shared>> -> memref<80x128xf32, #tpu.memory_space<vmem_shared>>
      tpu.wait_dma2 semaphore(%run_scoped3A : memref<!tpu.dma_semaphore, #tpu.memory_space<semaphore_mem>>) src(%arg10 : memref<80x128xf32, #tpu.memory_space<vmem>>) dst(%dma_wait3A_39 : memref<80x128xf32, #tpu.memory_space<vmem_shared>>)
      tpu.yield
    }) : () -> ()
    %add3A_19 = arith.constant 400 : i32
    %add3A_20 = arith.addi %mul3A_8, %add3A_19 : i32
    "tpu.region"() ({
      %run_scoped3A = tpu.sem_alloc : memref<!tpu.dma_semaphore, #tpu.memory_space<semaphore_mem>>
      %dma_start3A = arith.constant 0 : i32
      %dma_start3A_34 = tpu.memref_slice %arg7[%add3A_20, %dma_start3A] : memref<10240x128xf32, #tpu.memory_space<vmem_shared>> -> memref<80x128xf32, #tpu.memory_space<vmem_shared>>
      %dma_start3A_35 = arith.constant 0 : i32
      %dma_start3A_36 = tpu.memref_slice %arg7[%add3A_20, %dma_start3A_35] : memref<10240x128xf32, #tpu.memory_space<vmem_shared>> -> memref<80x128xf32, #tpu.memory_space<vmem_shared>>
      tpu.enqueue_dma source(%arg10 : memref<80x128xf32, #tpu.memory_space<vmem>>) target(%dma_start3A_36 : memref<80x128xf32, #tpu.memory_space<vmem_shared>>) target_semaphore(%run_scoped3A : memref<!tpu.dma_semaphore, #tpu.memory_space<semaphore_mem>>)
      %dma_wait3A = arith.constant 0 : i32
      %dma_wait3A_37 = tpu.memref_slice %arg7[%add3A_20, %dma_wait3A] : memref<10240x128xf32, #tpu.memory_space<vmem_shared>> -> memref<80x128xf32, #tpu.memory_space<vmem_shared>>
      %dma_wait3A_38 = arith.constant 0 : i32
      %dma_wait3A_39 = tpu.memref_slice %arg7[%add3A_20, %dma_wait3A_38] : memref<10240x128xf32, #tpu.memory_space<vmem_shared>> -> memref<80x128xf32, #tpu.memory_space<vmem_shared>>
      tpu.wait_dma2 semaphore(%run_scoped3A : memref<!tpu.dma_semaphore, #tpu.memory_space<semaphore_mem>>) src(%arg10 : memref<80x128xf32, #tpu.memory_space<vmem>>) dst(%dma_wait3A_39 : memref<80x128xf32, #tpu.memory_space<vmem_shared>>)
      tpu.yield
    }) : () -> ()
    %add3A_21 = arith.constant 480 : i32
    %add3A_22 = arith.addi %mul3A_8, %add3A_21 : i32
    "tpu.region"() ({
      %run_scoped3A = tpu.sem_alloc : memref<!tpu.dma_semaphore, #tpu.memory_space<semaphore_mem>>
      %dma_start3A = arith.constant 0 : i32
      %dma_start3A_34 = tpu.memref_slice %arg7[%add3A_22, %dma_start3A] : memref<10240x128xf32, #tpu.memory_space<vmem_shared>> -> memref<80x128xf32, #tpu.memory_space<vmem_shared>>
      %dma_start3A_35 = arith.constant 0 : i32
      %dma_start3A_36 = tpu.memref_slice %arg7[%add3A_22, %dma_start3A_35] : memref<10240x128xf32, #tpu.memory_space<vmem_shared>> -> memref<80x128xf32, #tpu.memory_space<vmem_shared>>
      tpu.enqueue_dma source(%arg10 : memref<80x128xf32, #tpu.memory_space<vmem>>) target(%dma_start3A_36 : memref<80x128xf32, #tpu.memory_space<vmem_shared>>) target_semaphore(%run_scoped3A : memref<!tpu.dma_semaphore, #tpu.memory_space<semaphore_mem>>)
      %dma_wait3A = arith.constant 0 : i32
      %dma_wait3A_37 = tpu.memref_slice %arg7[%add3A_22, %dma_wait3A] : memref<10240x128xf32, #tpu.memory_space<vmem_shared>> -> memref<80x128xf32, #tpu.memory_space<vmem_shared>>
      %dma_wait3A_38 = arith.constant 0 : i32
      %dma_wait3A_39 = tpu.memref_slice %arg7[%add3A_22, %dma_wait3A_38] : memref<10240x128xf32, #tpu.memory_space<vmem_shared>> -> memref<80x128xf32, #tpu.memory_space<vmem_shared>>
      tpu.wait_dma2 semaphore(%run_scoped3A : memref<!tpu.dma_semaphore, #tpu.memory_space<semaphore_mem>>) src(%arg10 : memref<80x128xf32, #tpu.memory_space<vmem>>) dst(%dma_wait3A_39 : memref<80x128xf32, #tpu.memory_space<vmem_shared>>)
      tpu.yield
    }) : () -> ()
    %add3A_23 = arith.constant 560 : i32
    %add3A_24 = arith.addi %mul3A_8, %add3A_23 : i32
    "tpu.region"() ({
      %run_scoped3A = tpu.sem_alloc : memref<!tpu.dma_semaphore, #tpu.memory_space<semaphore_mem>>
      %dma_start3A = arith.constant 0 : i32
      %dma_start3A_34 = tpu.memref_slice %arg7[%add3A_24, %dma_start3A] : memref<10240x128xf32, #tpu.memory_space<vmem_shared>> -> memref<80x128xf32, #tpu.memory_space<vmem_shared>>
      %dma_start3A_35 = arith.constant 0 : i32
      %dma_start3A_36 = tpu.memref_slice %arg7[%add3A_24, %dma_start3A_35] : memref<10240x128xf32, #tpu.memory_space<vmem_shared>> -> memref<80x128xf32, #tpu.memory_space<vmem_shared>>
      tpu.enqueue_dma source(%arg10 : memref<80x128xf32, #tpu.memory_space<vmem>>) target(%dma_start3A_36 : memref<80x128xf32, #tpu.memory_space<vmem_shared>>) target_semaphore(%run_scoped3A : memref<!tpu.dma_semaphore, #tpu.memory_space<semaphore_mem>>)
      %dma_wait3A = arith.constant 0 : i32
      %dma_wait3A_37 = tpu.memref_slice %arg7[%add3A_24, %dma_wait3A] : memref<10240x128xf32, #tpu.memory_space<vmem_shared>> -> memref<80x128xf32, #tpu.memory_space<vmem_shared>>
      %dma_wait3A_38 = arith.constant 0 : i32
      %dma_wait3A_39 = tpu.memref_slice %arg7[%add3A_24, %dma_wait3A_38] : memref<10240x128xf32, #tpu.memory_space<vmem_shared>> -> memref<80x128xf32, #tpu.memory_space<vmem_shared>>
      tpu.wait_dma2 semaphore(%run_scoped3A : memref<!tpu.dma_semaphore, #tpu.memory_space<semaphore_mem>>) src(%arg10 : memref<80x128xf32, #tpu.memory_space<vmem>>) dst(%dma_wait3A_39 : memref<80x128xf32, #tpu.memory_space<vmem_shared>>)
      tpu.yield
    }) : () -> ()
    %barrier3A = arith.constant 0 : index
    tpu.barrier barrier_id(%barrier3A)
    %mul3A_25 = arith.constant 20000 : i32
    %mul3A_26 = arith.muli %add3A, %mul3A_25 : i32
    %scan3A_27 = arith.constant 0 : i32
    %scan3A_28 = arith.constant 0 : i32
    %scan3A_29 = arith.constant 250 : i32
    %scan3A_30 = arith.addi %scan3A_28, %scan3A_29 : i32
    %scan3A_31 = arith.constant 1 : i32
    scf.for %scan3A_34 = %scan3A_28 to %scan3A_30 step %scan3A_31  : i32 {
      %mul3A_35 = arith.constant 80 : i32
      %mul3A_36 = arith.muli %scan3A_34, %mul3A_35 : i32
      %add3A_37 = arith.addi %mul3A_26, %mul3A_36 : i32
      "tpu.region"() ({
        %run_scoped3A = tpu.sem_alloc : memref<!tpu.dma_semaphore, #tpu.memory_space<semaphore_mem>>
        %dma_start3A_54 = tpu.memref_slice %arg4[%add3A_37] : memref<640000xi32, #tpu.memory_space<hbm>> -> memref<80xi32, #tpu.memory_space<hbm>>
        %dma_start3A_55 = tpu.memref_slice %arg4[%add3A_37] : memref<640000xi32, #tpu.memory_space<hbm>> -> memref<80xi32, #tpu.memory_space<hbm>>
        tpu.enqueue_dma source(%dma_start3A_55 : memref<80xi32, #tpu.memory_space<hbm>>) target(%arg8 : memref<80xi32, #tpu.memory_space<vmem>>) target_semaphore(%run_scoped3A : memref<!tpu.dma_semaphore, #tpu.memory_space<semaphore_mem>>)
        %dma_wait3A_56 = tpu.memref_slice %arg4[%add3A_37] : memref<640000xi32, #tpu.memory_space<hbm>> -> memref<80xi32, #tpu.memory_space<hbm>>
        %dma_wait3A_57 = tpu.memref_slice %arg4[%add3A_37] : memref<640000xi32, #tpu.memory_space<hbm>> -> memref<80xi32, #tpu.memory_space<hbm>>
        tpu.wait_dma2 semaphore(%run_scoped3A : memref<!tpu.dma_semaphore, #tpu.memory_space<semaphore_mem>>) src(%dma_wait3A_57 : memref<80xi32, #tpu.memory_space<hbm>>) dst(%arg8 : memref<80xi32, #tpu.memory_space<vmem>>)
        tpu.yield
      }) : () -> ()
      "tpu.region"() ({
        %run_scoped3A = tpu.sem_alloc : memref<!tpu.dma_semaphore, #tpu.memory_space<semaphore_mem>>
        %dma_start3A_54 = tpu.memref_slice %arg5[%add3A_37] : memref<640000xi32, #tpu.memory_space<hbm>> -> memref<80xi32, #tpu.memory_space<hbm>>
        %dma_start3A_55 = tpu.memref_slice %arg5[%add3A_37] : memref<640000xi32, #tpu.memory_space<hbm>> -> memref<80xi32, #tpu.memory_space<hbm>>
        tpu.enqueue_dma source(%dma_start3A_55 : memref<80xi32, #tpu.memory_space<hbm>>) target(%arg9 : memref<80xi32, #tpu.memory_space<vmem>>) target_semaphore(%run_scoped3A : memref<!tpu.dma_semaphore, #tpu.memory_space<semaphore_mem>>)
        %dma_wait3A_56 = tpu.memref_slice %arg5[%add3A_37] : memref<640000xi32, #tpu.memory_space<hbm>> -> memref<80xi32, #tpu.memory_space<hbm>>
        %dma_wait3A_57 = tpu.memref_slice %arg5[%add3A_37] : memref<640000xi32, #tpu.memory_space<hbm>> -> memref<80xi32, #tpu.memory_space<hbm>>
        tpu.wait_dma2 semaphore(%run_scoped3A : memref<!tpu.dma_semaphore, #tpu.memory_space<semaphore_mem>>) src(%dma_wait3A_57 : memref<80xi32, #tpu.memory_space<hbm>>) dst(%arg9 : memref<80xi32, #tpu.memory_space<vmem>>)
        tpu.yield
      }) : () -> ()
      %dma_start3A = arith.constant 0 : i32
      %dma_start3A_38 = arith.constant 0 : i32
      %dma_start3A_39 = tpu.memref_slice %arg2[%dma_start3A, %dma_start3A_38] : memref<10000x128xf32, #tpu.memory_space<hbm>> -> memref<10000x128xf32, #tpu.memory_space<hbm>>
      tpu.enqueue_indirect_dma source(%dma_start3A_39 : memref<10000x128xf32, #tpu.memory_space<hbm>>) target(%arg10 : memref<80x128xf32, #tpu.memory_space<vmem>>) offsets(%arg8 : memref<80xi32, #tpu.memory_space<vmem>>) semaphore(%arg12 : memref<!tpu.dma_semaphore, #tpu.memory_space<semaphore_mem>>)
      %dma_start3A_40 = arith.constant 0 : i32
      %dma_start3A_41 = arith.constant 0 : i32
      %dma_start3A_42 = tpu.memref_slice %arg3[%dma_start3A_40, %dma_start3A_41] : memref<10000x128xf32, #tpu.memory_space<hbm>> -> memref<10000x128xf32, #tpu.memory_space<hbm>>
      tpu.enqueue_indirect_dma source(%dma_start3A_42 : memref<10000x128xf32, #tpu.memory_space<hbm>>) target(%arg11 : memref<80x128xf32, #tpu.memory_space<vmem>>) offsets(%arg9 : memref<80xi32, #tpu.memory_space<vmem>>) semaphore(%arg12 : memref<!tpu.dma_semaphore, #tpu.memory_space<semaphore_mem>>)
      %dma_wait3A = arith.constant 0 : i32
      %dma_wait3A_43 = arith.constant 0 : i32
      %dma_wait3A_44 = tpu.memref_slice %arg2[%dma_wait3A, %dma_wait3A_43] : memref<10000x128xf32, #tpu.memory_space<hbm>> -> memref<10000x128xf32, #tpu.memory_space<hbm>>
      tpu.wait_indirect_dma semaphore(%arg12 : memref<!tpu.dma_semaphore, #tpu.memory_space<semaphore_mem>>) src(%dma_wait3A_44 : memref<10000x128xf32, #tpu.memory_space<hbm>>) dst(%arg10 : memref<80x128xf32, #tpu.memory_space<vmem>>)
      %dma_wait3A_45 = arith.constant 0 : i32
      %dma_wait3A_46 = arith.constant 0 : i32
      %dma_wait3A_47 = tpu.memref_slice %arg3[%dma_wait3A_45, %dma_wait3A_46] : memref<10000x128xf32, #tpu.memory_space<hbm>> -> memref<10000x128xf32, #tpu.memory_space<hbm>>
      tpu.wait_indirect_dma semaphore(%arg12 : memref<!tpu.dma_semaphore, #tpu.memory_space<semaphore_mem>>) src(%dma_wait3A_47 : memref<10000x128xf32, #tpu.memory_space<hbm>>) dst(%arg11 : memref<80x128xf32, #tpu.memory_space<vmem>>)
      %scan3A_48 = arith.constant 0 : i32
      %scan3A_49 = arith.constant 0 : i32
      %scan3A_50 = arith.constant 80 : i32
      %scan3A_51 = arith.addi %scan3A_49, %scan3A_50 : i32
      %scan3A_52 = arith.constant 1 : i32
      scf.for %scan3A_54 = %scan3A_49 to %scan3A_51 step %scan3A_52  : i32 {
        %get3A = arith.index_cast %scan3A_54 : i32 to index
        %get3A_55 = arith.constant 0 : index
        %get3A_56 = tpu.vector_load %arg10[%get3A, %get3A_55] {strides = array<i32>} : memref<80x128xf32, #tpu.memory_space<vmem>>, vector<1x16xf32>,
        %get3A_57 = vector.shape_cast %get3A_56 : vector<1x16xf32> to vector<16xf32>
        %get3A_58 = arith.index_cast %scan3A_54 : i32 to index
        %get3A_59 = arith.constant 0 : index
        %get3A_60 = tpu.vector_load %arg11[%get3A_58, %get3A_59] {strides = array<i32>} : memref<80x128xf32, #tpu.memory_space<vmem>>, vector<1x16xf32>,
        %get3A_61 = vector.shape_cast %get3A_60 : vector<1x16xf32> to vector<16xf32>
        %add3A_62 = arith.addf %get3A_57, %get3A_61 : vector<16xf32>
        %gt3A = arith.constant 0.000000e+00 : f32
        %gt3A_63 = vector.broadcast %gt3A : f32 to vector<16xf32>
        %gt3A_64 = arith.cmpf ogt, %add3A_62, %gt3A_63 : vector<16xf32>
        %exp3A = math.exp %add3A_62 : vector<16xf32>
        %sub3A = arith.constant 1.000000e+00 : f32
        %sub3A_65 = vector.broadcast %sub3A : f32 to vector<16xf32>
        %sub3A_66 = arith.subf %exp3A, %sub3A_65 : vector<16xf32>
        %mul3A_67 = arith.constant 1.67326319 : f32
        %mul3A_68 = vector.broadcast %mul3A_67 : f32 to vector<16xf32>
        %mul3A_69 = arith.mulf %mul3A_68, %sub3A_66 : vector<16xf32>
        %select_n3A = arith.select %gt3A_64, %add3A_62, %mul3A_69 : vector<16xi1>, vector<16xf32>
        %mul3A_70 = arith.constant 1.05070102 : f32
        %mul3A_71 = vector.broadcast %mul3A_70 : f32 to vector<16xf32>
        %mul3A_72 = arith.mulf %mul3A_71, %select_n3A : vector<16xf32>
        %swap3A = arith.index_cast %scan3A_54 : i32 to index
        %swap3A_73 = arith.constant 0 : index
        %swap3A_74 = tpu.vector_load %arg10[%swap3A, %swap3A_73] {strides = array<i32>} : memref<80x128xf32, #tpu.memory_space<vmem>>, vector<1x16xf32>,
        %swap3A_75 = vector.shape_cast %swap3A_74 : vector<1x16xf32> to vector<16xf32>
        %swap3A_76 = vector.shape_cast %mul3A_72 : vector<16xf32> to vector<1x16xf32>
        tpu.vector_store %arg10[%swap3A, %swap3A_73], %swap3A_76 {strides = array<i32>} : memref<80x128xf32, #tpu.memory_space<vmem>>, vector<1x16xf32>,
        %get3A_77 = arith.index_cast %scan3A_54 : i32 to index
        %get3A_78 = arith.constant 16 : index
        %get3A_79 = tpu.vector_load %arg10[%get3A_77, %get3A_78] {strides = array<i32>} : memref<80x128xf32, #tpu.memory_space<vmem>>, vector<1x16xf32>,
        %get3A_80 = vector.shape_cast %get3A_79 : vector<1x16xf32> to vector<16xf32>
        %get3A_81 = arith.index_cast %scan3A_54 : i32 to index
        %get3A_82 = arith.constant 16 : index
        %get3A_83 = tpu.vector_load %arg11[%get3A_81, %get3A_82] {strides = array<i32>} : memref<80x128xf32, #tpu.memory_space<vmem>>, vector<1x16xf32>,
        %get3A_84 = vector.shape_cast %get3A_83 : vector<1x16xf32> to vector<16xf32>
        %add3A_85 = arith.addf %get3A_80, %get3A_84 : vector<16xf32>
        %gt3A_86 = arith.constant 0.000000e+00 : f32
        %gt3A_87 = vector.broadcast %gt3A_86 : f32 to vector<16xf32>
        %gt3A_88 = arith.cmpf ogt, %add3A_85, %gt3A_87 : vector<16xf32>
        %exp3A_89 = math.exp %add3A_85 : vector<16xf32>
        %sub3A_90 = arith.constant 1.000000e+00 : f32
        %sub3A_91 = vector.broadcast %sub3A_90 : f32 to vector<16xf32>
        %sub3A_92 = arith.subf %exp3A_89, %sub3A_91 : vector<16xf32>
        %mul3A_93 = arith.constant 1.67326319 : f32
        %mul3A_94 = vector.broadcast %mul3A_93 : f32 to vector<16xf32>
        %mul3A_95 = arith.mulf %mul3A_94, %sub3A_92 : vector<16xf32>
        %select_n3A_96 = arith.select %gt3A_88, %add3A_85, %mul3A_95 : vector<16xi1>, vector<16xf32>
        %mul3A_97 = arith.constant 1.05070102 : f32
        %mul3A_98 = vector.broadcast %mul3A_97 : f32 to vector<16xf32>
        %mul3A_99 = arith.mulf %mul3A_98, %select_n3A_96 : vector<16xf32>
        %swap3A_100 = arith.index_cast %scan3A_54 : i32 to index
        %swap3A_101 = arith.constant 16 : index
        %swap3A_102 = tpu.vector_load %arg10[%swap3A_100, %swap3A_101] {strides = array<i32>} : memref<80x128xf32, #tpu.memory_space<vmem>>, vector<1x16xf32>,
        %swap3A_103 = vector.shape_cast %swap3A_102 : vector<1x16xf32> to vector<16xf32>
        %swap3A_104 = vector.shape_cast %mul3A_99 : vector<16xf32> to vector<1x16xf32>
        tpu.vector_store %arg10[%swap3A_100, %swap3A_101], %swap3A_104 {strides = array<i32>} : memref<80x128xf32, #tpu.memory_space<vmem>>, vector<1x16xf32>,
        %get3A_105 = arith.index_cast %scan3A_54 : i32 to index
        %get3A_106 = arith.constant 32 : index
        %get3A_107 = tpu.vector_load %arg10[%get3A_105, %get3A_106] {strides = array<i32>} : memref<80x128xf32, #tpu.memory_space<vmem>>, vector<1x16xf32>,
        %get3A_108 = vector.shape_cast %get3A_107 : vector<1x16xf32> to vector<16xf32>
        %get3A_109 = arith.index_cast %scan3A_54 : i32 to index
        %get3A_110 = arith.constant 32 : index
        %get3A_111 = tpu.vector_load %arg11[%get3A_109, %get3A_110] {strides = array<i32>} : memref<80x128xf32, #tpu.memory_space<vmem>>, vector<1x16xf32>,
        %get3A_112 = vector.shape_cast %get3A_111 : vector<1x16xf32> to vector<16xf32>
        %add3A_113 = arith.addf %get3A_108, %get3A_112 : vector<16xf32>
        %gt3A_114 = arith.constant 0.000000e+00 : f32
        %gt3A_115 = vector.broadcast %gt3A_114 : f32 to vector<16xf32>
        %gt3A_116 = arith.cmpf ogt, %add3A_113, %gt3A_115 : vector<16xf32>
        %exp3A_117 = math.exp %add3A_113 : vector<16xf32>
        %sub3A_118 = arith.constant 1.000000e+00 : f32
        %sub3A_119 = vector.broadcast %sub3A_118 : f32 to vector<16xf32>
        %sub3A_120 = arith.subf %exp3A_117, %sub3A_119 : vector<16xf32>
        %mul3A_121 = arith.constant 1.67326319 : f32
        %mul3A_122 = vector.broadcast %mul3A_121 : f32 to vector<16xf32>
        %mul3A_123 = arith.mulf %mul3A_122, %sub3A_120 : vector<16xf32>
        %select_n3A_124 = arith.select %gt3A_116, %add3A_113, %mul3A_123 : vector<16xi1>, vector<16xf32>
        %mul3A_125 = arith.constant 1.05070102 : f32
        %mul3A_126 = vector.broadcast %mul3A_125 : f32 to vector<16xf32>
        %mul3A_127 = arith.mulf %mul3A_126, %select_n3A_124 : vector<16xf32>
        %swap3A_128 = arith.index_cast %scan3A_54 : i32 to index
        %swap3A_129 = arith.constant 32 : index
        %swap3A_130 = tpu.vector_load %arg10[%swap3A_128, %swap3A_129] {strides = array<i32>} : memref<80x128xf32, #tpu.memory_space<vmem>>, vector<1x16xf32>,
        %swap3A_131 = vector.shape_cast %swap3A_130 : vector<1x16xf32> to vector<16xf32>
        %swap3A_132 = vector.shape_cast %mul3A_127 : vector<16xf32> to vector<1x16xf32>
        tpu.vector_store %arg10[%swap3A_128, %swap3A_129], %swap3A_132 {strides = array<i32>} : memref<80x128xf32, #tpu.memory_space<vmem>>, vector<1x16xf32>,
        %get3A_133 = arith.index_cast %scan3A_54 : i32 to index
        %get3A_134 = arith.constant 48 : index
        %get3A_135 = tpu.vector_load %arg10[%get3A_133, %get3A_134] {strides = array<i32>} : memref<80x128xf32, #tpu.memory_space<vmem>>, vector<1x16xf32>,
        %get3A_136 = vector.shape_cast %get3A_135 : vector<1x16xf32> to vector<16xf32>
        %get3A_137 = arith.index_cast %scan3A_54 : i32 to index
        %get3A_138 = arith.constant 48 : index
        %get3A_139 = tpu.vector_load %arg11[%get3A_137, %get3A_138] {strides = array<i32>} : memref<80x128xf32, #tpu.memory_space<vmem>>, vector<1x16xf32>,
        %get3A_140 = vector.shape_cast %get3A_139 : vector<1x16xf32> to vector<16xf32>
        %add3A_141 = arith.addf %get3A_136, %get3A_140 : vector<16xf32>
        %gt3A_142 = arith.constant 0.000000e+00 : f32
        %gt3A_143 = vector.broadcast %gt3A_142 : f32 to vector<16xf32>
        %gt3A_144 = arith.cmpf ogt, %add3A_141, %gt3A_143 : vector<16xf32>
        %exp3A_145 = math.exp %add3A_141 : vector<16xf32>
        %sub3A_146 = arith.constant 1.000000e+00 : f32
        %sub3A_147 = vector.broadcast %sub3A_146 : f32 to vector<16xf32>
        %sub3A_148 = arith.subf %exp3A_145, %sub3A_147 : vector<16xf32>
        %mul3A_149 = arith.constant 1.67326319 : f32
        %mul3A_150 = vector.broadcast %mul3A_149 : f32 to vector<16xf32>
        %mul3A_151 = arith.mulf %mul3A_150, %sub3A_148 : vector<16xf32>
        %select_n3A_152 = arith.select %gt3A_144, %add3A_141, %mul3A_151 : vector<16xi1>, vector<16xf32>
        %mul3A_153 = arith.constant 1.05070102 : f32
        %mul3A_154 = vector.broadcast %mul3A_153 : f32 to vector<16xf32>
        %mul3A_155 = arith.mulf %mul3A_154, %select_n3A_152 : vector<16xf32>
        %swap3A_156 = arith.index_cast %scan3A_54 : i32 to index
        %swap3A_157 = arith.constant 48 : index
        %swap3A_158 = tpu.vector_load %arg10[%swap3A_156, %swap3A_157] {strides = array<i32>} : memref<80x128xf32, #tpu.memory_space<vmem>>, vector<1x16xf32>,
        %swap3A_159 = vector.shape_cast %swap3A_158 : vector<1x16xf32> to vector<16xf32>
        %swap3A_160 = vector.shape_cast %mul3A_155 : vector<16xf32> to vector<1x16xf32>
        tpu.vector_store %arg10[%swap3A_156, %swap3A_157], %swap3A_160 {strides = array<i32>} : memref<80x128xf32, #tpu.memory_space<vmem>>, vector<1x16xf32>,
        %get3A_161 = arith.index_cast %scan3A_54 : i32 to index
        %get3A_162 = arith.constant 64 : index
        %get3A_163 = tpu.vector_load %arg10[%get3A_161, %get3A_162] {strides = array<i32>} : memref<80x128xf32, #tpu.memory_space<vmem>>, vector<1x16xf32>,
        %get3A_164 = vector.shape_cast %get3A_163 : vector<1x16xf32> to vector<16xf32>
        %get3A_165 = arith.index_cast %scan3A_54 : i32 to index
        %get3A_166 = arith.constant 64 : index
        %get3A_167 = tpu.vector_load %arg11[%get3A_165, %get3A_166] {strides = array<i32>} : memref<80x128xf32, #tpu.memory_space<vmem>>, vector<1x16xf32>,
        %get3A_168 = vector.shape_cast %get3A_167 : vector<1x16xf32> to vector<16xf32>
        %add3A_169 = arith.addf %get3A_164, %get3A_168 : vector<16xf32>
        %gt3A_170 = arith.constant 0.000000e+00 : f32
        %gt3A_171 = vector.broadcast %gt3A_170 : f32 to vector<16xf32>
        %gt3A_172 = arith.cmpf ogt, %add3A_169, %gt3A_171 : vector<16xf32>
        %exp3A_173 = math.exp %add3A_169 : vector<16xf32>
        %sub3A_174 = arith.constant 1.000000e+00 : f32
        %sub3A_175 = vector.broadcast %sub3A_174 : f32 to vector<16xf32>
        %sub3A_176 = arith.subf %exp3A_173, %sub3A_175 : vector<16xf32>
        %mul3A_177 = arith.constant 1.67326319 : f32
        %mul3A_178 = vector.broadcast %mul3A_177 : f32 to vector<16xf32>
        %mul3A_179 = arith.mulf %mul3A_178, %sub3A_176 : vector<16xf32>
        %select_n3A_180 = arith.select %gt3A_172, %add3A_169, %mul3A_179 : vector<16xi1>, vector<16xf32>
        %mul3A_181 = arith.constant 1.05070102 : f32
        %mul3A_182 = vector.broadcast %mul3A_181 : f32 to vector<16xf32>
        %mul3A_183 = arith.mulf %mul3A_182, %select_n3A_180 : vector<16xf32>
        %swap3A_184 = arith.index_cast %scan3A_54 : i32 to index
        %swap3A_185 = arith.constant 64 : index
        %swap3A_186 = tpu.vector_load %arg10[%swap3A_184, %swap3A_185] {strides = array<i32>} : memref<80x128xf32, #tpu.memory_space<vmem>>, vector<1x16xf32>,
        %swap3A_187 = vector.shape_cast %swap3A_186 : vector<1x16xf32> to vector<16xf32>
        %swap3A_188 = vector.shape_cast %mul3A_183 : vector<16xf32> to vector<1x16xf32>
        tpu.vector_store %arg10[%swap3A_184, %swap3A_185], %swap3A_188 {strides = array<i32>} : memref<80x128xf32, #tpu.memory_space<vmem>>, vector<1x16xf32>,
        %get3A_189 = arith.index_cast %scan3A_54 : i32 to index
        %get3A_190 = arith.constant 80 : index
        %get3A_191 = tpu.vector_load %arg10[%get3A_189, %get3A_190] {strides = array<i32>} : memref<80x128xf32, #tpu.memory_space<vmem>>, vector<1x16xf32>,
        %get3A_192 = vector.shape_cast %get3A_191 : vector<1x16xf32> to vector<16xf32>
        %get3A_193 = arith.index_cast %scan3A_54 : i32 to index
        %get3A_194 = arith.constant 80 : index
        %get3A_195 = tpu.vector_load %arg11[%get3A_193, %get3A_194] {strides = array<i32>} : memref<80x128xf32, #tpu.memory_space<vmem>>, vector<1x16xf32>,
        %get3A_196 = vector.shape_cast %get3A_195 : vector<1x16xf32> to vector<16xf32>
        %add3A_197 = arith.addf %get3A_192, %get3A_196 : vector<16xf32>
        %gt3A_198 = arith.constant 0.000000e+00 : f32
        %gt3A_199 = vector.broadcast %gt3A_198 : f32 to vector<16xf32>
        %gt3A_200 = arith.cmpf ogt, %add3A_197, %gt3A_199 : vector<16xf32>
        %exp3A_201 = math.exp %add3A_197 : vector<16xf32>
        %sub3A_202 = arith.constant 1.000000e+00 : f32
        %sub3A_203 = vector.broadcast %sub3A_202 : f32 to vector<16xf32>
        %sub3A_204 = arith.subf %exp3A_201, %sub3A_203 : vector<16xf32>
        %mul3A_205 = arith.constant 1.67326319 : f32
        %mul3A_206 = vector.broadcast %mul3A_205 : f32 to vector<16xf32>
        %mul3A_207 = arith.mulf %mul3A_206, %sub3A_204 : vector<16xf32>
        %select_n3A_208 = arith.select %gt3A_200, %add3A_197, %mul3A_207 : vector<16xi1>, vector<16xf32>
        %mul3A_209 = arith.constant 1.05070102 : f32
        %mul3A_210 = vector.broadcast %mul3A_209 : f32 to vector<16xf32>
        %mul3A_211 = arith.mulf %mul3A_210, %select_n3A_208 : vector<16xf32>
        %swap3A_212 = arith.index_cast %scan3A_54 : i32 to index
        %swap3A_213 = arith.constant 80 : index
        %swap3A_214 = tpu.vector_load %arg10[%swap3A_212, %swap3A_213] {strides = array<i32>} : memref<80x128xf32, #tpu.memory_space<vmem>>, vector<1x16xf32>,
        %swap3A_215 = vector.shape_cast %swap3A_214 : vector<1x16xf32> to vector<16xf32>
        %swap3A_216 = vector.shape_cast %mul3A_211 : vector<16xf32> to vector<1x16xf32>
        tpu.vector_store %arg10[%swap3A_212, %swap3A_213], %swap3A_216 {strides = array<i32>} : memref<80x128xf32, #tpu.memory_space<vmem>>, vector<1x16xf32>,
        %get3A_217 = arith.index_cast %scan3A_54 : i32 to index
        %get3A_218 = arith.constant 96 : index
        %get3A_219 = tpu.vector_load %arg10[%get3A_217, %get3A_218] {strides = array<i32>} : memref<80x128xf32, #tpu.memory_space<vmem>>, vector<1x16xf32>,
        %get3A_220 = vector.shape_cast %get3A_219 : vector<1x16xf32> to vector<16xf32>
        %get3A_221 = arith.index_cast %scan3A_54 : i32 to index
        %get3A_222 = arith.constant 96 : index
        %get3A_223 = tpu.vector_load %arg11[%get3A_221, %get3A_222] {strides = array<i32>} : memref<80x128xf32, #tpu.memory_space<vmem>>, vector<1x16xf32>,
        %get3A_224 = vector.shape_cast %get3A_223 : vector<1x16xf32> to vector<16xf32>
        %add3A_225 = arith.addf %get3A_220, %get3A_224 : vector<16xf32>
        %gt3A_226 = arith.constant 0.000000e+00 : f32
        %gt3A_227 = vector.broadcast %gt3A_226 : f32 to vector<16xf32>
        %gt3A_228 = arith.cmpf ogt, %add3A_225, %gt3A_227 : vector<16xf32>
        %exp3A_229 = math.exp %add3A_225 : vector<16xf32>
        %sub3A_230 = arith.constant 1.000000e+00 : f32
        %sub3A_231 = vector.broadcast %sub3A_230 : f32 to vector<16xf32>
        %sub3A_232 = arith.subf %exp3A_229, %sub3A_231 : vector<16xf32>
        %mul3A_233 = arith.constant 1.67326319 : f32
        %mul3A_234 = vector.broadcast %mul3A_233 : f32 to vector<16xf32>
        %mul3A_235 = arith.mulf %mul3A_234, %sub3A_232 : vector<16xf32>
        %select_n3A_236 = arith.select %gt3A_228, %add3A_225, %mul3A_235 : vector<16xi1>, vector<16xf32>
        %mul3A_237 = arith.constant 1.05070102 : f32
        %mul3A_238 = vector.broadcast %mul3A_237 : f32 to vector<16xf32>
        %mul3A_239 = arith.mulf %mul3A_238, %select_n3A_236 : vector<16xf32>
        %swap3A_240 = arith.index_cast %scan3A_54 : i32 to index
        %swap3A_241 = arith.constant 96 : index
        %swap3A_242 = tpu.vector_load %arg10[%swap3A_240, %swap3A_241] {strides = array<i32>} : memref<80x128xf32, #tpu.memory_space<vmem>>, vector<1x16xf32>,
        %swap3A_243 = vector.shape_cast %swap3A_242 : vector<1x16xf32> to vector<16xf32>
        %swap3A_244 = vector.shape_cast %mul3A_239 : vector<16xf32> to vector<1x16xf32>
        tpu.vector_store %arg10[%swap3A_240, %swap3A_241], %swap3A_244 {strides = array<i32>} : memref<80x128xf32, #tpu.memory_space<vmem>>, vector<1x16xf32>,
        %get3A_245 = arith.index_cast %scan3A_54 : i32 to index
        %get3A_246 = arith.constant 112 : index
        %get3A_247 = tpu.vector_load %arg10[%get3A_245, %get3A_246] {strides = array<i32>} : memref<80x128xf32, #tpu.memory_space<vmem>>, vector<1x16xf32>,
        %get3A_248 = vector.shape_cast %get3A_247 : vector<1x16xf32> to vector<16xf32>
        %get3A_249 = arith.index_cast %scan3A_54 : i32 to index
        %get3A_250 = arith.constant 112 : index
        %get3A_251 = tpu.vector_load %arg11[%get3A_249, %get3A_250] {strides = array<i32>} : memref<80x128xf32, #tpu.memory_space<vmem>>, vector<1x16xf32>,
        %get3A_252 = vector.shape_cast %get3A_251 : vector<1x16xf32> to vector<16xf32>
        %add3A_253 = arith.addf %get3A_248, %get3A_252 : vector<16xf32>
        %gt3A_254 = arith.constant 0.000000e+00 : f32
        %gt3A_255 = vector.broadcast %gt3A_254 : f32 to vector<16xf32>
        %gt3A_256 = arith.cmpf ogt, %add3A_253, %gt3A_255 : vector<16xf32>
        %exp3A_257 = math.exp %add3A_253 : vector<16xf32>
        %sub3A_258 = arith.constant 1.000000e+00 : f32
        %sub3A_259 = vector.broadcast %sub3A_258 : f32 to vector<16xf32>
        %sub3A_260 = arith.subf %exp3A_257, %sub3A_259 : vector<16xf32>
        %mul3A_261 = arith.constant 1.67326319 : f32
        %mul3A_262 = vector.broadcast %mul3A_261 : f32 to vector<16xf32>
        %mul3A_263 = arith.mulf %mul3A_262, %sub3A_260 : vector<16xf32>
        %select_n3A_264 = arith.select %gt3A_256, %add3A_253, %mul3A_263 : vector<16xi1>, vector<16xf32>
        %mul3A_265 = arith.constant 1.05070102 : f32
        %mul3A_266 = vector.broadcast %mul3A_265 : f32 to vector<16xf32>
        %mul3A_267 = arith.mulf %mul3A_266, %select_n3A_264 : vector<16xf32>
        %swap3A_268 = arith.index_cast %scan3A_54 : i32 to index
        %swap3A_269 = arith.constant 112 : index
        %swap3A_270 = tpu.vector_load %arg10[%swap3A_268, %swap3A_269] {strides = array<i32>} : memref<80x128xf32, #tpu.memory_space<vmem>>, vector<1x16xf32>,
        %swap3A_271 = vector.shape_cast %swap3A_270 : vector<1x16xf32> to vector<16xf32>
        %swap3A_272 = vector.shape_cast %mul3A_267 : vector<16xf32> to vector<1x16xf32>
        tpu.vector_store %arg10[%swap3A_268, %swap3A_269], %swap3A_272 {strides = array<i32>} : memref<80x128xf32, #tpu.memory_space<vmem>>, vector<1x16xf32>,
      }
      %scan3A_53 = arith.constant 80 : i32
      "tpu.region"() ({
        %run_scoped3A = tpu.sem_alloc : memref<!tpu.dma_semaphore, #tpu.memory_space<semaphore_mem>>
        %dma_start3A_54 = arith.constant 0 : i32
        %dma_start3A_55 = arith.constant 0 : i32
        %dma_start3A_56 = tpu.memref_slice %arg7[%dma_start3A_54, %dma_start3A_55] : memref<10240x128xf32, #tpu.memory_space<vmem_shared>> -> memref<10240x128xf32, #tpu.memory_space<vmem_shared>>
        tpu.enqueue_indirect_dma source(%arg10 : memref<80x128xf32, #tpu.memory_space<vmem>>) target(%dma_start3A_56 : memref<10240x128xf32, #tpu.memory_space<vmem_shared>>) offsets(%arg9 : memref<80xi32, #tpu.memory_space<vmem>>) semaphore(%run_scoped3A : memref<!tpu.dma_semaphore, #tpu.memory_space<semaphore_mem>>) {add = true}
        %dma_wait3A_57 = arith.constant 0 : i32
        %dma_wait3A_58 = arith.constant 0 : i32
        %dma_wait3A_59 = tpu.memref_slice %arg7[%dma_wait3A_57, %dma_wait3A_58] : memref<10240x128xf32, #tpu.memory_space<vmem_shared>> -> memref<10240x128xf32, #tpu.memory_space<vmem_shared>>
        tpu.wait_indirect_dma semaphore(%run_scoped3A : memref<!tpu.dma_semaphore, #tpu.memory_space<semaphore_mem>>) src(%arg10 : memref<80x128xf32, #tpu.memory_space<vmem>>) dst(%dma_wait3A_59 : memref<10240x128xf32, #tpu.memory_space<vmem_shared>>)
        tpu.yield
      }) : () -> ()
    }
    %scan3A_32 = arith.constant 250 : i32
    %barrier3A_33 = arith.constant 0 : index
    tpu.barrier barrier_id(%barrier3A_33)
    "tpu.region"() ({
      %run_scoped3A = tpu.sem_alloc : memref<!tpu.dma_semaphore, #tpu.memory_space<semaphore_mem>>
      %dma_start3A = arith.constant 0 : i32
      %dma_start3A_34 = tpu.memref_slice %arg6[%arg0, %mul3A_8, %dma_start3A] : memref<2x10240x128xf32, #tpu.memory_space<hbm>> -> memref<1x640x128xf32, #tpu.memory_space<hbm>>
      %dma_start3A_35 = tpu.memref_squeeze %dma_start3A_34 : memref<1x640x128xf32, #tpu.memory_space<hbm>> -> memref<640x128xf32, #tpu.memory_space<hbm>>
      %dma_start3A_36 = arith.constant 0 : i32
      %dma_start3A_37 = tpu.memref_slice %arg7[%mul3A_8, %dma_start3A_36] : memref<10240x128xf32, #tpu.memory_space<vmem_shared>> -> memref<640x128xf32, #tpu.memory_space<vmem_shared>>
      tpu.enqueue_dma source(%dma_start3A_37 : memref<640x128xf32, #tpu.memory_space<vmem_shared>>) target(%dma_start3A_35 : memref<640x128xf32, #tpu.memory_space<hbm>>) target_semaphore(%run_scoped3A : memref<!tpu.dma_semaphore, #tpu.memory_space<semaphore_mem>>)
      %dma_wait3A = arith.constant 0 : i32
      %dma_wait3A_38 = tpu.memref_slice %arg6[%arg0, %mul3A_8, %dma_wait3A] : memref<2x10240x128xf32, #tpu.memory_space<hbm>> -> memref<1x640x128xf32, #tpu.memory_space<hbm>>
      %dma_wait3A_39 = tpu.memref_squeeze %dma_wait3A_38 : memref<1x640x128xf32, #tpu.memory_space<hbm>> -> memref<640x128xf32, #tpu.memory_space<hbm>>
      %dma_wait3A_40 = arith.constant 0 : i32
      %dma_wait3A_41 = tpu.memref_slice %arg7[%mul3A_8, %dma_wait3A_40] : memref<10240x128xf32, #tpu.memory_space<vmem_shared>> -> memref<640x128xf32, #tpu.memory_space<vmem_shared>>
      tpu.wait_dma2 semaphore(%run_scoped3A : memref<!tpu.dma_semaphore, #tpu.memory_space<semaphore_mem>>) src(%dma_wait3A_41 : memref<640x128xf32, #tpu.memory_space<vmem_shared>>) dst(%dma_wait3A_39 : memref<640x128xf32, #tpu.memory_space<hbm>>)
      tpu.yield
    }) : () -> ()
    return
  }
}

#map = affine_map<(d0, d1) -> (0, 0)>
#map1 = affine_map<(d0, d1) -> (0)>
#map2 = affine_map<(d0, d1) -> (0, 0, 0)>
module attributes {stable_mosaic.version = 14 : i64} {
  func.func @_edge_body(%arg0: i32, %arg1: i32, %arg2: memref<10000x128xf32, #tpu.memory_space<hbm>>, %arg3: memref<10000x128xf32, #tpu.memory_space<hbm>>, %arg4: memref<640000xi32, #tpu.memory_space<hbm>>, %arg5: memref<640000xi32, #tpu.memory_space<hbm>>, %arg6: memref<2x10240x128xf32, #tpu.memory_space<hbm>>, %arg7: memref<10240x128xf32, #tpu.memory_space<vmem_shared>>, %arg8: memref<80xi32, #tpu.memory_space<vmem>>, %arg9: memref<80xi32, #tpu.memory_space<vmem>>, %arg10: memref<80x128xf32, #tpu.memory_space<vmem>>, %arg11: memref<80x128xf32, #tpu.memory_space<vmem>>, %arg12: memref<!tpu.dma_semaphore, #tpu.memory_space<semaphore_mem>>) attributes {dimension_semantics = [#tpu.dimension_semantics<core_parallel>, #tpu.dimension_semantics<subcore_parallel>], iteration_bounds = array<i64: 2, 16>, scalar_prefetch = 0 : i64, scratch_operands = 6 : i64, tpu.core_type = #tpu.core_type<sc_vector_subcore>, window_params = [{transform_indices = #map}, {transform_indices = #map}, {transform_indices = #map1}, {transform_indices = #map1}, {transform_indices = #map2}]} {
    %mul3A = arith.constant 16 : i32
    %mul3A_0 = arith.muli %arg0, %mul3A : i32
    %add3A = arith.addi %mul3A_0, %arg1 : i32
    %broadcast_in_dim3A = arith.constant 0.000000e+00 : f32
    %broadcast_in_dim3A_1 = vector.broadcast %broadcast_in_dim3A : f32 to vector<16xf32>
    %scan3A = arith.constant 0 : i32
    %scan3A_2 = arith.constant 0 : i32
    %scan3A_3 = arith.constant 80 : i32
    %scan3A_4 = arith.addi %scan3A_2, %scan3A_3 : i32
    %scan3A_5 = arith.constant 1 : i32
    scf.for %scan3A_34 = %scan3A_2 to %scan3A_4 step %scan3A_5  : i32 {
      %swap3A = arith.index_cast %scan3A_34 : i32 to index
      %swap3A_35 = arith.constant 0 : index
      %swap3A_36 = tpu.vector_load %arg10[%swap3A, %swap3A_35] {strides = array<i32>} : memref<80x128xf32, #tpu.memory_space<vmem>>, vector<1x16xf32>,
      %swap3A_37 = vector.shape_cast %swap3A_36 : vector<1x16xf32> to vector<16xf32>
      %swap3A_38 = vector.shape_cast %broadcast_in_dim3A_1 : vector<16xf32> to vector<1x16xf32>
      tpu.vector_store %arg10[%swap3A, %swap3A_35], %swap3A_38 {strides = array<i32>} : memref<80x128xf32, #tpu.memory_space<vmem>>, vector<1x16xf32>,
      %swap3A_39 = arith.index_cast %scan3A_34 : i32 to index
      %swap3A_40 = arith.constant 16 : index
      %swap3A_41 = tpu.vector_load %arg10[%swap3A_39, %swap3A_40] {strides = array<i32>} : memref<80x128xf32, #tpu.memory_space<vmem>>, vector<1x16xf32>,
      %swap3A_42 = vector.shape_cast %swap3A_41 : vector<1x16xf32> to vector<16xf32>
      %swap3A_43 = vector.shape_cast %broadcast_in_dim3A_1 : vector<16xf32> to vector<1x16xf32>
      tpu.vector_store %arg10[%swap3A_39, %swap3A_40], %swap3A_43 {strides = array<i32>} : memref<80x128xf32, #tpu.memory_space<vmem>>, vector<1x16xf32>,
      %swap3A_44 = arith.index_cast %scan3A_34 : i32 to index
      %swap3A_45 = arith.constant 32 : index
      %swap3A_46 = tpu.vector_load %arg10[%swap3A_44, %swap3A_45] {strides = array<i32>} : memref<80x128xf32, #tpu.memory_space<vmem>>, vector<1x16xf32>,
      %swap3A_47 = vector.shape_cast %swap3A_46 : vector<1x16xf32> to vector<16xf32>
      %swap3A_48 = vector.shape_cast %broadcast_in_dim3A_1 : vector<16xf32> to vector<1x16xf32>
      tpu.vector_store %arg10[%swap3A_44, %swap3A_45], %swap3A_48 {strides = array<i32>} : memref<80x128xf32, #tpu.memory_space<vmem>>, vector<1x16xf32>,
      %swap3A_49 = arith.index_cast %scan3A_34 : i32 to index
      %swap3A_50 = arith.constant 48 : index
      %swap3A_51 = tpu.vector_load %arg10[%swap3A_49, %swap3A_50] {strides = array<i32>} : memref<80x128xf32, #tpu.memory_space<vmem>>, vector<1x16xf32>,
      %swap3A_52 = vector.shape_cast %swap3A_51 : vector<1x16xf32> to vector<16xf32>
      %swap3A_53 = vector.shape_cast %broadcast_in_dim3A_1 : vector<16xf32> to vector<1x16xf32>
      tpu.vector_store %arg10[%swap3A_49, %swap3A_50], %swap3A_53 {strides = array<i32>} : memref<80x128xf32, #tpu.memory_space<vmem>>, vector<1x16xf32>,
      %swap3A_54 = arith.index_cast %scan3A_34 : i32 to index
      %swap3A_55 = arith.constant 64 : index
      %swap3A_56 = tpu.vector_load %arg10[%swap3A_54, %swap3A_55] {strides = array<i32>} : memref<80x128xf32, #tpu.memory_space<vmem>>, vector<1x16xf32>,
      %swap3A_57 = vector.shape_cast %swap3A_56 : vector<1x16xf32> to vector<16xf32>
      %swap3A_58 = vector.shape_cast %broadcast_in_dim3A_1 : vector<16xf32> to vector<1x16xf32>
      tpu.vector_store %arg10[%swap3A_54, %swap3A_55], %swap3A_58 {strides = array<i32>} : memref<80x128xf32, #tpu.memory_space<vmem>>, vector<1x16xf32>,
      %swap3A_59 = arith.index_cast %scan3A_34 : i32 to index
      %swap3A_60 = arith.constant 80 : index
      %swap3A_61 = tpu.vector_load %arg10[%swap3A_59, %swap3A_60] {strides = array<i32>} : memref<80x128xf32, #tpu.memory_space<vmem>>, vector<1x16xf32>,
      %swap3A_62 = vector.shape_cast %swap3A_61 : vector<1x16xf32> to vector<16xf32>
      %swap3A_63 = vector.shape_cast %broadcast_in_dim3A_1 : vector<16xf32> to vector<1x16xf32>
      tpu.vector_store %arg10[%swap3A_59, %swap3A_60], %swap3A_63 {strides = array<i32>} : memref<80x128xf32, #tpu.memory_space<vmem>>, vector<1x16xf32>,
      %swap3A_64 = arith.index_cast %scan3A_34 : i32 to index
      %swap3A_65 = arith.constant 96 : index
      %swap3A_66 = tpu.vector_load %arg10[%swap3A_64, %swap3A_65] {strides = array<i32>} : memref<80x128xf32, #tpu.memory_space<vmem>>, vector<1x16xf32>,
      %swap3A_67 = vector.shape_cast %swap3A_66 : vector<1x16xf32> to vector<16xf32>
      %swap3A_68 = vector.shape_cast %broadcast_in_dim3A_1 : vector<16xf32> to vector<1x16xf32>
      tpu.vector_store %arg10[%swap3A_64, %swap3A_65], %swap3A_68 {strides = array<i32>} : memref<80x128xf32, #tpu.memory_space<vmem>>, vector<1x16xf32>,
      %swap3A_69 = arith.index_cast %scan3A_34 : i32 to index
      %swap3A_70 = arith.constant 112 : index
      %swap3A_71 = tpu.vector_load %arg10[%swap3A_69, %swap3A_70] {strides = array<i32>} : memref<80x128xf32, #tpu.memory_space<vmem>>, vector<1x16xf32>,
      %swap3A_72 = vector.shape_cast %swap3A_71 : vector<1x16xf32> to vector<16xf32>
      %swap3A_73 = vector.shape_cast %broadcast_in_dim3A_1 : vector<16xf32> to vector<1x16xf32>
      tpu.vector_store %arg10[%swap3A_69, %swap3A_70], %swap3A_73 {strides = array<i32>} : memref<80x128xf32, #tpu.memory_space<vmem>>, vector<1x16xf32>,
    }
    %scan3A_6 = arith.constant 80 : i32
    %mul3A_7 = arith.constant 640 : i32
    %mul3A_8 = arith.muli %arg1, %mul3A_7 : i32
    %add3A_9 = arith.constant 0 : i32
    %add3A_10 = arith.addi %mul3A_8, %add3A_9 : i32
    "tpu.region"() ({
      %run_scoped3A = tpu.sem_alloc : memref<!tpu.dma_semaphore, #tpu.memory_space<semaphore_mem>>
      %dma_start3A = arith.constant 0 : i32
      %dma_start3A_34 = tpu.memref_slice %arg7[%add3A_10, %dma_start3A] : memref<10240x128xf32, #tpu.memory_space<vmem_shared>> -> memref<80x128xf32, #tpu.memory_space<vmem_shared>>
      %dma_start3A_35 = arith.constant 0 : i32
      %dma_start3A_36 = tpu.memref_slice %arg7[%add3A_10, %dma_start3A_35] : memref<10240x128xf32, #tpu.memory_space<vmem_shared>> -> memref<80x128xf32, #tpu.memory_space<vmem_shared>>
      tpu.enqueue_dma source(%arg10 : memref<80x128xf32, #tpu.memory_space<vmem>>) target(%dma_start3A_36 : memref<80x128xf32, #tpu.memory_space<vmem_shared>>) target_semaphore(%run_scoped3A : memref<!tpu.dma_semaphore, #tpu.memory_space<semaphore_mem>>)
      %dma_wait3A = arith.constant 0 : i32
      %dma_wait3A_37 = tpu.memref_slice %arg7[%add3A_10, %dma_wait3A] : memref<10240x128xf32, #tpu.memory_space<vmem_shared>> -> memref<80x128xf32, #tpu.memory_space<vmem_shared>>
      %dma_wait3A_38 = arith.constant 0 : i32
      %dma_wait3A_39 = tpu.memref_slice %arg7[%add3A_10, %dma_wait3A_38] : memref<10240x128xf32, #tpu.memory_space<vmem_shared>> -> memref<80x128xf32, #tpu.memory_space<vmem_shared>>
      tpu.wait_dma2 semaphore(%run_scoped3A : memref<!tpu.dma_semaphore, #tpu.memory_space<semaphore_mem>>) src(%arg10 : memref<80x128xf32, #tpu.memory_space<vmem>>) dst(%dma_wait3A_39 : memref<80x128xf32, #tpu.memory_space<vmem_shared>>)
      tpu.yield
    }) : () -> ()
    %add3A_11 = arith.constant 80 : i32
    %add3A_12 = arith.addi %mul3A_8, %add3A_11 : i32
    "tpu.region"() ({
      %run_scoped3A = tpu.sem_alloc : memref<!tpu.dma_semaphore, #tpu.memory_space<semaphore_mem>>
      %dma_start3A = arith.constant 0 : i32
      %dma_start3A_34 = tpu.memref_slice %arg7[%add3A_12, %dma_start3A] : memref<10240x128xf32, #tpu.memory_space<vmem_shared>> -> memref<80x128xf32, #tpu.memory_space<vmem_shared>>
      %dma_start3A_35 = arith.constant 0 : i32
      %dma_start3A_36 = tpu.memref_slice %arg7[%add3A_12, %dma_start3A_35] : memref<10240x128xf32, #tpu.memory_space<vmem_shared>> -> memref<80x128xf32, #tpu.memory_space<vmem_shared>>
      tpu.enqueue_dma source(%arg10 : memref<80x128xf32, #tpu.memory_space<vmem>>) target(%dma_start3A_36 : memref<80x128xf32, #tpu.memory_space<vmem_shared>>) target_semaphore(%run_scoped3A : memref<!tpu.dma_semaphore, #tpu.memory_space<semaphore_mem>>)
      %dma_wait3A = arith.constant 0 : i32
      %dma_wait3A_37 = tpu.memref_slice %arg7[%add3A_12, %dma_wait3A] : memref<10240x128xf32, #tpu.memory_space<vmem_shared>> -> memref<80x128xf32, #tpu.memory_space<vmem_shared>>
      %dma_wait3A_38 = arith.constant 0 : i32
      %dma_wait3A_39 = tpu.memref_slice %arg7[%add3A_12, %dma_wait3A_38] : memref<10240x128xf32, #tpu.memory_space<vmem_shared>> -> memref<80x128xf32, #tpu.memory_space<vmem_shared>>
      tpu.wait_dma2 semaphore(%run_scoped3A : memref<!tpu.dma_semaphore, #tpu.memory_space<semaphore_mem>>) src(%arg10 : memref<80x128xf32, #tpu.memory_space<vmem>>) dst(%dma_wait3A_39 : memref<80x128xf32, #tpu.memory_space<vmem_shared>>)
      tpu.yield
    }) : () -> ()
    %add3A_13 = arith.constant 160 : i32
    %add3A_14 = arith.addi %mul3A_8, %add3A_13 : i32
    "tpu.region"() ({
      %run_scoped3A = tpu.sem_alloc : memref<!tpu.dma_semaphore, #tpu.memory_space<semaphore_mem>>
      %dma_start3A = arith.constant 0 : i32
      %dma_start3A_34 = tpu.memref_slice %arg7[%add3A_14, %dma_start3A] : memref<10240x128xf32, #tpu.memory_space<vmem_shared>> -> memref<80x128xf32, #tpu.memory_space<vmem_shared>>
      %dma_start3A_35 = arith.constant 0 : i32
      %dma_start3A_36 = tpu.memref_slice %arg7[%add3A_14, %dma_start3A_35] : memref<10240x128xf32, #tpu.memory_space<vmem_shared>> -> memref<80x128xf32, #tpu.memory_space<vmem_shared>>
      tpu.enqueue_dma source(%arg10 : memref<80x128xf32, #tpu.memory_space<vmem>>) target(%dma_start3A_36 : memref<80x128xf32, #tpu.memory_space<vmem_shared>>) target_semaphore(%run_scoped3A : memref<!tpu.dma_semaphore, #tpu.memory_space<semaphore_mem>>)
      %dma_wait3A = arith.constant 0 : i32
      %dma_wait3A_37 = tpu.memref_slice %arg7[%add3A_14, %dma_wait3A] : memref<10240x128xf32, #tpu.memory_space<vmem_shared>> -> memref<80x128xf32, #tpu.memory_space<vmem_shared>>
      %dma_wait3A_38 = arith.constant 0 : i32
      %dma_wait3A_39 = tpu.memref_slice %arg7[%add3A_14, %dma_wait3A_38] : memref<10240x128xf32, #tpu.memory_space<vmem_shared>> -> memref<80x128xf32, #tpu.memory_space<vmem_shared>>
      tpu.wait_dma2 semaphore(%run_scoped3A : memref<!tpu.dma_semaphore, #tpu.memory_space<semaphore_mem>>) src(%arg10 : memref<80x128xf32, #tpu.memory_space<vmem>>) dst(%dma_wait3A_39 : memref<80x128xf32, #tpu.memory_space<vmem_shared>>)
      tpu.yield
    }) : () -> ()
    %add3A_15 = arith.constant 240 : i32
    %add3A_16 = arith.addi %mul3A_8, %add3A_15 : i32
    "tpu.region"() ({
      %run_scoped3A = tpu.sem_alloc : memref<!tpu.dma_semaphore, #tpu.memory_space<semaphore_mem>>
      %dma_start3A = arith.constant 0 : i32
      %dma_start3A_34 = tpu.memref_slice %arg7[%add3A_16, %dma_start3A] : memref<10240x128xf32, #tpu.memory_space<vmem_shared>> -> memref<80x128xf32, #tpu.memory_space<vmem_shared>>
      %dma_start3A_35 = arith.constant 0 : i32
      %dma_start3A_36 = tpu.memref_slice %arg7[%add3A_16, %dma_start3A_35] : memref<10240x128xf32, #tpu.memory_space<vmem_shared>> -> memref<80x128xf32, #tpu.memory_space<vmem_shared>>
      tpu.enqueue_dma source(%arg10 : memref<80x128xf32, #tpu.memory_space<vmem>>) target(%dma_start3A_36 : memref<80x128xf32, #tpu.memory_space<vmem_shared>>) target_semaphore(%run_scoped3A : memref<!tpu.dma_semaphore, #tpu.memory_space<semaphore_mem>>)
      %dma_wait3A = arith.constant 0 : i32
      %dma_wait3A_37 = tpu.memref_slice %arg7[%add3A_16, %dma_wait3A] : memref<10240x128xf32, #tpu.memory_space<vmem_shared>> -> memref<80x128xf32, #tpu.memory_space<vmem_shared>>
      %dma_wait3A_38 = arith.constant 0 : i32
      %dma_wait3A_39 = tpu.memref_slice %arg7[%add3A_16, %dma_wait3A_38] : memref<10240x128xf32, #tpu.memory_space<vmem_shared>> -> memref<80x128xf32, #tpu.memory_space<vmem_shared>>
      tpu.wait_dma2 semaphore(%run_scoped3A : memref<!tpu.dma_semaphore, #tpu.memory_space<semaphore_mem>>) src(%arg10 : memref<80x128xf32, #tpu.memory_space<vmem>>) dst(%dma_wait3A_39 : memref<80x128xf32, #tpu.memory_space<vmem_shared>>)
      tpu.yield
    }) : () -> ()
    %add3A_17 = arith.constant 320 : i32
    %add3A_18 = arith.addi %mul3A_8, %add3A_17 : i32
    "tpu.region"() ({
      %run_scoped3A = tpu.sem_alloc : memref<!tpu.dma_semaphore, #tpu.memory_space<semaphore_mem>>
      %dma_start3A = arith.constant 0 : i32
      %dma_start3A_34 = tpu.memref_slice %arg7[%add3A_18, %dma_start3A] : memref<10240x128xf32, #tpu.memory_space<vmem_shared>> -> memref<80x128xf32, #tpu.memory_space<vmem_shared>>
      %dma_start3A_35 = arith.constant 0 : i32
      %dma_start3A_36 = tpu.memref_slice %arg7[%add3A_18, %dma_start3A_35] : memref<10240x128xf32, #tpu.memory_space<vmem_shared>> -> memref<80x128xf32, #tpu.memory_space<vmem_shared>>
      tpu.enqueue_dma source(%arg10 : memref<80x128xf32, #tpu.memory_space<vmem>>) target(%dma_start3A_36 : memref<80x128xf32, #tpu.memory_space<vmem_shared>>) target_semaphore(%run_scoped3A : memref<!tpu.dma_semaphore, #tpu.memory_space<semaphore_mem>>)
      %dma_wait3A = arith.constant 0 : i32
      %dma_wait3A_37 = tpu.memref_slice %arg7[%add3A_18, %dma_wait3A] : memref<10240x128xf32, #tpu.memory_space<vmem_shared>> -> memref<80x128xf32, #tpu.memory_space<vmem_shared>>
      %dma_wait3A_38 = arith.constant 0 : i32
      %dma_wait3A_39 = tpu.memref_slice %arg7[%add3A_18, %dma_wait3A_38] : memref<10240x128xf32, #tpu.memory_space<vmem_shared>> -> memref<80x128xf32, #tpu.memory_space<vmem_shared>>
      tpu.wait_dma2 semaphore(%run_scoped3A : memref<!tpu.dma_semaphore, #tpu.memory_space<semaphore_mem>>) src(%arg10 : memref<80x128xf32, #tpu.memory_space<vmem>>) dst(%dma_wait3A_39 : memref<80x128xf32, #tpu.memory_space<vmem_shared>>)
      tpu.yield
    }) : () -> ()
    %add3A_19 = arith.constant 400 : i32
    %add3A_20 = arith.addi %mul3A_8, %add3A_19 : i32
    "tpu.region"() ({
      %run_scoped3A = tpu.sem_alloc : memref<!tpu.dma_semaphore, #tpu.memory_space<semaphore_mem>>
      %dma_start3A = arith.constant 0 : i32
      %dma_start3A_34 = tpu.memref_slice %arg7[%add3A_20, %dma_start3A] : memref<10240x128xf32, #tpu.memory_space<vmem_shared>> -> memref<80x128xf32, #tpu.memory_space<vmem_shared>>
      %dma_start3A_35 = arith.constant 0 : i32
      %dma_start3A_36 = tpu.memref_slice %arg7[%add3A_20, %dma_start3A_35] : memref<10240x128xf32, #tpu.memory_space<vmem_shared>> -> memref<80x128xf32, #tpu.memory_space<vmem_shared>>
      tpu.enqueue_dma source(%arg10 : memref<80x128xf32, #tpu.memory_space<vmem>>) target(%dma_start3A_36 : memref<80x128xf32, #tpu.memory_space<vmem_shared>>) target_semaphore(%run_scoped3A : memref<!tpu.dma_semaphore, #tpu.memory_space<semaphore_mem>>)
      %dma_wait3A = arith.constant 0 : i32
      %dma_wait3A_37 = tpu.memref_slice %arg7[%add3A_20, %dma_wait3A] : memref<10240x128xf32, #tpu.memory_space<vmem_shared>> -> memref<80x128xf32, #tpu.memory_space<vmem_shared>>
      %dma_wait3A_38 = arith.constant 0 : i32
      %dma_wait3A_39 = tpu.memref_slice %arg7[%add3A_20, %dma_wait3A_38] : memref<10240x128xf32, #tpu.memory_space<vmem_shared>> -> memref<80x128xf32, #tpu.memory_space<vmem_shared>>
      tpu.wait_dma2 semaphore(%run_scoped3A : memref<!tpu.dma_semaphore, #tpu.memory_space<semaphore_mem>>) src(%arg10 : memref<80x128xf32, #tpu.memory_space<vmem>>) dst(%dma_wait3A_39 : memref<80x128xf32, #tpu.memory_space<vmem_shared>>)
      tpu.yield
    }) : () -> ()
    %add3A_21 = arith.constant 480 : i32
    %add3A_22 = arith.addi %mul3A_8, %add3A_21 : i32
    "tpu.region"() ({
      %run_scoped3A = tpu.sem_alloc : memref<!tpu.dma_semaphore, #tpu.memory_space<semaphore_mem>>
      %dma_start3A = arith.constant 0 : i32
      %dma_start3A_34 = tpu.memref_slice %arg7[%add3A_22, %dma_start3A] : memref<10240x128xf32, #tpu.memory_space<vmem_shared>> -> memref<80x128xf32, #tpu.memory_space<vmem_shared>>
      %dma_start3A_35 = arith.constant 0 : i32
      %dma_start3A_36 = tpu.memref_slice %arg7[%add3A_22, %dma_start3A_35] : memref<10240x128xf32, #tpu.memory_space<vmem_shared>> -> memref<80x128xf32, #tpu.memory_space<vmem_shared>>
      tpu.enqueue_dma source(%arg10 : memref<80x128xf32, #tpu.memory_space<vmem>>) target(%dma_start3A_36 : memref<80x128xf32, #tpu.memory_space<vmem_shared>>) target_semaphore(%run_scoped3A : memref<!tpu.dma_semaphore, #tpu.memory_space<semaphore_mem>>)
      %dma_wait3A = arith.constant 0 : i32
      %dma_wait3A_37 = tpu.memref_slice %arg7[%add3A_22, %dma_wait3A] : memref<10240x128xf32, #tpu.memory_space<vmem_shared>> -> memref<80x128xf32, #tpu.memory_space<vmem_shared>>
      %dma_wait3A_38 = arith.constant 0 : i32
      %dma_wait3A_39 = tpu.memref_slice %arg7[%add3A_22, %dma_wait3A_38] : memref<10240x128xf32, #tpu.memory_space<vmem_shared>> -> memref<80x128xf32, #tpu.memory_space<vmem_shared>>
      tpu.wait_dma2 semaphore(%run_scoped3A : memref<!tpu.dma_semaphore, #tpu.memory_space<semaphore_mem>>) src(%arg10 : memref<80x128xf32, #tpu.memory_space<vmem>>) dst(%dma_wait3A_39 : memref<80x128xf32, #tpu.memory_space<vmem_shared>>)
      tpu.yield
    }) : () -> ()
    %add3A_23 = arith.constant 560 : i32
    %add3A_24 = arith.addi %mul3A_8, %add3A_23 : i32
    "tpu.region"() ({
      %run_scoped3A = tpu.sem_alloc : memref<!tpu.dma_semaphore, #tpu.memory_space<semaphore_mem>>
      %dma_start3A = arith.constant 0 : i32
      %dma_start3A_34 = tpu.memref_slice %arg7[%add3A_24, %dma_start3A] : memref<10240x128xf32, #tpu.memory_space<vmem_shared>> -> memref<80x128xf32, #tpu.memory_space<vmem_shared>>
      %dma_start3A_35 = arith.constant 0 : i32
      %dma_start3A_36 = tpu.memref_slice %arg7[%add3A_24, %dma_start3A_35] : memref<10240x128xf32, #tpu.memory_space<vmem_shared>> -> memref<80x128xf32, #tpu.memory_space<vmem_shared>>
      tpu.enqueue_dma source(%arg10 : memref<80x128xf32, #tpu.memory_space<vmem>>) target(%dma_start3A_36 : memref<80x128xf32, #tpu.memory_space<vmem_shared>>) target_semaphore(%run_scoped3A : memref<!tpu.dma_semaphore, #tpu.memory_space<semaphore_mem>>)
      %dma_wait3A = arith.constant 0 : i32
      %dma_wait3A_37 = tpu.memref_slice %arg7[%add3A_24, %dma_wait3A] : memref<10240x128xf32, #tpu.memory_space<vmem_shared>> -> memref<80x128xf32, #tpu.memory_space<vmem_shared>>
      %dma_wait3A_38 = arith.constant 0 : i32
      %dma_wait3A_39 = tpu.memref_slice %arg7[%add3A_24, %dma_wait3A_38] : memref<10240x128xf32, #tpu.memory_space<vmem_shared>> -> memref<80x128xf32, #tpu.memory_space<vmem_shared>>
      tpu.wait_dma2 semaphore(%run_scoped3A : memref<!tpu.dma_semaphore, #tpu.memory_space<semaphore_mem>>) src(%arg10 : memref<80x128xf32, #tpu.memory_space<vmem>>) dst(%dma_wait3A_39 : memref<80x128xf32, #tpu.memory_space<vmem_shared>>)
      tpu.yield
    }) : () -> ()
    %barrier3A = arith.constant 0 : index
    tpu.barrier barrier_id(%barrier3A)
    %mul3A_25 = arith.constant 20000 : i32
    %mul3A_26 = arith.muli %add3A, %mul3A_25 : i32
    %scan3A_27 = arith.constant 0 : i32
    %scan3A_28 = arith.constant 0 : i32
    %scan3A_29 = arith.constant 250 : i32
    %scan3A_30 = arith.addi %scan3A_28, %scan3A_29 : i32
    %scan3A_31 = arith.constant 1 : i32
    scf.for %scan3A_34 = %scan3A_28 to %scan3A_30 step %scan3A_31  : i32 {
      %mul3A_35 = arith.constant 80 : i32
      %mul3A_36 = arith.muli %scan3A_34, %mul3A_35 : i32
      %add3A_37 = arith.addi %mul3A_26, %mul3A_36 : i32
      "tpu.region"() ({
        %run_scoped3A = tpu.sem_alloc : memref<!tpu.dma_semaphore, #tpu.memory_space<semaphore_mem>>
        %dma_start3A_54 = tpu.memref_slice %arg4[%add3A_37] : memref<640000xi32, #tpu.memory_space<hbm>> -> memref<80xi32, #tpu.memory_space<hbm>>
        %dma_start3A_55 = tpu.memref_slice %arg4[%add3A_37] : memref<640000xi32, #tpu.memory_space<hbm>> -> memref<80xi32, #tpu.memory_space<hbm>>
        tpu.enqueue_dma source(%dma_start3A_55 : memref<80xi32, #tpu.memory_space<hbm>>) target(%arg8 : memref<80xi32, #tpu.memory_space<vmem>>) target_semaphore(%run_scoped3A : memref<!tpu.dma_semaphore, #tpu.memory_space<semaphore_mem>>)
        %dma_wait3A_56 = tpu.memref_slice %arg4[%add3A_37] : memref<640000xi32, #tpu.memory_space<hbm>> -> memref<80xi32, #tpu.memory_space<hbm>>
        %dma_wait3A_57 = tpu.memref_slice %arg4[%add3A_37] : memref<640000xi32, #tpu.memory_space<hbm>> -> memref<80xi32, #tpu.memory_space<hbm>>
        tpu.wait_dma2 semaphore(%run_scoped3A : memref<!tpu.dma_semaphore, #tpu.memory_space<semaphore_mem>>) src(%dma_wait3A_57 : memref<80xi32, #tpu.memory_space<hbm>>) dst(%arg8 : memref<80xi32, #tpu.memory_space<vmem>>)
        tpu.yield
      }) : () -> ()
      "tpu.region"() ({
        %run_scoped3A = tpu.sem_alloc : memref<!tpu.dma_semaphore, #tpu.memory_space<semaphore_mem>>
        %dma_start3A_54 = tpu.memref_slice %arg5[%add3A_37] : memref<640000xi32, #tpu.memory_space<hbm>> -> memref<80xi32, #tpu.memory_space<hbm>>
        %dma_start3A_55 = tpu.memref_slice %arg5[%add3A_37] : memref<640000xi32, #tpu.memory_space<hbm>> -> memref<80xi32, #tpu.memory_space<hbm>>
        tpu.enqueue_dma source(%dma_start3A_55 : memref<80xi32, #tpu.memory_space<hbm>>) target(%arg9 : memref<80xi32, #tpu.memory_space<vmem>>) target_semaphore(%run_scoped3A : memref<!tpu.dma_semaphore, #tpu.memory_space<semaphore_mem>>)
        %dma_wait3A_56 = tpu.memref_slice %arg5[%add3A_37] : memref<640000xi32, #tpu.memory_space<hbm>> -> memref<80xi32, #tpu.memory_space<hbm>>
        %dma_wait3A_57 = tpu.memref_slice %arg5[%add3A_37] : memref<640000xi32, #tpu.memory_space<hbm>> -> memref<80xi32, #tpu.memory_space<hbm>>
        tpu.wait_dma2 semaphore(%run_scoped3A : memref<!tpu.dma_semaphore, #tpu.memory_space<semaphore_mem>>) src(%dma_wait3A_57 : memref<80xi32, #tpu.memory_space<hbm>>) dst(%arg9 : memref<80xi32, #tpu.memory_space<vmem>>)
        tpu.yield
      }) : () -> ()
      %dma_start3A = arith.constant 0 : i32
      %dma_start3A_38 = arith.constant 0 : i32
      %dma_start3A_39 = tpu.memref_slice %arg2[%dma_start3A, %dma_start3A_38] : memref<10000x128xf32, #tpu.memory_space<hbm>> -> memref<10000x128xf32, #tpu.memory_space<hbm>>
      tpu.enqueue_indirect_dma source(%dma_start3A_39 : memref<10000x128xf32, #tpu.memory_space<hbm>>) target(%arg10 : memref<80x128xf32, #tpu.memory_space<vmem>>) offsets(%arg8 : memref<80xi32, #tpu.memory_space<vmem>>) semaphore(%arg12 : memref<!tpu.dma_semaphore, #tpu.memory_space<semaphore_mem>>)
      %dma_start3A_40 = arith.constant 0 : i32
      %dma_start3A_41 = arith.constant 0 : i32
      %dma_start3A_42 = tpu.memref_slice %arg3[%dma_start3A_40, %dma_start3A_41] : memref<10000x128xf32, #tpu.memory_space<hbm>> -> memref<10000x128xf32, #tpu.memory_space<hbm>>
      tpu.enqueue_indirect_dma source(%dma_start3A_42 : memref<10000x128xf32, #tpu.memory_space<hbm>>) target(%arg11 : memref<80x128xf32, #tpu.memory_space<vmem>>) offsets(%arg9 : memref<80xi32, #tpu.memory_space<vmem>>) semaphore(%arg12 : memref<!tpu.dma_semaphore, #tpu.memory_space<semaphore_mem>>)
      %dma_wait3A = arith.constant 0 : i32
      %dma_wait3A_43 = arith.constant 0 : i32
      %dma_wait3A_44 = tpu.memref_slice %arg2[%dma_wait3A, %dma_wait3A_43] : memref<10000x128xf32, #tpu.memory_space<hbm>> -> memref<10000x128xf32, #tpu.memory_space<hbm>>
      tpu.wait_indirect_dma semaphore(%arg12 : memref<!tpu.dma_semaphore, #tpu.memory_space<semaphore_mem>>) src(%dma_wait3A_44 : memref<10000x128xf32, #tpu.memory_space<hbm>>) dst(%arg10 : memref<80x128xf32, #tpu.memory_space<vmem>>)
      %dma_wait3A_45 = arith.constant 0 : i32
      %dma_wait3A_46 = arith.constant 0 : i32
      %dma_wait3A_47 = tpu.memref_slice %arg3[%dma_wait3A_45, %dma_wait3A_46] : memref<10000x128xf32, #tpu.memory_space<hbm>> -> memref<10000x128xf32, #tpu.memory_space<hbm>>
      tpu.wait_indirect_dma semaphore(%arg12 : memref<!tpu.dma_semaphore, #tpu.memory_space<semaphore_mem>>) src(%dma_wait3A_47 : memref<10000x128xf32, #tpu.memory_space<hbm>>) dst(%arg11 : memref<80x128xf32, #tpu.memory_space<vmem>>)
      %scan3A_48 = arith.constant 0 : i32
      %scan3A_49 = arith.constant 0 : i32
      %scan3A_50 = arith.constant 80 : i32
      %scan3A_51 = arith.addi %scan3A_49, %scan3A_50 : i32
      %scan3A_52 = arith.constant 1 : i32
      scf.for %scan3A_54 = %scan3A_49 to %scan3A_51 step %scan3A_52  : i32 {
        %get3A = arith.index_cast %scan3A_54 : i32 to index
        %get3A_55 = arith.constant 0 : index
        %get3A_56 = tpu.vector_load %arg10[%get3A, %get3A_55] {strides = array<i32>} : memref<80x128xf32, #tpu.memory_space<vmem>>, vector<1x16xf32>,
        %get3A_57 = vector.shape_cast %get3A_56 : vector<1x16xf32> to vector<16xf32>
        %get3A_58 = arith.index_cast %scan3A_54 : i32 to index
        %get3A_59 = arith.constant 0 : index
        %get3A_60 = tpu.vector_load %arg11[%get3A_58, %get3A_59] {strides = array<i32>} : memref<80x128xf32, #tpu.memory_space<vmem>>, vector<1x16xf32>,
        %get3A_61 = vector.shape_cast %get3A_60 : vector<1x16xf32> to vector<16xf32>
        %add3A_62 = arith.addf %get3A_57, %get3A_61 : vector<16xf32>
        %gt3A = arith.constant 0.000000e+00 : f32
        %gt3A_63 = vector.broadcast %gt3A : f32 to vector<16xf32>
        %gt3A_64 = arith.cmpf ogt, %add3A_62, %gt3A_63 : vector<16xf32>
        %exp3A = math.exp %add3A_62 : vector<16xf32>
        %sub3A = arith.constant 1.000000e+00 : f32
        %sub3A_65 = vector.broadcast %sub3A : f32 to vector<16xf32>
        %sub3A_66 = arith.subf %exp3A, %sub3A_65 : vector<16xf32>
        %mul3A_67 = arith.constant 1.67326319 : f32
        %mul3A_68 = vector.broadcast %mul3A_67 : f32 to vector<16xf32>
        %mul3A_69 = arith.mulf %mul3A_68, %sub3A_66 : vector<16xf32>
        %select_n3A = arith.select %gt3A_64, %add3A_62, %mul3A_69 : vector<16xi1>, vector<16xf32>
        %mul3A_70 = arith.constant 1.05070102 : f32
        %mul3A_71 = vector.broadcast %mul3A_70 : f32 to vector<16xf32>
        %mul3A_72 = arith.mulf %mul3A_71, %select_n3A : vector<16xf32>
        %swap3A = arith.index_cast %scan3A_54 : i32 to index
        %swap3A_73 = arith.constant 0 : index
        %swap3A_74 = tpu.vector_load %arg10[%swap3A, %swap3A_73] {strides = array<i32>} : memref<80x128xf32, #tpu.memory_space<vmem>>, vector<1x16xf32>,
        %swap3A_75 = vector.shape_cast %swap3A_74 : vector<1x16xf32> to vector<16xf32>
        %swap3A_76 = vector.shape_cast %mul3A_72 : vector<16xf32> to vector<1x16xf32>
        tpu.vector_store %arg10[%swap3A, %swap3A_73], %swap3A_76 {strides = array<i32>} : memref<80x128xf32, #tpu.memory_space<vmem>>, vector<1x16xf32>,
        %get3A_77 = arith.index_cast %scan3A_54 : i32 to index
        %get3A_78 = arith.constant 16 : index
        %get3A_79 = tpu.vector_load %arg10[%get3A_77, %get3A_78] {strides = array<i32>} : memref<80x128xf32, #tpu.memory_space<vmem>>, vector<1x16xf32>,
        %get3A_80 = vector.shape_cast %get3A_79 : vector<1x16xf32> to vector<16xf32>
        %get3A_81 = arith.index_cast %scan3A_54 : i32 to index
        %get3A_82 = arith.constant 16 : index
        %get3A_83 = tpu.vector_load %arg11[%get3A_81, %get3A_82] {strides = array<i32>} : memref<80x128xf32, #tpu.memory_space<vmem>>, vector<1x16xf32>,
        %get3A_84 = vector.shape_cast %get3A_83 : vector<1x16xf32> to vector<16xf32>
        %add3A_85 = arith.addf %get3A_80, %get3A_84 : vector<16xf32>
        %gt3A_86 = arith.constant 0.000000e+00 : f32
        %gt3A_87 = vector.broadcast %gt3A_86 : f32 to vector<16xf32>
        %gt3A_88 = arith.cmpf ogt, %add3A_85, %gt3A_87 : vector<16xf32>
        %exp3A_89 = math.exp %add3A_85 : vector<16xf32>
        %sub3A_90 = arith.constant 1.000000e+00 : f32
        %sub3A_91 = vector.broadcast %sub3A_90 : f32 to vector<16xf32>
        %sub3A_92 = arith.subf %exp3A_89, %sub3A_91 : vector<16xf32>
        %mul3A_93 = arith.constant 1.67326319 : f32
        %mul3A_94 = vector.broadcast %mul3A_93 : f32 to vector<16xf32>
        %mul3A_95 = arith.mulf %mul3A_94, %sub3A_92 : vector<16xf32>
        %select_n3A_96 = arith.select %gt3A_88, %add3A_85, %mul3A_95 : vector<16xi1>, vector<16xf32>
        %mul3A_97 = arith.constant 1.05070102 : f32
        %mul3A_98 = vector.broadcast %mul3A_97 : f32 to vector<16xf32>
        %mul3A_99 = arith.mulf %mul3A_98, %select_n3A_96 : vector<16xf32>
        %swap3A_100 = arith.index_cast %scan3A_54 : i32 to index
        %swap3A_101 = arith.constant 16 : index
        %swap3A_102 = tpu.vector_load %arg10[%swap3A_100, %swap3A_101] {strides = array<i32>} : memref<80x128xf32, #tpu.memory_space<vmem>>, vector<1x16xf32>,
        %swap3A_103 = vector.shape_cast %swap3A_102 : vector<1x16xf32> to vector<16xf32>
        %swap3A_104 = vector.shape_cast %mul3A_99 : vector<16xf32> to vector<1x16xf32>
        tpu.vector_store %arg10[%swap3A_100, %swap3A_101], %swap3A_104 {strides = array<i32>} : memref<80x128xf32, #tpu.memory_space<vmem>>, vector<1x16xf32>,
        %get3A_105 = arith.index_cast %scan3A_54 : i32 to index
        %get3A_106 = arith.constant 32 : index
        %get3A_107 = tpu.vector_load %arg10[%get3A_105, %get3A_106] {strides = array<i32>} : memref<80x128xf32, #tpu.memory_space<vmem>>, vector<1x16xf32>,
        %get3A_108 = vector.shape_cast %get3A_107 : vector<1x16xf32> to vector<16xf32>
        %get3A_109 = arith.index_cast %scan3A_54 : i32 to index
        %get3A_110 = arith.constant 32 : index
        %get3A_111 = tpu.vector_load %arg11[%get3A_109, %get3A_110] {strides = array<i32>} : memref<80x128xf32, #tpu.memory_space<vmem>>, vector<1x16xf32>,
        %get3A_112 = vector.shape_cast %get3A_111 : vector<1x16xf32> to vector<16xf32>
        %add3A_113 = arith.addf %get3A_108, %get3A_112 : vector<16xf32>
        %gt3A_114 = arith.constant 0.000000e+00 : f32
        %gt3A_115 = vector.broadcast %gt3A_114 : f32 to vector<16xf32>
        %gt3A_116 = arith.cmpf ogt, %add3A_113, %gt3A_115 : vector<16xf32>
        %exp3A_117 = math.exp %add3A_113 : vector<16xf32>
        %sub3A_118 = arith.constant 1.000000e+00 : f32
        %sub3A_119 = vector.broadcast %sub3A_118 : f32 to vector<16xf32>
        %sub3A_120 = arith.subf %exp3A_117, %sub3A_119 : vector<16xf32>
        %mul3A_121 = arith.constant 1.67326319 : f32
        %mul3A_122 = vector.broadcast %mul3A_121 : f32 to vector<16xf32>
        %mul3A_123 = arith.mulf %mul3A_122, %sub3A_120 : vector<16xf32>
        %select_n3A_124 = arith.select %gt3A_116, %add3A_113, %mul3A_123 : vector<16xi1>, vector<16xf32>
        %mul3A_125 = arith.constant 1.05070102 : f32
        %mul3A_126 = vector.broadcast %mul3A_125 : f32 to vector<16xf32>
        %mul3A_127 = arith.mulf %mul3A_126, %select_n3A_124 : vector<16xf32>
        %swap3A_128 = arith.index_cast %scan3A_54 : i32 to index
        %swap3A_129 = arith.constant 32 : index
        %swap3A_130 = tpu.vector_load %arg10[%swap3A_128, %swap3A_129] {strides = array<i32>} : memref<80x128xf32, #tpu.memory_space<vmem>>, vector<1x16xf32>,
        %swap3A_131 = vector.shape_cast %swap3A_130 : vector<1x16xf32> to vector<16xf32>
        %swap3A_132 = vector.shape_cast %mul3A_127 : vector<16xf32> to vector<1x16xf32>
        tpu.vector_store %arg10[%swap3A_128, %swap3A_129], %swap3A_132 {strides = array<i32>} : memref<80x128xf32, #tpu.memory_space<vmem>>, vector<1x16xf32>,
        %get3A_133 = arith.index_cast %scan3A_54 : i32 to index
        %get3A_134 = arith.constant 48 : index
        %get3A_135 = tpu.vector_load %arg10[%get3A_133, %get3A_134] {strides = array<i32>} : memref<80x128xf32, #tpu.memory_space<vmem>>, vector<1x16xf32>,
        %get3A_136 = vector.shape_cast %get3A_135 : vector<1x16xf32> to vector<16xf32>
        %get3A_137 = arith.index_cast %scan3A_54 : i32 to index
        %get3A_138 = arith.constant 48 : index
        %get3A_139 = tpu.vector_load %arg11[%get3A_137, %get3A_138] {strides = array<i32>} : memref<80x128xf32, #tpu.memory_space<vmem>>, vector<1x16xf32>,
        %get3A_140 = vector.shape_cast %get3A_139 : vector<1x16xf32> to vector<16xf32>
        %add3A_141 = arith.addf %get3A_136, %get3A_140 : vector<16xf32>
        %gt3A_142 = arith.constant 0.000000e+00 : f32
        %gt3A_143 = vector.broadcast %gt3A_142 : f32 to vector<16xf32>
        %gt3A_144 = arith.cmpf ogt, %add3A_141, %gt3A_143 : vector<16xf32>
        %exp3A_145 = math.exp %add3A_141 : vector<16xf32>
        %sub3A_146 = arith.constant 1.000000e+00 : f32
        %sub3A_147 = vector.broadcast %sub3A_146 : f32 to vector<16xf32>
        %sub3A_148 = arith.subf %exp3A_145, %sub3A_147 : vector<16xf32>
        %mul3A_149 = arith.constant 1.67326319 : f32
        %mul3A_150 = vector.broadcast %mul3A_149 : f32 to vector<16xf32>
        %mul3A_151 = arith.mulf %mul3A_150, %sub3A_148 : vector<16xf32>
        %select_n3A_152 = arith.select %gt3A_144, %add3A_141, %mul3A_151 : vector<16xi1>, vector<16xf32>
        %mul3A_153 = arith.constant 1.05070102 : f32
        %mul3A_154 = vector.broadcast %mul3A_153 : f32 to vector<16xf32>
        %mul3A_155 = arith.mulf %mul3A_154, %select_n3A_152 : vector<16xf32>
        %swap3A_156 = arith.index_cast %scan3A_54 : i32 to index
        %swap3A_157 = arith.constant 48 : index
        %swap3A_158 = tpu.vector_load %arg10[%swap3A_156, %swap3A_157] {strides = array<i32>} : memref<80x128xf32, #tpu.memory_space<vmem>>, vector<1x16xf32>,
        %swap3A_159 = vector.shape_cast %swap3A_158 : vector<1x16xf32> to vector<16xf32>
        %swap3A_160 = vector.shape_cast %mul3A_155 : vector<16xf32> to vector<1x16xf32>
        tpu.vector_store %arg10[%swap3A_156, %swap3A_157], %swap3A_160 {strides = array<i32>} : memref<80x128xf32, #tpu.memory_space<vmem>>, vector<1x16xf32>,
        %get3A_161 = arith.index_cast %scan3A_54 : i32 to index
        %get3A_162 = arith.constant 64 : index
        %get3A_163 = tpu.vector_load %arg10[%get3A_161, %get3A_162] {strides = array<i32>} : memref<80x128xf32, #tpu.memory_space<vmem>>, vector<1x16xf32>,
        %get3A_164 = vector.shape_cast %get3A_163 : vector<1x16xf32> to vector<16xf32>
        %get3A_165 = arith.index_cast %scan3A_54 : i32 to index
        %get3A_166 = arith.constant 64 : index
        %get3A_167 = tpu.vector_load %arg11[%get3A_165, %get3A_166] {strides = array<i32>} : memref<80x128xf32, #tpu.memory_space<vmem>>, vector<1x16xf32>,
        %get3A_168 = vector.shape_cast %get3A_167 : vector<1x16xf32> to vector<16xf32>
        %add3A_169 = arith.addf %get3A_164, %get3A_168 : vector<16xf32>
        %gt3A_170 = arith.constant 0.000000e+00 : f32
        %gt3A_171 = vector.broadcast %gt3A_170 : f32 to vector<16xf32>
        %gt3A_172 = arith.cmpf ogt, %add3A_169, %gt3A_171 : vector<16xf32>
        %exp3A_173 = math.exp %add3A_169 : vector<16xf32>
        %sub3A_174 = arith.constant 1.000000e+00 : f32
        %sub3A_175 = vector.broadcast %sub3A_174 : f32 to vector<16xf32>
        %sub3A_176 = arith.subf %exp3A_173, %sub3A_175 : vector<16xf32>
        %mul3A_177 = arith.constant 1.67326319 : f32
        %mul3A_178 = vector.broadcast %mul3A_177 : f32 to vector<16xf32>
        %mul3A_179 = arith.mulf %mul3A_178, %sub3A_176 : vector<16xf32>
        %select_n3A_180 = arith.select %gt3A_172, %add3A_169, %mul3A_179 : vector<16xi1>, vector<16xf32>
        %mul3A_181 = arith.constant 1.05070102 : f32
        %mul3A_182 = vector.broadcast %mul3A_181 : f32 to vector<16xf32>
        %mul3A_183 = arith.mulf %mul3A_182, %select_n3A_180 : vector<16xf32>
        %swap3A_184 = arith.index_cast %scan3A_54 : i32 to index
        %swap3A_185 = arith.constant 64 : index
        %swap3A_186 = tpu.vector_load %arg10[%swap3A_184, %swap3A_185] {strides = array<i32>} : memref<80x128xf32, #tpu.memory_space<vmem>>, vector<1x16xf32>,
        %swap3A_187 = vector.shape_cast %swap3A_186 : vector<1x16xf32> to vector<16xf32>
        %swap3A_188 = vector.shape_cast %mul3A_183 : vector<16xf32> to vector<1x16xf32>
        tpu.vector_store %arg10[%swap3A_184, %swap3A_185], %swap3A_188 {strides = array<i32>} : memref<80x128xf32, #tpu.memory_space<vmem>>, vector<1x16xf32>,
        %get3A_189 = arith.index_cast %scan3A_54 : i32 to index
        %get3A_190 = arith.constant 80 : index
        %get3A_191 = tpu.vector_load %arg10[%get3A_189, %get3A_190] {strides = array<i32>} : memref<80x128xf32, #tpu.memory_space<vmem>>, vector<1x16xf32>,
        %get3A_192 = vector.shape_cast %get3A_191 : vector<1x16xf32> to vector<16xf32>
        %get3A_193 = arith.index_cast %scan3A_54 : i32 to index
        %get3A_194 = arith.constant 80 : index
        %get3A_195 = tpu.vector_load %arg11[%get3A_193, %get3A_194] {strides = array<i32>} : memref<80x128xf32, #tpu.memory_space<vmem>>, vector<1x16xf32>,
        %get3A_196 = vector.shape_cast %get3A_195 : vector<1x16xf32> to vector<16xf32>
        %add3A_197 = arith.addf %get3A_192, %get3A_196 : vector<16xf32>
        %gt3A_198 = arith.constant 0.000000e+00 : f32
        %gt3A_199 = vector.broadcast %gt3A_198 : f32 to vector<16xf32>
        %gt3A_200 = arith.cmpf ogt, %add3A_197, %gt3A_199 : vector<16xf32>
        %exp3A_201 = math.exp %add3A_197 : vector<16xf32>
        %sub3A_202 = arith.constant 1.000000e+00 : f32
        %sub3A_203 = vector.broadcast %sub3A_202 : f32 to vector<16xf32>
        %sub3A_204 = arith.subf %exp3A_201, %sub3A_203 : vector<16xf32>
        %mul3A_205 = arith.constant 1.67326319 : f32
        %mul3A_206 = vector.broadcast %mul3A_205 : f32 to vector<16xf32>
        %mul3A_207 = arith.mulf %mul3A_206, %sub3A_204 : vector<16xf32>
        %select_n3A_208 = arith.select %gt3A_200, %add3A_197, %mul3A_207 : vector<16xi1>, vector<16xf32>
        %mul3A_209 = arith.constant 1.05070102 : f32
        %mul3A_210 = vector.broadcast %mul3A_209 : f32 to vector<16xf32>
        %mul3A_211 = arith.mulf %mul3A_210, %select_n3A_208 : vector<16xf32>
        %swap3A_212 = arith.index_cast %scan3A_54 : i32 to index
        %swap3A_213 = arith.constant 80 : index
        %swap3A_214 = tpu.vector_load %arg10[%swap3A_212, %swap3A_213] {strides = array<i32>} : memref<80x128xf32, #tpu.memory_space<vmem>>, vector<1x16xf32>,
        %swap3A_215 = vector.shape_cast %swap3A_214 : vector<1x16xf32> to vector<16xf32>
        %swap3A_216 = vector.shape_cast %mul3A_211 : vector<16xf32> to vector<1x16xf32>
        tpu.vector_store %arg10[%swap3A_212, %swap3A_213], %swap3A_216 {strides = array<i32>} : memref<80x128xf32, #tpu.memory_space<vmem>>, vector<1x16xf32>,
        %get3A_217 = arith.index_cast %scan3A_54 : i32 to index
        %get3A_218 = arith.constant 96 : index
        %get3A_219 = tpu.vector_load %arg10[%get3A_217, %get3A_218] {strides = array<i32>} : memref<80x128xf32, #tpu.memory_space<vmem>>, vector<1x16xf32>,
        %get3A_220 = vector.shape_cast %get3A_219 : vector<1x16xf32> to vector<16xf32>
        %get3A_221 = arith.index_cast %scan3A_54 : i32 to index
        %get3A_222 = arith.constant 96 : index
        %get3A_223 = tpu.vector_load %arg11[%get3A_221, %get3A_222] {strides = array<i32>} : memref<80x128xf32, #tpu.memory_space<vmem>>, vector<1x16xf32>,
        %get3A_224 = vector.shape_cast %get3A_223 : vector<1x16xf32> to vector<16xf32>
        %add3A_225 = arith.addf %get3A_220, %get3A_224 : vector<16xf32>
        %gt3A_226 = arith.constant 0.000000e+00 : f32
        %gt3A_227 = vector.broadcast %gt3A_226 : f32 to vector<16xf32>
        %gt3A_228 = arith.cmpf ogt, %add3A_225, %gt3A_227 : vector<16xf32>
        %exp3A_229 = math.exp %add3A_225 : vector<16xf32>
        %sub3A_230 = arith.constant 1.000000e+00 : f32
        %sub3A_231 = vector.broadcast %sub3A_230 : f32 to vector<16xf32>
        %sub3A_232 = arith.subf %exp3A_229, %sub3A_231 : vector<16xf32>
        %mul3A_233 = arith.constant 1.67326319 : f32
        %mul3A_234 = vector.broadcast %mul3A_233 : f32 to vector<16xf32>
        %mul3A_235 = arith.mulf %mul3A_234, %sub3A_232 : vector<16xf32>
        %select_n3A_236 = arith.select %gt3A_228, %add3A_225, %mul3A_235 : vector<16xi1>, vector<16xf32>
        %mul3A_237 = arith.constant 1.05070102 : f32
        %mul3A_238 = vector.broadcast %mul3A_237 : f32 to vector<16xf32>
        %mul3A_239 = arith.mulf %mul3A_238, %select_n3A_236 : vector<16xf32>
        %swap3A_240 = arith.index_cast %scan3A_54 : i32 to index
        %swap3A_241 = arith.constant 96 : index
        %swap3A_242 = tpu.vector_load %arg10[%swap3A_240, %swap3A_241] {strides = array<i32>} : memref<80x128xf32, #tpu.memory_space<vmem>>, vector<1x16xf32>,
        %swap3A_243 = vector.shape_cast %swap3A_242 : vector<1x16xf32> to vector<16xf32>
        %swap3A_244 = vector.shape_cast %mul3A_239 : vector<16xf32> to vector<1x16xf32>
        tpu.vector_store %arg10[%swap3A_240, %swap3A_241], %swap3A_244 {strides = array<i32>} : memref<80x128xf32, #tpu.memory_space<vmem>>, vector<1x16xf32>,
        %get3A_245 = arith.index_cast %scan3A_54 : i32 to index
        %get3A_246 = arith.constant 112 : index
        %get3A_247 = tpu.vector_load %arg10[%get3A_245, %get3A_246] {strides = array<i32>} : memref<80x128xf32, #tpu.memory_space<vmem>>, vector<1x16xf32>,
        %get3A_248 = vector.shape_cast %get3A_247 : vector<1x16xf32> to vector<16xf32>
        %get3A_249 = arith.index_cast %scan3A_54 : i32 to index
        %get3A_250 = arith.constant 112 : index
        %get3A_251 = tpu.vector_load %arg11[%get3A_249, %get3A_250] {strides = array<i32>} : memref<80x128xf32, #tpu.memory_space<vmem>>, vector<1x16xf32>,
        %get3A_252 = vector.shape_cast %get3A_251 : vector<1x16xf32> to vector<16xf32>
        %add3A_253 = arith.addf %get3A_248, %get3A_252 : vector<16xf32>
        %gt3A_254 = arith.constant 0.000000e+00 : f32
        %gt3A_255 = vector.broadcast %gt3A_254 : f32 to vector<16xf32>
        %gt3A_256 = arith.cmpf ogt, %add3A_253, %gt3A_255 : vector<16xf32>
        %exp3A_257 = math.exp %add3A_253 : vector<16xf32>
        %sub3A_258 = arith.constant 1.000000e+00 : f32
        %sub3A_259 = vector.broadcast %sub3A_258 : f32 to vector<16xf32>
        %sub3A_260 = arith.subf %exp3A_257, %sub3A_259 : vector<16xf32>
        %mul3A_261 = arith.constant 1.67326319 : f32
        %mul3A_262 = vector.broadcast %mul3A_261 : f32 to vector<16xf32>
        %mul3A_263 = arith.mulf %mul3A_262, %sub3A_260 : vector<16xf32>
        %select_n3A_264 = arith.select %gt3A_256, %add3A_253, %mul3A_263 : vector<16xi1>, vector<16xf32>
        %mul3A_265 = arith.constant 1.05070102 : f32
        %mul3A_266 = vector.broadcast %mul3A_265 : f32 to vector<16xf32>
        %mul3A_267 = arith.mulf %mul3A_266, %select_n3A_264 : vector<16xf32>
        %swap3A_268 = arith.index_cast %scan3A_54 : i32 to index
        %swap3A_269 = arith.constant 112 : index
        %swap3A_270 = tpu.vector_load %arg10[%swap3A_268, %swap3A_269] {strides = array<i32>} : memref<80x128xf32, #tpu.memory_space<vmem>>, vector<1x16xf32>,
        %swap3A_271 = vector.shape_cast %swap3A_270 : vector<1x16xf32> to vector<16xf32>
        %swap3A_272 = vector.shape_cast %mul3A_267 : vector<16xf32> to vector<1x16xf32>
        tpu.vector_store %arg10[%swap3A_268, %swap3A_269], %swap3A_272 {strides = array<i32>} : memref<80x128xf32, #tpu.memory_space<vmem>>, vector<1x16xf32>,
      }
      %scan3A_53 = arith.constant 80 : i32
      "tpu.region"() ({
        %run_scoped3A = tpu.sem_alloc : memref<!tpu.dma_semaphore, #tpu.memory_space<semaphore_mem>>
        %dma_start3A_54 = arith.constant 0 : i32
        %dma_start3A_55 = arith.constant 0 : i32
        %dma_start3A_56 = tpu.memref_slice %arg7[%dma_start3A_54, %dma_start3A_55] : memref<10240x128xf32, #tpu.memory_space<vmem_shared>> -> memref<10240x128xf32, #tpu.memory_space<vmem_shared>>
        tpu.enqueue_indirect_dma source(%arg10 : memref<80x128xf32, #tpu.memory_space<vmem>>) target(%dma_start3A_56 : memref<10240x128xf32, #tpu.memory_space<vmem_shared>>) offsets(%arg9 : memref<80xi32, #tpu.memory_space<vmem>>) semaphore(%run_scoped3A : memref<!tpu.dma_semaphore, #tpu.memory_space<semaphore_mem>>) {add = true}
        %dma_wait3A_57 = arith.constant 0 : i32
        %dma_wait3A_58 = arith.constant 0 : i32
        %dma_wait3A_59 = tpu.memref_slice %arg7[%dma_wait3A_57, %dma_wait3A_58] : memref<10240x128xf32, #tpu.memory_space<vmem_shared>> -> memref<10240x128xf32, #tpu.memory_space<vmem_shared>>
        tpu.wait_indirect_dma semaphore(%run_scoped3A : memref<!tpu.dma_semaphore, #tpu.memory_space<semaphore_mem>>) src(%arg10 : memref<80x128xf32, #tpu.memory_space<vmem>>) dst(%dma_wait3A_59 : memref<10240x128xf32, #tpu.memory_space<vmem_shared>>)
        tpu.yield
      }) : () -> ()
    }
    %scan3A_32 = arith.constant 250 : i32
    %barrier3A_33 = arith.constant 0 : index
    tpu.barrier barrier_id(%barrier3A_33)
    "tpu.region"() ({
      %run_scoped3A = tpu.sem_alloc : memref<!tpu.dma_semaphore, #tpu.memory_space<semaphore_mem>>
      %dma_start3A = arith.constant 0 : i32
      %dma_start3A_34 = tpu.memref_slice %arg6[%arg0, %mul3A_8, %dma_start3A] : memref<2x10240x128xf32, #tpu.memory_space<hbm>> -> memref<1x640x128xf32, #tpu.memory_space<hbm>>
      %dma_start3A_35 = tpu.memref_squeeze %dma_start3A_34 : memref<1x640x128xf32, #tpu.memory_space<hbm>> -> memref<640x128xf32, #tpu.memory_space<hbm>>
      %dma_start3A_36 = arith.constant 0 : i32
      %dma_start3A_37 = tpu.memref_slice %arg7[%mul3A_8, %dma_start3A_36] : memref<10240x128xf32, #tpu.memory_space<vmem_shared>> -> memref<640x128xf32, #tpu.memory_space<vmem_shared>>
      tpu.enqueue_dma source(%dma_start3A_37 : memref<640x128xf32, #tpu.memory_space<vmem_shared>>) target(%dma_start3A_35 : memref<640x128xf32, #tpu.memory_space<hbm>>) target_semaphore(%run_scoped3A : memref<!tpu.dma_semaphore, #tpu.memory_space<semaphore_mem>>)
      %dma_wait3A = arith.constant 0 : i32
      %dma_wait3A_38 = tpu.memref_slice %arg6[%arg0, %mul3A_8, %dma_wait3A] : memref<2x10240x128xf32, #tpu.memory_space<hbm>> -> memref<1x640x128xf32, #tpu.memory_space<hbm>>
      %dma_wait3A_39 = tpu.memref_squeeze %dma_wait3A_38 : memref<1x640x128xf32, #tpu.memory_space<hbm>> -> memref<640x128xf32, #tpu.memory_space<hbm>>
      %dma_wait3A_40 = arith.constant 0 : i32
      %dma_wait3A_41 = tpu.memref_slice %arg7[%mul3A_8, %dma_wait3A_40] : memref<10240x128xf32, #tpu.memory_space<vmem_shared>> -> memref<640x128xf32, #tpu.memory_space<vmem_shared>>
      tpu.wait_dma2 semaphore(%run_scoped3A : memref<!tpu.dma_semaphore, #tpu.memory_space<semaphore_mem>>) src(%dma_wait3A_41 : memref<640x128xf32, #tpu.memory_space<vmem_shared>>) dst(%dma_wait3A_39 : memref<640x128xf32, #tpu.memory_space<hbm>>)
      tpu.yield
    }) : () -> ()
    return
  }
}

#map = affine_map<(d0, d1) -> (0, 0)>
#map1 = affine_map<(d0, d1) -> (0)>
#map2 = affine_map<(d0, d1) -> (0, 0, 0)>
module attributes {stable_mosaic.version = 14 : i64} {
  func.func @_edge_body(%arg0: i32, %arg1: i32, %arg2: memref<10000x128xf32, #tpu.memory_space<hbm>>, %arg3: memref<10000x128xf32, #tpu.memory_space<hbm>>, %arg4: memref<640000xi32, #tpu.memory_space<hbm>>, %arg5: memref<640000xi32, #tpu.memory_space<hbm>>, %arg6: memref<2x10240x128xf32, #tpu.memory_space<hbm>>, %arg7: memref<10240x128xf32, #tpu.memory_space<vmem_shared>>, %arg8: memref<80xi32, #tpu.memory_space<vmem>>, %arg9: memref<80xi32, #tpu.memory_space<vmem>>, %arg10: memref<80x128xf32, #tpu.memory_space<vmem>>, %arg11: memref<80x128xf32, #tpu.memory_space<vmem>>, %arg12: memref<!tpu.dma_semaphore, #tpu.memory_space<semaphore_mem>>) attributes {dimension_semantics = [#tpu.dimension_semantics<core_parallel>, #tpu.dimension_semantics<subcore_parallel>], iteration_bounds = array<i64: 2, 16>, scalar_prefetch = 0 : i64, scratch_operands = 6 : i64, tpu.core_type = #tpu.core_type<sc_vector_subcore>, window_params = [{transform_indices = #map}, {transform_indices = #map}, {transform_indices = #map1}, {transform_indices = #map1}, {transform_indices = #map2}]} {
    %mul3A = arith.constant 16 : i32
    %mul3A_0 = arith.muli %arg0, %mul3A : i32
    %add3A = arith.addi %mul3A_0, %arg1 : i32
    %broadcast_in_dim3A = arith.constant 0.000000e+00 : f32
    %broadcast_in_dim3A_1 = vector.broadcast %broadcast_in_dim3A : f32 to vector<16xf32>
    %scan3A = arith.constant 0 : i32
    %scan3A_2 = arith.constant 0 : i32
    %scan3A_3 = arith.constant 80 : i32
    %scan3A_4 = arith.addi %scan3A_2, %scan3A_3 : i32
    %scan3A_5 = arith.constant 1 : i32
    scf.for %scan3A_34 = %scan3A_2 to %scan3A_4 step %scan3A_5  : i32 {
      %swap3A = arith.index_cast %scan3A_34 : i32 to index
      %swap3A_35 = arith.constant 0 : index
      %swap3A_36 = tpu.vector_load %arg10[%swap3A, %swap3A_35] {strides = array<i32>} : memref<80x128xf32, #tpu.memory_space<vmem>>, vector<1x16xf32>,
      %swap3A_37 = vector.shape_cast %swap3A_36 : vector<1x16xf32> to vector<16xf32>
      %swap3A_38 = vector.shape_cast %broadcast_in_dim3A_1 : vector<16xf32> to vector<1x16xf32>
      tpu.vector_store %arg10[%swap3A, %swap3A_35], %swap3A_38 {strides = array<i32>} : memref<80x128xf32, #tpu.memory_space<vmem>>, vector<1x16xf32>,
      %swap3A_39 = arith.index_cast %scan3A_34 : i32 to index
      %swap3A_40 = arith.constant 16 : index
      %swap3A_41 = tpu.vector_load %arg10[%swap3A_39, %swap3A_40] {strides = array<i32>} : memref<80x128xf32, #tpu.memory_space<vmem>>, vector<1x16xf32>,
      %swap3A_42 = vector.shape_cast %swap3A_41 : vector<1x16xf32> to vector<16xf32>
      %swap3A_43 = vector.shape_cast %broadcast_in_dim3A_1 : vector<16xf32> to vector<1x16xf32>
      tpu.vector_store %arg10[%swap3A_39, %swap3A_40], %swap3A_43 {strides = array<i32>} : memref<80x128xf32, #tpu.memory_space<vmem>>, vector<1x16xf32>,
      %swap3A_44 = arith.index_cast %scan3A_34 : i32 to index
      %swap3A_45 = arith.constant 32 : index
      %swap3A_46 = tpu.vector_load %arg10[%swap3A_44, %swap3A_45] {strides = array<i32>} : memref<80x128xf32, #tpu.memory_space<vmem>>, vector<1x16xf32>,
      %swap3A_47 = vector.shape_cast %swap3A_46 : vector<1x16xf32> to vector<16xf32>
      %swap3A_48 = vector.shape_cast %broadcast_in_dim3A_1 : vector<16xf32> to vector<1x16xf32>
      tpu.vector_store %arg10[%swap3A_44, %swap3A_45], %swap3A_48 {strides = array<i32>} : memref<80x128xf32, #tpu.memory_space<vmem>>, vector<1x16xf32>,
      %swap3A_49 = arith.index_cast %scan3A_34 : i32 to index
      %swap3A_50 = arith.constant 48 : index
      %swap3A_51 = tpu.vector_load %arg10[%swap3A_49, %swap3A_50] {strides = array<i32>} : memref<80x128xf32, #tpu.memory_space<vmem>>, vector<1x16xf32>,
      %swap3A_52 = vector.shape_cast %swap3A_51 : vector<1x16xf32> to vector<16xf32>
      %swap3A_53 = vector.shape_cast %broadcast_in_dim3A_1 : vector<16xf32> to vector<1x16xf32>
      tpu.vector_store %arg10[%swap3A_49, %swap3A_50], %swap3A_53 {strides = array<i32>} : memref<80x128xf32, #tpu.memory_space<vmem>>, vector<1x16xf32>,
      %swap3A_54 = arith.index_cast %scan3A_34 : i32 to index
      %swap3A_55 = arith.constant 64 : index
      %swap3A_56 = tpu.vector_load %arg10[%swap3A_54, %swap3A_55] {strides = array<i32>} : memref<80x128xf32, #tpu.memory_space<vmem>>, vector<1x16xf32>,
      %swap3A_57 = vector.shape_cast %swap3A_56 : vector<1x16xf32> to vector<16xf32>
      %swap3A_58 = vector.shape_cast %broadcast_in_dim3A_1 : vector<16xf32> to vector<1x16xf32>
      tpu.vector_store %arg10[%swap3A_54, %swap3A_55], %swap3A_58 {strides = array<i32>} : memref<80x128xf32, #tpu.memory_space<vmem>>, vector<1x16xf32>,
      %swap3A_59 = arith.index_cast %scan3A_34 : i32 to index
      %swap3A_60 = arith.constant 80 : index
      %swap3A_61 = tpu.vector_load %arg10[%swap3A_59, %swap3A_60] {strides = array<i32>} : memref<80x128xf32, #tpu.memory_space<vmem>>, vector<1x16xf32>,
      %swap3A_62 = vector.shape_cast %swap3A_61 : vector<1x16xf32> to vector<16xf32>
      %swap3A_63 = vector.shape_cast %broadcast_in_dim3A_1 : vector<16xf32> to vector<1x16xf32>
      tpu.vector_store %arg10[%swap3A_59, %swap3A_60], %swap3A_63 {strides = array<i32>} : memref<80x128xf32, #tpu.memory_space<vmem>>, vector<1x16xf32>,
      %swap3A_64 = arith.index_cast %scan3A_34 : i32 to index
      %swap3A_65 = arith.constant 96 : index
      %swap3A_66 = tpu.vector_load %arg10[%swap3A_64, %swap3A_65] {strides = array<i32>} : memref<80x128xf32, #tpu.memory_space<vmem>>, vector<1x16xf32>,
      %swap3A_67 = vector.shape_cast %swap3A_66 : vector<1x16xf32> to vector<16xf32>
      %swap3A_68 = vector.shape_cast %broadcast_in_dim3A_1 : vector<16xf32> to vector<1x16xf32>
      tpu.vector_store %arg10[%swap3A_64, %swap3A_65], %swap3A_68 {strides = array<i32>} : memref<80x128xf32, #tpu.memory_space<vmem>>, vector<1x16xf32>,
      %swap3A_69 = arith.index_cast %scan3A_34 : i32 to index
      %swap3A_70 = arith.constant 112 : index
      %swap3A_71 = tpu.vector_load %arg10[%swap3A_69, %swap3A_70] {strides = array<i32>} : memref<80x128xf32, #tpu.memory_space<vmem>>, vector<1x16xf32>,
      %swap3A_72 = vector.shape_cast %swap3A_71 : vector<1x16xf32> to vector<16xf32>
      %swap3A_73 = vector.shape_cast %broadcast_in_dim3A_1 : vector<16xf32> to vector<1x16xf32>
      tpu.vector_store %arg10[%swap3A_69, %swap3A_70], %swap3A_73 {strides = array<i32>} : memref<80x128xf32, #tpu.memory_space<vmem>>, vector<1x16xf32>,
    }
    %scan3A_6 = arith.constant 80 : i32
    %mul3A_7 = arith.constant 640 : i32
    %mul3A_8 = arith.muli %arg1, %mul3A_7 : i32
    %add3A_9 = arith.constant 0 : i32
    %add3A_10 = arith.addi %mul3A_8, %add3A_9 : i32
    "tpu.region"() ({
      %run_scoped3A = tpu.sem_alloc : memref<!tpu.dma_semaphore, #tpu.memory_space<semaphore_mem>>
      %dma_start3A = arith.constant 0 : i32
      %dma_start3A_34 = tpu.memref_slice %arg7[%add3A_10, %dma_start3A] : memref<10240x128xf32, #tpu.memory_space<vmem_shared>> -> memref<80x128xf32, #tpu.memory_space<vmem_shared>>
      %dma_start3A_35 = arith.constant 0 : i32
      %dma_start3A_36 = tpu.memref_slice %arg7[%add3A_10, %dma_start3A_35] : memref<10240x128xf32, #tpu.memory_space<vmem_shared>> -> memref<80x128xf32, #tpu.memory_space<vmem_shared>>
      tpu.enqueue_dma source(%arg10 : memref<80x128xf32, #tpu.memory_space<vmem>>) target(%dma_start3A_36 : memref<80x128xf32, #tpu.memory_space<vmem_shared>>) target_semaphore(%run_scoped3A : memref<!tpu.dma_semaphore, #tpu.memory_space<semaphore_mem>>)
      %dma_wait3A = arith.constant 0 : i32
      %dma_wait3A_37 = tpu.memref_slice %arg7[%add3A_10, %dma_wait3A] : memref<10240x128xf32, #tpu.memory_space<vmem_shared>> -> memref<80x128xf32, #tpu.memory_space<vmem_shared>>
      %dma_wait3A_38 = arith.constant 0 : i32
      %dma_wait3A_39 = tpu.memref_slice %arg7[%add3A_10, %dma_wait3A_38] : memref<10240x128xf32, #tpu.memory_space<vmem_shared>> -> memref<80x128xf32, #tpu.memory_space<vmem_shared>>
      tpu.wait_dma2 semaphore(%run_scoped3A : memref<!tpu.dma_semaphore, #tpu.memory_space<semaphore_mem>>) src(%arg10 : memref<80x128xf32, #tpu.memory_space<vmem>>) dst(%dma_wait3A_39 : memref<80x128xf32, #tpu.memory_space<vmem_shared>>)
      tpu.yield
    }) : () -> ()
    %add3A_11 = arith.constant 80 : i32
    %add3A_12 = arith.addi %mul3A_8, %add3A_11 : i32
    "tpu.region"() ({
      %run_scoped3A = tpu.sem_alloc : memref<!tpu.dma_semaphore, #tpu.memory_space<semaphore_mem>>
      %dma_start3A = arith.constant 0 : i32
      %dma_start3A_34 = tpu.memref_slice %arg7[%add3A_12, %dma_start3A] : memref<10240x128xf32, #tpu.memory_space<vmem_shared>> -> memref<80x128xf32, #tpu.memory_space<vmem_shared>>
      %dma_start3A_35 = arith.constant 0 : i32
      %dma_start3A_36 = tpu.memref_slice %arg7[%add3A_12, %dma_start3A_35] : memref<10240x128xf32, #tpu.memory_space<vmem_shared>> -> memref<80x128xf32, #tpu.memory_space<vmem_shared>>
      tpu.enqueue_dma source(%arg10 : memref<80x128xf32, #tpu.memory_space<vmem>>) target(%dma_start3A_36 : memref<80x128xf32, #tpu.memory_space<vmem_shared>>) target_semaphore(%run_scoped3A : memref<!tpu.dma_semaphore, #tpu.memory_space<semaphore_mem>>)
      %dma_wait3A = arith.constant 0 : i32
      %dma_wait3A_37 = tpu.memref_slice %arg7[%add3A_12, %dma_wait3A] : memref<10240x128xf32, #tpu.memory_space<vmem_shared>> -> memref<80x128xf32, #tpu.memory_space<vmem_shared>>
      %dma_wait3A_38 = arith.constant 0 : i32
      %dma_wait3A_39 = tpu.memref_slice %arg7[%add3A_12, %dma_wait3A_38] : memref<10240x128xf32, #tpu.memory_space<vmem_shared>> -> memref<80x128xf32, #tpu.memory_space<vmem_shared>>
      tpu.wait_dma2 semaphore(%run_scoped3A : memref<!tpu.dma_semaphore, #tpu.memory_space<semaphore_mem>>) src(%arg10 : memref<80x128xf32, #tpu.memory_space<vmem>>) dst(%dma_wait3A_39 : memref<80x128xf32, #tpu.memory_space<vmem_shared>>)
      tpu.yield
    }) : () -> ()
    %add3A_13 = arith.constant 160 : i32
    %add3A_14 = arith.addi %mul3A_8, %add3A_13 : i32
    "tpu.region"() ({
      %run_scoped3A = tpu.sem_alloc : memref<!tpu.dma_semaphore, #tpu.memory_space<semaphore_mem>>
      %dma_start3A = arith.constant 0 : i32
      %dma_start3A_34 = tpu.memref_slice %arg7[%add3A_14, %dma_start3A] : memref<10240x128xf32, #tpu.memory_space<vmem_shared>> -> memref<80x128xf32, #tpu.memory_space<vmem_shared>>
      %dma_start3A_35 = arith.constant 0 : i32
      %dma_start3A_36 = tpu.memref_slice %arg7[%add3A_14, %dma_start3A_35] : memref<10240x128xf32, #tpu.memory_space<vmem_shared>> -> memref<80x128xf32, #tpu.memory_space<vmem_shared>>
      tpu.enqueue_dma source(%arg10 : memref<80x128xf32, #tpu.memory_space<vmem>>) target(%dma_start3A_36 : memref<80x128xf32, #tpu.memory_space<vmem_shared>>) target_semaphore(%run_scoped3A : memref<!tpu.dma_semaphore, #tpu.memory_space<semaphore_mem>>)
      %dma_wait3A = arith.constant 0 : i32
      %dma_wait3A_37 = tpu.memref_slice %arg7[%add3A_14, %dma_wait3A] : memref<10240x128xf32, #tpu.memory_space<vmem_shared>> -> memref<80x128xf32, #tpu.memory_space<vmem_shared>>
      %dma_wait3A_38 = arith.constant 0 : i32
      %dma_wait3A_39 = tpu.memref_slice %arg7[%add3A_14, %dma_wait3A_38] : memref<10240x128xf32, #tpu.memory_space<vmem_shared>> -> memref<80x128xf32, #tpu.memory_space<vmem_shared>>
      tpu.wait_dma2 semaphore(%run_scoped3A : memref<!tpu.dma_semaphore, #tpu.memory_space<semaphore_mem>>) src(%arg10 : memref<80x128xf32, #tpu.memory_space<vmem>>) dst(%dma_wait3A_39 : memref<80x128xf32, #tpu.memory_space<vmem_shared>>)
      tpu.yield
    }) : () -> ()
    %add3A_15 = arith.constant 240 : i32
    %add3A_16 = arith.addi %mul3A_8, %add3A_15 : i32
    "tpu.region"() ({
      %run_scoped3A = tpu.sem_alloc : memref<!tpu.dma_semaphore, #tpu.memory_space<semaphore_mem>>
      %dma_start3A = arith.constant 0 : i32
      %dma_start3A_34 = tpu.memref_slice %arg7[%add3A_16, %dma_start3A] : memref<10240x128xf32, #tpu.memory_space<vmem_shared>> -> memref<80x128xf32, #tpu.memory_space<vmem_shared>>
      %dma_start3A_35 = arith.constant 0 : i32
      %dma_start3A_36 = tpu.memref_slice %arg7[%add3A_16, %dma_start3A_35] : memref<10240x128xf32, #tpu.memory_space<vmem_shared>> -> memref<80x128xf32, #tpu.memory_space<vmem_shared>>
      tpu.enqueue_dma source(%arg10 : memref<80x128xf32, #tpu.memory_space<vmem>>) target(%dma_start3A_36 : memref<80x128xf32, #tpu.memory_space<vmem_shared>>) target_semaphore(%run_scoped3A : memref<!tpu.dma_semaphore, #tpu.memory_space<semaphore_mem>>)
      %dma_wait3A = arith.constant 0 : i32
      %dma_wait3A_37 = tpu.memref_slice %arg7[%add3A_16, %dma_wait3A] : memref<10240x128xf32, #tpu.memory_space<vmem_shared>> -> memref<80x128xf32, #tpu.memory_space<vmem_shared>>
      %dma_wait3A_38 = arith.constant 0 : i32
      %dma_wait3A_39 = tpu.memref_slice %arg7[%add3A_16, %dma_wait3A_38] : memref<10240x128xf32, #tpu.memory_space<vmem_shared>> -> memref<80x128xf32, #tpu.memory_space<vmem_shared>>
      tpu.wait_dma2 semaphore(%run_scoped3A : memref<!tpu.dma_semaphore, #tpu.memory_space<semaphore_mem>>) src(%arg10 : memref<80x128xf32, #tpu.memory_space<vmem>>) dst(%dma_wait3A_39 : memref<80x128xf32, #tpu.memory_space<vmem_shared>>)
      tpu.yield
    }) : () -> ()
    %add3A_17 = arith.constant 320 : i32
    %add3A_18 = arith.addi %mul3A_8, %add3A_17 : i32
    "tpu.region"() ({
      %run_scoped3A = tpu.sem_alloc : memref<!tpu.dma_semaphore, #tpu.memory_space<semaphore_mem>>
      %dma_start3A = arith.constant 0 : i32
      %dma_start3A_34 = tpu.memref_slice %arg7[%add3A_18, %dma_start3A] : memref<10240x128xf32, #tpu.memory_space<vmem_shared>> -> memref<80x128xf32, #tpu.memory_space<vmem_shared>>
      %dma_start3A_35 = arith.constant 0 : i32
      %dma_start3A_36 = tpu.memref_slice %arg7[%add3A_18, %dma_start3A_35] : memref<10240x128xf32, #tpu.memory_space<vmem_shared>> -> memref<80x128xf32, #tpu.memory_space<vmem_shared>>
      tpu.enqueue_dma source(%arg10 : memref<80x128xf32, #tpu.memory_space<vmem>>) target(%dma_start3A_36 : memref<80x128xf32, #tpu.memory_space<vmem_shared>>) target_semaphore(%run_scoped3A : memref<!tpu.dma_semaphore, #tpu.memory_space<semaphore_mem>>)
      %dma_wait3A = arith.constant 0 : i32
      %dma_wait3A_37 = tpu.memref_slice %arg7[%add3A_18, %dma_wait3A] : memref<10240x128xf32, #tpu.memory_space<vmem_shared>> -> memref<80x128xf32, #tpu.memory_space<vmem_shared>>
      %dma_wait3A_38 = arith.constant 0 : i32
      %dma_wait3A_39 = tpu.memref_slice %arg7[%add3A_18, %dma_wait3A_38] : memref<10240x128xf32, #tpu.memory_space<vmem_shared>> -> memref<80x128xf32, #tpu.memory_space<vmem_shared>>
      tpu.wait_dma2 semaphore(%run_scoped3A : memref<!tpu.dma_semaphore, #tpu.memory_space<semaphore_mem>>) src(%arg10 : memref<80x128xf32, #tpu.memory_space<vmem>>) dst(%dma_wait3A_39 : memref<80x128xf32, #tpu.memory_space<vmem_shared>>)
      tpu.yield
    }) : () -> ()
    %add3A_19 = arith.constant 400 : i32
    %add3A_20 = arith.addi %mul3A_8, %add3A_19 : i32
    "tpu.region"() ({
      %run_scoped3A = tpu.sem_alloc : memref<!tpu.dma_semaphore, #tpu.memory_space<semaphore_mem>>
      %dma_start3A = arith.constant 0 : i32
      %dma_start3A_34 = tpu.memref_slice %arg7[%add3A_20, %dma_start3A] : memref<10240x128xf32, #tpu.memory_space<vmem_shared>> -> memref<80x128xf32, #tpu.memory_space<vmem_shared>>
      %dma_start3A_35 = arith.constant 0 : i32
      %dma_start3A_36 = tpu.memref_slice %arg7[%add3A_20, %dma_start3A_35] : memref<10240x128xf32, #tpu.memory_space<vmem_shared>> -> memref<80x128xf32, #tpu.memory_space<vmem_shared>>
      tpu.enqueue_dma source(%arg10 : memref<80x128xf32, #tpu.memory_space<vmem>>) target(%dma_start3A_36 : memref<80x128xf32, #tpu.memory_space<vmem_shared>>) target_semaphore(%run_scoped3A : memref<!tpu.dma_semaphore, #tpu.memory_space<semaphore_mem>>)
      %dma_wait3A = arith.constant 0 : i32
      %dma_wait3A_37 = tpu.memref_slice %arg7[%add3A_20, %dma_wait3A] : memref<10240x128xf32, #tpu.memory_space<vmem_shared>> -> memref<80x128xf32, #tpu.memory_space<vmem_shared>>
      %dma_wait3A_38 = arith.constant 0 : i32
      %dma_wait3A_39 = tpu.memref_slice %arg7[%add3A_20, %dma_wait3A_38] : memref<10240x128xf32, #tpu.memory_space<vmem_shared>> -> memref<80x128xf32, #tpu.memory_space<vmem_shared>>
      tpu.wait_dma2 semaphore(%run_scoped3A : memref<!tpu.dma_semaphore, #tpu.memory_space<semaphore_mem>>) src(%arg10 : memref<80x128xf32, #tpu.memory_space<vmem>>) dst(%dma_wait3A_39 : memref<80x128xf32, #tpu.memory_space<vmem_shared>>)
      tpu.yield
    }) : () -> ()
    %add3A_21 = arith.constant 480 : i32
    %add3A_22 = arith.addi %mul3A_8, %add3A_21 : i32
    "tpu.region"() ({
      %run_scoped3A = tpu.sem_alloc : memref<!tpu.dma_semaphore, #tpu.memory_space<semaphore_mem>>
      %dma_start3A = arith.constant 0 : i32
      %dma_start3A_34 = tpu.memref_slice %arg7[%add3A_22, %dma_start3A] : memref<10240x128xf32, #tpu.memory_space<vmem_shared>> -> memref<80x128xf32, #tpu.memory_space<vmem_shared>>
      %dma_start3A_35 = arith.constant 0 : i32
      %dma_start3A_36 = tpu.memref_slice %arg7[%add3A_22, %dma_start3A_35] : memref<10240x128xf32, #tpu.memory_space<vmem_shared>> -> memref<80x128xf32, #tpu.memory_space<vmem_shared>>
      tpu.enqueue_dma source(%arg10 : memref<80x128xf32, #tpu.memory_space<vmem>>) target(%dma_start3A_36 : memref<80x128xf32, #tpu.memory_space<vmem_shared>>) target_semaphore(%run_scoped3A : memref<!tpu.dma_semaphore, #tpu.memory_space<semaphore_mem>>)
      %dma_wait3A = arith.constant 0 : i32
      %dma_wait3A_37 = tpu.memref_slice %arg7[%add3A_22, %dma_wait3A] : memref<10240x128xf32, #tpu.memory_space<vmem_shared>> -> memref<80x128xf32, #tpu.memory_space<vmem_shared>>
      %dma_wait3A_38 = arith.constant 0 : i32
      %dma_wait3A_39 = tpu.memref_slice %arg7[%add3A_22, %dma_wait3A_38] : memref<10240x128xf32, #tpu.memory_space<vmem_shared>> -> memref<80x128xf32, #tpu.memory_space<vmem_shared>>
      tpu.wait_dma2 semaphore(%run_scoped3A : memref<!tpu.dma_semaphore, #tpu.memory_space<semaphore_mem>>) src(%arg10 : memref<80x128xf32, #tpu.memory_space<vmem>>) dst(%dma_wait3A_39 : memref<80x128xf32, #tpu.memory_space<vmem_shared>>)
      tpu.yield
    }) : () -> ()
    %add3A_23 = arith.constant 560 : i32
    %add3A_24 = arith.addi %mul3A_8, %add3A_23 : i32
    "tpu.region"() ({
      %run_scoped3A = tpu.sem_alloc : memref<!tpu.dma_semaphore, #tpu.memory_space<semaphore_mem>>
      %dma_start3A = arith.constant 0 : i32
      %dma_start3A_34 = tpu.memref_slice %arg7[%add3A_24, %dma_start3A] : memref<10240x128xf32, #tpu.memory_space<vmem_shared>> -> memref<80x128xf32, #tpu.memory_space<vmem_shared>>
      %dma_start3A_35 = arith.constant 0 : i32
      %dma_start3A_36 = tpu.memref_slice %arg7[%add3A_24, %dma_start3A_35] : memref<10240x128xf32, #tpu.memory_space<vmem_shared>> -> memref<80x128xf32, #tpu.memory_space<vmem_shared>>
      tpu.enqueue_dma source(%arg10 : memref<80x128xf32, #tpu.memory_space<vmem>>) target(%dma_start3A_36 : memref<80x128xf32, #tpu.memory_space<vmem_shared>>) target_semaphore(%run_scoped3A : memref<!tpu.dma_semaphore, #tpu.memory_space<semaphore_mem>>)
      %dma_wait3A = arith.constant 0 : i32
      %dma_wait3A_37 = tpu.memref_slice %arg7[%add3A_24, %dma_wait3A] : memref<10240x128xf32, #tpu.memory_space<vmem_shared>> -> memref<80x128xf32, #tpu.memory_space<vmem_shared>>
      %dma_wait3A_38 = arith.constant 0 : i32
      %dma_wait3A_39 = tpu.memref_slice %arg7[%add3A_24, %dma_wait3A_38] : memref<10240x128xf32, #tpu.memory_space<vmem_shared>> -> memref<80x128xf32, #tpu.memory_space<vmem_shared>>
      tpu.wait_dma2 semaphore(%run_scoped3A : memref<!tpu.dma_semaphore, #tpu.memory_space<semaphore_mem>>) src(%arg10 : memref<80x128xf32, #tpu.memory_space<vmem>>) dst(%dma_wait3A_39 : memref<80x128xf32, #tpu.memory_space<vmem_shared>>)
      tpu.yield
    }) : () -> ()
    %barrier3A = arith.constant 0 : index
    tpu.barrier barrier_id(%barrier3A)
    %mul3A_25 = arith.constant 20000 : i32
    %mul3A_26 = arith.muli %add3A, %mul3A_25 : i32
    %scan3A_27 = arith.constant 0 : i32
    %scan3A_28 = arith.constant 0 : i32
    %scan3A_29 = arith.constant 250 : i32
    %scan3A_30 = arith.addi %scan3A_28, %scan3A_29 : i32
    %scan3A_31 = arith.constant 1 : i32
    scf.for %scan3A_34 = %scan3A_28 to %scan3A_30 step %scan3A_31  : i32 {
      %mul3A_35 = arith.constant 80 : i32
      %mul3A_36 = arith.muli %scan3A_34, %mul3A_35 : i32
      %add3A_37 = arith.addi %mul3A_26, %mul3A_36 : i32
      "tpu.region"() ({
        %run_scoped3A = tpu.sem_alloc : memref<!tpu.dma_semaphore, #tpu.memory_space<semaphore_mem>>
        %dma_start3A_54 = tpu.memref_slice %arg4[%add3A_37] : memref<640000xi32, #tpu.memory_space<hbm>> -> memref<80xi32, #tpu.memory_space<hbm>>
        %dma_start3A_55 = tpu.memref_slice %arg4[%add3A_37] : memref<640000xi32, #tpu.memory_space<hbm>> -> memref<80xi32, #tpu.memory_space<hbm>>
        tpu.enqueue_dma source(%dma_start3A_55 : memref<80xi32, #tpu.memory_space<hbm>>) target(%arg8 : memref<80xi32, #tpu.memory_space<vmem>>) target_semaphore(%run_scoped3A : memref<!tpu.dma_semaphore, #tpu.memory_space<semaphore_mem>>)
        %dma_wait3A_56 = tpu.memref_slice %arg4[%add3A_37] : memref<640000xi32, #tpu.memory_space<hbm>> -> memref<80xi32, #tpu.memory_space<hbm>>
        %dma_wait3A_57 = tpu.memref_slice %arg4[%add3A_37] : memref<640000xi32, #tpu.memory_space<hbm>> -> memref<80xi32, #tpu.memory_space<hbm>>
        tpu.wait_dma2 semaphore(%run_scoped3A : memref<!tpu.dma_semaphore, #tpu.memory_space<semaphore_mem>>) src(%dma_wait3A_57 : memref<80xi32, #tpu.memory_space<hbm>>) dst(%arg8 : memref<80xi32, #tpu.memory_space<vmem>>)
        tpu.yield
      }) : () -> ()
      "tpu.region"() ({
        %run_scoped3A = tpu.sem_alloc : memref<!tpu.dma_semaphore, #tpu.memory_space<semaphore_mem>>
        %dma_start3A_54 = tpu.memref_slice %arg5[%add3A_37] : memref<640000xi32, #tpu.memory_space<hbm>> -> memref<80xi32, #tpu.memory_space<hbm>>
        %dma_start3A_55 = tpu.memref_slice %arg5[%add3A_37] : memref<640000xi32, #tpu.memory_space<hbm>> -> memref<80xi32, #tpu.memory_space<hbm>>
        tpu.enqueue_dma source(%dma_start3A_55 : memref<80xi32, #tpu.memory_space<hbm>>) target(%arg9 : memref<80xi32, #tpu.memory_space<vmem>>) target_semaphore(%run_scoped3A : memref<!tpu.dma_semaphore, #tpu.memory_space<semaphore_mem>>)
        %dma_wait3A_56 = tpu.memref_slice %arg5[%add3A_37] : memref<640000xi32, #tpu.memory_space<hbm>> -> memref<80xi32, #tpu.memory_space<hbm>>
        %dma_wait3A_57 = tpu.memref_slice %arg5[%add3A_37] : memref<640000xi32, #tpu.memory_space<hbm>> -> memref<80xi32, #tpu.memory_space<hbm>>
        tpu.wait_dma2 semaphore(%run_scoped3A : memref<!tpu.dma_semaphore, #tpu.memory_space<semaphore_mem>>) src(%dma_wait3A_57 : memref<80xi32, #tpu.memory_space<hbm>>) dst(%arg9 : memref<80xi32, #tpu.memory_space<vmem>>)
        tpu.yield
      }) : () -> ()
      %dma_start3A = arith.constant 0 : i32
      %dma_start3A_38 = arith.constant 0 : i32
      %dma_start3A_39 = tpu.memref_slice %arg2[%dma_start3A, %dma_start3A_38] : memref<10000x128xf32, #tpu.memory_space<hbm>> -> memref<10000x128xf32, #tpu.memory_space<hbm>>
      tpu.enqueue_indirect_dma source(%dma_start3A_39 : memref<10000x128xf32, #tpu.memory_space<hbm>>) target(%arg10 : memref<80x128xf32, #tpu.memory_space<vmem>>) offsets(%arg8 : memref<80xi32, #tpu.memory_space<vmem>>) semaphore(%arg12 : memref<!tpu.dma_semaphore, #tpu.memory_space<semaphore_mem>>)
      %dma_start3A_40 = arith.constant 0 : i32
      %dma_start3A_41 = arith.constant 0 : i32
      %dma_start3A_42 = tpu.memref_slice %arg3[%dma_start3A_40, %dma_start3A_41] : memref<10000x128xf32, #tpu.memory_space<hbm>> -> memref<10000x128xf32, #tpu.memory_space<hbm>>
      tpu.enqueue_indirect_dma source(%dma_start3A_42 : memref<10000x128xf32, #tpu.memory_space<hbm>>) target(%arg11 : memref<80x128xf32, #tpu.memory_space<vmem>>) offsets(%arg9 : memref<80xi32, #tpu.memory_space<vmem>>) semaphore(%arg12 : memref<!tpu.dma_semaphore, #tpu.memory_space<semaphore_mem>>)
      %dma_wait3A = arith.constant 0 : i32
      %dma_wait3A_43 = arith.constant 0 : i32
      %dma_wait3A_44 = tpu.memref_slice %arg2[%dma_wait3A, %dma_wait3A_43] : memref<10000x128xf32, #tpu.memory_space<hbm>> -> memref<10000x128xf32, #tpu.memory_space<hbm>>
      tpu.wait_indirect_dma semaphore(%arg12 : memref<!tpu.dma_semaphore, #tpu.memory_space<semaphore_mem>>) src(%dma_wait3A_44 : memref<10000x128xf32, #tpu.memory_space<hbm>>) dst(%arg10 : memref<80x128xf32, #tpu.memory_space<vmem>>)
      %dma_wait3A_45 = arith.constant 0 : i32
      %dma_wait3A_46 = arith.constant 0 : i32
      %dma_wait3A_47 = tpu.memref_slice %arg3[%dma_wait3A_45, %dma_wait3A_46] : memref<10000x128xf32, #tpu.memory_space<hbm>> -> memref<10000x128xf32, #tpu.memory_space<hbm>>
      tpu.wait_indirect_dma semaphore(%arg12 : memref<!tpu.dma_semaphore, #tpu.memory_space<semaphore_mem>>) src(%dma_wait3A_47 : memref<10000x128xf32, #tpu.memory_space<hbm>>) dst(%arg11 : memref<80x128xf32, #tpu.memory_space<vmem>>)
      %scan3A_48 = arith.constant 0 : i32
      %scan3A_49 = arith.constant 0 : i32
      %scan3A_50 = arith.constant 80 : i32
      %scan3A_51 = arith.addi %scan3A_49, %scan3A_50 : i32
      %scan3A_52 = arith.constant 1 : i32
      scf.for %scan3A_54 = %scan3A_49 to %scan3A_51 step %scan3A_52  : i32 {
        %get3A = arith.index_cast %scan3A_54 : i32 to index
        %get3A_55 = arith.constant 0 : index
        %get3A_56 = tpu.vector_load %arg10[%get3A, %get3A_55] {strides = array<i32>} : memref<80x128xf32, #tpu.memory_space<vmem>>, vector<1x16xf32>,
        %get3A_57 = vector.shape_cast %get3A_56 : vector<1x16xf32> to vector<16xf32>
        %get3A_58 = arith.index_cast %scan3A_54 : i32 to index
        %get3A_59 = arith.constant 0 : index
        %get3A_60 = tpu.vector_load %arg11[%get3A_58, %get3A_59] {strides = array<i32>} : memref<80x128xf32, #tpu.memory_space<vmem>>, vector<1x16xf32>,
        %get3A_61 = vector.shape_cast %get3A_60 : vector<1x16xf32> to vector<16xf32>
        %add3A_62 = arith.addf %get3A_57, %get3A_61 : vector<16xf32>
        %gt3A = arith.constant 0.000000e+00 : f32
        %gt3A_63 = vector.broadcast %gt3A : f32 to vector<16xf32>
        %gt3A_64 = arith.cmpf ogt, %add3A_62, %gt3A_63 : vector<16xf32>
        %exp3A = math.exp %add3A_62 : vector<16xf32>
        %sub3A = arith.constant 1.000000e+00 : f32
        %sub3A_65 = vector.broadcast %sub3A : f32 to vector<16xf32>
        %sub3A_66 = arith.subf %exp3A, %sub3A_65 : vector<16xf32>
        %mul3A_67 = arith.constant 1.67326319 : f32
        %mul3A_68 = vector.broadcast %mul3A_67 : f32 to vector<16xf32>
        %mul3A_69 = arith.mulf %mul3A_68, %sub3A_66 : vector<16xf32>
        %select_n3A = arith.select %gt3A_64, %add3A_62, %mul3A_69 : vector<16xi1>, vector<16xf32>
        %mul3A_70 = arith.constant 1.05070102 : f32
        %mul3A_71 = vector.broadcast %mul3A_70 : f32 to vector<16xf32>
        %mul3A_72 = arith.mulf %mul3A_71, %select_n3A : vector<16xf32>
        %swap3A = arith.index_cast %scan3A_54 : i32 to index
        %swap3A_73 = arith.constant 0 : index
        %swap3A_74 = tpu.vector_load %arg10[%swap3A, %swap3A_73] {strides = array<i32>} : memref<80x128xf32, #tpu.memory_space<vmem>>, vector<1x16xf32>,
        %swap3A_75 = vector.shape_cast %swap3A_74 : vector<1x16xf32> to vector<16xf32>
        %swap3A_76 = vector.shape_cast %mul3A_72 : vector<16xf32> to vector<1x16xf32>
        tpu.vector_store %arg10[%swap3A, %swap3A_73], %swap3A_76 {strides = array<i32>} : memref<80x128xf32, #tpu.memory_space<vmem>>, vector<1x16xf32>,
        %get3A_77 = arith.index_cast %scan3A_54 : i32 to index
        %get3A_78 = arith.constant 16 : index
        %get3A_79 = tpu.vector_load %arg10[%get3A_77, %get3A_78] {strides = array<i32>} : memref<80x128xf32, #tpu.memory_space<vmem>>, vector<1x16xf32>,
        %get3A_80 = vector.shape_cast %get3A_79 : vector<1x16xf32> to vector<16xf32>
        %get3A_81 = arith.index_cast %scan3A_54 : i32 to index
        %get3A_82 = arith.constant 16 : index
        %get3A_83 = tpu.vector_load %arg11[%get3A_81, %get3A_82] {strides = array<i32>} : memref<80x128xf32, #tpu.memory_space<vmem>>, vector<1x16xf32>,
        %get3A_84 = vector.shape_cast %get3A_83 : vector<1x16xf32> to vector<16xf32>
        %add3A_85 = arith.addf %get3A_80, %get3A_84 : vector<16xf32>
        %gt3A_86 = arith.constant 0.000000e+00 : f32
        %gt3A_87 = vector.broadcast %gt3A_86 : f32 to vector<16xf32>
        %gt3A_88 = arith.cmpf ogt, %add3A_85, %gt3A_87 : vector<16xf32>
        %exp3A_89 = math.exp %add3A_85 : vector<16xf32>
        %sub3A_90 = arith.constant 1.000000e+00 : f32
        %sub3A_91 = vector.broadcast %sub3A_90 : f32 to vector<16xf32>
        %sub3A_92 = arith.subf %exp3A_89, %sub3A_91 : vector<16xf32>
        %mul3A_93 = arith.constant 1.67326319 : f32
        %mul3A_94 = vector.broadcast %mul3A_93 : f32 to vector<16xf32>
        %mul3A_95 = arith.mulf %mul3A_94, %sub3A_92 : vector<16xf32>
        %select_n3A_96 = arith.select %gt3A_88, %add3A_85, %mul3A_95 : vector<16xi1>, vector<16xf32>
        %mul3A_97 = arith.constant 1.05070102 : f32
        %mul3A_98 = vector.broadcast %mul3A_97 : f32 to vector<16xf32>
        %mul3A_99 = arith.mulf %mul3A_98, %select_n3A_96 : vector<16xf32>
        %swap3A_100 = arith.index_cast %scan3A_54 : i32 to index
        %swap3A_101 = arith.constant 16 : index
        %swap3A_102 = tpu.vector_load %arg10[%swap3A_100, %swap3A_101] {strides = array<i32>} : memref<80x128xf32, #tpu.memory_space<vmem>>, vector<1x16xf32>,
        %swap3A_103 = vector.shape_cast %swap3A_102 : vector<1x16xf32> to vector<16xf32>
        %swap3A_104 = vector.shape_cast %mul3A_99 : vector<16xf32> to vector<1x16xf32>
        tpu.vector_store %arg10[%swap3A_100, %swap3A_101], %swap3A_104 {strides = array<i32>} : memref<80x128xf32, #tpu.memory_space<vmem>>, vector<1x16xf32>,
        %get3A_105 = arith.index_cast %scan3A_54 : i32 to index
        %get3A_106 = arith.constant 32 : index
        %get3A_107 = tpu.vector_load %arg10[%get3A_105, %get3A_106] {strides = array<i32>} : memref<80x128xf32, #tpu.memory_space<vmem>>, vector<1x16xf32>,
        %get3A_108 = vector.shape_cast %get3A_107 : vector<1x16xf32> to vector<16xf32>
        %get3A_109 = arith.index_cast %scan3A_54 : i32 to index
        %get3A_110 = arith.constant 32 : index
        %get3A_111 = tpu.vector_load %arg11[%get3A_109, %get3A_110] {strides = array<i32>} : memref<80x128xf32, #tpu.memory_space<vmem>>, vector<1x16xf32>,
        %get3A_112 = vector.shape_cast %get3A_111 : vector<1x16xf32> to vector<16xf32>
        %add3A_113 = arith.addf %get3A_108, %get3A_112 : vector<16xf32>
        %gt3A_114 = arith.constant 0.000000e+00 : f32
        %gt3A_115 = vector.broadcast %gt3A_114 : f32 to vector<16xf32>
        %gt3A_116 = arith.cmpf ogt, %add3A_113, %gt3A_115 : vector<16xf32>
        %exp3A_117 = math.exp %add3A_113 : vector<16xf32>
        %sub3A_118 = arith.constant 1.000000e+00 : f32
        %sub3A_119 = vector.broadcast %sub3A_118 : f32 to vector<16xf32>
        %sub3A_120 = arith.subf %exp3A_117, %sub3A_119 : vector<16xf32>
        %mul3A_121 = arith.constant 1.67326319 : f32
        %mul3A_122 = vector.broadcast %mul3A_121 : f32 to vector<16xf32>
        %mul3A_123 = arith.mulf %mul3A_122, %sub3A_120 : vector<16xf32>
        %select_n3A_124 = arith.select %gt3A_116, %add3A_113, %mul3A_123 : vector<16xi1>, vector<16xf32>
        %mul3A_125 = arith.constant 1.05070102 : f32
        %mul3A_126 = vector.broadcast %mul3A_125 : f32 to vector<16xf32>
        %mul3A_127 = arith.mulf %mul3A_126, %select_n3A_124 : vector<16xf32>
        %swap3A_128 = arith.index_cast %scan3A_54 : i32 to index
        %swap3A_129 = arith.constant 32 : index
        %swap3A_130 = tpu.vector_load %arg10[%swap3A_128, %swap3A_129] {strides = array<i32>} : memref<80x128xf32, #tpu.memory_space<vmem>>, vector<1x16xf32>,
        %swap3A_131 = vector.shape_cast %swap3A_130 : vector<1x16xf32> to vector<16xf32>
        %swap3A_132 = vector.shape_cast %mul3A_127 : vector<16xf32> to vector<1x16xf32>
        tpu.vector_store %arg10[%swap3A_128, %swap3A_129], %swap3A_132 {strides = array<i32>} : memref<80x128xf32, #tpu.memory_space<vmem>>, vector<1x16xf32>,
        %get3A_133 = arith.index_cast %scan3A_54 : i32 to index
        %get3A_134 = arith.constant 48 : index
        %get3A_135 = tpu.vector_load %arg10[%get3A_133, %get3A_134] {strides = array<i32>} : memref<80x128xf32, #tpu.memory_space<vmem>>, vector<1x16xf32>,
        %get3A_136 = vector.shape_cast %get3A_135 : vector<1x16xf32> to vector<16xf32>
        %get3A_137 = arith.index_cast %scan3A_54 : i32 to index
        %get3A_138 = arith.constant 48 : index
        %get3A_139 = tpu.vector_load %arg11[%get3A_137, %get3A_138] {strides = array<i32>} : memref<80x128xf32, #tpu.memory_space<vmem>>, vector<1x16xf32>,
        %get3A_140 = vector.shape_cast %get3A_139 : vector<1x16xf32> to vector<16xf32>
        %add3A_141 = arith.addf %get3A_136, %get3A_140 : vector<16xf32>
        %gt3A_142 = arith.constant 0.000000e+00 : f32
        %gt3A_143 = vector.broadcast %gt3A_142 : f32 to vector<16xf32>
        %gt3A_144 = arith.cmpf ogt, %add3A_141, %gt3A_143 : vector<16xf32>
        %exp3A_145 = math.exp %add3A_141 : vector<16xf32>
        %sub3A_146 = arith.constant 1.000000e+00 : f32
        %sub3A_147 = vector.broadcast %sub3A_146 : f32 to vector<16xf32>
        %sub3A_148 = arith.subf %exp3A_145, %sub3A_147 : vector<16xf32>
        %mul3A_149 = arith.constant 1.67326319 : f32
        %mul3A_150 = vector.broadcast %mul3A_149 : f32 to vector<16xf32>
        %mul3A_151 = arith.mulf %mul3A_150, %sub3A_148 : vector<16xf32>
        %select_n3A_152 = arith.select %gt3A_144, %add3A_141, %mul3A_151 : vector<16xi1>, vector<16xf32>
        %mul3A_153 = arith.constant 1.05070102 : f32
        %mul3A_154 = vector.broadcast %mul3A_153 : f32 to vector<16xf32>
        %mul3A_155 = arith.mulf %mul3A_154, %select_n3A_152 : vector<16xf32>
        %swap3A_156 = arith.index_cast %scan3A_54 : i32 to index
        %swap3A_157 = arith.constant 48 : index
        %swap3A_158 = tpu.vector_load %arg10[%swap3A_156, %swap3A_157] {strides = array<i32>} : memref<80x128xf32, #tpu.memory_space<vmem>>, vector<1x16xf32>,
        %swap3A_159 = vector.shape_cast %swap3A_158 : vector<1x16xf32> to vector<16xf32>
        %swap3A_160 = vector.shape_cast %mul3A_155 : vector<16xf32> to vector<1x16xf32>
        tpu.vector_store %arg10[%swap3A_156, %swap3A_157], %swap3A_160 {strides = array<i32>} : memref<80x128xf32, #tpu.memory_space<vmem>>, vector<1x16xf32>,
        %get3A_161 = arith.index_cast %scan3A_54 : i32 to index
        %get3A_162 = arith.constant 64 : index
        %get3A_163 = tpu.vector_load %arg10[%get3A_161, %get3A_162] {strides = array<i32>} : memref<80x128xf32, #tpu.memory_space<vmem>>, vector<1x16xf32>,
        %get3A_164 = vector.shape_cast %get3A_163 : vector<1x16xf32> to vector<16xf32>
        %get3A_165 = arith.index_cast %scan3A_54 : i32 to index
        %get3A_166 = arith.constant 64 : index
        %get3A_167 = tpu.vector_load %arg11[%get3A_165, %get3A_166] {strides = array<i32>} : memref<80x128xf32, #tpu.memory_space<vmem>>, vector<1x16xf32>,
        %get3A_168 = vector.shape_cast %get3A_167 : vector<1x16xf32> to vector<16xf32>
        %add3A_169 = arith.addf %get3A_164, %get3A_168 : vector<16xf32>
        %gt3A_170 = arith.constant 0.000000e+00 : f32
        %gt3A_171 = vector.broadcast %gt3A_170 : f32 to vector<16xf32>
        %gt3A_172 = arith.cmpf ogt, %add3A_169, %gt3A_171 : vector<16xf32>
        %exp3A_173 = math.exp %add3A_169 : vector<16xf32>
        %sub3A_174 = arith.constant 1.000000e+00 : f32
        %sub3A_175 = vector.broadcast %sub3A_174 : f32 to vector<16xf32>
        %sub3A_176 = arith.subf %exp3A_173, %sub3A_175 : vector<16xf32>
        %mul3A_177 = arith.constant 1.67326319 : f32
        %mul3A_178 = vector.broadcast %mul3A_177 : f32 to vector<16xf32>
        %mul3A_179 = arith.mulf %mul3A_178, %sub3A_176 : vector<16xf32>
        %select_n3A_180 = arith.select %gt3A_172, %add3A_169, %mul3A_179 : vector<16xi1>, vector<16xf32>
        %mul3A_181 = arith.constant 1.05070102 : f32
        %mul3A_182 = vector.broadcast %mul3A_181 : f32 to vector<16xf32>
        %mul3A_183 = arith.mulf %mul3A_182, %select_n3A_180 : vector<16xf32>
        %swap3A_184 = arith.index_cast %scan3A_54 : i32 to index
        %swap3A_185 = arith.constant 64 : index
        %swap3A_186 = tpu.vector_load %arg10[%swap3A_184, %swap3A_185] {strides = array<i32>} : memref<80x128xf32, #tpu.memory_space<vmem>>, vector<1x16xf32>,
        %swap3A_187 = vector.shape_cast %swap3A_186 : vector<1x16xf32> to vector<16xf32>
        %swap3A_188 = vector.shape_cast %mul3A_183 : vector<16xf32> to vector<1x16xf32>
        tpu.vector_store %arg10[%swap3A_184, %swap3A_185], %swap3A_188 {strides = array<i32>} : memref<80x128xf32, #tpu.memory_space<vmem>>, vector<1x16xf32>,
        %get3A_189 = arith.index_cast %scan3A_54 : i32 to index
        %get3A_190 = arith.constant 80 : index
        %get3A_191 = tpu.vector_load %arg10[%get3A_189, %get3A_190] {strides = array<i32>} : memref<80x128xf32, #tpu.memory_space<vmem>>, vector<1x16xf32>,
        %get3A_192 = vector.shape_cast %get3A_191 : vector<1x16xf32> to vector<16xf32>
        %get3A_193 = arith.index_cast %scan3A_54 : i32 to index
        %get3A_194 = arith.constant 80 : index
        %get3A_195 = tpu.vector_load %arg11[%get3A_193, %get3A_194] {strides = array<i32>} : memref<80x128xf32, #tpu.memory_space<vmem>>, vector<1x16xf32>,
        %get3A_196 = vector.shape_cast %get3A_195 : vector<1x16xf32> to vector<16xf32>
        %add3A_197 = arith.addf %get3A_192, %get3A_196 : vector<16xf32>
        %gt3A_198 = arith.constant 0.000000e+00 : f32
        %gt3A_199 = vector.broadcast %gt3A_198 : f32 to vector<16xf32>
        %gt3A_200 = arith.cmpf ogt, %add3A_197, %gt3A_199 : vector<16xf32>
        %exp3A_201 = math.exp %add3A_197 : vector<16xf32>
        %sub3A_202 = arith.constant 1.000000e+00 : f32
        %sub3A_203 = vector.broadcast %sub3A_202 : f32 to vector<16xf32>
        %sub3A_204 = arith.subf %exp3A_201, %sub3A_203 : vector<16xf32>
        %mul3A_205 = arith.constant 1.67326319 : f32
        %mul3A_206 = vector.broadcast %mul3A_205 : f32 to vector<16xf32>
        %mul3A_207 = arith.mulf %mul3A_206, %sub3A_204 : vector<16xf32>
        %select_n3A_208 = arith.select %gt3A_200, %add3A_197, %mul3A_207 : vector<16xi1>, vector<16xf32>
        %mul3A_209 = arith.constant 1.05070102 : f32
        %mul3A_210 = vector.broadcast %mul3A_209 : f32 to vector<16xf32>
        %mul3A_211 = arith.mulf %mul3A_210, %select_n3A_208 : vector<16xf32>
        %swap3A_212 = arith.index_cast %scan3A_54 : i32 to index
        %swap3A_213 = arith.constant 80 : index
        %swap3A_214 = tpu.vector_load %arg10[%swap3A_212, %swap3A_213] {strides = array<i32>} : memref<80x128xf32, #tpu.memory_space<vmem>>, vector<1x16xf32>,
        %swap3A_215 = vector.shape_cast %swap3A_214 : vector<1x16xf32> to vector<16xf32>
        %swap3A_216 = vector.shape_cast %mul3A_211 : vector<16xf32> to vector<1x16xf32>
        tpu.vector_store %arg10[%swap3A_212, %swap3A_213], %swap3A_216 {strides = array<i32>} : memref<80x128xf32, #tpu.memory_space<vmem>>, vector<1x16xf32>,
        %get3A_217 = arith.index_cast %scan3A_54 : i32 to index
        %get3A_218 = arith.constant 96 : index
        %get3A_219 = tpu.vector_load %arg10[%get3A_217, %get3A_218] {strides = array<i32>} : memref<80x128xf32, #tpu.memory_space<vmem>>, vector<1x16xf32>,
        %get3A_220 = vector.shape_cast %get3A_219 : vector<1x16xf32> to vector<16xf32>
        %get3A_221 = arith.index_cast %scan3A_54 : i32 to index
        %get3A_222 = arith.constant 96 : index
        %get3A_223 = tpu.vector_load %arg11[%get3A_221, %get3A_222] {strides = array<i32>} : memref<80x128xf32, #tpu.memory_space<vmem>>, vector<1x16xf32>,
        %get3A_224 = vector.shape_cast %get3A_223 : vector<1x16xf32> to vector<16xf32>
        %add3A_225 = arith.addf %get3A_220, %get3A_224 : vector<16xf32>
        %gt3A_226 = arith.constant 0.000000e+00 : f32
        %gt3A_227 = vector.broadcast %gt3A_226 : f32 to vector<16xf32>
        %gt3A_228 = arith.cmpf ogt, %add3A_225, %gt3A_227 : vector<16xf32>
        %exp3A_229 = math.exp %add3A_225 : vector<16xf32>
        %sub3A_230 = arith.constant 1.000000e+00 : f32
        %sub3A_231 = vector.broadcast %sub3A_230 : f32 to vector<16xf32>
        %sub3A_232 = arith.subf %exp3A_229, %sub3A_231 : vector<16xf32>
        %mul3A_233 = arith.constant 1.67326319 : f32
        %mul3A_234 = vector.broadcast %mul3A_233 : f32 to vector<16xf32>
        %mul3A_235 = arith.mulf %mul3A_234, %sub3A_232 : vector<16xf32>
        %select_n3A_236 = arith.select %gt3A_228, %add3A_225, %mul3A_235 : vector<16xi1>, vector<16xf32>
        %mul3A_237 = arith.constant 1.05070102 : f32
        %mul3A_238 = vector.broadcast %mul3A_237 : f32 to vector<16xf32>
        %mul3A_239 = arith.mulf %mul3A_238, %select_n3A_236 : vector<16xf32>
        %swap3A_240 = arith.index_cast %scan3A_54 : i32 to index
        %swap3A_241 = arith.constant 96 : index
        %swap3A_242 = tpu.vector_load %arg10[%swap3A_240, %swap3A_241] {strides = array<i32>} : memref<80x128xf32, #tpu.memory_space<vmem>>, vector<1x16xf32>,
        %swap3A_243 = vector.shape_cast %swap3A_242 : vector<1x16xf32> to vector<16xf32>
        %swap3A_244 = vector.shape_cast %mul3A_239 : vector<16xf32> to vector<1x16xf32>
        tpu.vector_store %arg10[%swap3A_240, %swap3A_241], %swap3A_244 {strides = array<i32>} : memref<80x128xf32, #tpu.memory_space<vmem>>, vector<1x16xf32>,
        %get3A_245 = arith.index_cast %scan3A_54 : i32 to index
        %get3A_246 = arith.constant 112 : index
        %get3A_247 = tpu.vector_load %arg10[%get3A_245, %get3A_246] {strides = array<i32>} : memref<80x128xf32, #tpu.memory_space<vmem>>, vector<1x16xf32>,
        %get3A_248 = vector.shape_cast %get3A_247 : vector<1x16xf32> to vector<16xf32>
        %get3A_249 = arith.index_cast %scan3A_54 : i32 to index
        %get3A_250 = arith.constant 112 : index
        %get3A_251 = tpu.vector_load %arg11[%get3A_249, %get3A_250] {strides = array<i32>} : memref<80x128xf32, #tpu.memory_space<vmem>>, vector<1x16xf32>,
        %get3A_252 = vector.shape_cast %get3A_251 : vector<1x16xf32> to vector<16xf32>
        %add3A_253 = arith.addf %get3A_248, %get3A_252 : vector<16xf32>
        %gt3A_254 = arith.constant 0.000000e+00 : f32
        %gt3A_255 = vector.broadcast %gt3A_254 : f32 to vector<16xf32>
        %gt3A_256 = arith.cmpf ogt, %add3A_253, %gt3A_255 : vector<16xf32>
        %exp3A_257 = math.exp %add3A_253 : vector<16xf32>
        %sub3A_258 = arith.constant 1.000000e+00 : f32
        %sub3A_259 = vector.broadcast %sub3A_258 : f32 to vector<16xf32>
        %sub3A_260 = arith.subf %exp3A_257, %sub3A_259 : vector<16xf32>
        %mul3A_261 = arith.constant 1.67326319 : f32
        %mul3A_262 = vector.broadcast %mul3A_261 : f32 to vector<16xf32>
        %mul3A_263 = arith.mulf %mul3A_262, %sub3A_260 : vector<16xf32>
        %select_n3A_264 = arith.select %gt3A_256, %add3A_253, %mul3A_263 : vector<16xi1>, vector<16xf32>
        %mul3A_265 = arith.constant 1.05070102 : f32
        %mul3A_266 = vector.broadcast %mul3A_265 : f32 to vector<16xf32>
        %mul3A_267 = arith.mulf %mul3A_266, %select_n3A_264 : vector<16xf32>
        %swap3A_268 = arith.index_cast %scan3A_54 : i32 to index
        %swap3A_269 = arith.constant 112 : index
        %swap3A_270 = tpu.vector_load %arg10[%swap3A_268, %swap3A_269] {strides = array<i32>} : memref<80x128xf32, #tpu.memory_space<vmem>>, vector<1x16xf32>,
        %swap3A_271 = vector.shape_cast %swap3A_270 : vector<1x16xf32> to vector<16xf32>
        %swap3A_272 = vector.shape_cast %mul3A_267 : vector<16xf32> to vector<1x16xf32>
        tpu.vector_store %arg10[%swap3A_268, %swap3A_269], %swap3A_272 {strides = array<i32>} : memref<80x128xf32, #tpu.memory_space<vmem>>, vector<1x16xf32>,
      }
      %scan3A_53 = arith.constant 80 : i32
      "tpu.region"() ({
        %run_scoped3A = tpu.sem_alloc : memref<!tpu.dma_semaphore, #tpu.memory_space<semaphore_mem>>
        %dma_start3A_54 = arith.constant 0 : i32
        %dma_start3A_55 = arith.constant 0 : i32
        %dma_start3A_56 = tpu.memref_slice %arg7[%dma_start3A_54, %dma_start3A_55] : memref<10240x128xf32, #tpu.memory_space<vmem_shared>> -> memref<10240x128xf32, #tpu.memory_space<vmem_shared>>
        tpu.enqueue_indirect_dma source(%arg10 : memref<80x128xf32, #tpu.memory_space<vmem>>) target(%dma_start3A_56 : memref<10240x128xf32, #tpu.memory_space<vmem_shared>>) offsets(%arg9 : memref<80xi32, #tpu.memory_space<vmem>>) semaphore(%run_scoped3A : memref<!tpu.dma_semaphore, #tpu.memory_space<semaphore_mem>>) {add = true}
        %dma_wait3A_57 = arith.constant 0 : i32
        %dma_wait3A_58 = arith.constant 0 : i32
        %dma_wait3A_59 = tpu.memref_slice %arg7[%dma_wait3A_57, %dma_wait3A_58] : memref<10240x128xf32, #tpu.memory_space<vmem_shared>> -> memref<10240x128xf32, #tpu.memory_space<vmem_shared>>
        tpu.wait_indirect_dma semaphore(%run_scoped3A : memref<!tpu.dma_semaphore, #tpu.memory_space<semaphore_mem>>) src(%arg10 : memref<80x128xf32, #tpu.memory_space<vmem>>) dst(%dma_wait3A_59 : memref<10240x128xf32, #tpu.memory_space<vmem_shared>>)
        tpu.yield
      }) : () -> ()
    }
    %scan3A_32 = arith.constant 250 : i32
    %barrier3A_33 = arith.constant 0 : index
    tpu.barrier barrier_id(%barrier3A_33)
    "tpu.region"() ({
      %run_scoped3A = tpu.sem_alloc : memref<!tpu.dma_semaphore, #tpu.memory_space<semaphore_mem>>
      %dma_start3A = arith.constant 0 : i32
      %dma_start3A_34 = tpu.memref_slice %arg6[%arg0, %mul3A_8, %dma_start3A] : memref<2x10240x128xf32, #tpu.memory_space<hbm>> -> memref<1x640x128xf32, #tpu.memory_space<hbm>>
      %dma_start3A_35 = tpu.memref_squeeze %dma_start3A_34 : memref<1x640x128xf32, #tpu.memory_space<hbm>> -> memref<640x128xf32, #tpu.memory_space<hbm>>
      %dma_start3A_36 = arith.constant 0 : i32
      %dma_start3A_37 = tpu.memref_slice %arg7[%mul3A_8, %dma_start3A_36] : memref<10240x128xf32, #tpu.memory_space<vmem_shared>> -> memref<640x128xf32, #tpu.memory_space<vmem_shared>>
      tpu.enqueue_dma source(%dma_start3A_37 : memref<640x128xf32, #tpu.memory_space<vmem_shared>>) target(%dma_start3A_35 : memref<640x128xf32, #tpu.memory_space<hbm>>) target_semaphore(%run_scoped3A : memref<!tpu.dma_semaphore, #tpu.memory_space<semaphore_mem>>)
      %dma_wait3A = arith.constant 0 : i32
      %dma_wait3A_38 = tpu.memref_slice %arg6[%arg0, %mul3A_8, %dma_wait3A] : memref<2x10240x128xf32, #tpu.memory_space<hbm>> -> memref<1x640x128xf32, #tpu.memory_space<hbm>>
      %dma_wait3A_39 = tpu.memref_squeeze %dma_wait3A_38 : memref<1x640x128xf32, #tpu.memory_space<hbm>> -> memref<640x128xf32, #tpu.memory_space<hbm>>
      %dma_wait3A_40 = arith.constant 0 : i32
      %dma_wait3A_41 = tpu.memref_slice %arg7[%mul3A_8, %dma_wait3A_40] : memref<10240x128xf32, #tpu.memory_space<vmem_shared>> -> memref<640x128xf32, #tpu.memory_space<vmem_shared>>
      tpu.wait_dma2 semaphore(%run_scoped3A : memref<!tpu.dma_semaphore, #tpu.memory_space<semaphore_mem>>) src(%dma_wait3A_41 : memref<640x128xf32, #tpu.memory_space<vmem_shared>>) dst(%dma_wait3A_39 : memref<640x128xf32, #tpu.memory_space<hbm>>)
      tpu.yield
    }) : () -> ()
    return
  }
}

#map = affine_map<(d0, d1) -> (0, 0)>
#map1 = affine_map<(d0, d1) -> (0)>
#map2 = affine_map<(d0, d1) -> (0, 0, 0)>
module attributes {stable_mosaic.version = 14 : i64} {
  func.func @_edge_body(%arg0: i32, %arg1: i32, %arg2: memref<10000x128xf32, #tpu.memory_space<hbm>>, %arg3: memref<10000x128xf32, #tpu.memory_space<hbm>>, %arg4: memref<640000xi32, #tpu.memory_space<hbm>>, %arg5: memref<640000xi32, #tpu.memory_space<hbm>>, %arg6: memref<2x10240x128xf32, #tpu.memory_space<hbm>>, %arg7: memref<10240x128xf32, #tpu.memory_space<vmem_shared>>, %arg8: memref<80xi32, #tpu.memory_space<vmem>>, %arg9: memref<80xi32, #tpu.memory_space<vmem>>, %arg10: memref<80x128xf32, #tpu.memory_space<vmem>>, %arg11: memref<80x128xf32, #tpu.memory_space<vmem>>, %arg12: memref<!tpu.dma_semaphore, #tpu.memory_space<semaphore_mem>>) attributes {dimension_semantics = [#tpu.dimension_semantics<core_parallel>, #tpu.dimension_semantics<subcore_parallel>], iteration_bounds = array<i64: 2, 16>, scalar_prefetch = 0 : i64, scratch_operands = 6 : i64, tpu.core_type = #tpu.core_type<sc_vector_subcore>, window_params = [{transform_indices = #map}, {transform_indices = #map}, {transform_indices = #map1}, {transform_indices = #map1}, {transform_indices = #map2}]} {
    %mul3A = arith.constant 16 : i32
    %mul3A_0 = arith.muli %arg0, %mul3A : i32
    %add3A = arith.addi %mul3A_0, %arg1 : i32
    %broadcast_in_dim3A = arith.constant 0.000000e+00 : f32
    %broadcast_in_dim3A_1 = vector.broadcast %broadcast_in_dim3A : f32 to vector<16xf32>
    %scan3A = arith.constant 0 : i32
    %scan3A_2 = arith.constant 0 : i32
    %scan3A_3 = arith.constant 80 : i32
    %scan3A_4 = arith.addi %scan3A_2, %scan3A_3 : i32
    %scan3A_5 = arith.constant 1 : i32
    scf.for %scan3A_34 = %scan3A_2 to %scan3A_4 step %scan3A_5  : i32 {
      %swap3A = arith.index_cast %scan3A_34 : i32 to index
      %swap3A_35 = arith.constant 0 : index
      %swap3A_36 = tpu.vector_load %arg10[%swap3A, %swap3A_35] {strides = array<i32>} : memref<80x128xf32, #tpu.memory_space<vmem>>, vector<1x16xf32>,
      %swap3A_37 = vector.shape_cast %swap3A_36 : vector<1x16xf32> to vector<16xf32>
      %swap3A_38 = vector.shape_cast %broadcast_in_dim3A_1 : vector<16xf32> to vector<1x16xf32>
      tpu.vector_store %arg10[%swap3A, %swap3A_35], %swap3A_38 {strides = array<i32>} : memref<80x128xf32, #tpu.memory_space<vmem>>, vector<1x16xf32>,
      %swap3A_39 = arith.index_cast %scan3A_34 : i32 to index
      %swap3A_40 = arith.constant 16 : index
      %swap3A_41 = tpu.vector_load %arg10[%swap3A_39, %swap3A_40] {strides = array<i32>} : memref<80x128xf32, #tpu.memory_space<vmem>>, vector<1x16xf32>,
      %swap3A_42 = vector.shape_cast %swap3A_41 : vector<1x16xf32> to vector<16xf32>
      %swap3A_43 = vector.shape_cast %broadcast_in_dim3A_1 : vector<16xf32> to vector<1x16xf32>
      tpu.vector_store %arg10[%swap3A_39, %swap3A_40], %swap3A_43 {strides = array<i32>} : memref<80x128xf32, #tpu.memory_space<vmem>>, vector<1x16xf32>,
      %swap3A_44 = arith.index_cast %scan3A_34 : i32 to index
      %swap3A_45 = arith.constant 32 : index
      %swap3A_46 = tpu.vector_load %arg10[%swap3A_44, %swap3A_45] {strides = array<i32>} : memref<80x128xf32, #tpu.memory_space<vmem>>, vector<1x16xf32>,
      %swap3A_47 = vector.shape_cast %swap3A_46 : vector<1x16xf32> to vector<16xf32>
      %swap3A_48 = vector.shape_cast %broadcast_in_dim3A_1 : vector<16xf32> to vector<1x16xf32>
      tpu.vector_store %arg10[%swap3A_44, %swap3A_45], %swap3A_48 {strides = array<i32>} : memref<80x128xf32, #tpu.memory_space<vmem>>, vector<1x16xf32>,
      %swap3A_49 = arith.index_cast %scan3A_34 : i32 to index
      %swap3A_50 = arith.constant 48 : index
      %swap3A_51 = tpu.vector_load %arg10[%swap3A_49, %swap3A_50] {strides = array<i32>} : memref<80x128xf32, #tpu.memory_space<vmem>>, vector<1x16xf32>,
      %swap3A_52 = vector.shape_cast %swap3A_51 : vector<1x16xf32> to vector<16xf32>
      %swap3A_53 = vector.shape_cast %broadcast_in_dim3A_1 : vector<16xf32> to vector<1x16xf32>
      tpu.vector_store %arg10[%swap3A_49, %swap3A_50], %swap3A_53 {strides = array<i32>} : memref<80x128xf32, #tpu.memory_space<vmem>>, vector<1x16xf32>,
      %swap3A_54 = arith.index_cast %scan3A_34 : i32 to index
      %swap3A_55 = arith.constant 64 : index
      %swap3A_56 = tpu.vector_load %arg10[%swap3A_54, %swap3A_55] {strides = array<i32>} : memref<80x128xf32, #tpu.memory_space<vmem>>, vector<1x16xf32>,
      %swap3A_57 = vector.shape_cast %swap3A_56 : vector<1x16xf32> to vector<16xf32>
      %swap3A_58 = vector.shape_cast %broadcast_in_dim3A_1 : vector<16xf32> to vector<1x16xf32>
      tpu.vector_store %arg10[%swap3A_54, %swap3A_55], %swap3A_58 {strides = array<i32>} : memref<80x128xf32, #tpu.memory_space<vmem>>, vector<1x16xf32>,
      %swap3A_59 = arith.index_cast %scan3A_34 : i32 to index
      %swap3A_60 = arith.constant 80 : index
      %swap3A_61 = tpu.vector_load %arg10[%swap3A_59, %swap3A_60] {strides = array<i32>} : memref<80x128xf32, #tpu.memory_space<vmem>>, vector<1x16xf32>,
      %swap3A_62 = vector.shape_cast %swap3A_61 : vector<1x16xf32> to vector<16xf32>
      %swap3A_63 = vector.shape_cast %broadcast_in_dim3A_1 : vector<16xf32> to vector<1x16xf32>
      tpu.vector_store %arg10[%swap3A_59, %swap3A_60], %swap3A_63 {strides = array<i32>} : memref<80x128xf32, #tpu.memory_space<vmem>>, vector<1x16xf32>,
      %swap3A_64 = arith.index_cast %scan3A_34 : i32 to index
      %swap3A_65 = arith.constant 96 : index
      %swap3A_66 = tpu.vector_load %arg10[%swap3A_64, %swap3A_65] {strides = array<i32>} : memref<80x128xf32, #tpu.memory_space<vmem>>, vector<1x16xf32>,
      %swap3A_67 = vector.shape_cast %swap3A_66 : vector<1x16xf32> to vector<16xf32>
      %swap3A_68 = vector.shape_cast %broadcast_in_dim3A_1 : vector<16xf32> to vector<1x16xf32>
      tpu.vector_store %arg10[%swap3A_64, %swap3A_65], %swap3A_68 {strides = array<i32>} : memref<80x128xf32, #tpu.memory_space<vmem>>, vector<1x16xf32>,
      %swap3A_69 = arith.index_cast %scan3A_34 : i32 to index
      %swap3A_70 = arith.constant 112 : index
      %swap3A_71 = tpu.vector_load %arg10[%swap3A_69, %swap3A_70] {strides = array<i32>} : memref<80x128xf32, #tpu.memory_space<vmem>>, vector<1x16xf32>,
      %swap3A_72 = vector.shape_cast %swap3A_71 : vector<1x16xf32> to vector<16xf32>
      %swap3A_73 = vector.shape_cast %broadcast_in_dim3A_1 : vector<16xf32> to vector<1x16xf32>
      tpu.vector_store %arg10[%swap3A_69, %swap3A_70], %swap3A_73 {strides = array<i32>} : memref<80x128xf32, #tpu.memory_space<vmem>>, vector<1x16xf32>,
    }
    %scan3A_6 = arith.constant 80 : i32
    %mul3A_7 = arith.constant 640 : i32
    %mul3A_8 = arith.muli %arg1, %mul3A_7 : i32
    %add3A_9 = arith.constant 0 : i32
    %add3A_10 = arith.addi %mul3A_8, %add3A_9 : i32
    "tpu.region"() ({
      %run_scoped3A = tpu.sem_alloc : memref<!tpu.dma_semaphore, #tpu.memory_space<semaphore_mem>>
      %dma_start3A = arith.constant 0 : i32
      %dma_start3A_34 = tpu.memref_slice %arg7[%add3A_10, %dma_start3A] : memref<10240x128xf32, #tpu.memory_space<vmem_shared>> -> memref<80x128xf32, #tpu.memory_space<vmem_shared>>
      %dma_start3A_35 = arith.constant 0 : i32
      %dma_start3A_36 = tpu.memref_slice %arg7[%add3A_10, %dma_start3A_35] : memref<10240x128xf32, #tpu.memory_space<vmem_shared>> -> memref<80x128xf32, #tpu.memory_space<vmem_shared>>
      tpu.enqueue_dma source(%arg10 : memref<80x128xf32, #tpu.memory_space<vmem>>) target(%dma_start3A_36 : memref<80x128xf32, #tpu.memory_space<vmem_shared>>) target_semaphore(%run_scoped3A : memref<!tpu.dma_semaphore, #tpu.memory_space<semaphore_mem>>)
      %dma_wait3A = arith.constant 0 : i32
      %dma_wait3A_37 = tpu.memref_slice %arg7[%add3A_10, %dma_wait3A] : memref<10240x128xf32, #tpu.memory_space<vmem_shared>> -> memref<80x128xf32, #tpu.memory_space<vmem_shared>>
      %dma_wait3A_38 = arith.constant 0 : i32
      %dma_wait3A_39 = tpu.memref_slice %arg7[%add3A_10, %dma_wait3A_38] : memref<10240x128xf32, #tpu.memory_space<vmem_shared>> -> memref<80x128xf32, #tpu.memory_space<vmem_shared>>
      tpu.wait_dma2 semaphore(%run_scoped3A : memref<!tpu.dma_semaphore, #tpu.memory_space<semaphore_mem>>) src(%arg10 : memref<80x128xf32, #tpu.memory_space<vmem>>) dst(%dma_wait3A_39 : memref<80x128xf32, #tpu.memory_space<vmem_shared>>)
      tpu.yield
    }) : () -> ()
    %add3A_11 = arith.constant 80 : i32
    %add3A_12 = arith.addi %mul3A_8, %add3A_11 : i32
    "tpu.region"() ({
      %run_scoped3A = tpu.sem_alloc : memref<!tpu.dma_semaphore, #tpu.memory_space<semaphore_mem>>
      %dma_start3A = arith.constant 0 : i32
      %dma_start3A_34 = tpu.memref_slice %arg7[%add3A_12, %dma_start3A] : memref<10240x128xf32, #tpu.memory_space<vmem_shared>> -> memref<80x128xf32, #tpu.memory_space<vmem_shared>>
      %dma_start3A_35 = arith.constant 0 : i32
      %dma_start3A_36 = tpu.memref_slice %arg7[%add3A_12, %dma_start3A_35] : memref<10240x128xf32, #tpu.memory_space<vmem_shared>> -> memref<80x128xf32, #tpu.memory_space<vmem_shared>>
      tpu.enqueue_dma source(%arg10 : memref<80x128xf32, #tpu.memory_space<vmem>>) target(%dma_start3A_36 : memref<80x128xf32, #tpu.memory_space<vmem_shared>>) target_semaphore(%run_scoped3A : memref<!tpu.dma_semaphore, #tpu.memory_space<semaphore_mem>>)
      %dma_wait3A = arith.constant 0 : i32
      %dma_wait3A_37 = tpu.memref_slice %arg7[%add3A_12, %dma_wait3A] : memref<10240x128xf32, #tpu.memory_space<vmem_shared>> -> memref<80x128xf32, #tpu.memory_space<vmem_shared>>
      %dma_wait3A_38 = arith.constant 0 : i32
      %dma_wait3A_39 = tpu.memref_slice %arg7[%add3A_12, %dma_wait3A_38] : memref<10240x128xf32, #tpu.memory_space<vmem_shared>> -> memref<80x128xf32, #tpu.memory_space<vmem_shared>>
      tpu.wait_dma2 semaphore(%run_scoped3A : memref<!tpu.dma_semaphore, #tpu.memory_space<semaphore_mem>>) src(%arg10 : memref<80x128xf32, #tpu.memory_space<vmem>>) dst(%dma_wait3A_39 : memref<80x128xf32, #tpu.memory_space<vmem_shared>>)
      tpu.yield
    }) : () -> ()
    %add3A_13 = arith.constant 160 : i32
    %add3A_14 = arith.addi %mul3A_8, %add3A_13 : i32
    "tpu.region"() ({
      %run_scoped3A = tpu.sem_alloc : memref<!tpu.dma_semaphore, #tpu.memory_space<semaphore_mem>>
      %dma_start3A = arith.constant 0 : i32
      %dma_start3A_34 = tpu.memref_slice %arg7[%add3A_14, %dma_start3A] : memref<10240x128xf32, #tpu.memory_space<vmem_shared>> -> memref<80x128xf32, #tpu.memory_space<vmem_shared>>
      %dma_start3A_35 = arith.constant 0 : i32
      %dma_start3A_36 = tpu.memref_slice %arg7[%add3A_14, %dma_start3A_35] : memref<10240x128xf32, #tpu.memory_space<vmem_shared>> -> memref<80x128xf32, #tpu.memory_space<vmem_shared>>
      tpu.enqueue_dma source(%arg10 : memref<80x128xf32, #tpu.memory_space<vmem>>) target(%dma_start3A_36 : memref<80x128xf32, #tpu.memory_space<vmem_shared>>) target_semaphore(%run_scoped3A : memref<!tpu.dma_semaphore, #tpu.memory_space<semaphore_mem>>)
      %dma_wait3A = arith.constant 0 : i32
      %dma_wait3A_37 = tpu.memref_slice %arg7[%add3A_14, %dma_wait3A] : memref<10240x128xf32, #tpu.memory_space<vmem_shared>> -> memref<80x128xf32, #tpu.memory_space<vmem_shared>>
      %dma_wait3A_38 = arith.constant 0 : i32
      %dma_wait3A_39 = tpu.memref_slice %arg7[%add3A_14, %dma_wait3A_38] : memref<10240x128xf32, #tpu.memory_space<vmem_shared>> -> memref<80x128xf32, #tpu.memory_space<vmem_shared>>
      tpu.wait_dma2 semaphore(%run_scoped3A : memref<!tpu.dma_semaphore, #tpu.memory_space<semaphore_mem>>) src(%arg10 : memref<80x128xf32, #tpu.memory_space<vmem>>) dst(%dma_wait3A_39 : memref<80x128xf32, #tpu.memory_space<vmem_shared>>)
      tpu.yield
    }) : () -> ()
    %add3A_15 = arith.constant 240 : i32
    %add3A_16 = arith.addi %mul3A_8, %add3A_15 : i32
    "tpu.region"() ({
      %run_scoped3A = tpu.sem_alloc : memref<!tpu.dma_semaphore, #tpu.memory_space<semaphore_mem>>
      %dma_start3A = arith.constant 0 : i32
      %dma_start3A_34 = tpu.memref_slice %arg7[%add3A_16, %dma_start3A] : memref<10240x128xf32, #tpu.memory_space<vmem_shared>> -> memref<80x128xf32, #tpu.memory_space<vmem_shared>>
      %dma_start3A_35 = arith.constant 0 : i32
      %dma_start3A_36 = tpu.memref_slice %arg7[%add3A_16, %dma_start3A_35] : memref<10240x128xf32, #tpu.memory_space<vmem_shared>> -> memref<80x128xf32, #tpu.memory_space<vmem_shared>>
      tpu.enqueue_dma source(%arg10 : memref<80x128xf32, #tpu.memory_space<vmem>>) target(%dma_start3A_36 : memref<80x128xf32, #tpu.memory_space<vmem_shared>>) target_semaphore(%run_scoped3A : memref<!tpu.dma_semaphore, #tpu.memory_space<semaphore_mem>>)
      %dma_wait3A = arith.constant 0 : i32
      %dma_wait3A_37 = tpu.memref_slice %arg7[%add3A_16, %dma_wait3A] : memref<10240x128xf32, #tpu.memory_space<vmem_shared>> -> memref<80x128xf32, #tpu.memory_space<vmem_shared>>
      %dma_wait3A_38 = arith.constant 0 : i32
      %dma_wait3A_39 = tpu.memref_slice %arg7[%add3A_16, %dma_wait3A_38] : memref<10240x128xf32, #tpu.memory_space<vmem_shared>> -> memref<80x128xf32, #tpu.memory_space<vmem_shared>>
      tpu.wait_dma2 semaphore(%run_scoped3A : memref<!tpu.dma_semaphore, #tpu.memory_space<semaphore_mem>>) src(%arg10 : memref<80x128xf32, #tpu.memory_space<vmem>>) dst(%dma_wait3A_39 : memref<80x128xf32, #tpu.memory_space<vmem_shared>>)
      tpu.yield
    }) : () -> ()
    %add3A_17 = arith.constant 320 : i32
    %add3A_18 = arith.addi %mul3A_8, %add3A_17 : i32
    "tpu.region"() ({
      %run_scoped3A = tpu.sem_alloc : memref<!tpu.dma_semaphore, #tpu.memory_space<semaphore_mem>>
      %dma_start3A = arith.constant 0 : i32
      %dma_start3A_34 = tpu.memref_slice %arg7[%add3A_18, %dma_start3A] : memref<10240x128xf32, #tpu.memory_space<vmem_shared>> -> memref<80x128xf32, #tpu.memory_space<vmem_shared>>
      %dma_start3A_35 = arith.constant 0 : i32
      %dma_start3A_36 = tpu.memref_slice %arg7[%add3A_18, %dma_start3A_35] : memref<10240x128xf32, #tpu.memory_space<vmem_shared>> -> memref<80x128xf32, #tpu.memory_space<vmem_shared>>
      tpu.enqueue_dma source(%arg10 : memref<80x128xf32, #tpu.memory_space<vmem>>) target(%dma_start3A_36 : memref<80x128xf32, #tpu.memory_space<vmem_shared>>) target_semaphore(%run_scoped3A : memref<!tpu.dma_semaphore, #tpu.memory_space<semaphore_mem>>)
      %dma_wait3A = arith.constant 0 : i32
      %dma_wait3A_37 = tpu.memref_slice %arg7[%add3A_18, %dma_wait3A] : memref<10240x128xf32, #tpu.memory_space<vmem_shared>> -> memref<80x128xf32, #tpu.memory_space<vmem_shared>>
      %dma_wait3A_38 = arith.constant 0 : i32
      %dma_wait3A_39 = tpu.memref_slice %arg7[%add3A_18, %dma_wait3A_38] : memref<10240x128xf32, #tpu.memory_space<vmem_shared>> -> memref<80x128xf32, #tpu.memory_space<vmem_shared>>
      tpu.wait_dma2 semaphore(%run_scoped3A : memref<!tpu.dma_semaphore, #tpu.memory_space<semaphore_mem>>) src(%arg10 : memref<80x128xf32, #tpu.memory_space<vmem>>) dst(%dma_wait3A_39 : memref<80x128xf32, #tpu.memory_space<vmem_shared>>)
      tpu.yield
    }) : () -> ()
    %add3A_19 = arith.constant 400 : i32
    %add3A_20 = arith.addi %mul3A_8, %add3A_19 : i32
    "tpu.region"() ({
      %run_scoped3A = tpu.sem_alloc : memref<!tpu.dma_semaphore, #tpu.memory_space<semaphore_mem>>
      %dma_start3A = arith.constant 0 : i32
      %dma_start3A_34 = tpu.memref_slice %arg7[%add3A_20, %dma_start3A] : memref<10240x128xf32, #tpu.memory_space<vmem_shared>> -> memref<80x128xf32, #tpu.memory_space<vmem_shared>>
      %dma_start3A_35 = arith.constant 0 : i32
      %dma_start3A_36 = tpu.memref_slice %arg7[%add3A_20, %dma_start3A_35] : memref<10240x128xf32, #tpu.memory_space<vmem_shared>> -> memref<80x128xf32, #tpu.memory_space<vmem_shared>>
      tpu.enqueue_dma source(%arg10 : memref<80x128xf32, #tpu.memory_space<vmem>>) target(%dma_start3A_36 : memref<80x128xf32, #tpu.memory_space<vmem_shared>>) target_semaphore(%run_scoped3A : memref<!tpu.dma_semaphore, #tpu.memory_space<semaphore_mem>>)
      %dma_wait3A = arith.constant 0 : i32
      %dma_wait3A_37 = tpu.memref_slice %arg7[%add3A_20, %dma_wait3A] : memref<10240x128xf32, #tpu.memory_space<vmem_shared>> -> memref<80x128xf32, #tpu.memory_space<vmem_shared>>
      %dma_wait3A_38 = arith.constant 0 : i32
      %dma_wait3A_39 = tpu.memref_slice %arg7[%add3A_20, %dma_wait3A_38] : memref<10240x128xf32, #tpu.memory_space<vmem_shared>> -> memref<80x128xf32, #tpu.memory_space<vmem_shared>>
      tpu.wait_dma2 semaphore(%run_scoped3A : memref<!tpu.dma_semaphore, #tpu.memory_space<semaphore_mem>>) src(%arg10 : memref<80x128xf32, #tpu.memory_space<vmem>>) dst(%dma_wait3A_39 : memref<80x128xf32, #tpu.memory_space<vmem_shared>>)
      tpu.yield
    }) : () -> ()
    %add3A_21 = arith.constant 480 : i32
    %add3A_22 = arith.addi %mul3A_8, %add3A_21 : i32
    "tpu.region"() ({
      %run_scoped3A = tpu.sem_alloc : memref<!tpu.dma_semaphore, #tpu.memory_space<semaphore_mem>>
      %dma_start3A = arith.constant 0 : i32
      %dma_start3A_34 = tpu.memref_slice %arg7[%add3A_22, %dma_start3A] : memref<10240x128xf32, #tpu.memory_space<vmem_shared>> -> memref<80x128xf32, #tpu.memory_space<vmem_shared>>
      %dma_start3A_35 = arith.constant 0 : i32
      %dma_start3A_36 = tpu.memref_slice %arg7[%add3A_22, %dma_start3A_35] : memref<10240x128xf32, #tpu.memory_space<vmem_shared>> -> memref<80x128xf32, #tpu.memory_space<vmem_shared>>
      tpu.enqueue_dma source(%arg10 : memref<80x128xf32, #tpu.memory_space<vmem>>) target(%dma_start3A_36 : memref<80x128xf32, #tpu.memory_space<vmem_shared>>) target_semaphore(%run_scoped3A : memref<!tpu.dma_semaphore, #tpu.memory_space<semaphore_mem>>)
      %dma_wait3A = arith.constant 0 : i32
      %dma_wait3A_37 = tpu.memref_slice %arg7[%add3A_22, %dma_wait3A] : memref<10240x128xf32, #tpu.memory_space<vmem_shared>> -> memref<80x128xf32, #tpu.memory_space<vmem_shared>>
      %dma_wait3A_38 = arith.constant 0 : i32
      %dma_wait3A_39 = tpu.memref_slice %arg7[%add3A_22, %dma_wait3A_38] : memref<10240x128xf32, #tpu.memory_space<vmem_shared>> -> memref<80x128xf32, #tpu.memory_space<vmem_shared>>
      tpu.wait_dma2 semaphore(%run_scoped3A : memref<!tpu.dma_semaphore, #tpu.memory_space<semaphore_mem>>) src(%arg10 : memref<80x128xf32, #tpu.memory_space<vmem>>) dst(%dma_wait3A_39 : memref<80x128xf32, #tpu.memory_space<vmem_shared>>)
      tpu.yield
    }) : () -> ()
    %add3A_23 = arith.constant 560 : i32
    %add3A_24 = arith.addi %mul3A_8, %add3A_23 : i32
    "tpu.region"() ({
      %run_scoped3A = tpu.sem_alloc : memref<!tpu.dma_semaphore, #tpu.memory_space<semaphore_mem>>
      %dma_start3A = arith.constant 0 : i32
      %dma_start3A_34 = tpu.memref_slice %arg7[%add3A_24, %dma_start3A] : memref<10240x128xf32, #tpu.memory_space<vmem_shared>> -> memref<80x128xf32, #tpu.memory_space<vmem_shared>>
      %dma_start3A_35 = arith.constant 0 : i32
      %dma_start3A_36 = tpu.memref_slice %arg7[%add3A_24, %dma_start3A_35] : memref<10240x128xf32, #tpu.memory_space<vmem_shared>> -> memref<80x128xf32, #tpu.memory_space<vmem_shared>>
      tpu.enqueue_dma source(%arg10 : memref<80x128xf32, #tpu.memory_space<vmem>>) target(%dma_start3A_36 : memref<80x128xf32, #tpu.memory_space<vmem_shared>>) target_semaphore(%run_scoped3A : memref<!tpu.dma_semaphore, #tpu.memory_space<semaphore_mem>>)
      %dma_wait3A = arith.constant 0 : i32
      %dma_wait3A_37 = tpu.memref_slice %arg7[%add3A_24, %dma_wait3A] : memref<10240x128xf32, #tpu.memory_space<vmem_shared>> -> memref<80x128xf32, #tpu.memory_space<vmem_shared>>
      %dma_wait3A_38 = arith.constant 0 : i32
      %dma_wait3A_39 = tpu.memref_slice %arg7[%add3A_24, %dma_wait3A_38] : memref<10240x128xf32, #tpu.memory_space<vmem_shared>> -> memref<80x128xf32, #tpu.memory_space<vmem_shared>>
      tpu.wait_dma2 semaphore(%run_scoped3A : memref<!tpu.dma_semaphore, #tpu.memory_space<semaphore_mem>>) src(%arg10 : memref<80x128xf32, #tpu.memory_space<vmem>>) dst(%dma_wait3A_39 : memref<80x128xf32, #tpu.memory_space<vmem_shared>>)
      tpu.yield
    }) : () -> ()
    %barrier3A = arith.constant 0 : index
    tpu.barrier barrier_id(%barrier3A)
    %mul3A_25 = arith.constant 20000 : i32
    %mul3A_26 = arith.muli %add3A, %mul3A_25 : i32
    %scan3A_27 = arith.constant 0 : i32
    %scan3A_28 = arith.constant 0 : i32
    %scan3A_29 = arith.constant 250 : i32
    %scan3A_30 = arith.addi %scan3A_28, %scan3A_29 : i32
    %scan3A_31 = arith.constant 1 : i32
    scf.for %scan3A_34 = %scan3A_28 to %scan3A_30 step %scan3A_31  : i32 {
      %mul3A_35 = arith.constant 80 : i32
      %mul3A_36 = arith.muli %scan3A_34, %mul3A_35 : i32
      %add3A_37 = arith.addi %mul3A_26, %mul3A_36 : i32
      "tpu.region"() ({
        %run_scoped3A = tpu.sem_alloc : memref<!tpu.dma_semaphore, #tpu.memory_space<semaphore_mem>>
        %dma_start3A_54 = tpu.memref_slice %arg4[%add3A_37] : memref<640000xi32, #tpu.memory_space<hbm>> -> memref<80xi32, #tpu.memory_space<hbm>>
        %dma_start3A_55 = tpu.memref_slice %arg4[%add3A_37] : memref<640000xi32, #tpu.memory_space<hbm>> -> memref<80xi32, #tpu.memory_space<hbm>>
        tpu.enqueue_dma source(%dma_start3A_55 : memref<80xi32, #tpu.memory_space<hbm>>) target(%arg8 : memref<80xi32, #tpu.memory_space<vmem>>) target_semaphore(%run_scoped3A : memref<!tpu.dma_semaphore, #tpu.memory_space<semaphore_mem>>)
        %dma_wait3A_56 = tpu.memref_slice %arg4[%add3A_37] : memref<640000xi32, #tpu.memory_space<hbm>> -> memref<80xi32, #tpu.memory_space<hbm>>
        %dma_wait3A_57 = tpu.memref_slice %arg4[%add3A_37] : memref<640000xi32, #tpu.memory_space<hbm>> -> memref<80xi32, #tpu.memory_space<hbm>>
        tpu.wait_dma2 semaphore(%run_scoped3A : memref<!tpu.dma_semaphore, #tpu.memory_space<semaphore_mem>>) src(%dma_wait3A_57 : memref<80xi32, #tpu.memory_space<hbm>>) dst(%arg8 : memref<80xi32, #tpu.memory_space<vmem>>)
        tpu.yield
      }) : () -> ()
      "tpu.region"() ({
        %run_scoped3A = tpu.sem_alloc : memref<!tpu.dma_semaphore, #tpu.memory_space<semaphore_mem>>
        %dma_start3A_54 = tpu.memref_slice %arg5[%add3A_37] : memref<640000xi32, #tpu.memory_space<hbm>> -> memref<80xi32, #tpu.memory_space<hbm>>
        %dma_start3A_55 = tpu.memref_slice %arg5[%add3A_37] : memref<640000xi32, #tpu.memory_space<hbm>> -> memref<80xi32, #tpu.memory_space<hbm>>
        tpu.enqueue_dma source(%dma_start3A_55 : memref<80xi32, #tpu.memory_space<hbm>>) target(%arg9 : memref<80xi32, #tpu.memory_space<vmem>>) target_semaphore(%run_scoped3A : memref<!tpu.dma_semaphore, #tpu.memory_space<semaphore_mem>>)
        %dma_wait3A_56 = tpu.memref_slice %arg5[%add3A_37] : memref<640000xi32, #tpu.memory_space<hbm>> -> memref<80xi32, #tpu.memory_space<hbm>>
        %dma_wait3A_57 = tpu.memref_slice %arg5[%add3A_37] : memref<640000xi32, #tpu.memory_space<hbm>> -> memref<80xi32, #tpu.memory_space<hbm>>
        tpu.wait_dma2 semaphore(%run_scoped3A : memref<!tpu.dma_semaphore, #tpu.memory_space<semaphore_mem>>) src(%dma_wait3A_57 : memref<80xi32, #tpu.memory_space<hbm>>) dst(%arg9 : memref<80xi32, #tpu.memory_space<vmem>>)
        tpu.yield
      }) : () -> ()
      %dma_start3A = arith.constant 0 : i32
      %dma_start3A_38 = arith.constant 0 : i32
      %dma_start3A_39 = tpu.memref_slice %arg2[%dma_start3A, %dma_start3A_38] : memref<10000x128xf32, #tpu.memory_space<hbm>> -> memref<10000x128xf32, #tpu.memory_space<hbm>>
      tpu.enqueue_indirect_dma source(%dma_start3A_39 : memref<10000x128xf32, #tpu.memory_space<hbm>>) target(%arg10 : memref<80x128xf32, #tpu.memory_space<vmem>>) offsets(%arg8 : memref<80xi32, #tpu.memory_space<vmem>>) semaphore(%arg12 : memref<!tpu.dma_semaphore, #tpu.memory_space<semaphore_mem>>)
      %dma_start3A_40 = arith.constant 0 : i32
      %dma_start3A_41 = arith.constant 0 : i32
      %dma_start3A_42 = tpu.memref_slice %arg3[%dma_start3A_40, %dma_start3A_41] : memref<10000x128xf32, #tpu.memory_space<hbm>> -> memref<10000x128xf32, #tpu.memory_space<hbm>>
      tpu.enqueue_indirect_dma source(%dma_start3A_42 : memref<10000x128xf32, #tpu.memory_space<hbm>>) target(%arg11 : memref<80x128xf32, #tpu.memory_space<vmem>>) offsets(%arg9 : memref<80xi32, #tpu.memory_space<vmem>>) semaphore(%arg12 : memref<!tpu.dma_semaphore, #tpu.memory_space<semaphore_mem>>)
      %dma_wait3A = arith.constant 0 : i32
      %dma_wait3A_43 = arith.constant 0 : i32
      %dma_wait3A_44 = tpu.memref_slice %arg2[%dma_wait3A, %dma_wait3A_43] : memref<10000x128xf32, #tpu.memory_space<hbm>> -> memref<10000x128xf32, #tpu.memory_space<hbm>>
      tpu.wait_indirect_dma semaphore(%arg12 : memref<!tpu.dma_semaphore, #tpu.memory_space<semaphore_mem>>) src(%dma_wait3A_44 : memref<10000x128xf32, #tpu.memory_space<hbm>>) dst(%arg10 : memref<80x128xf32, #tpu.memory_space<vmem>>)
      %dma_wait3A_45 = arith.constant 0 : i32
      %dma_wait3A_46 = arith.constant 0 : i32
      %dma_wait3A_47 = tpu.memref_slice %arg3[%dma_wait3A_45, %dma_wait3A_46] : memref<10000x128xf32, #tpu.memory_space<hbm>> -> memref<10000x128xf32, #tpu.memory_space<hbm>>
      tpu.wait_indirect_dma semaphore(%arg12 : memref<!tpu.dma_semaphore, #tpu.memory_space<semaphore_mem>>) src(%dma_wait3A_47 : memref<10000x128xf32, #tpu.memory_space<hbm>>) dst(%arg11 : memref<80x128xf32, #tpu.memory_space<vmem>>)
      %scan3A_48 = arith.constant 0 : i32
      %scan3A_49 = arith.constant 0 : i32
      %scan3A_50 = arith.constant 80 : i32
      %scan3A_51 = arith.addi %scan3A_49, %scan3A_50 : i32
      %scan3A_52 = arith.constant 1 : i32
      scf.for %scan3A_54 = %scan3A_49 to %scan3A_51 step %scan3A_52  : i32 {
        %get3A = arith.index_cast %scan3A_54 : i32 to index
        %get3A_55 = arith.constant 0 : index
        %get3A_56 = tpu.vector_load %arg10[%get3A, %get3A_55] {strides = array<i32>} : memref<80x128xf32, #tpu.memory_space<vmem>>, vector<1x16xf32>,
        %get3A_57 = vector.shape_cast %get3A_56 : vector<1x16xf32> to vector<16xf32>
        %get3A_58 = arith.index_cast %scan3A_54 : i32 to index
        %get3A_59 = arith.constant 0 : index
        %get3A_60 = tpu.vector_load %arg11[%get3A_58, %get3A_59] {strides = array<i32>} : memref<80x128xf32, #tpu.memory_space<vmem>>, vector<1x16xf32>,
        %get3A_61 = vector.shape_cast %get3A_60 : vector<1x16xf32> to vector<16xf32>
        %add3A_62 = arith.addf %get3A_57, %get3A_61 : vector<16xf32>
        %gt3A = arith.constant 0.000000e+00 : f32
        %gt3A_63 = vector.broadcast %gt3A : f32 to vector<16xf32>
        %gt3A_64 = arith.cmpf ogt, %add3A_62, %gt3A_63 : vector<16xf32>
        %exp3A = math.exp %add3A_62 : vector<16xf32>
        %sub3A = arith.constant 1.000000e+00 : f32
        %sub3A_65 = vector.broadcast %sub3A : f32 to vector<16xf32>
        %sub3A_66 = arith.subf %exp3A, %sub3A_65 : vector<16xf32>
        %mul3A_67 = arith.constant 1.67326319 : f32
        %mul3A_68 = vector.broadcast %mul3A_67 : f32 to vector<16xf32>
        %mul3A_69 = arith.mulf %mul3A_68, %sub3A_66 : vector<16xf32>
        %select_n3A = arith.select %gt3A_64, %add3A_62, %mul3A_69 : vector<16xi1>, vector<16xf32>
        %mul3A_70 = arith.constant 1.05070102 : f32
        %mul3A_71 = vector.broadcast %mul3A_70 : f32 to vector<16xf32>
        %mul3A_72 = arith.mulf %mul3A_71, %select_n3A : vector<16xf32>
        %swap3A = arith.index_cast %scan3A_54 : i32 to index
        %swap3A_73 = arith.constant 0 : index
        %swap3A_74 = tpu.vector_load %arg10[%swap3A, %swap3A_73] {strides = array<i32>} : memref<80x128xf32, #tpu.memory_space<vmem>>, vector<1x16xf32>,
        %swap3A_75 = vector.shape_cast %swap3A_74 : vector<1x16xf32> to vector<16xf32>
        %swap3A_76 = vector.shape_cast %mul3A_72 : vector<16xf32> to vector<1x16xf32>
        tpu.vector_store %arg10[%swap3A, %swap3A_73], %swap3A_76 {strides = array<i32>} : memref<80x128xf32, #tpu.memory_space<vmem>>, vector<1x16xf32>,
        %get3A_77 = arith.index_cast %scan3A_54 : i32 to index
        %get3A_78 = arith.constant 16 : index
        %get3A_79 = tpu.vector_load %arg10[%get3A_77, %get3A_78] {strides = array<i32>} : memref<80x128xf32, #tpu.memory_space<vmem>>, vector<1x16xf32>,
        %get3A_80 = vector.shape_cast %get3A_79 : vector<1x16xf32> to vector<16xf32>
        %get3A_81 = arith.index_cast %scan3A_54 : i32 to index
        %get3A_82 = arith.constant 16 : index
        %get3A_83 = tpu.vector_load %arg11[%get3A_81, %get3A_82] {strides = array<i32>} : memref<80x128xf32, #tpu.memory_space<vmem>>, vector<1x16xf32>,
        %get3A_84 = vector.shape_cast %get3A_83 : vector<1x16xf32> to vector<16xf32>
        %add3A_85 = arith.addf %get3A_80, %get3A_84 : vector<16xf32>
        %gt3A_86 = arith.constant 0.000000e+00 : f32
        %gt3A_87 = vector.broadcast %gt3A_86 : f32 to vector<16xf32>
        %gt3A_88 = arith.cmpf ogt, %add3A_85, %gt3A_87 : vector<16xf32>
        %exp3A_89 = math.exp %add3A_85 : vector<16xf32>
        %sub3A_90 = arith.constant 1.000000e+00 : f32
        %sub3A_91 = vector.broadcast %sub3A_90 : f32 to vector<16xf32>
        %sub3A_92 = arith.subf %exp3A_89, %sub3A_91 : vector<16xf32>
        %mul3A_93 = arith.constant 1.67326319 : f32
        %mul3A_94 = vector.broadcast %mul3A_93 : f32 to vector<16xf32>
        %mul3A_95 = arith.mulf %mul3A_94, %sub3A_92 : vector<16xf32>
        %select_n3A_96 = arith.select %gt3A_88, %add3A_85, %mul3A_95 : vector<16xi1>, vector<16xf32>
        %mul3A_97 = arith.constant 1.05070102 : f32
        %mul3A_98 = vector.broadcast %mul3A_97 : f32 to vector<16xf32>
        %mul3A_99 = arith.mulf %mul3A_98, %select_n3A_96 : vector<16xf32>
        %swap3A_100 = arith.index_cast %scan3A_54 : i32 to index
        %swap3A_101 = arith.constant 16 : index
        %swap3A_102 = tpu.vector_load %arg10[%swap3A_100, %swap3A_101] {strides = array<i32>} : memref<80x128xf32, #tpu.memory_space<vmem>>, vector<1x16xf32>,
        %swap3A_103 = vector.shape_cast %swap3A_102 : vector<1x16xf32> to vector<16xf32>
        %swap3A_104 = vector.shape_cast %mul3A_99 : vector<16xf32> to vector<1x16xf32>
        tpu.vector_store %arg10[%swap3A_100, %swap3A_101], %swap3A_104 {strides = array<i32>} : memref<80x128xf32, #tpu.memory_space<vmem>>, vector<1x16xf32>,
        %get3A_105 = arith.index_cast %scan3A_54 : i32 to index
        %get3A_106 = arith.constant 32 : index
        %get3A_107 = tpu.vector_load %arg10[%get3A_105, %get3A_106] {strides = array<i32>} : memref<80x128xf32, #tpu.memory_space<vmem>>, vector<1x16xf32>,
        %get3A_108 = vector.shape_cast %get3A_107 : vector<1x16xf32> to vector<16xf32>
        %get3A_109 = arith.index_cast %scan3A_54 : i32 to index
        %get3A_110 = arith.constant 32 : index
        %get3A_111 = tpu.vector_load %arg11[%get3A_109, %get3A_110] {strides = array<i32>} : memref<80x128xf32, #tpu.memory_space<vmem>>, vector<1x16xf32>,
        %get3A_112 = vector.shape_cast %get3A_111 : vector<1x16xf32> to vector<16xf32>
        %add3A_113 = arith.addf %get3A_108, %get3A_112 : vector<16xf32>
        %gt3A_114 = arith.constant 0.000000e+00 : f32
        %gt3A_115 = vector.broadcast %gt3A_114 : f32 to vector<16xf32>
        %gt3A_116 = arith.cmpf ogt, %add3A_113, %gt3A_115 : vector<16xf32>
        %exp3A_117 = math.exp %add3A_113 : vector<16xf32>
        %sub3A_118 = arith.constant 1.000000e+00 : f32
        %sub3A_119 = vector.broadcast %sub3A_118 : f32 to vector<16xf32>
        %sub3A_120 = arith.subf %exp3A_117, %sub3A_119 : vector<16xf32>
        %mul3A_121 = arith.constant 1.67326319 : f32
        %mul3A_122 = vector.broadcast %mul3A_121 : f32 to vector<16xf32>
        %mul3A_123 = arith.mulf %mul3A_122, %sub3A_120 : vector<16xf32>
        %select_n3A_124 = arith.select %gt3A_116, %add3A_113, %mul3A_123 : vector<16xi1>, vector<16xf32>
        %mul3A_125 = arith.constant 1.05070102 : f32
        %mul3A_126 = vector.broadcast %mul3A_125 : f32 to vector<16xf32>
        %mul3A_127 = arith.mulf %mul3A_126, %select_n3A_124 : vector<16xf32>
        %swap3A_128 = arith.index_cast %scan3A_54 : i32 to index
        %swap3A_129 = arith.constant 32 : index
        %swap3A_130 = tpu.vector_load %arg10[%swap3A_128, %swap3A_129] {strides = array<i32>} : memref<80x128xf32, #tpu.memory_space<vmem>>, vector<1x16xf32>,
        %swap3A_131 = vector.shape_cast %swap3A_130 : vector<1x16xf32> to vector<16xf32>
        %swap3A_132 = vector.shape_cast %mul3A_127 : vector<16xf32> to vector<1x16xf32>
        tpu.vector_store %arg10[%swap3A_128, %swap3A_129], %swap3A_132 {strides = array<i32>} : memref<80x128xf32, #tpu.memory_space<vmem>>, vector<1x16xf32>,
        %get3A_133 = arith.index_cast %scan3A_54 : i32 to index
        %get3A_134 = arith.constant 48 : index
        %get3A_135 = tpu.vector_load %arg10[%get3A_133, %get3A_134] {strides = array<i32>} : memref<80x128xf32, #tpu.memory_space<vmem>>, vector<1x16xf32>,
        %get3A_136 = vector.shape_cast %get3A_135 : vector<1x16xf32> to vector<16xf32>
        %get3A_137 = arith.index_cast %scan3A_54 : i32 to index
        %get3A_138 = arith.constant 48 : index
        %get3A_139 = tpu.vector_load %arg11[%get3A_137, %get3A_138] {strides = array<i32>} : memref<80x128xf32, #tpu.memory_space<vmem>>, vector<1x16xf32>,
        %get3A_140 = vector.shape_cast %get3A_139 : vector<1x16xf32> to vector<16xf32>
        %add3A_141 = arith.addf %get3A_136, %get3A_140 : vector<16xf32>
        %gt3A_142 = arith.constant 0.000000e+00 : f32
        %gt3A_143 = vector.broadcast %gt3A_142 : f32 to vector<16xf32>
        %gt3A_144 = arith.cmpf ogt, %add3A_141, %gt3A_143 : vector<16xf32>
        %exp3A_145 = math.exp %add3A_141 : vector<16xf32>
        %sub3A_146 = arith.constant 1.000000e+00 : f32
        %sub3A_147 = vector.broadcast %sub3A_146 : f32 to vector<16xf32>
        %sub3A_148 = arith.subf %exp3A_145, %sub3A_147 : vector<16xf32>
        %mul3A_149 = arith.constant 1.67326319 : f32
        %mul3A_150 = vector.broadcast %mul3A_149 : f32 to vector<16xf32>
        %mul3A_151 = arith.mulf %mul3A_150, %sub3A_148 : vector<16xf32>
        %select_n3A_152 = arith.select %gt3A_144, %add3A_141, %mul3A_151 : vector<16xi1>, vector<16xf32>
        %mul3A_153 = arith.constant 1.05070102 : f32
        %mul3A_154 = vector.broadcast %mul3A_153 : f32 to vector<16xf32>
        %mul3A_155 = arith.mulf %mul3A_154, %select_n3A_152 : vector<16xf32>
        %swap3A_156 = arith.index_cast %scan3A_54 : i32 to index
        %swap3A_157 = arith.constant 48 : index
        %swap3A_158 = tpu.vector_load %arg10[%swap3A_156, %swap3A_157] {strides = array<i32>} : memref<80x128xf32, #tpu.memory_space<vmem>>, vector<1x16xf32>,
        %swap3A_159 = vector.shape_cast %swap3A_158 : vector<1x16xf32> to vector<16xf32>
        %swap3A_160 = vector.shape_cast %mul3A_155 : vector<16xf32> to vector<1x16xf32>
        tpu.vector_store %arg10[%swap3A_156, %swap3A_157], %swap3A_160 {strides = array<i32>} : memref<80x128xf32, #tpu.memory_space<vmem>>, vector<1x16xf32>,
        %get3A_161 = arith.index_cast %scan3A_54 : i32 to index
        %get3A_162 = arith.constant 64 : index
        %get3A_163 = tpu.vector_load %arg10[%get3A_161, %get3A_162] {strides = array<i32>} : memref<80x128xf32, #tpu.memory_space<vmem>>, vector<1x16xf32>,
        %get3A_164 = vector.shape_cast %get3A_163 : vector<1x16xf32> to vector<16xf32>
        %get3A_165 = arith.index_cast %scan3A_54 : i32 to index
        %get3A_166 = arith.constant 64 : index
        %get3A_167 = tpu.vector_load %arg11[%get3A_165, %get3A_166] {strides = array<i32>} : memref<80x128xf32, #tpu.memory_space<vmem>>, vector<1x16xf32>,
        %get3A_168 = vector.shape_cast %get3A_167 : vector<1x16xf32> to vector<16xf32>
        %add3A_169 = arith.addf %get3A_164, %get3A_168 : vector<16xf32>
        %gt3A_170 = arith.constant 0.000000e+00 : f32
        %gt3A_171 = vector.broadcast %gt3A_170 : f32 to vector<16xf32>
        %gt3A_172 = arith.cmpf ogt, %add3A_169, %gt3A_171 : vector<16xf32>
        %exp3A_173 = math.exp %add3A_169 : vector<16xf32>
        %sub3A_174 = arith.constant 1.000000e+00 : f32
        %sub3A_175 = vector.broadcast %sub3A_174 : f32 to vector<16xf32>
        %sub3A_176 = arith.subf %exp3A_173, %sub3A_175 : vector<16xf32>
        %mul3A_177 = arith.constant 1.67326319 : f32
        %mul3A_178 = vector.broadcast %mul3A_177 : f32 to vector<16xf32>
        %mul3A_179 = arith.mulf %mul3A_178, %sub3A_176 : vector<16xf32>
        %select_n3A_180 = arith.select %gt3A_172, %add3A_169, %mul3A_179 : vector<16xi1>, vector<16xf32>
        %mul3A_181 = arith.constant 1.05070102 : f32
        %mul3A_182 = vector.broadcast %mul3A_181 : f32 to vector<16xf32>
        %mul3A_183 = arith.mulf %mul3A_182, %select_n3A_180 : vector<16xf32>
        %swap3A_184 = arith.index_cast %scan3A_54 : i32 to index
        %swap3A_185 = arith.constant 64 : index
        %swap3A_186 = tpu.vector_load %arg10[%swap3A_184, %swap3A_185] {strides = array<i32>} : memref<80x128xf32, #tpu.memory_space<vmem>>, vector<1x16xf32>,
        %swap3A_187 = vector.shape_cast %swap3A_186 : vector<1x16xf32> to vector<16xf32>
        %swap3A_188 = vector.shape_cast %mul3A_183 : vector<16xf32> to vector<1x16xf32>
        tpu.vector_store %arg10[%swap3A_184, %swap3A_185], %swap3A_188 {strides = array<i32>} : memref<80x128xf32, #tpu.memory_space<vmem>>, vector<1x16xf32>,
        %get3A_189 = arith.index_cast %scan3A_54 : i32 to index
        %get3A_190 = arith.constant 80 : index
        %get3A_191 = tpu.vector_load %arg10[%get3A_189, %get3A_190] {strides = array<i32>} : memref<80x128xf32, #tpu.memory_space<vmem>>, vector<1x16xf32>,
        %get3A_192 = vector.shape_cast %get3A_191 : vector<1x16xf32> to vector<16xf32>
        %get3A_193 = arith.index_cast %scan3A_54 : i32 to index
        %get3A_194 = arith.constant 80 : index
        %get3A_195 = tpu.vector_load %arg11[%get3A_193, %get3A_194] {strides = array<i32>} : memref<80x128xf32, #tpu.memory_space<vmem>>, vector<1x16xf32>,
        %get3A_196 = vector.shape_cast %get3A_195 : vector<1x16xf32> to vector<16xf32>
        %add3A_197 = arith.addf %get3A_192, %get3A_196 : vector<16xf32>
        %gt3A_198 = arith.constant 0.000000e+00 : f32
        %gt3A_199 = vector.broadcast %gt3A_198 : f32 to vector<16xf32>
        %gt3A_200 = arith.cmpf ogt, %add3A_197, %gt3A_199 : vector<16xf32>
        %exp3A_201 = math.exp %add3A_197 : vector<16xf32>
        %sub3A_202 = arith.constant 1.000000e+00 : f32
        %sub3A_203 = vector.broadcast %sub3A_202 : f32 to vector<16xf32>
        %sub3A_204 = arith.subf %exp3A_201, %sub3A_203 : vector<16xf32>
        %mul3A_205 = arith.constant 1.67326319 : f32
        %mul3A_206 = vector.broadcast %mul3A_205 : f32 to vector<16xf32>
        %mul3A_207 = arith.mulf %mul3A_206, %sub3A_204 : vector<16xf32>
        %select_n3A_208 = arith.select %gt3A_200, %add3A_197, %mul3A_207 : vector<16xi1>, vector<16xf32>
        %mul3A_209 = arith.constant 1.05070102 : f32
        %mul3A_210 = vector.broadcast %mul3A_209 : f32 to vector<16xf32>
        %mul3A_211 = arith.mulf %mul3A_210, %select_n3A_208 : vector<16xf32>
        %swap3A_212 = arith.index_cast %scan3A_54 : i32 to index
        %swap3A_213 = arith.constant 80 : index
        %swap3A_214 = tpu.vector_load %arg10[%swap3A_212, %swap3A_213] {strides = array<i32>} : memref<80x128xf32, #tpu.memory_space<vmem>>, vector<1x16xf32>,
        %swap3A_215 = vector.shape_cast %swap3A_214 : vector<1x16xf32> to vector<16xf32>
        %swap3A_216 = vector.shape_cast %mul3A_211 : vector<16xf32> to vector<1x16xf32>
        tpu.vector_store %arg10[%swap3A_212, %swap3A_213], %swap3A_216 {strides = array<i32>} : memref<80x128xf32, #tpu.memory_space<vmem>>, vector<1x16xf32>,
        %get3A_217 = arith.index_cast %scan3A_54 : i32 to index
        %get3A_218 = arith.constant 96 : index
        %get3A_219 = tpu.vector_load %arg10[%get3A_217, %get3A_218] {strides = array<i32>} : memref<80x128xf32, #tpu.memory_space<vmem>>, vector<1x16xf32>,
        %get3A_220 = vector.shape_cast %get3A_219 : vector<1x16xf32> to vector<16xf32>
        %get3A_221 = arith.index_cast %scan3A_54 : i32 to index
        %get3A_222 = arith.constant 96 : index
        %get3A_223 = tpu.vector_load %arg11[%get3A_221, %get3A_222] {strides = array<i32>} : memref<80x128xf32, #tpu.memory_space<vmem>>, vector<1x16xf32>,
        %get3A_224 = vector.shape_cast %get3A_223 : vector<1x16xf32> to vector<16xf32>
        %add3A_225 = arith.addf %get3A_220, %get3A_224 : vector<16xf32>
        %gt3A_226 = arith.constant 0.000000e+00 : f32
        %gt3A_227 = vector.broadcast %gt3A_226 : f32 to vector<16xf32>
        %gt3A_228 = arith.cmpf ogt, %add3A_225, %gt3A_227 : vector<16xf32>
        %exp3A_229 = math.exp %add3A_225 : vector<16xf32>
        %sub3A_230 = arith.constant 1.000000e+00 : f32
        %sub3A_231 = vector.broadcast %sub3A_230 : f32 to vector<16xf32>
        %sub3A_232 = arith.subf %exp3A_229, %sub3A_231 : vector<16xf32>
        %mul3A_233 = arith.constant 1.67326319 : f32
        %mul3A_234 = vector.broadcast %mul3A_233 : f32 to vector<16xf32>
        %mul3A_235 = arith.mulf %mul3A_234, %sub3A_232 : vector<16xf32>
        %select_n3A_236 = arith.select %gt3A_228, %add3A_225, %mul3A_235 : vector<16xi1>, vector<16xf32>
        %mul3A_237 = arith.constant 1.05070102 : f32
        %mul3A_238 = vector.broadcast %mul3A_237 : f32 to vector<16xf32>
        %mul3A_239 = arith.mulf %mul3A_238, %select_n3A_236 : vector<16xf32>
        %swap3A_240 = arith.index_cast %scan3A_54 : i32 to index
        %swap3A_241 = arith.constant 96 : index
        %swap3A_242 = tpu.vector_load %arg10[%swap3A_240, %swap3A_241] {strides = array<i32>} : memref<80x128xf32, #tpu.memory_space<vmem>>, vector<1x16xf32>,
        %swap3A_243 = vector.shape_cast %swap3A_242 : vector<1x16xf32> to vector<16xf32>
        %swap3A_244 = vector.shape_cast %mul3A_239 : vector<16xf32> to vector<1x16xf32>
        tpu.vector_store %arg10[%swap3A_240, %swap3A_241], %swap3A_244 {strides = array<i32>} : memref<80x128xf32, #tpu.memory_space<vmem>>, vector<1x16xf32>,
        %get3A_245 = arith.index_cast %scan3A_54 : i32 to index
        %get3A_246 = arith.constant 112 : index
        %get3A_247 = tpu.vector_load %arg10[%get3A_245, %get3A_246] {strides = array<i32>} : memref<80x128xf32, #tpu.memory_space<vmem>>, vector<1x16xf32>,
        %get3A_248 = vector.shape_cast %get3A_247 : vector<1x16xf32> to vector<16xf32>
        %get3A_249 = arith.index_cast %scan3A_54 : i32 to index
        %get3A_250 = arith.constant 112 : index
        %get3A_251 = tpu.vector_load %arg11[%get3A_249, %get3A_250] {strides = array<i32>} : memref<80x128xf32, #tpu.memory_space<vmem>>, vector<1x16xf32>,
        %get3A_252 = vector.shape_cast %get3A_251 : vector<1x16xf32> to vector<16xf32>
        %add3A_253 = arith.addf %get3A_248, %get3A_252 : vector<16xf32>
        %gt3A_254 = arith.constant 0.000000e+00 : f32
        %gt3A_255 = vector.broadcast %gt3A_254 : f32 to vector<16xf32>
        %gt3A_256 = arith.cmpf ogt, %add3A_253, %gt3A_255 : vector<16xf32>
        %exp3A_257 = math.exp %add3A_253 : vector<16xf32>
        %sub3A_258 = arith.constant 1.000000e+00 : f32
        %sub3A_259 = vector.broadcast %sub3A_258 : f32 to vector<16xf32>
        %sub3A_260 = arith.subf %exp3A_257, %sub3A_259 : vector<16xf32>
        %mul3A_261 = arith.constant 1.67326319 : f32
        %mul3A_262 = vector.broadcast %mul3A_261 : f32 to vector<16xf32>
        %mul3A_263 = arith.mulf %mul3A_262, %sub3A_260 : vector<16xf32>
        %select_n3A_264 = arith.select %gt3A_256, %add3A_253, %mul3A_263 : vector<16xi1>, vector<16xf32>
        %mul3A_265 = arith.constant 1.05070102 : f32
        %mul3A_266 = vector.broadcast %mul3A_265 : f32 to vector<16xf32>
        %mul3A_267 = arith.mulf %mul3A_266, %select_n3A_264 : vector<16xf32>
        %swap3A_268 = arith.index_cast %scan3A_54 : i32 to index
        %swap3A_269 = arith.constant 112 : index
        %swap3A_270 = tpu.vector_load %arg10[%swap3A_268, %swap3A_269] {strides = array<i32>} : memref<80x128xf32, #tpu.memory_space<vmem>>, vector<1x16xf32>,
        %swap3A_271 = vector.shape_cast %swap3A_270 : vector<1x16xf32> to vector<16xf32>
        %swap3A_272 = vector.shape_cast %mul3A_267 : vector<16xf32> to vector<1x16xf32>
        tpu.vector_store %arg10[%swap3A_268, %swap3A_269], %swap3A_272 {strides = array<i32>} : memref<80x128xf32, #tpu.memory_space<vmem>>, vector<1x16xf32>,
      }
      %scan3A_53 = arith.constant 80 : i32
      "tpu.region"() ({
        %run_scoped3A = tpu.sem_alloc : memref<!tpu.dma_semaphore, #tpu.memory_space<semaphore_mem>>
        %dma_start3A_54 = arith.constant 0 : i32
        %dma_start3A_55 = arith.constant 0 : i32
        %dma_start3A_56 = tpu.memref_slice %arg7[%dma_start3A_54, %dma_start3A_55] : memref<10240x128xf32, #tpu.memory_space<vmem_shared>> -> memref<10240x128xf32, #tpu.memory_space<vmem_shared>>
        tpu.enqueue_indirect_dma source(%arg10 : memref<80x128xf32, #tpu.memory_space<vmem>>) target(%dma_start3A_56 : memref<10240x128xf32, #tpu.memory_space<vmem_shared>>) offsets(%arg9 : memref<80xi32, #tpu.memory_space<vmem>>) semaphore(%run_scoped3A : memref<!tpu.dma_semaphore, #tpu.memory_space<semaphore_mem>>) {add = true}
        %dma_wait3A_57 = arith.constant 0 : i32
        %dma_wait3A_58 = arith.constant 0 : i32
        %dma_wait3A_59 = tpu.memref_slice %arg7[%dma_wait3A_57, %dma_wait3A_58] : memref<10240x128xf32, #tpu.memory_space<vmem_shared>> -> memref<10240x128xf32, #tpu.memory_space<vmem_shared>>
        tpu.wait_indirect_dma semaphore(%run_scoped3A : memref<!tpu.dma_semaphore, #tpu.memory_space<semaphore_mem>>) src(%arg10 : memref<80x128xf32, #tpu.memory_space<vmem>>) dst(%dma_wait3A_59 : memref<10240x128xf32, #tpu.memory_space<vmem_shared>>)
        tpu.yield
      }) : () -> ()
    }
    %scan3A_32 = arith.constant 250 : i32
    %barrier3A_33 = arith.constant 0 : index
    tpu.barrier barrier_id(%barrier3A_33)
    "tpu.region"() ({
      %run_scoped3A = tpu.sem_alloc : memref<!tpu.dma_semaphore, #tpu.memory_space<semaphore_mem>>
      %dma_start3A = arith.constant 0 : i32
      %dma_start3A_34 = tpu.memref_slice %arg6[%arg0, %mul3A_8, %dma_start3A] : memref<2x10240x128xf32, #tpu.memory_space<hbm>> -> memref<1x640x128xf32, #tpu.memory_space<hbm>>
      %dma_start3A_35 = tpu.memref_squeeze %dma_start3A_34 : memref<1x640x128xf32, #tpu.memory_space<hbm>> -> memref<640x128xf32, #tpu.memory_space<hbm>>
      %dma_start3A_36 = arith.constant 0 : i32
      %dma_start3A_37 = tpu.memref_slice %arg7[%mul3A_8, %dma_start3A_36] : memref<10240x128xf32, #tpu.memory_space<vmem_shared>> -> memref<640x128xf32, #tpu.memory_space<vmem_shared>>
      tpu.enqueue_dma source(%dma_start3A_37 : memref<640x128xf32, #tpu.memory_space<vmem_shared>>) target(%dma_start3A_35 : memref<640x128xf32, #tpu.memory_space<hbm>>) target_semaphore(%run_scoped3A : memref<!tpu.dma_semaphore, #tpu.memory_space<semaphore_mem>>)
      %dma_wait3A = arith.constant 0 : i32
      %dma_wait3A_38 = tpu.memref_slice %arg6[%arg0, %mul3A_8, %dma_wait3A] : memref<2x10240x128xf32, #tpu.memory_space<hbm>> -> memref<1x640x128xf32, #tpu.memory_space<hbm>>
      %dma_wait3A_39 = tpu.memref_squeeze %dma_wait3A_38 : memref<1x640x128xf32, #tpu.memory_space<hbm>> -> memref<640x128xf32, #tpu.memory_space<hbm>>
      %dma_wait3A_40 = arith.constant 0 : i32
      %dma_wait3A_41 = tpu.memref_slice %arg7[%mul3A_8, %dma_wait3A_40] : memref<10240x128xf32, #tpu.memory_space<vmem_shared>> -> memref<640x128xf32, #tpu.memory_space<vmem_shared>>
      tpu.wait_dma2 semaphore(%run_scoped3A : memref<!tpu.dma_semaphore, #tpu.memory_space<semaphore_mem>>) src(%dma_wait3A_41 : memref<640x128xf32, #tpu.memory_space<vmem_shared>>) dst(%dma_wait3A_39 : memref<640x128xf32, #tpu.memory_space<hbm>>)
      tpu.yield
    }) : () -> ()
    return
  }
}

#map = affine_map<(d0, d1) -> (0, 0)>
#map1 = affine_map<(d0, d1) -> (0)>
#map2 = affine_map<(d0, d1) -> (0, 0, 0)>
module attributes {stable_mosaic.version = 14 : i64} {
  func.func @_edge_body(%arg0: i32, %arg1: i32, %arg2: memref<10000x128xf32, #tpu.memory_space<hbm>>, %arg3: memref<10000x128xf32, #tpu.memory_space<hbm>>, %arg4: memref<640000xi32, #tpu.memory_space<hbm>>, %arg5: memref<640000xi32, #tpu.memory_space<hbm>>, %arg6: memref<2x10240x128xf32, #tpu.memory_space<hbm>>, %arg7: memref<10240x128xf32, #tpu.memory_space<vmem_shared>>, %arg8: memref<80xi32, #tpu.memory_space<vmem>>, %arg9: memref<80xi32, #tpu.memory_space<vmem>>, %arg10: memref<80x128xf32, #tpu.memory_space<vmem>>, %arg11: memref<80x128xf32, #tpu.memory_space<vmem>>, %arg12: memref<!tpu.dma_semaphore, #tpu.memory_space<semaphore_mem>>) attributes {dimension_semantics = [#tpu.dimension_semantics<core_parallel>, #tpu.dimension_semantics<subcore_parallel>], iteration_bounds = array<i64: 2, 16>, scalar_prefetch = 0 : i64, scratch_operands = 6 : i64, tpu.core_type = #tpu.core_type<sc_vector_subcore>, window_params = [{transform_indices = #map}, {transform_indices = #map}, {transform_indices = #map1}, {transform_indices = #map1}, {transform_indices = #map2}]} {
    %mul3A = arith.constant 16 : i32
    %mul3A_0 = arith.muli %arg0, %mul3A : i32
    %add3A = arith.addi %mul3A_0, %arg1 : i32
    %broadcast_in_dim3A = arith.constant 0.000000e+00 : f32
    %broadcast_in_dim3A_1 = vector.broadcast %broadcast_in_dim3A : f32 to vector<16xf32>
    %scan3A = arith.constant 0 : i32
    %scan3A_2 = arith.constant 0 : i32
    %scan3A_3 = arith.constant 80 : i32
    %scan3A_4 = arith.addi %scan3A_2, %scan3A_3 : i32
    %scan3A_5 = arith.constant 1 : i32
    scf.for %scan3A_34 = %scan3A_2 to %scan3A_4 step %scan3A_5  : i32 {
      %swap3A = arith.index_cast %scan3A_34 : i32 to index
      %swap3A_35 = arith.constant 0 : index
      %swap3A_36 = tpu.vector_load %arg10[%swap3A, %swap3A_35] {strides = array<i32>} : memref<80x128xf32, #tpu.memory_space<vmem>>, vector<1x16xf32>,
      %swap3A_37 = vector.shape_cast %swap3A_36 : vector<1x16xf32> to vector<16xf32>
      %swap3A_38 = vector.shape_cast %broadcast_in_dim3A_1 : vector<16xf32> to vector<1x16xf32>
      tpu.vector_store %arg10[%swap3A, %swap3A_35], %swap3A_38 {strides = array<i32>} : memref<80x128xf32, #tpu.memory_space<vmem>>, vector<1x16xf32>,
      %swap3A_39 = arith.index_cast %scan3A_34 : i32 to index
      %swap3A_40 = arith.constant 16 : index
      %swap3A_41 = tpu.vector_load %arg10[%swap3A_39, %swap3A_40] {strides = array<i32>} : memref<80x128xf32, #tpu.memory_space<vmem>>, vector<1x16xf32>,
      %swap3A_42 = vector.shape_cast %swap3A_41 : vector<1x16xf32> to vector<16xf32>
      %swap3A_43 = vector.shape_cast %broadcast_in_dim3A_1 : vector<16xf32> to vector<1x16xf32>
      tpu.vector_store %arg10[%swap3A_39, %swap3A_40], %swap3A_43 {strides = array<i32>} : memref<80x128xf32, #tpu.memory_space<vmem>>, vector<1x16xf32>,
      %swap3A_44 = arith.index_cast %scan3A_34 : i32 to index
      %swap3A_45 = arith.constant 32 : index
      %swap3A_46 = tpu.vector_load %arg10[%swap3A_44, %swap3A_45] {strides = array<i32>} : memref<80x128xf32, #tpu.memory_space<vmem>>, vector<1x16xf32>,
      %swap3A_47 = vector.shape_cast %swap3A_46 : vector<1x16xf32> to vector<16xf32>
      %swap3A_48 = vector.shape_cast %broadcast_in_dim3A_1 : vector<16xf32> to vector<1x16xf32>
      tpu.vector_store %arg10[%swap3A_44, %swap3A_45], %swap3A_48 {strides = array<i32>} : memref<80x128xf32, #tpu.memory_space<vmem>>, vector<1x16xf32>,
      %swap3A_49 = arith.index_cast %scan3A_34 : i32 to index
      %swap3A_50 = arith.constant 48 : index
      %swap3A_51 = tpu.vector_load %arg10[%swap3A_49, %swap3A_50] {strides = array<i32>} : memref<80x128xf32, #tpu.memory_space<vmem>>, vector<1x16xf32>,
      %swap3A_52 = vector.shape_cast %swap3A_51 : vector<1x16xf32> to vector<16xf32>
      %swap3A_53 = vector.shape_cast %broadcast_in_dim3A_1 : vector<16xf32> to vector<1x16xf32>
      tpu.vector_store %arg10[%swap3A_49, %swap3A_50], %swap3A_53 {strides = array<i32>} : memref<80x128xf32, #tpu.memory_space<vmem>>, vector<1x16xf32>,
      %swap3A_54 = arith.index_cast %scan3A_34 : i32 to index
      %swap3A_55 = arith.constant 64 : index
      %swap3A_56 = tpu.vector_load %arg10[%swap3A_54, %swap3A_55] {strides = array<i32>} : memref<80x128xf32, #tpu.memory_space<vmem>>, vector<1x16xf32>,
      %swap3A_57 = vector.shape_cast %swap3A_56 : vector<1x16xf32> to vector<16xf32>
      %swap3A_58 = vector.shape_cast %broadcast_in_dim3A_1 : vector<16xf32> to vector<1x16xf32>
      tpu.vector_store %arg10[%swap3A_54, %swap3A_55], %swap3A_58 {strides = array<i32>} : memref<80x128xf32, #tpu.memory_space<vmem>>, vector<1x16xf32>,
      %swap3A_59 = arith.index_cast %scan3A_34 : i32 to index
      %swap3A_60 = arith.constant 80 : index
      %swap3A_61 = tpu.vector_load %arg10[%swap3A_59, %swap3A_60] {strides = array<i32>} : memref<80x128xf32, #tpu.memory_space<vmem>>, vector<1x16xf32>,
      %swap3A_62 = vector.shape_cast %swap3A_61 : vector<1x16xf32> to vector<16xf32>
      %swap3A_63 = vector.shape_cast %broadcast_in_dim3A_1 : vector<16xf32> to vector<1x16xf32>
      tpu.vector_store %arg10[%swap3A_59, %swap3A_60], %swap3A_63 {strides = array<i32>} : memref<80x128xf32, #tpu.memory_space<vmem>>, vector<1x16xf32>,
      %swap3A_64 = arith.index_cast %scan3A_34 : i32 to index
      %swap3A_65 = arith.constant 96 : index
      %swap3A_66 = tpu.vector_load %arg10[%swap3A_64, %swap3A_65] {strides = array<i32>} : memref<80x128xf32, #tpu.memory_space<vmem>>, vector<1x16xf32>,
      %swap3A_67 = vector.shape_cast %swap3A_66 : vector<1x16xf32> to vector<16xf32>
      %swap3A_68 = vector.shape_cast %broadcast_in_dim3A_1 : vector<16xf32> to vector<1x16xf32>
      tpu.vector_store %arg10[%swap3A_64, %swap3A_65], %swap3A_68 {strides = array<i32>} : memref<80x128xf32, #tpu.memory_space<vmem>>, vector<1x16xf32>,
      %swap3A_69 = arith.index_cast %scan3A_34 : i32 to index
      %swap3A_70 = arith.constant 112 : index
      %swap3A_71 = tpu.vector_load %arg10[%swap3A_69, %swap3A_70] {strides = array<i32>} : memref<80x128xf32, #tpu.memory_space<vmem>>, vector<1x16xf32>,
      %swap3A_72 = vector.shape_cast %swap3A_71 : vector<1x16xf32> to vector<16xf32>
      %swap3A_73 = vector.shape_cast %broadcast_in_dim3A_1 : vector<16xf32> to vector<1x16xf32>
      tpu.vector_store %arg10[%swap3A_69, %swap3A_70], %swap3A_73 {strides = array<i32>} : memref<80x128xf32, #tpu.memory_space<vmem>>, vector<1x16xf32>,
    }
    %scan3A_6 = arith.constant 80 : i32
    %mul3A_7 = arith.constant 640 : i32
    %mul3A_8 = arith.muli %arg1, %mul3A_7 : i32
    %add3A_9 = arith.constant 0 : i32
    %add3A_10 = arith.addi %mul3A_8, %add3A_9 : i32
    "tpu.region"() ({
      %run_scoped3A = tpu.sem_alloc : memref<!tpu.dma_semaphore, #tpu.memory_space<semaphore_mem>>
      %dma_start3A = arith.constant 0 : i32
      %dma_start3A_34 = tpu.memref_slice %arg7[%add3A_10, %dma_start3A] : memref<10240x128xf32, #tpu.memory_space<vmem_shared>> -> memref<80x128xf32, #tpu.memory_space<vmem_shared>>
      %dma_start3A_35 = arith.constant 0 : i32
      %dma_start3A_36 = tpu.memref_slice %arg7[%add3A_10, %dma_start3A_35] : memref<10240x128xf32, #tpu.memory_space<vmem_shared>> -> memref<80x128xf32, #tpu.memory_space<vmem_shared>>
      tpu.enqueue_dma source(%arg10 : memref<80x128xf32, #tpu.memory_space<vmem>>) target(%dma_start3A_36 : memref<80x128xf32, #tpu.memory_space<vmem_shared>>) target_semaphore(%run_scoped3A : memref<!tpu.dma_semaphore, #tpu.memory_space<semaphore_mem>>)
      %dma_wait3A = arith.constant 0 : i32
      %dma_wait3A_37 = tpu.memref_slice %arg7[%add3A_10, %dma_wait3A] : memref<10240x128xf32, #tpu.memory_space<vmem_shared>> -> memref<80x128xf32, #tpu.memory_space<vmem_shared>>
      %dma_wait3A_38 = arith.constant 0 : i32
      %dma_wait3A_39 = tpu.memref_slice %arg7[%add3A_10, %dma_wait3A_38] : memref<10240x128xf32, #tpu.memory_space<vmem_shared>> -> memref<80x128xf32, #tpu.memory_space<vmem_shared>>
      tpu.wait_dma2 semaphore(%run_scoped3A : memref<!tpu.dma_semaphore, #tpu.memory_space<semaphore_mem>>) src(%arg10 : memref<80x128xf32, #tpu.memory_space<vmem>>) dst(%dma_wait3A_39 : memref<80x128xf32, #tpu.memory_space<vmem_shared>>)
      tpu.yield
    }) : () -> ()
    %add3A_11 = arith.constant 80 : i32
    %add3A_12 = arith.addi %mul3A_8, %add3A_11 : i32
    "tpu.region"() ({
      %run_scoped3A = tpu.sem_alloc : memref<!tpu.dma_semaphore, #tpu.memory_space<semaphore_mem>>
      %dma_start3A = arith.constant 0 : i32
      %dma_start3A_34 = tpu.memref_slice %arg7[%add3A_12, %dma_start3A] : memref<10240x128xf32, #tpu.memory_space<vmem_shared>> -> memref<80x128xf32, #tpu.memory_space<vmem_shared>>
      %dma_start3A_35 = arith.constant 0 : i32
      %dma_start3A_36 = tpu.memref_slice %arg7[%add3A_12, %dma_start3A_35] : memref<10240x128xf32, #tpu.memory_space<vmem_shared>> -> memref<80x128xf32, #tpu.memory_space<vmem_shared>>
      tpu.enqueue_dma source(%arg10 : memref<80x128xf32, #tpu.memory_space<vmem>>) target(%dma_start3A_36 : memref<80x128xf32, #tpu.memory_space<vmem_shared>>) target_semaphore(%run_scoped3A : memref<!tpu.dma_semaphore, #tpu.memory_space<semaphore_mem>>)
      %dma_wait3A = arith.constant 0 : i32
      %dma_wait3A_37 = tpu.memref_slice %arg7[%add3A_12, %dma_wait3A] : memref<10240x128xf32, #tpu.memory_space<vmem_shared>> -> memref<80x128xf32, #tpu.memory_space<vmem_shared>>
      %dma_wait3A_38 = arith.constant 0 : i32
      %dma_wait3A_39 = tpu.memref_slice %arg7[%add3A_12, %dma_wait3A_38] : memref<10240x128xf32, #tpu.memory_space<vmem_shared>> -> memref<80x128xf32, #tpu.memory_space<vmem_shared>>
      tpu.wait_dma2 semaphore(%run_scoped3A : memref<!tpu.dma_semaphore, #tpu.memory_space<semaphore_mem>>) src(%arg10 : memref<80x128xf32, #tpu.memory_space<vmem>>) dst(%dma_wait3A_39 : memref<80x128xf32, #tpu.memory_space<vmem_shared>>)
      tpu.yield
    }) : () -> ()
    %add3A_13 = arith.constant 160 : i32
    %add3A_14 = arith.addi %mul3A_8, %add3A_13 : i32
    "tpu.region"() ({
      %run_scoped3A = tpu.sem_alloc : memref<!tpu.dma_semaphore, #tpu.memory_space<semaphore_mem>>
      %dma_start3A = arith.constant 0 : i32
      %dma_start3A_34 = tpu.memref_slice %arg7[%add3A_14, %dma_start3A] : memref<10240x128xf32, #tpu.memory_space<vmem_shared>> -> memref<80x128xf32, #tpu.memory_space<vmem_shared>>
      %dma_start3A_35 = arith.constant 0 : i32
      %dma_start3A_36 = tpu.memref_slice %arg7[%add3A_14, %dma_start3A_35] : memref<10240x128xf32, #tpu.memory_space<vmem_shared>> -> memref<80x128xf32, #tpu.memory_space<vmem_shared>>
      tpu.enqueue_dma source(%arg10 : memref<80x128xf32, #tpu.memory_space<vmem>>) target(%dma_start3A_36 : memref<80x128xf32, #tpu.memory_space<vmem_shared>>) target_semaphore(%run_scoped3A : memref<!tpu.dma_semaphore, #tpu.memory_space<semaphore_mem>>)
      %dma_wait3A = arith.constant 0 : i32
      %dma_wait3A_37 = tpu.memref_slice %arg7[%add3A_14, %dma_wait3A] : memref<10240x128xf32, #tpu.memory_space<vmem_shared>> -> memref<80x128xf32, #tpu.memory_space<vmem_shared>>
      %dma_wait3A_38 = arith.constant 0 : i32
      %dma_wait3A_39 = tpu.memref_slice %arg7[%add3A_14, %dma_wait3A_38] : memref<10240x128xf32, #tpu.memory_space<vmem_shared>> -> memref<80x128xf32, #tpu.memory_space<vmem_shared>>
      tpu.wait_dma2 semaphore(%run_scoped3A : memref<!tpu.dma_semaphore, #tpu.memory_space<semaphore_mem>>) src(%arg10 : memref<80x128xf32, #tpu.memory_space<vmem>>) dst(%dma_wait3A_39 : memref<80x128xf32, #tpu.memory_space<vmem_shared>>)
      tpu.yield
    }) : () -> ()
    %add3A_15 = arith.constant 240 : i32
    %add3A_16 = arith.addi %mul3A_8, %add3A_15 : i32
    "tpu.region"() ({
      %run_scoped3A = tpu.sem_alloc : memref<!tpu.dma_semaphore, #tpu.memory_space<semaphore_mem>>
      %dma_start3A = arith.constant 0 : i32
      %dma_start3A_34 = tpu.memref_slice %arg7[%add3A_16, %dma_start3A] : memref<10240x128xf32, #tpu.memory_space<vmem_shared>> -> memref<80x128xf32, #tpu.memory_space<vmem_shared>>
      %dma_start3A_35 = arith.constant 0 : i32
      %dma_start3A_36 = tpu.memref_slice %arg7[%add3A_16, %dma_start3A_35] : memref<10240x128xf32, #tpu.memory_space<vmem_shared>> -> memref<80x128xf32, #tpu.memory_space<vmem_shared>>
      tpu.enqueue_dma source(%arg10 : memref<80x128xf32, #tpu.memory_space<vmem>>) target(%dma_start3A_36 : memref<80x128xf32, #tpu.memory_space<vmem_shared>>) target_semaphore(%run_scoped3A : memref<!tpu.dma_semaphore, #tpu.memory_space<semaphore_mem>>)
      %dma_wait3A = arith.constant 0 : i32
      %dma_wait3A_37 = tpu.memref_slice %arg7[%add3A_16, %dma_wait3A] : memref<10240x128xf32, #tpu.memory_space<vmem_shared>> -> memref<80x128xf32, #tpu.memory_space<vmem_shared>>
      %dma_wait3A_38 = arith.constant 0 : i32
      %dma_wait3A_39 = tpu.memref_slice %arg7[%add3A_16, %dma_wait3A_38] : memref<10240x128xf32, #tpu.memory_space<vmem_shared>> -> memref<80x128xf32, #tpu.memory_space<vmem_shared>>
      tpu.wait_dma2 semaphore(%run_scoped3A : memref<!tpu.dma_semaphore, #tpu.memory_space<semaphore_mem>>) src(%arg10 : memref<80x128xf32, #tpu.memory_space<vmem>>) dst(%dma_wait3A_39 : memref<80x128xf32, #tpu.memory_space<vmem_shared>>)
      tpu.yield
    }) : () -> ()
    %add3A_17 = arith.constant 320 : i32
    %add3A_18 = arith.addi %mul3A_8, %add3A_17 : i32
    "tpu.region"() ({
      %run_scoped3A = tpu.sem_alloc : memref<!tpu.dma_semaphore, #tpu.memory_space<semaphore_mem>>
      %dma_start3A = arith.constant 0 : i32
      %dma_start3A_34 = tpu.memref_slice %arg7[%add3A_18, %dma_start3A] : memref<10240x128xf32, #tpu.memory_space<vmem_shared>> -> memref<80x128xf32, #tpu.memory_space<vmem_shared>>
      %dma_start3A_35 = arith.constant 0 : i32
      %dma_start3A_36 = tpu.memref_slice %arg7[%add3A_18, %dma_start3A_35] : memref<10240x128xf32, #tpu.memory_space<vmem_shared>> -> memref<80x128xf32, #tpu.memory_space<vmem_shared>>
      tpu.enqueue_dma source(%arg10 : memref<80x128xf32, #tpu.memory_space<vmem>>) target(%dma_start3A_36 : memref<80x128xf32, #tpu.memory_space<vmem_shared>>) target_semaphore(%run_scoped3A : memref<!tpu.dma_semaphore, #tpu.memory_space<semaphore_mem>>)
      %dma_wait3A = arith.constant 0 : i32
      %dma_wait3A_37 = tpu.memref_slice %arg7[%add3A_18, %dma_wait3A] : memref<10240x128xf32, #tpu.memory_space<vmem_shared>> -> memref<80x128xf32, #tpu.memory_space<vmem_shared>>
      %dma_wait3A_38 = arith.constant 0 : i32
      %dma_wait3A_39 = tpu.memref_slice %arg7[%add3A_18, %dma_wait3A_38] : memref<10240x128xf32, #tpu.memory_space<vmem_shared>> -> memref<80x128xf32, #tpu.memory_space<vmem_shared>>
      tpu.wait_dma2 semaphore(%run_scoped3A : memref<!tpu.dma_semaphore, #tpu.memory_space<semaphore_mem>>) src(%arg10 : memref<80x128xf32, #tpu.memory_space<vmem>>) dst(%dma_wait3A_39 : memref<80x128xf32, #tpu.memory_space<vmem_shared>>)
      tpu.yield
    }) : () -> ()
    %add3A_19 = arith.constant 400 : i32
    %add3A_20 = arith.addi %mul3A_8, %add3A_19 : i32
    "tpu.region"() ({
      %run_scoped3A = tpu.sem_alloc : memref<!tpu.dma_semaphore, #tpu.memory_space<semaphore_mem>>
      %dma_start3A = arith.constant 0 : i32
      %dma_start3A_34 = tpu.memref_slice %arg7[%add3A_20, %dma_start3A] : memref<10240x128xf32, #tpu.memory_space<vmem_shared>> -> memref<80x128xf32, #tpu.memory_space<vmem_shared>>
      %dma_start3A_35 = arith.constant 0 : i32
      %dma_start3A_36 = tpu.memref_slice %arg7[%add3A_20, %dma_start3A_35] : memref<10240x128xf32, #tpu.memory_space<vmem_shared>> -> memref<80x128xf32, #tpu.memory_space<vmem_shared>>
      tpu.enqueue_dma source(%arg10 : memref<80x128xf32, #tpu.memory_space<vmem>>) target(%dma_start3A_36 : memref<80x128xf32, #tpu.memory_space<vmem_shared>>) target_semaphore(%run_scoped3A : memref<!tpu.dma_semaphore, #tpu.memory_space<semaphore_mem>>)
      %dma_wait3A = arith.constant 0 : i32
      %dma_wait3A_37 = tpu.memref_slice %arg7[%add3A_20, %dma_wait3A] : memref<10240x128xf32, #tpu.memory_space<vmem_shared>> -> memref<80x128xf32, #tpu.memory_space<vmem_shared>>
      %dma_wait3A_38 = arith.constant 0 : i32
      %dma_wait3A_39 = tpu.memref_slice %arg7[%add3A_20, %dma_wait3A_38] : memref<10240x128xf32, #tpu.memory_space<vmem_shared>> -> memref<80x128xf32, #tpu.memory_space<vmem_shared>>
      tpu.wait_dma2 semaphore(%run_scoped3A : memref<!tpu.dma_semaphore, #tpu.memory_space<semaphore_mem>>) src(%arg10 : memref<80x128xf32, #tpu.memory_space<vmem>>) dst(%dma_wait3A_39 : memref<80x128xf32, #tpu.memory_space<vmem_shared>>)
      tpu.yield
    }) : () -> ()
    %add3A_21 = arith.constant 480 : i32
    %add3A_22 = arith.addi %mul3A_8, %add3A_21 : i32
    "tpu.region"() ({
      %run_scoped3A = tpu.sem_alloc : memref<!tpu.dma_semaphore, #tpu.memory_space<semaphore_mem>>
      %dma_start3A = arith.constant 0 : i32
      %dma_start3A_34 = tpu.memref_slice %arg7[%add3A_22, %dma_start3A] : memref<10240x128xf32, #tpu.memory_space<vmem_shared>> -> memref<80x128xf32, #tpu.memory_space<vmem_shared>>
      %dma_start3A_35 = arith.constant 0 : i32
      %dma_start3A_36 = tpu.memref_slice %arg7[%add3A_22, %dma_start3A_35] : memref<10240x128xf32, #tpu.memory_space<vmem_shared>> -> memref<80x128xf32, #tpu.memory_space<vmem_shared>>
      tpu.enqueue_dma source(%arg10 : memref<80x128xf32, #tpu.memory_space<vmem>>) target(%dma_start3A_36 : memref<80x128xf32, #tpu.memory_space<vmem_shared>>) target_semaphore(%run_scoped3A : memref<!tpu.dma_semaphore, #tpu.memory_space<semaphore_mem>>)
      %dma_wait3A = arith.constant 0 : i32
      %dma_wait3A_37 = tpu.memref_slice %arg7[%add3A_22, %dma_wait3A] : memref<10240x128xf32, #tpu.memory_space<vmem_shared>> -> memref<80x128xf32, #tpu.memory_space<vmem_shared>>
      %dma_wait3A_38 = arith.constant 0 : i32
      %dma_wait3A_39 = tpu.memref_slice %arg7[%add3A_22, %dma_wait3A_38] : memref<10240x128xf32, #tpu.memory_space<vmem_shared>> -> memref<80x128xf32, #tpu.memory_space<vmem_shared>>
      tpu.wait_dma2 semaphore(%run_scoped3A : memref<!tpu.dma_semaphore, #tpu.memory_space<semaphore_mem>>) src(%arg10 : memref<80x128xf32, #tpu.memory_space<vmem>>) dst(%dma_wait3A_39 : memref<80x128xf32, #tpu.memory_space<vmem_shared>>)
      tpu.yield
    }) : () -> ()
    %add3A_23 = arith.constant 560 : i32
    %add3A_24 = arith.addi %mul3A_8, %add3A_23 : i32
    "tpu.region"() ({
      %run_scoped3A = tpu.sem_alloc : memref<!tpu.dma_semaphore, #tpu.memory_space<semaphore_mem>>
      %dma_start3A = arith.constant 0 : i32
      %dma_start3A_34 = tpu.memref_slice %arg7[%add3A_24, %dma_start3A] : memref<10240x128xf32, #tpu.memory_space<vmem_shared>> -> memref<80x128xf32, #tpu.memory_space<vmem_shared>>
      %dma_start3A_35 = arith.constant 0 : i32
      %dma_start3A_36 = tpu.memref_slice %arg7[%add3A_24, %dma_start3A_35] : memref<10240x128xf32, #tpu.memory_space<vmem_shared>> -> memref<80x128xf32, #tpu.memory_space<vmem_shared>>
      tpu.enqueue_dma source(%arg10 : memref<80x128xf32, #tpu.memory_space<vmem>>) target(%dma_start3A_36 : memref<80x128xf32, #tpu.memory_space<vmem_shared>>) target_semaphore(%run_scoped3A : memref<!tpu.dma_semaphore, #tpu.memory_space<semaphore_mem>>)
      %dma_wait3A = arith.constant 0 : i32
      %dma_wait3A_37 = tpu.memref_slice %arg7[%add3A_24, %dma_wait3A] : memref<10240x128xf32, #tpu.memory_space<vmem_shared>> -> memref<80x128xf32, #tpu.memory_space<vmem_shared>>
      %dma_wait3A_38 = arith.constant 0 : i32
      %dma_wait3A_39 = tpu.memref_slice %arg7[%add3A_24, %dma_wait3A_38] : memref<10240x128xf32, #tpu.memory_space<vmem_shared>> -> memref<80x128xf32, #tpu.memory_space<vmem_shared>>
      tpu.wait_dma2 semaphore(%run_scoped3A : memref<!tpu.dma_semaphore, #tpu.memory_space<semaphore_mem>>) src(%arg10 : memref<80x128xf32, #tpu.memory_space<vmem>>) dst(%dma_wait3A_39 : memref<80x128xf32, #tpu.memory_space<vmem_shared>>)
      tpu.yield
    }) : () -> ()
    %barrier3A = arith.constant 0 : index
    tpu.barrier barrier_id(%barrier3A)
    %mul3A_25 = arith.constant 20000 : i32
    %mul3A_26 = arith.muli %add3A, %mul3A_25 : i32
    %scan3A_27 = arith.constant 0 : i32
    %scan3A_28 = arith.constant 0 : i32
    %scan3A_29 = arith.constant 250 : i32
    %scan3A_30 = arith.addi %scan3A_28, %scan3A_29 : i32
    %scan3A_31 = arith.constant 1 : i32
    scf.for %scan3A_34 = %scan3A_28 to %scan3A_30 step %scan3A_31  : i32 {
      %mul3A_35 = arith.constant 80 : i32
      %mul3A_36 = arith.muli %scan3A_34, %mul3A_35 : i32
      %add3A_37 = arith.addi %mul3A_26, %mul3A_36 : i32
      "tpu.region"() ({
        %run_scoped3A = tpu.sem_alloc : memref<!tpu.dma_semaphore, #tpu.memory_space<semaphore_mem>>
        %dma_start3A_54 = tpu.memref_slice %arg4[%add3A_37] : memref<640000xi32, #tpu.memory_space<hbm>> -> memref<80xi32, #tpu.memory_space<hbm>>
        %dma_start3A_55 = tpu.memref_slice %arg4[%add3A_37] : memref<640000xi32, #tpu.memory_space<hbm>> -> memref<80xi32, #tpu.memory_space<hbm>>
        tpu.enqueue_dma source(%dma_start3A_55 : memref<80xi32, #tpu.memory_space<hbm>>) target(%arg8 : memref<80xi32, #tpu.memory_space<vmem>>) target_semaphore(%run_scoped3A : memref<!tpu.dma_semaphore, #tpu.memory_space<semaphore_mem>>)
        %dma_wait3A_56 = tpu.memref_slice %arg4[%add3A_37] : memref<640000xi32, #tpu.memory_space<hbm>> -> memref<80xi32, #tpu.memory_space<hbm>>
        %dma_wait3A_57 = tpu.memref_slice %arg4[%add3A_37] : memref<640000xi32, #tpu.memory_space<hbm>> -> memref<80xi32, #tpu.memory_space<hbm>>
        tpu.wait_dma2 semaphore(%run_scoped3A : memref<!tpu.dma_semaphore, #tpu.memory_space<semaphore_mem>>) src(%dma_wait3A_57 : memref<80xi32, #tpu.memory_space<hbm>>) dst(%arg8 : memref<80xi32, #tpu.memory_space<vmem>>)
        tpu.yield
      }) : () -> ()
      "tpu.region"() ({
        %run_scoped3A = tpu.sem_alloc : memref<!tpu.dma_semaphore, #tpu.memory_space<semaphore_mem>>
        %dma_start3A_54 = tpu.memref_slice %arg5[%add3A_37] : memref<640000xi32, #tpu.memory_space<hbm>> -> memref<80xi32, #tpu.memory_space<hbm>>
        %dma_start3A_55 = tpu.memref_slice %arg5[%add3A_37] : memref<640000xi32, #tpu.memory_space<hbm>> -> memref<80xi32, #tpu.memory_space<hbm>>
        tpu.enqueue_dma source(%dma_start3A_55 : memref<80xi32, #tpu.memory_space<hbm>>) target(%arg9 : memref<80xi32, #tpu.memory_space<vmem>>) target_semaphore(%run_scoped3A : memref<!tpu.dma_semaphore, #tpu.memory_space<semaphore_mem>>)
        %dma_wait3A_56 = tpu.memref_slice %arg5[%add3A_37] : memref<640000xi32, #tpu.memory_space<hbm>> -> memref<80xi32, #tpu.memory_space<hbm>>
        %dma_wait3A_57 = tpu.memref_slice %arg5[%add3A_37] : memref<640000xi32, #tpu.memory_space<hbm>> -> memref<80xi32, #tpu.memory_space<hbm>>
        tpu.wait_dma2 semaphore(%run_scoped3A : memref<!tpu.dma_semaphore, #tpu.memory_space<semaphore_mem>>) src(%dma_wait3A_57 : memref<80xi32, #tpu.memory_space<hbm>>) dst(%arg9 : memref<80xi32, #tpu.memory_space<vmem>>)
        tpu.yield
      }) : () -> ()
      %dma_start3A = arith.constant 0 : i32
      %dma_start3A_38 = arith.constant 0 : i32
      %dma_start3A_39 = tpu.memref_slice %arg2[%dma_start3A, %dma_start3A_38] : memref<10000x128xf32, #tpu.memory_space<hbm>> -> memref<10000x128xf32, #tpu.memory_space<hbm>>
      tpu.enqueue_indirect_dma source(%dma_start3A_39 : memref<10000x128xf32, #tpu.memory_space<hbm>>) target(%arg10 : memref<80x128xf32, #tpu.memory_space<vmem>>) offsets(%arg8 : memref<80xi32, #tpu.memory_space<vmem>>) semaphore(%arg12 : memref<!tpu.dma_semaphore, #tpu.memory_space<semaphore_mem>>)
      %dma_start3A_40 = arith.constant 0 : i32
      %dma_start3A_41 = arith.constant 0 : i32
      %dma_start3A_42 = tpu.memref_slice %arg3[%dma_start3A_40, %dma_start3A_41] : memref<10000x128xf32, #tpu.memory_space<hbm>> -> memref<10000x128xf32, #tpu.memory_space<hbm>>
      tpu.enqueue_indirect_dma source(%dma_start3A_42 : memref<10000x128xf32, #tpu.memory_space<hbm>>) target(%arg11 : memref<80x128xf32, #tpu.memory_space<vmem>>) offsets(%arg9 : memref<80xi32, #tpu.memory_space<vmem>>) semaphore(%arg12 : memref<!tpu.dma_semaphore, #tpu.memory_space<semaphore_mem>>)
      %dma_wait3A = arith.constant 0 : i32
      %dma_wait3A_43 = arith.constant 0 : i32
      %dma_wait3A_44 = tpu.memref_slice %arg2[%dma_wait3A, %dma_wait3A_43] : memref<10000x128xf32, #tpu.memory_space<hbm>> -> memref<10000x128xf32, #tpu.memory_space<hbm>>
      tpu.wait_indirect_dma semaphore(%arg12 : memref<!tpu.dma_semaphore, #tpu.memory_space<semaphore_mem>>) src(%dma_wait3A_44 : memref<10000x128xf32, #tpu.memory_space<hbm>>) dst(%arg10 : memref<80x128xf32, #tpu.memory_space<vmem>>)
      %dma_wait3A_45 = arith.constant 0 : i32
      %dma_wait3A_46 = arith.constant 0 : i32
      %dma_wait3A_47 = tpu.memref_slice %arg3[%dma_wait3A_45, %dma_wait3A_46] : memref<10000x128xf32, #tpu.memory_space<hbm>> -> memref<10000x128xf32, #tpu.memory_space<hbm>>
      tpu.wait_indirect_dma semaphore(%arg12 : memref<!tpu.dma_semaphore, #tpu.memory_space<semaphore_mem>>) src(%dma_wait3A_47 : memref<10000x128xf32, #tpu.memory_space<hbm>>) dst(%arg11 : memref<80x128xf32, #tpu.memory_space<vmem>>)
      %scan3A_48 = arith.constant 0 : i32
      %scan3A_49 = arith.constant 0 : i32
      %scan3A_50 = arith.constant 80 : i32
      %scan3A_51 = arith.addi %scan3A_49, %scan3A_50 : i32
      %scan3A_52 = arith.constant 1 : i32
      scf.for %scan3A_54 = %scan3A_49 to %scan3A_51 step %scan3A_52  : i32 {
        %get3A = arith.index_cast %scan3A_54 : i32 to index
        %get3A_55 = arith.constant 0 : index
        %get3A_56 = tpu.vector_load %arg10[%get3A, %get3A_55] {strides = array<i32>} : memref<80x128xf32, #tpu.memory_space<vmem>>, vector<1x16xf32>,
        %get3A_57 = vector.shape_cast %get3A_56 : vector<1x16xf32> to vector<16xf32>
        %get3A_58 = arith.index_cast %scan3A_54 : i32 to index
        %get3A_59 = arith.constant 0 : index
        %get3A_60 = tpu.vector_load %arg11[%get3A_58, %get3A_59] {strides = array<i32>} : memref<80x128xf32, #tpu.memory_space<vmem>>, vector<1x16xf32>,
        %get3A_61 = vector.shape_cast %get3A_60 : vector<1x16xf32> to vector<16xf32>
        %add3A_62 = arith.addf %get3A_57, %get3A_61 : vector<16xf32>
        %gt3A = arith.constant 0.000000e+00 : f32
        %gt3A_63 = vector.broadcast %gt3A : f32 to vector<16xf32>
        %gt3A_64 = arith.cmpf ogt, %add3A_62, %gt3A_63 : vector<16xf32>
        %exp3A = math.exp %add3A_62 : vector<16xf32>
        %sub3A = arith.constant 1.000000e+00 : f32
        %sub3A_65 = vector.broadcast %sub3A : f32 to vector<16xf32>
        %sub3A_66 = arith.subf %exp3A, %sub3A_65 : vector<16xf32>
        %mul3A_67 = arith.constant 1.67326319 : f32
        %mul3A_68 = vector.broadcast %mul3A_67 : f32 to vector<16xf32>
        %mul3A_69 = arith.mulf %mul3A_68, %sub3A_66 : vector<16xf32>
        %select_n3A = arith.select %gt3A_64, %add3A_62, %mul3A_69 : vector<16xi1>, vector<16xf32>
        %mul3A_70 = arith.constant 1.05070102 : f32
        %mul3A_71 = vector.broadcast %mul3A_70 : f32 to vector<16xf32>
        %mul3A_72 = arith.mulf %mul3A_71, %select_n3A : vector<16xf32>
        %swap3A = arith.index_cast %scan3A_54 : i32 to index
        %swap3A_73 = arith.constant 0 : index
        %swap3A_74 = tpu.vector_load %arg10[%swap3A, %swap3A_73] {strides = array<i32>} : memref<80x128xf32, #tpu.memory_space<vmem>>, vector<1x16xf32>,
        %swap3A_75 = vector.shape_cast %swap3A_74 : vector<1x16xf32> to vector<16xf32>
        %swap3A_76 = vector.shape_cast %mul3A_72 : vector<16xf32> to vector<1x16xf32>
        tpu.vector_store %arg10[%swap3A, %swap3A_73], %swap3A_76 {strides = array<i32>} : memref<80x128xf32, #tpu.memory_space<vmem>>, vector<1x16xf32>,
        %get3A_77 = arith.index_cast %scan3A_54 : i32 to index
        %get3A_78 = arith.constant 16 : index
        %get3A_79 = tpu.vector_load %arg10[%get3A_77, %get3A_78] {strides = array<i32>} : memref<80x128xf32, #tpu.memory_space<vmem>>, vector<1x16xf32>,
        %get3A_80 = vector.shape_cast %get3A_79 : vector<1x16xf32> to vector<16xf32>
        %get3A_81 = arith.index_cast %scan3A_54 : i32 to index
        %get3A_82 = arith.constant 16 : index
        %get3A_83 = tpu.vector_load %arg11[%get3A_81, %get3A_82] {strides = array<i32>} : memref<80x128xf32, #tpu.memory_space<vmem>>, vector<1x16xf32>,
        %get3A_84 = vector.shape_cast %get3A_83 : vector<1x16xf32> to vector<16xf32>
        %add3A_85 = arith.addf %get3A_80, %get3A_84 : vector<16xf32>
        %gt3A_86 = arith.constant 0.000000e+00 : f32
        %gt3A_87 = vector.broadcast %gt3A_86 : f32 to vector<16xf32>
        %gt3A_88 = arith.cmpf ogt, %add3A_85, %gt3A_87 : vector<16xf32>
        %exp3A_89 = math.exp %add3A_85 : vector<16xf32>
        %sub3A_90 = arith.constant 1.000000e+00 : f32
        %sub3A_91 = vector.broadcast %sub3A_90 : f32 to vector<16xf32>
        %sub3A_92 = arith.subf %exp3A_89, %sub3A_91 : vector<16xf32>
        %mul3A_93 = arith.constant 1.67326319 : f32
        %mul3A_94 = vector.broadcast %mul3A_93 : f32 to vector<16xf32>
        %mul3A_95 = arith.mulf %mul3A_94, %sub3A_92 : vector<16xf32>
        %select_n3A_96 = arith.select %gt3A_88, %add3A_85, %mul3A_95 : vector<16xi1>, vector<16xf32>
        %mul3A_97 = arith.constant 1.05070102 : f32
        %mul3A_98 = vector.broadcast %mul3A_97 : f32 to vector<16xf32>
        %mul3A_99 = arith.mulf %mul3A_98, %select_n3A_96 : vector<16xf32>
        %swap3A_100 = arith.index_cast %scan3A_54 : i32 to index
        %swap3A_101 = arith.constant 16 : index
        %swap3A_102 = tpu.vector_load %arg10[%swap3A_100, %swap3A_101] {strides = array<i32>} : memref<80x128xf32, #tpu.memory_space<vmem>>, vector<1x16xf32>,
        %swap3A_103 = vector.shape_cast %swap3A_102 : vector<1x16xf32> to vector<16xf32>
        %swap3A_104 = vector.shape_cast %mul3A_99 : vector<16xf32> to vector<1x16xf32>
        tpu.vector_store %arg10[%swap3A_100, %swap3A_101], %swap3A_104 {strides = array<i32>} : memref<80x128xf32, #tpu.memory_space<vmem>>, vector<1x16xf32>,
        %get3A_105 = arith.index_cast %scan3A_54 : i32 to index
        %get3A_106 = arith.constant 32 : index
        %get3A_107 = tpu.vector_load %arg10[%get3A_105, %get3A_106] {strides = array<i32>} : memref<80x128xf32, #tpu.memory_space<vmem>>, vector<1x16xf32>,
        %get3A_108 = vector.shape_cast %get3A_107 : vector<1x16xf32> to vector<16xf32>
        %get3A_109 = arith.index_cast %scan3A_54 : i32 to index
        %get3A_110 = arith.constant 32 : index
        %get3A_111 = tpu.vector_load %arg11[%get3A_109, %get3A_110] {strides = array<i32>} : memref<80x128xf32, #tpu.memory_space<vmem>>, vector<1x16xf32>,
        %get3A_112 = vector.shape_cast %get3A_111 : vector<1x16xf32> to vector<16xf32>
        %add3A_113 = arith.addf %get3A_108, %get3A_112 : vector<16xf32>
        %gt3A_114 = arith.constant 0.000000e+00 : f32
        %gt3A_115 = vector.broadcast %gt3A_114 : f32 to vector<16xf32>
        %gt3A_116 = arith.cmpf ogt, %add3A_113, %gt3A_115 : vector<16xf32>
        %exp3A_117 = math.exp %add3A_113 : vector<16xf32>
        %sub3A_118 = arith.constant 1.000000e+00 : f32
        %sub3A_119 = vector.broadcast %sub3A_118 : f32 to vector<16xf32>
        %sub3A_120 = arith.subf %exp3A_117, %sub3A_119 : vector<16xf32>
        %mul3A_121 = arith.constant 1.67326319 : f32
        %mul3A_122 = vector.broadcast %mul3A_121 : f32 to vector<16xf32>
        %mul3A_123 = arith.mulf %mul3A_122, %sub3A_120 : vector<16xf32>
        %select_n3A_124 = arith.select %gt3A_116, %add3A_113, %mul3A_123 : vector<16xi1>, vector<16xf32>
        %mul3A_125 = arith.constant 1.05070102 : f32
        %mul3A_126 = vector.broadcast %mul3A_125 : f32 to vector<16xf32>
        %mul3A_127 = arith.mulf %mul3A_126, %select_n3A_124 : vector<16xf32>
        %swap3A_128 = arith.index_cast %scan3A_54 : i32 to index
        %swap3A_129 = arith.constant 32 : index
        %swap3A_130 = tpu.vector_load %arg10[%swap3A_128, %swap3A_129] {strides = array<i32>} : memref<80x128xf32, #tpu.memory_space<vmem>>, vector<1x16xf32>,
        %swap3A_131 = vector.shape_cast %swap3A_130 : vector<1x16xf32> to vector<16xf32>
        %swap3A_132 = vector.shape_cast %mul3A_127 : vector<16xf32> to vector<1x16xf32>
        tpu.vector_store %arg10[%swap3A_128, %swap3A_129], %swap3A_132 {strides = array<i32>} : memref<80x128xf32, #tpu.memory_space<vmem>>, vector<1x16xf32>,
        %get3A_133 = arith.index_cast %scan3A_54 : i32 to index
        %get3A_134 = arith.constant 48 : index
        %get3A_135 = tpu.vector_load %arg10[%get3A_133, %get3A_134] {strides = array<i32>} : memref<80x128xf32, #tpu.memory_space<vmem>>, vector<1x16xf32>,
        %get3A_136 = vector.shape_cast %get3A_135 : vector<1x16xf32> to vector<16xf32>
        %get3A_137 = arith.index_cast %scan3A_54 : i32 to index
        %get3A_138 = arith.constant 48 : index
        %get3A_139 = tpu.vector_load %arg11[%get3A_137, %get3A_138] {strides = array<i32>} : memref<80x128xf32, #tpu.memory_space<vmem>>, vector<1x16xf32>,
        %get3A_140 = vector.shape_cast %get3A_139 : vector<1x16xf32> to vector<16xf32>
        %add3A_141 = arith.addf %get3A_136, %get3A_140 : vector<16xf32>
        %gt3A_142 = arith.constant 0.000000e+00 : f32
        %gt3A_143 = vector.broadcast %gt3A_142 : f32 to vector<16xf32>
        %gt3A_144 = arith.cmpf ogt, %add3A_141, %gt3A_143 : vector<16xf32>
        %exp3A_145 = math.exp %add3A_141 : vector<16xf32>
        %sub3A_146 = arith.constant 1.000000e+00 : f32
        %sub3A_147 = vector.broadcast %sub3A_146 : f32 to vector<16xf32>
        %sub3A_148 = arith.subf %exp3A_145, %sub3A_147 : vector<16xf32>
        %mul3A_149 = arith.constant 1.67326319 : f32
        %mul3A_150 = vector.broadcast %mul3A_149 : f32 to vector<16xf32>
        %mul3A_151 = arith.mulf %mul3A_150, %sub3A_148 : vector<16xf32>
        %select_n3A_152 = arith.select %gt3A_144, %add3A_141, %mul3A_151 : vector<16xi1>, vector<16xf32>
        %mul3A_153 = arith.constant 1.05070102 : f32
        %mul3A_154 = vector.broadcast %mul3A_153 : f32 to vector<16xf32>
        %mul3A_155 = arith.mulf %mul3A_154, %select_n3A_152 : vector<16xf32>
        %swap3A_156 = arith.index_cast %scan3A_54 : i32 to index
        %swap3A_157 = arith.constant 48 : index
        %swap3A_158 = tpu.vector_load %arg10[%swap3A_156, %swap3A_157] {strides = array<i32>} : memref<80x128xf32, #tpu.memory_space<vmem>>, vector<1x16xf32>,
        %swap3A_159 = vector.shape_cast %swap3A_158 : vector<1x16xf32> to vector<16xf32>
        %swap3A_160 = vector.shape_cast %mul3A_155 : vector<16xf32> to vector<1x16xf32>
        tpu.vector_store %arg10[%swap3A_156, %swap3A_157], %swap3A_160 {strides = array<i32>} : memref<80x128xf32, #tpu.memory_space<vmem>>, vector<1x16xf32>,
        %get3A_161 = arith.index_cast %scan3A_54 : i32 to index
        %get3A_162 = arith.constant 64 : index
        %get3A_163 = tpu.vector_load %arg10[%get3A_161, %get3A_162] {strides = array<i32>} : memref<80x128xf32, #tpu.memory_space<vmem>>, vector<1x16xf32>,
        %get3A_164 = vector.shape_cast %get3A_163 : vector<1x16xf32> to vector<16xf32>
        %get3A_165 = arith.index_cast %scan3A_54 : i32 to index
        %get3A_166 = arith.constant 64 : index
        %get3A_167 = tpu.vector_load %arg11[%get3A_165, %get3A_166] {strides = array<i32>} : memref<80x128xf32, #tpu.memory_space<vmem>>, vector<1x16xf32>,
        %get3A_168 = vector.shape_cast %get3A_167 : vector<1x16xf32> to vector<16xf32>
        %add3A_169 = arith.addf %get3A_164, %get3A_168 : vector<16xf32>
        %gt3A_170 = arith.constant 0.000000e+00 : f32
        %gt3A_171 = vector.broadcast %gt3A_170 : f32 to vector<16xf32>
        %gt3A_172 = arith.cmpf ogt, %add3A_169, %gt3A_171 : vector<16xf32>
        %exp3A_173 = math.exp %add3A_169 : vector<16xf32>
        %sub3A_174 = arith.constant 1.000000e+00 : f32
        %sub3A_175 = vector.broadcast %sub3A_174 : f32 to vector<16xf32>
        %sub3A_176 = arith.subf %exp3A_173, %sub3A_175 : vector<16xf32>
        %mul3A_177 = arith.constant 1.67326319 : f32
        %mul3A_178 = vector.broadcast %mul3A_177 : f32 to vector<16xf32>
        %mul3A_179 = arith.mulf %mul3A_178, %sub3A_176 : vector<16xf32>
        %select_n3A_180 = arith.select %gt3A_172, %add3A_169, %mul3A_179 : vector<16xi1>, vector<16xf32>
        %mul3A_181 = arith.constant 1.05070102 : f32
        %mul3A_182 = vector.broadcast %mul3A_181 : f32 to vector<16xf32>
        %mul3A_183 = arith.mulf %mul3A_182, %select_n3A_180 : vector<16xf32>
        %swap3A_184 = arith.index_cast %scan3A_54 : i32 to index
        %swap3A_185 = arith.constant 64 : index
        %swap3A_186 = tpu.vector_load %arg10[%swap3A_184, %swap3A_185] {strides = array<i32>} : memref<80x128xf32, #tpu.memory_space<vmem>>, vector<1x16xf32>,
        %swap3A_187 = vector.shape_cast %swap3A_186 : vector<1x16xf32> to vector<16xf32>
        %swap3A_188 = vector.shape_cast %mul3A_183 : vector<16xf32> to vector<1x16xf32>
        tpu.vector_store %arg10[%swap3A_184, %swap3A_185], %swap3A_188 {strides = array<i32>} : memref<80x128xf32, #tpu.memory_space<vmem>>, vector<1x16xf32>,
        %get3A_189 = arith.index_cast %scan3A_54 : i32 to index
        %get3A_190 = arith.constant 80 : index
        %get3A_191 = tpu.vector_load %arg10[%get3A_189, %get3A_190] {strides = array<i32>} : memref<80x128xf32, #tpu.memory_space<vmem>>, vector<1x16xf32>,
        %get3A_192 = vector.shape_cast %get3A_191 : vector<1x16xf32> to vector<16xf32>
        %get3A_193 = arith.index_cast %scan3A_54 : i32 to index
        %get3A_194 = arith.constant 80 : index
        %get3A_195 = tpu.vector_load %arg11[%get3A_193, %get3A_194] {strides = array<i32>} : memref<80x128xf32, #tpu.memory_space<vmem>>, vector<1x16xf32>,
        %get3A_196 = vector.shape_cast %get3A_195 : vector<1x16xf32> to vector<16xf32>
        %add3A_197 = arith.addf %get3A_192, %get3A_196 : vector<16xf32>
        %gt3A_198 = arith.constant 0.000000e+00 : f32
        %gt3A_199 = vector.broadcast %gt3A_198 : f32 to vector<16xf32>
        %gt3A_200 = arith.cmpf ogt, %add3A_197, %gt3A_199 : vector<16xf32>
        %exp3A_201 = math.exp %add3A_197 : vector<16xf32>
        %sub3A_202 = arith.constant 1.000000e+00 : f32
        %sub3A_203 = vector.broadcast %sub3A_202 : f32 to vector<16xf32>
        %sub3A_204 = arith.subf %exp3A_201, %sub3A_203 : vector<16xf32>
        %mul3A_205 = arith.constant 1.67326319 : f32
        %mul3A_206 = vector.broadcast %mul3A_205 : f32 to vector<16xf32>
        %mul3A_207 = arith.mulf %mul3A_206, %sub3A_204 : vector<16xf32>
        %select_n3A_208 = arith.select %gt3A_200, %add3A_197, %mul3A_207 : vector<16xi1>, vector<16xf32>
        %mul3A_209 = arith.constant 1.05070102 : f32
        %mul3A_210 = vector.broadcast %mul3A_209 : f32 to vector<16xf32>
        %mul3A_211 = arith.mulf %mul3A_210, %select_n3A_208 : vector<16xf32>
        %swap3A_212 = arith.index_cast %scan3A_54 : i32 to index
        %swap3A_213 = arith.constant 80 : index
        %swap3A_214 = tpu.vector_load %arg10[%swap3A_212, %swap3A_213] {strides = array<i32>} : memref<80x128xf32, #tpu.memory_space<vmem>>, vector<1x16xf32>,
        %swap3A_215 = vector.shape_cast %swap3A_214 : vector<1x16xf32> to vector<16xf32>
        %swap3A_216 = vector.shape_cast %mul3A_211 : vector<16xf32> to vector<1x16xf32>
        tpu.vector_store %arg10[%swap3A_212, %swap3A_213], %swap3A_216 {strides = array<i32>} : memref<80x128xf32, #tpu.memory_space<vmem>>, vector<1x16xf32>,
        %get3A_217 = arith.index_cast %scan3A_54 : i32 to index
        %get3A_218 = arith.constant 96 : index
        %get3A_219 = tpu.vector_load %arg10[%get3A_217, %get3A_218] {strides = array<i32>} : memref<80x128xf32, #tpu.memory_space<vmem>>, vector<1x16xf32>,
        %get3A_220 = vector.shape_cast %get3A_219 : vector<1x16xf32> to vector<16xf32>
        %get3A_221 = arith.index_cast %scan3A_54 : i32 to index
        %get3A_222 = arith.constant 96 : index
        %get3A_223 = tpu.vector_load %arg11[%get3A_221, %get3A_222] {strides = array<i32>} : memref<80x128xf32, #tpu.memory_space<vmem>>, vector<1x16xf32>,
        %get3A_224 = vector.shape_cast %get3A_223 : vector<1x16xf32> to vector<16xf32>
        %add3A_225 = arith.addf %get3A_220, %get3A_224 : vector<16xf32>
        %gt3A_226 = arith.constant 0.000000e+00 : f32
        %gt3A_227 = vector.broadcast %gt3A_226 : f32 to vector<16xf32>
        %gt3A_228 = arith.cmpf ogt, %add3A_225, %gt3A_227 : vector<16xf32>
        %exp3A_229 = math.exp %add3A_225 : vector<16xf32>
        %sub3A_230 = arith.constant 1.000000e+00 : f32
        %sub3A_231 = vector.broadcast %sub3A_230 : f32 to vector<16xf32>
        %sub3A_232 = arith.subf %exp3A_229, %sub3A_231 : vector<16xf32>
        %mul3A_233 = arith.constant 1.67326319 : f32
        %mul3A_234 = vector.broadcast %mul3A_233 : f32 to vector<16xf32>
        %mul3A_235 = arith.mulf %mul3A_234, %sub3A_232 : vector<16xf32>
        %select_n3A_236 = arith.select %gt3A_228, %add3A_225, %mul3A_235 : vector<16xi1>, vector<16xf32>
        %mul3A_237 = arith.constant 1.05070102 : f32
        %mul3A_238 = vector.broadcast %mul3A_237 : f32 to vector<16xf32>
        %mul3A_239 = arith.mulf %mul3A_238, %select_n3A_236 : vector<16xf32>
        %swap3A_240 = arith.index_cast %scan3A_54 : i32 to index
        %swap3A_241 = arith.constant 96 : index
        %swap3A_242 = tpu.vector_load %arg10[%swap3A_240, %swap3A_241] {strides = array<i32>} : memref<80x128xf32, #tpu.memory_space<vmem>>, vector<1x16xf32>,
        %swap3A_243 = vector.shape_cast %swap3A_242 : vector<1x16xf32> to vector<16xf32>
        %swap3A_244 = vector.shape_cast %mul3A_239 : vector<16xf32> to vector<1x16xf32>
        tpu.vector_store %arg10[%swap3A_240, %swap3A_241], %swap3A_244 {strides = array<i32>} : memref<80x128xf32, #tpu.memory_space<vmem>>, vector<1x16xf32>,
        %get3A_245 = arith.index_cast %scan3A_54 : i32 to index
        %get3A_246 = arith.constant 112 : index
        %get3A_247 = tpu.vector_load %arg10[%get3A_245, %get3A_246] {strides = array<i32>} : memref<80x128xf32, #tpu.memory_space<vmem>>, vector<1x16xf32>,
        %get3A_248 = vector.shape_cast %get3A_247 : vector<1x16xf32> to vector<16xf32>
        %get3A_249 = arith.index_cast %scan3A_54 : i32 to index
        %get3A_250 = arith.constant 112 : index
        %get3A_251 = tpu.vector_load %arg11[%get3A_249, %get3A_250] {strides = array<i32>} : memref<80x128xf32, #tpu.memory_space<vmem>>, vector<1x16xf32>,
        %get3A_252 = vector.shape_cast %get3A_251 : vector<1x16xf32> to vector<16xf32>
        %add3A_253 = arith.addf %get3A_248, %get3A_252 : vector<16xf32>
        %gt3A_254 = arith.constant 0.000000e+00 : f32
        %gt3A_255 = vector.broadcast %gt3A_254 : f32 to vector<16xf32>
        %gt3A_256 = arith.cmpf ogt, %add3A_253, %gt3A_255 : vector<16xf32>
        %exp3A_257 = math.exp %add3A_253 : vector<16xf32>
        %sub3A_258 = arith.constant 1.000000e+00 : f32
        %sub3A_259 = vector.broadcast %sub3A_258 : f32 to vector<16xf32>
        %sub3A_260 = arith.subf %exp3A_257, %sub3A_259 : vector<16xf32>
        %mul3A_261 = arith.constant 1.67326319 : f32
        %mul3A_262 = vector.broadcast %mul3A_261 : f32 to vector<16xf32>
        %mul3A_263 = arith.mulf %mul3A_262, %sub3A_260 : vector<16xf32>
        %select_n3A_264 = arith.select %gt3A_256, %add3A_253, %mul3A_263 : vector<16xi1>, vector<16xf32>
        %mul3A_265 = arith.constant 1.05070102 : f32
        %mul3A_266 = vector.broadcast %mul3A_265 : f32 to vector<16xf32>
        %mul3A_267 = arith.mulf %mul3A_266, %select_n3A_264 : vector<16xf32>
        %swap3A_268 = arith.index_cast %scan3A_54 : i32 to index
        %swap3A_269 = arith.constant 112 : index
        %swap3A_270 = tpu.vector_load %arg10[%swap3A_268, %swap3A_269] {strides = array<i32>} : memref<80x128xf32, #tpu.memory_space<vmem>>, vector<1x16xf32>,
        %swap3A_271 = vector.shape_cast %swap3A_270 : vector<1x16xf32> to vector<16xf32>
        %swap3A_272 = vector.shape_cast %mul3A_267 : vector<16xf32> to vector<1x16xf32>
        tpu.vector_store %arg10[%swap3A_268, %swap3A_269], %swap3A_272 {strides = array<i32>} : memref<80x128xf32, #tpu.memory_space<vmem>>, vector<1x16xf32>,
      }
      %scan3A_53 = arith.constant 80 : i32
      "tpu.region"() ({
        %run_scoped3A = tpu.sem_alloc : memref<!tpu.dma_semaphore, #tpu.memory_space<semaphore_mem>>
        %dma_start3A_54 = arith.constant 0 : i32
        %dma_start3A_55 = arith.constant 0 : i32
        %dma_start3A_56 = tpu.memref_slice %arg7[%dma_start3A_54, %dma_start3A_55] : memref<10240x128xf32, #tpu.memory_space<vmem_shared>> -> memref<10240x128xf32, #tpu.memory_space<vmem_shared>>
        tpu.enqueue_indirect_dma source(%arg10 : memref<80x128xf32, #tpu.memory_space<vmem>>) target(%dma_start3A_56 : memref<10240x128xf32, #tpu.memory_space<vmem_shared>>) offsets(%arg9 : memref<80xi32, #tpu.memory_space<vmem>>) semaphore(%run_scoped3A : memref<!tpu.dma_semaphore, #tpu.memory_space<semaphore_mem>>) {add = true}
        %dma_wait3A_57 = arith.constant 0 : i32
        %dma_wait3A_58 = arith.constant 0 : i32
        %dma_wait3A_59 = tpu.memref_slice %arg7[%dma_wait3A_57, %dma_wait3A_58] : memref<10240x128xf32, #tpu.memory_space<vmem_shared>> -> memref<10240x128xf32, #tpu.memory_space<vmem_shared>>
        tpu.wait_indirect_dma semaphore(%run_scoped3A : memref<!tpu.dma_semaphore, #tpu.memory_space<semaphore_mem>>) src(%arg10 : memref<80x128xf32, #tpu.memory_space<vmem>>) dst(%dma_wait3A_59 : memref<10240x128xf32, #tpu.memory_space<vmem_shared>>)
        tpu.yield
      }) : () -> ()
    }
    %scan3A_32 = arith.constant 250 : i32
    %barrier3A_33 = arith.constant 0 : index
    tpu.barrier barrier_id(%barrier3A_33)
    "tpu.region"() ({
      %run_scoped3A = tpu.sem_alloc : memref<!tpu.dma_semaphore, #tpu.memory_space<semaphore_mem>>
      %dma_start3A = arith.constant 0 : i32
      %dma_start3A_34 = tpu.memref_slice %arg6[%arg0, %mul3A_8, %dma_start3A] : memref<2x10240x128xf32, #tpu.memory_space<hbm>> -> memref<1x640x128xf32, #tpu.memory_space<hbm>>
      %dma_start3A_35 = tpu.memref_squeeze %dma_start3A_34 : memref<1x640x128xf32, #tpu.memory_space<hbm>> -> memref<640x128xf32, #tpu.memory_space<hbm>>
      %dma_start3A_36 = arith.constant 0 : i32
      %dma_start3A_37 = tpu.memref_slice %arg7[%mul3A_8, %dma_start3A_36] : memref<10240x128xf32, #tpu.memory_space<vmem_shared>> -> memref<640x128xf32, #tpu.memory_space<vmem_shared>>
      tpu.enqueue_dma source(%dma_start3A_37 : memref<640x128xf32, #tpu.memory_space<vmem_shared>>) target(%dma_start3A_35 : memref<640x128xf32, #tpu.memory_space<hbm>>) target_semaphore(%run_scoped3A : memref<!tpu.dma_semaphore, #tpu.memory_space<semaphore_mem>>)
      %dma_wait3A = arith.constant 0 : i32
      %dma_wait3A_38 = tpu.memref_slice %arg6[%arg0, %mul3A_8, %dma_wait3A] : memref<2x10240x128xf32, #tpu.memory_space<hbm>> -> memref<1x640x128xf32, #tpu.memory_space<hbm>>
      %dma_wait3A_39 = tpu.memref_squeeze %dma_wait3A_38 : memref<1x640x128xf32, #tpu.memory_space<hbm>> -> memref<640x128xf32, #tpu.memory_space<hbm>>
      %dma_wait3A_40 = arith.constant 0 : i32
      %dma_wait3A_41 = tpu.memref_slice %arg7[%mul3A_8, %dma_wait3A_40] : memref<10240x128xf32, #tpu.memory_space<vmem_shared>> -> memref<640x128xf32, #tpu.memory_space<vmem_shared>>
      tpu.wait_dma2 semaphore(%run_scoped3A : memref<!tpu.dma_semaphore, #tpu.memory_space<semaphore_mem>>) src(%dma_wait3A_41 : memref<640x128xf32, #tpu.memory_space<vmem_shared>>) dst(%dma_wait3A_39 : memref<640x128xf32, #tpu.memory_space<hbm>>)
      tpu.yield
    }) : () -> ()
    return
  }
}

module attributes {stable_mosaic.version = 14 : i64} {
  func.func @_msg0_body(%arg0: i32, %arg1: memref<1000x128xf32, #tpu.memory_space<vmem>>, %arg2: memref<128x128xf32, #tpu.memory_space<vmem>>, %arg3: memref<128x128xf32, #tpu.memory_space<vmem>>, %arg4: memref<1x128xf32, #tpu.memory_space<vmem>>, %arg5: memref<1000x128xf32, #tpu.memory_space<vmem>>, %arg6: memref<1000x128xf32, #tpu.memory_space<vmem>>) attributes {dimension_semantics = [#tpu.dimension_semantics<arbitrary>], iteration_bounds = array<i64: 10>, scalar_prefetch = 0 : i64, scratch_operands = 0 : i64, tpu.core_type = #tpu.core_type<tc>, window_params = [{transform_indices = @transform_0, window_bounds = array<i64: 1000, 128>}, {pipeline_mode = #tpu.pipeline_mode<synchronous>, transform_indices = @transform_1, window_bounds = array<i64: 128, 128>}, {pipeline_mode = #tpu.pipeline_mode<synchronous>, transform_indices = @transform_2, window_bounds = array<i64: 128, 128>}, {pipeline_mode = #tpu.pipeline_mode<synchronous>, transform_indices = @transform_3, window_bounds = array<i64: 1, 128>}, {transform_indices = @transform_4, window_bounds = array<i64: 1000, 128>}, {transform_indices = @transform_5, window_bounds = array<i64: 1000, 128>}]} {
    %get3A = arith.constant 0 : index
    %get3A_0 = arith.constant 0 : index
    %get3A_1 = vector.load %arg1[%get3A, %get3A_0] : memref<1000x128xf32, #tpu.memory_space<vmem>>, vector<1000x128xf32>
    %get3A_2 = arith.constant 0 : index
    %get3A_3 = arith.constant 0 : index
    %get3A_4 = vector.load %arg2[%get3A_2, %get3A_3] : memref<128x128xf32, #tpu.memory_space<vmem>>, vector<128x128xf32>
    %dot_general3A = arith.constant dense<0.000000e+00> : vector<1000x128xf32>
    %dot_general3A_5 = tpu.matmul %get3A_1, %get3A_4, %dot_general3A {dimension_numbers = #tpu.dot_dimension_numbers<[1], [0], [0], [1], [0, 0, 1, 1], [], []>, transpose_lhs_hint = false} : vector<1000x128xf32>, vector<128x128xf32>, vector<1000x128xf32> -> vector<1000x128xf32>
    %swap3A = arith.constant 0 : index
    %swap3A_6 = arith.constant 0 : index
    %swap3A_7 = vector.load %arg5[%swap3A, %swap3A_6] : memref<1000x128xf32, #tpu.memory_space<vmem>>, vector<1000x128xf32>
    tpu.vector_store %arg5[%swap3A, %swap3A_6], %dot_general3A_5 {strides = array<i32>} : memref<1000x128xf32, #tpu.memory_space<vmem>>, vector<1000x128xf32>,
    %get3A_8 = arith.constant 0 : index
    %get3A_9 = arith.constant 0 : index
    %get3A_10 = vector.load %arg3[%get3A_8, %get3A_9] : memref<128x128xf32, #tpu.memory_space<vmem>>, vector<128x128xf32>
    %dot_general3A_11 = arith.constant dense<0.000000e+00> : vector<1000x128xf32>
    %dot_general3A_12 = tpu.matmul %get3A_1, %get3A_10, %dot_general3A_11 {dimension_numbers = #tpu.dot_dimension_numbers<[1], [0], [0], [1], [0, 0, 1, 1], [], []>, transpose_lhs_hint = false} : vector<1000x128xf32>, vector<128x128xf32>, vector<1000x128xf32> -> vector<1000x128xf32>
    %get3A_13 = arith.constant 0 : index
    %get3A_14 = arith.constant 0 : index
    %get3A_15 = vector.load %arg4[%get3A_13, %get3A_14] : memref<1x128xf32, #tpu.memory_space<vmem>>, vector<1x128xf32>
    %add3A = vector.broadcast %get3A_15 : vector<1x128xf32> to vector<1000x128xf32>
    %add3A_16 = arith.addf %dot_general3A_12, %add3A : vector<1000x128xf32>
    %swap3A_17 = arith.constant 0 : index
    %swap3A_18 = arith.constant 0 : index
    %swap3A_19 = vector.load %arg6[%swap3A_17, %swap3A_18] : memref<1000x128xf32, #tpu.memory_space<vmem>>, vector<1000x128xf32>
    tpu.vector_store %arg6[%swap3A_17, %swap3A_18], %add3A_16 {strides = array<i32>} : memref<1000x128xf32, #tpu.memory_space<vmem>>, vector<1000x128xf32>,
    return
  }
  func.func @transform_0(%arg0: i32) -> (i32, i32) {
    %c0_i32 = arith.constant 0 : i32
    %c0_i32_0 = arith.constant 0 : i32
    return %arg0, %c0_i32 : i32, i32
  }
  func.func @transform_1(%arg0: i32) -> (i32, i32) {
    %c0_i32 = arith.constant 0 : i32
    %c0_i32_0 = arith.constant 0 : i32
    %c0_i32_1 = arith.constant 0 : i32
    return %c0_i32, %c0_i32_0 : i32, i32
  }
  func.func @transform_2(%arg0: i32) -> (i32, i32) {
    %c0_i32 = arith.constant 0 : i32
    %c0_i32_0 = arith.constant 0 : i32
    %c0_i32_1 = arith.constant 0 : i32
    return %c0_i32, %c0_i32_0 : i32, i32
  }
  func.func @transform_3(%arg0: i32) -> (i32, i32) {
    %c0_i32 = arith.constant 0 : i32
    %c0_i32_0 = arith.constant 0 : i32
    %c0_i32_1 = arith.constant 0 : i32
    return %c0_i32, %c0_i32_0 : i32, i32
  }
  func.func @transform_4(%arg0: i32) -> (i32, i32) {
    %c0_i32 = arith.constant 0 : i32
    %c0_i32_0 = arith.constant 0 : i32
    return %arg0, %c0_i32 : i32, i32
  }
  func.func @transform_5(%arg0: i32) -> (i32, i32) {
    %c0_i32 = arith.constant 0 : i32
    %c0_i32_0 = arith.constant 0 : i32
    return %arg0, %c0_i32 : i32, i32
  }
}

module attributes {stable_mosaic.version = 14 : i64} {
  func.func @_gru_body(%arg0: i32, %arg1: memref<2x1000x128xf32, #tpu.memory_space<vmem>>, %arg2: memref<1000x128xf32, #tpu.memory_space<vmem>>, %arg3: memref<128x384xf32, #tpu.memory_space<vmem>>, %arg4: memref<128x384xf32, #tpu.memory_space<vmem>>, %arg5: memref<1x384xf32, #tpu.memory_space<vmem>>, %arg6: memref<1x384xf32, #tpu.memory_space<vmem>>, %arg7: memref<128x128xf32, #tpu.memory_space<vmem>>, %arg8: memref<128x128xf32, #tpu.memory_space<vmem>>, %arg9: memref<1x128xf32, #tpu.memory_space<vmem>>, %arg10: memref<1000x128xf32, #tpu.memory_space<vmem>>, %arg11: memref<1000x128xf32, #tpu.memory_space<vmem>>, %arg12: memref<1000x128xf32, #tpu.memory_space<vmem>>) attributes {dimension_semantics = [#tpu.dimension_semantics<arbitrary>], iteration_bounds = array<i64: 10>, scalar_prefetch = 0 : i64, scratch_operands = 0 : i64, tpu.core_type = #tpu.core_type<tc>, window_params = [{transform_indices = @transform_0, window_bounds = array<i64: 2, 1000, 128>}, {transform_indices = @transform_1, window_bounds = array<i64: 1000, 128>}, {pipeline_mode = #tpu.pipeline_mode<synchronous>, transform_indices = @transform_2, window_bounds = array<i64: 128, 384>}, {pipeline_mode = #tpu.pipeline_mode<synchronous>, transform_indices = @transform_3, window_bounds = array<i64: 128, 384>}, {pipeline_mode = #tpu.pipeline_mode<synchronous>, transform_indices = @transform_4, window_bounds = array<i64: 1, 384>}, {pipeline_mode = #tpu.pipeline_mode<synchronous>, transform_indices = @transform_5, window_bounds = array<i64: 1, 384>}, {pipeline_mode = #tpu.pipeline_mode<synchronous>, transform_indices = @transform_6, window_bounds = array<i64: 128, 128>}, {pipeline_mode = #tpu.pipeline_mode<synchronous>, transform_indices = @transform_7, window_bounds = array<i64: 128, 128>}, {pipeline_mode = #tpu.pipeline_mode<synchronous>, transform_indices = @transform_8, window_bounds = array<i64: 1, 128>}, {transform_indices = @transform_9, window_bounds = array<i64: 1000, 128>}, {transform_indices = @transform_10, window_bounds = array<i64: 1000, 128>}, {transform_indices = @transform_11, window_bounds = array<i64: 1000, 128>}]} {
    %get3A = arith.constant 0 : index
    %get3A_0 = arith.constant 0 : index
    %get3A_1 = arith.constant 0 : index
    %get3A_2 = vector.load %arg1[%get3A, %get3A_0, %get3A_1] : memref<2x1000x128xf32, #tpu.memory_space<vmem>>, vector<1x1000x128xf32>
    %get3A_3 = vector.shape_cast %get3A_2 : vector<1x1000x128xf32> to vector<1000x128xf32>
    %get3A_4 = arith.constant 1 : index
    %get3A_5 = arith.constant 0 : index
    %get3A_6 = arith.constant 0 : index
    %get3A_7 = vector.load %arg1[%get3A_4, %get3A_5, %get3A_6] : memref<2x1000x128xf32, #tpu.memory_space<vmem>>, vector<1x1000x128xf32>
    %get3A_8 = vector.shape_cast %get3A_7 : vector<1x1000x128xf32> to vector<1000x128xf32>
    %add3A = arith.addf %get3A_3, %get3A_8 : vector<1000x128xf32>
    %get3A_9 = arith.constant 0 : index
    %get3A_10 = arith.constant 0 : index
    %get3A_11 = vector.load %arg2[%get3A_9, %get3A_10] : memref<1000x128xf32, #tpu.memory_space<vmem>>, vector<1000x128xf32>
    %get3A_12 = arith.constant 0 : index
    %get3A_13 = arith.constant 0 : index
    %get3A_14 = vector.load %arg3[%get3A_12, %get3A_13] : memref<128x384xf32, #tpu.memory_space<vmem>>, vector<128x384xf32>
    %dot_general3A = arith.constant dense<0.000000e+00> : vector<1000x384xf32>
    %dot_general3A_15 = tpu.matmul %add3A, %get3A_14, %dot_general3A {dimension_numbers = #tpu.dot_dimension_numbers<[1], [0], [0], [1], [0, 0, 1, 1], [], []>, transpose_lhs_hint = false} : vector<1000x128xf32>, vector<128x384xf32>, vector<1000x384xf32> -> vector<1000x384xf32>
    %get3A_16 = arith.constant 0 : index
    %get3A_17 = arith.constant 0 : index
    %get3A_18 = vector.load %arg5[%get3A_16, %get3A_17] : memref<1x384xf32, #tpu.memory_space<vmem>>, vector<1x384xf32>
    %add3A_19 = vector.broadcast %get3A_18 : vector<1x384xf32> to vector<1000x384xf32>
    %add3A_20 = arith.addf %dot_general3A_15, %add3A_19 : vector<1000x384xf32>
    %get3A_21 = arith.constant 0 : index
    %get3A_22 = arith.constant 0 : index
    %get3A_23 = vector.load %arg4[%get3A_21, %get3A_22] : memref<128x384xf32, #tpu.memory_space<vmem>>, vector<128x384xf32>
    %dot_general3A_24 = arith.constant dense<0.000000e+00> : vector<1000x384xf32>
    %dot_general3A_25 = tpu.matmul %get3A_11, %get3A_23, %dot_general3A_24 {dimension_numbers = #tpu.dot_dimension_numbers<[1], [0], [0], [1], [0, 0, 1, 1], [], []>, transpose_lhs_hint = false} : vector<1000x128xf32>, vector<128x384xf32>, vector<1000x384xf32> -> vector<1000x384xf32>
    %get3A_26 = arith.constant 0 : index
    %get3A_27 = arith.constant 0 : index
    %get3A_28 = vector.load %arg6[%get3A_26, %get3A_27] : memref<1x384xf32, #tpu.memory_space<vmem>>, vector<1x384xf32>
    %add3A_29 = vector.broadcast %get3A_28 : vector<1x384xf32> to vector<1000x384xf32>
    %add3A_30 = arith.addf %dot_general3A_25, %add3A_29 : vector<1000x384xf32>
    %slice3A = vector.extract_strided_slice %add3A_20 {offsets = [0, 0], sizes = [1000, 128], strides = [1, 1]} : vector<1000x384xf32> to vector<1000x128xf32>
    %slice3A_31 = vector.extract_strided_slice %add3A_30 {offsets = [0, 0], sizes = [1000, 128], strides = [1, 1]} : vector<1000x384xf32> to vector<1000x128xf32>
    %add3A_32 = arith.addf %slice3A, %slice3A_31 : vector<1000x128xf32>
    %logistic3A = arith.negf %add3A_32 : vector<1000x128xf32>
    %logistic3A_33 = math.exp %logistic3A : vector<1000x128xf32>
    %logistic3A_34 = arith.constant 1.000000e+00 : f32
    %logistic3A_35 = vector.broadcast %logistic3A_34 : f32 to vector<1000x128xf32>
    %logistic3A_36 = arith.addf %logistic3A_35, %logistic3A_33 : vector<1000x128xf32>
    %logistic3A_37 = arith.divf %logistic3A_35, %logistic3A_36 : vector<1000x128xf32>
    %slice3A_38 = vector.extract_strided_slice %add3A_20 {offsets = [0, 128], sizes = [1000, 128], strides = [1, 1]} : vector<1000x384xf32> to vector<1000x128xf32>
    %slice3A_39 = vector.extract_strided_slice %add3A_30 {offsets = [0, 128], sizes = [1000, 128], strides = [1, 1]} : vector<1000x384xf32> to vector<1000x128xf32>
    %add3A_40 = arith.addf %slice3A_38, %slice3A_39 : vector<1000x128xf32>
    %logistic3A_41 = arith.negf %add3A_40 : vector<1000x128xf32>
    %logistic3A_42 = math.exp %logistic3A_41 : vector<1000x128xf32>
    %logistic3A_43 = arith.constant 1.000000e+00 : f32
    %logistic3A_44 = vector.broadcast %logistic3A_43 : f32 to vector<1000x128xf32>
    %logistic3A_45 = arith.addf %logistic3A_44, %logistic3A_42 : vector<1000x128xf32>
    %logistic3A_46 = arith.divf %logistic3A_44, %logistic3A_45 : vector<1000x128xf32>
    %slice3A_47 = vector.extract_strided_slice %add3A_20 {offsets = [0, 256], sizes = [1000, 128], strides = [1, 1]} : vector<1000x384xf32> to vector<1000x128xf32>
    %slice3A_48 = vector.extract_strided_slice %add3A_30 {offsets = [0, 256], sizes = [1000, 128], strides = [1, 1]} : vector<1000x384xf32> to vector<1000x128xf32>
    %mul3A = arith.mulf %logistic3A_46, %slice3A_48 : vector<1000x128xf32>
    %add3A_49 = arith.addf %slice3A_47, %mul3A : vector<1000x128xf32>
    %tanh3A = math.tanh %add3A_49 : vector<1000x128xf32>
    %mul3A_50 = arith.mulf %logistic3A_37, %get3A_11 : vector<1000x128xf32>
    %sub3A = arith.constant 1.000000e+00 : f32
    %sub3A_51 = vector.broadcast %sub3A : f32 to vector<1000x128xf32>
    %sub3A_52 = arith.subf %sub3A_51, %logistic3A_37 : vector<1000x128xf32>
    %mul3A_53 = arith.mulf %sub3A_52, %tanh3A : vector<1000x128xf32>
    %add3A_54 = arith.addf %mul3A_50, %mul3A_53 : vector<1000x128xf32>
    %swap3A = arith.constant 0 : index
    %swap3A_55 = arith.constant 0 : index
    %swap3A_56 = vector.load %arg10[%swap3A, %swap3A_55] : memref<1000x128xf32, #tpu.memory_space<vmem>>, vector<1000x128xf32>
    tpu.vector_store %arg10[%swap3A, %swap3A_55], %add3A_54 {strides = array<i32>} : memref<1000x128xf32, #tpu.memory_space<vmem>>, vector<1000x128xf32>,
    %get3A_57 = arith.constant 0 : index
    %get3A_58 = arith.constant 0 : index
    %get3A_59 = vector.load %arg7[%get3A_57, %get3A_58] : memref<128x128xf32, #tpu.memory_space<vmem>>, vector<128x128xf32>
    %dot_general3A_60 = arith.constant dense<0.000000e+00> : vector<1000x128xf32>
    %dot_general3A_61 = tpu.matmul %add3A_54, %get3A_59, %dot_general3A_60 {dimension_numbers = #tpu.dot_dimension_numbers<[1], [0], [0], [1], [0, 0, 1, 1], [], []>, transpose_lhs_hint = false} : vector<1000x128xf32>, vector<128x128xf32>, vector<1000x128xf32> -> vector<1000x128xf32>
    %swap3A_62 = arith.constant 0 : index
    %swap3A_63 = arith.constant 0 : index
    %swap3A_64 = vector.load %arg11[%swap3A_62, %swap3A_63] : memref<1000x128xf32, #tpu.memory_space<vmem>>, vector<1000x128xf32>
    tpu.vector_store %arg11[%swap3A_62, %swap3A_63], %dot_general3A_61 {strides = array<i32>} : memref<1000x128xf32, #tpu.memory_space<vmem>>, vector<1000x128xf32>,
    %get3A_65 = arith.constant 0 : index
    %get3A_66 = arith.constant 0 : index
    %get3A_67 = vector.load %arg8[%get3A_65, %get3A_66] : memref<128x128xf32, #tpu.memory_space<vmem>>, vector<128x128xf32>
    %dot_general3A_68 = arith.constant dense<0.000000e+00> : vector<1000x128xf32>
    %dot_general3A_69 = tpu.matmul %add3A_54, %get3A_67, %dot_general3A_68 {dimension_numbers = #tpu.dot_dimension_numbers<[1], [0], [0], [1], [0, 0, 1, 1], [], []>, transpose_lhs_hint = false} : vector<1000x128xf32>, vector<128x128xf32>, vector<1000x128xf32> -> vector<1000x128xf32>
    %get3A_70 = arith.constant 0 : index
    %get3A_71 = arith.constant 0 : index
    %get3A_72 = vector.load %arg9[%get3A_70, %get3A_71] : memref<1x128xf32, #tpu.memory_space<vmem>>, vector<1x128xf32>
    %add3A_73 = vector.broadcast %get3A_72 : vector<1x128xf32> to vector<1000x128xf32>
    %add3A_74 = arith.addf %dot_general3A_69, %add3A_73 : vector<1000x128xf32>
    %swap3A_75 = arith.constant 0 : index
    %swap3A_76 = arith.constant 0 : index
    %swap3A_77 = vector.load %arg12[%swap3A_75, %swap3A_76] : memref<1000x128xf32, #tpu.memory_space<vmem>>, vector<1000x128xf32>
    tpu.vector_store %arg12[%swap3A_75, %swap3A_76], %add3A_74 {strides = array<i32>} : memref<1000x128xf32, #tpu.memory_space<vmem>>, vector<1000x128xf32>,
    return
  }
  func.func @transform_0(%arg0: i32) -> (i32, i32, i32) {
    %c0_i32 = arith.constant 0 : i32
    %c0_i32_0 = arith.constant 0 : i32
    %c0_i32_1 = arith.constant 0 : i32
    return %c0_i32, %arg0, %c0_i32_0 : i32, i32, i32
  }
  func.func @transform_1(%arg0: i32) -> (i32, i32) {
    %c0_i32 = arith.constant 0 : i32
    %c0_i32_0 = arith.constant 0 : i32
    return %arg0, %c0_i32 : i32, i32
  }
  func.func @transform_2(%arg0: i32) -> (i32, i32) {
    %c0_i32 = arith.constant 0 : i32
    %c0_i32_0 = arith.constant 0 : i32
    %c0_i32_1 = arith.constant 0 : i32
    return %c0_i32, %c0_i32_0 : i32, i32
  }
  func.func @transform_3(%arg0: i32) -> (i32, i32) {
    %c0_i32 = arith.constant 0 : i32
    %c0_i32_0 = arith.constant 0 : i32
    %c0_i32_1 = arith.constant 0 : i32
    return %c0_i32, %c0_i32_0 : i32, i32
  }
  func.func @transform_4(%arg0: i32) -> (i32, i32) {
    %c0_i32 = arith.constant 0 : i32
    %c0_i32_0 = arith.constant 0 : i32
    %c0_i32_1 = arith.constant 0 : i32
    return %c0_i32, %c0_i32_0 : i32, i32
  }
  func.func @transform_5(%arg0: i32) -> (i32, i32) {
    %c0_i32 = arith.constant 0 : i32
    %c0_i32_0 = arith.constant 0 : i32
    %c0_i32_1 = arith.constant 0 : i32
    return %c0_i32, %c0_i32_0 : i32, i32
  }
  func.func @transform_6(%arg0: i32) -> (i32, i32) {
    %c0_i32 = arith.constant 0 : i32
    %c0_i32_0 = arith.constant 0 : i32
    %c0_i32_1 = arith.constant 0 : i32
    return %c0_i32, %c0_i32_0 : i32, i32
  }
  func.func @transform_7(%arg0: i32) -> (i32, i32) {
    %c0_i32 = arith.constant 0 : i32
    %c0_i32_0 = arith.constant 0 : i32
    %c0_i32_1 = arith.constant 0 : i32
    return %c0_i32, %c0_i32_0 : i32, i32
  }
  func.func @transform_8(%arg0: i32) -> (i32, i32) {
    %c0_i32 = arith.constant 0 : i32
    %c0_i32_0 = arith.constant 0 : i32
    %c0_i32_1 = arith.constant 0 : i32
    return %c0_i32, %c0_i32_0 : i32, i32
  }
  func.func @transform_9(%arg0: i32) -> (i32, i32) {
    %c0_i32 = arith.constant 0 : i32
    %c0_i32_0 = arith.constant 0 : i32
    return %arg0, %c0_i32 : i32, i32
  }
  func.func @transform_10(%arg0: i32) -> (i32, i32) {
    %c0_i32 = arith.constant 0 : i32
    %c0_i32_0 = arith.constant 0 : i32
    return %arg0, %c0_i32 : i32, i32
  }
  func.func @transform_11(%arg0: i32) -> (i32, i32) {
    %c0_i32 = arith.constant 0 : i32
    %c0_i32_0 = arith.constant 0 : i32
    return %arg0, %c0_i32 : i32, i32
  }
}

module attributes {stable_mosaic.version = 14 : i64} {
  func.func @_gru_body(%arg0: i32, %arg1: memref<2x1000x128xf32, #tpu.memory_space<vmem>>, %arg2: memref<1000x128xf32, #tpu.memory_space<vmem>>, %arg3: memref<128x384xf32, #tpu.memory_space<vmem>>, %arg4: memref<128x384xf32, #tpu.memory_space<vmem>>, %arg5: memref<1x384xf32, #tpu.memory_space<vmem>>, %arg6: memref<1x384xf32, #tpu.memory_space<vmem>>, %arg7: memref<128x128xf32, #tpu.memory_space<vmem>>, %arg8: memref<128x128xf32, #tpu.memory_space<vmem>>, %arg9: memref<1x128xf32, #tpu.memory_space<vmem>>, %arg10: memref<1000x128xf32, #tpu.memory_space<vmem>>, %arg11: memref<1000x128xf32, #tpu.memory_space<vmem>>, %arg12: memref<1000x128xf32, #tpu.memory_space<vmem>>) attributes {dimension_semantics = [#tpu.dimension_semantics<arbitrary>], iteration_bounds = array<i64: 10>, scalar_prefetch = 0 : i64, scratch_operands = 0 : i64, tpu.core_type = #tpu.core_type<tc>, window_params = [{transform_indices = @transform_0, window_bounds = array<i64: 2, 1000, 128>}, {transform_indices = @transform_1, window_bounds = array<i64: 1000, 128>}, {pipeline_mode = #tpu.pipeline_mode<synchronous>, transform_indices = @transform_2, window_bounds = array<i64: 128, 384>}, {pipeline_mode = #tpu.pipeline_mode<synchronous>, transform_indices = @transform_3, window_bounds = array<i64: 128, 384>}, {pipeline_mode = #tpu.pipeline_mode<synchronous>, transform_indices = @transform_4, window_bounds = array<i64: 1, 384>}, {pipeline_mode = #tpu.pipeline_mode<synchronous>, transform_indices = @transform_5, window_bounds = array<i64: 1, 384>}, {pipeline_mode = #tpu.pipeline_mode<synchronous>, transform_indices = @transform_6, window_bounds = array<i64: 128, 128>}, {pipeline_mode = #tpu.pipeline_mode<synchronous>, transform_indices = @transform_7, window_bounds = array<i64: 128, 128>}, {pipeline_mode = #tpu.pipeline_mode<synchronous>, transform_indices = @transform_8, window_bounds = array<i64: 1, 128>}, {transform_indices = @transform_9, window_bounds = array<i64: 1000, 128>}, {transform_indices = @transform_10, window_bounds = array<i64: 1000, 128>}, {transform_indices = @transform_11, window_bounds = array<i64: 1000, 128>}]} {
    %get3A = arith.constant 0 : index
    %get3A_0 = arith.constant 0 : index
    %get3A_1 = arith.constant 0 : index
    %get3A_2 = vector.load %arg1[%get3A, %get3A_0, %get3A_1] : memref<2x1000x128xf32, #tpu.memory_space<vmem>>, vector<1x1000x128xf32>
    %get3A_3 = vector.shape_cast %get3A_2 : vector<1x1000x128xf32> to vector<1000x128xf32>
    %get3A_4 = arith.constant 1 : index
    %get3A_5 = arith.constant 0 : index
    %get3A_6 = arith.constant 0 : index
    %get3A_7 = vector.load %arg1[%get3A_4, %get3A_5, %get3A_6] : memref<2x1000x128xf32, #tpu.memory_space<vmem>>, vector<1x1000x128xf32>
    %get3A_8 = vector.shape_cast %get3A_7 : vector<1x1000x128xf32> to vector<1000x128xf32>
    %add3A = arith.addf %get3A_3, %get3A_8 : vector<1000x128xf32>
    %get3A_9 = arith.constant 0 : index
    %get3A_10 = arith.constant 0 : index
    %get3A_11 = vector.load %arg2[%get3A_9, %get3A_10] : memref<1000x128xf32, #tpu.memory_space<vmem>>, vector<1000x128xf32>
    %get3A_12 = arith.constant 0 : index
    %get3A_13 = arith.constant 0 : index
    %get3A_14 = vector.load %arg3[%get3A_12, %get3A_13] : memref<128x384xf32, #tpu.memory_space<vmem>>, vector<128x384xf32>
    %dot_general3A = arith.constant dense<0.000000e+00> : vector<1000x384xf32>
    %dot_general3A_15 = tpu.matmul %add3A, %get3A_14, %dot_general3A {dimension_numbers = #tpu.dot_dimension_numbers<[1], [0], [0], [1], [0, 0, 1, 1], [], []>, transpose_lhs_hint = false} : vector<1000x128xf32>, vector<128x384xf32>, vector<1000x384xf32> -> vector<1000x384xf32>
    %get3A_16 = arith.constant 0 : index
    %get3A_17 = arith.constant 0 : index
    %get3A_18 = vector.load %arg5[%get3A_16, %get3A_17] : memref<1x384xf32, #tpu.memory_space<vmem>>, vector<1x384xf32>
    %add3A_19 = vector.broadcast %get3A_18 : vector<1x384xf32> to vector<1000x384xf32>
    %add3A_20 = arith.addf %dot_general3A_15, %add3A_19 : vector<1000x384xf32>
    %get3A_21 = arith.constant 0 : index
    %get3A_22 = arith.constant 0 : index
    %get3A_23 = vector.load %arg4[%get3A_21, %get3A_22] : memref<128x384xf32, #tpu.memory_space<vmem>>, vector<128x384xf32>
    %dot_general3A_24 = arith.constant dense<0.000000e+00> : vector<1000x384xf32>
    %dot_general3A_25 = tpu.matmul %get3A_11, %get3A_23, %dot_general3A_24 {dimension_numbers = #tpu.dot_dimension_numbers<[1], [0], [0], [1], [0, 0, 1, 1], [], []>, transpose_lhs_hint = false} : vector<1000x128xf32>, vector<128x384xf32>, vector<1000x384xf32> -> vector<1000x384xf32>
    %get3A_26 = arith.constant 0 : index
    %get3A_27 = arith.constant 0 : index
    %get3A_28 = vector.load %arg6[%get3A_26, %get3A_27] : memref<1x384xf32, #tpu.memory_space<vmem>>, vector<1x384xf32>
    %add3A_29 = vector.broadcast %get3A_28 : vector<1x384xf32> to vector<1000x384xf32>
    %add3A_30 = arith.addf %dot_general3A_25, %add3A_29 : vector<1000x384xf32>
    %slice3A = vector.extract_strided_slice %add3A_20 {offsets = [0, 0], sizes = [1000, 128], strides = [1, 1]} : vector<1000x384xf32> to vector<1000x128xf32>
    %slice3A_31 = vector.extract_strided_slice %add3A_30 {offsets = [0, 0], sizes = [1000, 128], strides = [1, 1]} : vector<1000x384xf32> to vector<1000x128xf32>
    %add3A_32 = arith.addf %slice3A, %slice3A_31 : vector<1000x128xf32>
    %logistic3A = arith.negf %add3A_32 : vector<1000x128xf32>
    %logistic3A_33 = math.exp %logistic3A : vector<1000x128xf32>
    %logistic3A_34 = arith.constant 1.000000e+00 : f32
    %logistic3A_35 = vector.broadcast %logistic3A_34 : f32 to vector<1000x128xf32>
    %logistic3A_36 = arith.addf %logistic3A_35, %logistic3A_33 : vector<1000x128xf32>
    %logistic3A_37 = arith.divf %logistic3A_35, %logistic3A_36 : vector<1000x128xf32>
    %slice3A_38 = vector.extract_strided_slice %add3A_20 {offsets = [0, 128], sizes = [1000, 128], strides = [1, 1]} : vector<1000x384xf32> to vector<1000x128xf32>
    %slice3A_39 = vector.extract_strided_slice %add3A_30 {offsets = [0, 128], sizes = [1000, 128], strides = [1, 1]} : vector<1000x384xf32> to vector<1000x128xf32>
    %add3A_40 = arith.addf %slice3A_38, %slice3A_39 : vector<1000x128xf32>
    %logistic3A_41 = arith.negf %add3A_40 : vector<1000x128xf32>
    %logistic3A_42 = math.exp %logistic3A_41 : vector<1000x128xf32>
    %logistic3A_43 = arith.constant 1.000000e+00 : f32
    %logistic3A_44 = vector.broadcast %logistic3A_43 : f32 to vector<1000x128xf32>
    %logistic3A_45 = arith.addf %logistic3A_44, %logistic3A_42 : vector<1000x128xf32>
    %logistic3A_46 = arith.divf %logistic3A_44, %logistic3A_45 : vector<1000x128xf32>
    %slice3A_47 = vector.extract_strided_slice %add3A_20 {offsets = [0, 256], sizes = [1000, 128], strides = [1, 1]} : vector<1000x384xf32> to vector<1000x128xf32>
    %slice3A_48 = vector.extract_strided_slice %add3A_30 {offsets = [0, 256], sizes = [1000, 128], strides = [1, 1]} : vector<1000x384xf32> to vector<1000x128xf32>
    %mul3A = arith.mulf %logistic3A_46, %slice3A_48 : vector<1000x128xf32>
    %add3A_49 = arith.addf %slice3A_47, %mul3A : vector<1000x128xf32>
    %tanh3A = math.tanh %add3A_49 : vector<1000x128xf32>
    %mul3A_50 = arith.mulf %logistic3A_37, %get3A_11 : vector<1000x128xf32>
    %sub3A = arith.constant 1.000000e+00 : f32
    %sub3A_51 = vector.broadcast %sub3A : f32 to vector<1000x128xf32>
    %sub3A_52 = arith.subf %sub3A_51, %logistic3A_37 : vector<1000x128xf32>
    %mul3A_53 = arith.mulf %sub3A_52, %tanh3A : vector<1000x128xf32>
    %add3A_54 = arith.addf %mul3A_50, %mul3A_53 : vector<1000x128xf32>
    %swap3A = arith.constant 0 : index
    %swap3A_55 = arith.constant 0 : index
    %swap3A_56 = vector.load %arg10[%swap3A, %swap3A_55] : memref<1000x128xf32, #tpu.memory_space<vmem>>, vector<1000x128xf32>
    tpu.vector_store %arg10[%swap3A, %swap3A_55], %add3A_54 {strides = array<i32>} : memref<1000x128xf32, #tpu.memory_space<vmem>>, vector<1000x128xf32>,
    %get3A_57 = arith.constant 0 : index
    %get3A_58 = arith.constant 0 : index
    %get3A_59 = vector.load %arg7[%get3A_57, %get3A_58] : memref<128x128xf32, #tpu.memory_space<vmem>>, vector<128x128xf32>
    %dot_general3A_60 = arith.constant dense<0.000000e+00> : vector<1000x128xf32>
    %dot_general3A_61 = tpu.matmul %add3A_54, %get3A_59, %dot_general3A_60 {dimension_numbers = #tpu.dot_dimension_numbers<[1], [0], [0], [1], [0, 0, 1, 1], [], []>, transpose_lhs_hint = false} : vector<1000x128xf32>, vector<128x128xf32>, vector<1000x128xf32> -> vector<1000x128xf32>
    %swap3A_62 = arith.constant 0 : index
    %swap3A_63 = arith.constant 0 : index
    %swap3A_64 = vector.load %arg11[%swap3A_62, %swap3A_63] : memref<1000x128xf32, #tpu.memory_space<vmem>>, vector<1000x128xf32>
    tpu.vector_store %arg11[%swap3A_62, %swap3A_63], %dot_general3A_61 {strides = array<i32>} : memref<1000x128xf32, #tpu.memory_space<vmem>>, vector<1000x128xf32>,
    %get3A_65 = arith.constant 0 : index
    %get3A_66 = arith.constant 0 : index
    %get3A_67 = vector.load %arg8[%get3A_65, %get3A_66] : memref<128x128xf32, #tpu.memory_space<vmem>>, vector<128x128xf32>
    %dot_general3A_68 = arith.constant dense<0.000000e+00> : vector<1000x128xf32>
    %dot_general3A_69 = tpu.matmul %add3A_54, %get3A_67, %dot_general3A_68 {dimension_numbers = #tpu.dot_dimension_numbers<[1], [0], [0], [1], [0, 0, 1, 1], [], []>, transpose_lhs_hint = false} : vector<1000x128xf32>, vector<128x128xf32>, vector<1000x128xf32> -> vector<1000x128xf32>
    %get3A_70 = arith.constant 0 : index
    %get3A_71 = arith.constant 0 : index
    %get3A_72 = vector.load %arg9[%get3A_70, %get3A_71] : memref<1x128xf32, #tpu.memory_space<vmem>>, vector<1x128xf32>
    %add3A_73 = vector.broadcast %get3A_72 : vector<1x128xf32> to vector<1000x128xf32>
    %add3A_74 = arith.addf %dot_general3A_69, %add3A_73 : vector<1000x128xf32>
    %swap3A_75 = arith.constant 0 : index
    %swap3A_76 = arith.constant 0 : index
    %swap3A_77 = vector.load %arg12[%swap3A_75, %swap3A_76] : memref<1000x128xf32, #tpu.memory_space<vmem>>, vector<1000x128xf32>
    tpu.vector_store %arg12[%swap3A_75, %swap3A_76], %add3A_74 {strides = array<i32>} : memref<1000x128xf32, #tpu.memory_space<vmem>>, vector<1000x128xf32>,
    return
  }
  func.func @transform_0(%arg0: i32) -> (i32, i32, i32) {
    %c0_i32 = arith.constant 0 : i32
    %c0_i32_0 = arith.constant 0 : i32
    %c0_i32_1 = arith.constant 0 : i32
    return %c0_i32, %arg0, %c0_i32_0 : i32, i32, i32
  }
  func.func @transform_1(%arg0: i32) -> (i32, i32) {
    %c0_i32 = arith.constant 0 : i32
    %c0_i32_0 = arith.constant 0 : i32
    return %arg0, %c0_i32 : i32, i32
  }
  func.func @transform_2(%arg0: i32) -> (i32, i32) {
    %c0_i32 = arith.constant 0 : i32
    %c0_i32_0 = arith.constant 0 : i32
    %c0_i32_1 = arith.constant 0 : i32
    return %c0_i32, %c0_i32_0 : i32, i32
  }
  func.func @transform_3(%arg0: i32) -> (i32, i32) {
    %c0_i32 = arith.constant 0 : i32
    %c0_i32_0 = arith.constant 0 : i32
    %c0_i32_1 = arith.constant 0 : i32
    return %c0_i32, %c0_i32_0 : i32, i32
  }
  func.func @transform_4(%arg0: i32) -> (i32, i32) {
    %c0_i32 = arith.constant 0 : i32
    %c0_i32_0 = arith.constant 0 : i32
    %c0_i32_1 = arith.constant 0 : i32
    return %c0_i32, %c0_i32_0 : i32, i32
  }
  func.func @transform_5(%arg0: i32) -> (i32, i32) {
    %c0_i32 = arith.constant 0 : i32
    %c0_i32_0 = arith.constant 0 : i32
    %c0_i32_1 = arith.constant 0 : i32
    return %c0_i32, %c0_i32_0 : i32, i32
  }
  func.func @transform_6(%arg0: i32) -> (i32, i32) {
    %c0_i32 = arith.constant 0 : i32
    %c0_i32_0 = arith.constant 0 : i32
    %c0_i32_1 = arith.constant 0 : i32
    return %c0_i32, %c0_i32_0 : i32, i32
  }
  func.func @transform_7(%arg0: i32) -> (i32, i32) {
    %c0_i32 = arith.constant 0 : i32
    %c0_i32_0 = arith.constant 0 : i32
    %c0_i32_1 = arith.constant 0 : i32
    return %c0_i32, %c0_i32_0 : i32, i32
  }
  func.func @transform_8(%arg0: i32) -> (i32, i32) {
    %c0_i32 = arith.constant 0 : i32
    %c0_i32_0 = arith.constant 0 : i32
    %c0_i32_1 = arith.constant 0 : i32
    return %c0_i32, %c0_i32_0 : i32, i32
  }
  func.func @transform_9(%arg0: i32) -> (i32, i32) {
    %c0_i32 = arith.constant 0 : i32
    %c0_i32_0 = arith.constant 0 : i32
    return %arg0, %c0_i32 : i32, i32
  }
  func.func @transform_10(%arg0: i32) -> (i32, i32) {
    %c0_i32 = arith.constant 0 : i32
    %c0_i32_0 = arith.constant 0 : i32
    return %arg0, %c0_i32 : i32, i32
  }
  func.func @transform_11(%arg0: i32) -> (i32, i32) {
    %c0_i32 = arith.constant 0 : i32
    %c0_i32_0 = arith.constant 0 : i32
    return %arg0, %c0_i32 : i32, i32
  }
}

module attributes {stable_mosaic.version = 14 : i64} {
  func.func @_readout_body(%arg0: memref<10000x128xf32, #tpu.memory_space<vmem>>, %arg1: memref<10000x1xi32, #tpu.memory_space<vmem>>, %arg2: memref<128x128xf32, #tpu.memory_space<vmem>>, %arg3: memref<128x128xf32, #tpu.memory_space<vmem>>, %arg4: memref<128x128xf32, #tpu.memory_space<vmem>>, %arg5: memref<1x128xf32, #tpu.memory_space<vmem>>, %arg6: memref<1x128xf32, #tpu.memory_space<vmem>>, %arg7: memref<1x128xf32, #tpu.memory_space<vmem>>, %arg8: memref<16x128xf32, #tpu.memory_space<vmem>>) attributes {dimension_semantics = [], scalar_prefetch = 0 : i64, scratch_operands = 0 : i64, tpu.core_type = #tpu.core_type<tc>} {
    %get3A = arith.constant 0 : index
    %get3A_0 = arith.constant 0 : index
    %get3A_1 = vector.load %arg0[%get3A, %get3A_0] : memref<10000x128xf32, #tpu.memory_space<vmem>>, vector<10000x128xf32>
    %get3A_2 = arith.constant 0 : index
    %get3A_3 = arith.constant 0 : index
    %get3A_4 = vector.load %arg1[%get3A_2, %get3A_3] : memref<10000x1xi32, #tpu.memory_space<vmem>>, vector<10000x1xi32>
    %eq3A = arith.constant 0 : i32
    %eq3A_5 = vector.broadcast %eq3A : i32 to vector<10000x1xi32>
    %eq3A_6 = arith.cmpi eq, %get3A_4, %eq3A_5 : vector<10000x1xi32>
    %convert_element_type3A = arith.extui %eq3A_6 : vector<10000x1xi1> to vector<10000x1xi32>
    %convert_element_type3A_7 = arith.sitofp %convert_element_type3A : vector<10000x1xi32> to vector<10000x1xf32>
    %mul3A = vector.broadcast %convert_element_type3A_7 : vector<10000x1xf32> to vector<10000x128xf32>
    %mul3A_8 = arith.mulf %get3A_1, %mul3A : vector<10000x128xf32>
    %reduce_sum3A = arith.constant dense<0.000000e+00> : vector<128xf32>
    %reduce_sum3A_9 = vector.multi_reduction <add>, %mul3A_8, %reduce_sum3A [0] : vector<10000x128xf32> to vector<128xf32>
    %broadcast_in_dim3A = vector.shape_cast %reduce_sum3A_9 : vector<128xf32> to vector<1x128xf32>
    %eq3A_10 = arith.constant 1 : i32
    %eq3A_11 = vector.broadcast %eq3A_10 : i32 to vector<10000x1xi32>
    %eq3A_12 = arith.cmpi eq, %get3A_4, %eq3A_11 : vector<10000x1xi32>
    %convert_element_type3A_13 = arith.extui %eq3A_12 : vector<10000x1xi1> to vector<10000x1xi32>
    %convert_element_type3A_14 = arith.sitofp %convert_element_type3A_13 : vector<10000x1xi32> to vector<10000x1xf32>
    %mul3A_15 = vector.broadcast %convert_element_type3A_14 : vector<10000x1xf32> to vector<10000x128xf32>
    %mul3A_16 = arith.mulf %get3A_1, %mul3A_15 : vector<10000x128xf32>
    %reduce_sum3A_17 = arith.constant dense<0.000000e+00> : vector<128xf32>
    %reduce_sum3A_18 = vector.multi_reduction <add>, %mul3A_16, %reduce_sum3A_17 [0] : vector<10000x128xf32> to vector<128xf32>
    %broadcast_in_dim3A_19 = vector.shape_cast %reduce_sum3A_18 : vector<128xf32> to vector<1x128xf32>
    %eq3A_20 = arith.constant 2 : i32
    %eq3A_21 = vector.broadcast %eq3A_20 : i32 to vector<10000x1xi32>
    %eq3A_22 = arith.cmpi eq, %get3A_4, %eq3A_21 : vector<10000x1xi32>
    %convert_element_type3A_23 = arith.extui %eq3A_22 : vector<10000x1xi1> to vector<10000x1xi32>
    %convert_element_type3A_24 = arith.sitofp %convert_element_type3A_23 : vector<10000x1xi32> to vector<10000x1xf32>
    %mul3A_25 = vector.broadcast %convert_element_type3A_24 : vector<10000x1xf32> to vector<10000x128xf32>
    %mul3A_26 = arith.mulf %get3A_1, %mul3A_25 : vector<10000x128xf32>
    %reduce_sum3A_27 = arith.constant dense<0.000000e+00> : vector<128xf32>
    %reduce_sum3A_28 = vector.multi_reduction <add>, %mul3A_26, %reduce_sum3A_27 [0] : vector<10000x128xf32> to vector<128xf32>
    %broadcast_in_dim3A_29 = vector.shape_cast %reduce_sum3A_28 : vector<128xf32> to vector<1x128xf32>
    %eq3A_30 = arith.constant 3 : i32
    %eq3A_31 = vector.broadcast %eq3A_30 : i32 to vector<10000x1xi32>
    %eq3A_32 = arith.cmpi eq, %get3A_4, %eq3A_31 : vector<10000x1xi32>
    %convert_element_type3A_33 = arith.extui %eq3A_32 : vector<10000x1xi1> to vector<10000x1xi32>
    %convert_element_type3A_34 = arith.sitofp %convert_element_type3A_33 : vector<10000x1xi32> to vector<10000x1xf32>
    %mul3A_35 = vector.broadcast %convert_element_type3A_34 : vector<10000x1xf32> to vector<10000x128xf32>
    %mul3A_36 = arith.mulf %get3A_1, %mul3A_35 : vector<10000x128xf32>
    %reduce_sum3A_37 = arith.constant dense<0.000000e+00> : vector<128xf32>
    %reduce_sum3A_38 = vector.multi_reduction <add>, %mul3A_36, %reduce_sum3A_37 [0] : vector<10000x128xf32> to vector<128xf32>
    %broadcast_in_dim3A_39 = vector.shape_cast %reduce_sum3A_38 : vector<128xf32> to vector<1x128xf32>
    %eq3A_40 = arith.constant 4 : i32
    %eq3A_41 = vector.broadcast %eq3A_40 : i32 to vector<10000x1xi32>
    %eq3A_42 = arith.cmpi eq, %get3A_4, %eq3A_41 : vector<10000x1xi32>
    %convert_element_type3A_43 = arith.extui %eq3A_42 : vector<10000x1xi1> to vector<10000x1xi32>
    %convert_element_type3A_44 = arith.sitofp %convert_element_type3A_43 : vector<10000x1xi32> to vector<10000x1xf32>
    %mul3A_45 = vector.broadcast %convert_element_type3A_44 : vector<10000x1xf32> to vector<10000x128xf32>
    %mul3A_46 = arith.mulf %get3A_1, %mul3A_45 : vector<10000x128xf32>
    %reduce_sum3A_47 = arith.constant dense<0.000000e+00> : vector<128xf32>
    %reduce_sum3A_48 = vector.multi_reduction <add>, %mul3A_46, %reduce_sum3A_47 [0] : vector<10000x128xf32> to vector<128xf32>
    %broadcast_in_dim3A_49 = vector.shape_cast %reduce_sum3A_48 : vector<128xf32> to vector<1x128xf32>
    %eq3A_50 = arith.constant 5 : i32
    %eq3A_51 = vector.broadcast %eq3A_50 : i32 to vector<10000x1xi32>
    %eq3A_52 = arith.cmpi eq, %get3A_4, %eq3A_51 : vector<10000x1xi32>
    %convert_element_type3A_53 = arith.extui %eq3A_52 : vector<10000x1xi1> to vector<10000x1xi32>
    %convert_element_type3A_54 = arith.sitofp %convert_element_type3A_53 : vector<10000x1xi32> to vector<10000x1xf32>
    %mul3A_55 = vector.broadcast %convert_element_type3A_54 : vector<10000x1xf32> to vector<10000x128xf32>
    %mul3A_56 = arith.mulf %get3A_1, %mul3A_55 : vector<10000x128xf32>
    %reduce_sum3A_57 = arith.constant dense<0.000000e+00> : vector<128xf32>
    %reduce_sum3A_58 = vector.multi_reduction <add>, %mul3A_56, %reduce_sum3A_57 [0] : vector<10000x128xf32> to vector<128xf32>
    %broadcast_in_dim3A_59 = vector.shape_cast %reduce_sum3A_58 : vector<128xf32> to vector<1x128xf32>
    %eq3A_60 = arith.constant 6 : i32
    %eq3A_61 = vector.broadcast %eq3A_60 : i32 to vector<10000x1xi32>
    %eq3A_62 = arith.cmpi eq, %get3A_4, %eq3A_61 : vector<10000x1xi32>
    %convert_element_type3A_63 = arith.extui %eq3A_62 : vector<10000x1xi1> to vector<10000x1xi32>
    %convert_element_type3A_64 = arith.sitofp %convert_element_type3A_63 : vector<10000x1xi32> to vector<10000x1xf32>
    %mul3A_65 = vector.broadcast %convert_element_type3A_64 : vector<10000x1xf32> to vector<10000x128xf32>
    %mul3A_66 = arith.mulf %get3A_1, %mul3A_65 : vector<10000x128xf32>
    %reduce_sum3A_67 = arith.constant dense<0.000000e+00> : vector<128xf32>
    %reduce_sum3A_68 = vector.multi_reduction <add>, %mul3A_66, %reduce_sum3A_67 [0] : vector<10000x128xf32> to vector<128xf32>
    %broadcast_in_dim3A_69 = vector.shape_cast %reduce_sum3A_68 : vector<128xf32> to vector<1x128xf32>
    %eq3A_70 = arith.constant 7 : i32
    %eq3A_71 = vector.broadcast %eq3A_70 : i32 to vector<10000x1xi32>
    %eq3A_72 = arith.cmpi eq, %get3A_4, %eq3A_71 : vector<10000x1xi32>
    %convert_element_type3A_73 = arith.extui %eq3A_72 : vector<10000x1xi1> to vector<10000x1xi32>
    %convert_element_type3A_74 = arith.sitofp %convert_element_type3A_73 : vector<10000x1xi32> to vector<10000x1xf32>
    %mul3A_75 = vector.broadcast %convert_element_type3A_74 : vector<10000x1xf32> to vector<10000x128xf32>
    %mul3A_76 = arith.mulf %get3A_1, %mul3A_75 : vector<10000x128xf32>
    %reduce_sum3A_77 = arith.constant dense<0.000000e+00> : vector<128xf32>
    %reduce_sum3A_78 = vector.multi_reduction <add>, %mul3A_76, %reduce_sum3A_77 [0] : vector<10000x128xf32> to vector<128xf32>
    %broadcast_in_dim3A_79 = vector.shape_cast %reduce_sum3A_78 : vector<128xf32> to vector<1x128xf32>
    %eq3A_80 = arith.constant 8 : i32
    %eq3A_81 = vector.broadcast %eq3A_80 : i32 to vector<10000x1xi32>
    %eq3A_82 = arith.cmpi eq, %get3A_4, %eq3A_81 : vector<10000x1xi32>
    %convert_element_type3A_83 = arith.extui %eq3A_82 : vector<10000x1xi1> to vector<10000x1xi32>
    %convert_element_type3A_84 = arith.sitofp %convert_element_type3A_83 : vector<10000x1xi32> to vector<10000x1xf32>
    %mul3A_85 = vector.broadcast %convert_element_type3A_84 : vector<10000x1xf32> to vector<10000x128xf32>
    %mul3A_86 = arith.mulf %get3A_1, %mul3A_85 : vector<10000x128xf32>
    %reduce_sum3A_87 = arith.constant dense<0.000000e+00> : vector<128xf32>
    %reduce_sum3A_88 = vector.multi_reduction <add>, %mul3A_86, %reduce_sum3A_87 [0] : vector<10000x128xf32> to vector<128xf32>
    %broadcast_in_dim3A_89 = vector.shape_cast %reduce_sum3A_88 : vector<128xf32> to vector<1x128xf32>
    %eq3A_90 = arith.constant 9 : i32
    %eq3A_91 = vector.broadcast %eq3A_90 : i32 to vector<10000x1xi32>
    %eq3A_92 = arith.cmpi eq, %get3A_4, %eq3A_91 : vector<10000x1xi32>
    %convert_element_type3A_93 = arith.extui %eq3A_92 : vector<10000x1xi1> to vector<10000x1xi32>
    %convert_element_type3A_94 = arith.sitofp %convert_element_type3A_93 : vector<10000x1xi32> to vector<10000x1xf32>
    %mul3A_95 = vector.broadcast %convert_element_type3A_94 : vector<10000x1xf32> to vector<10000x128xf32>
    %mul3A_96 = arith.mulf %get3A_1, %mul3A_95 : vector<10000x128xf32>
    %reduce_sum3A_97 = arith.constant dense<0.000000e+00> : vector<128xf32>
    %reduce_sum3A_98 = vector.multi_reduction <add>, %mul3A_96, %reduce_sum3A_97 [0] : vector<10000x128xf32> to vector<128xf32>
    %broadcast_in_dim3A_99 = vector.shape_cast %reduce_sum3A_98 : vector<128xf32> to vector<1x128xf32>
    %eq3A_100 = arith.constant 10 : i32
    %eq3A_101 = vector.broadcast %eq3A_100 : i32 to vector<10000x1xi32>
    %eq3A_102 = arith.cmpi eq, %get3A_4, %eq3A_101 : vector<10000x1xi32>
    %convert_element_type3A_103 = arith.extui %eq3A_102 : vector<10000x1xi1> to vector<10000x1xi32>
    %convert_element_type3A_104 = arith.sitofp %convert_element_type3A_103 : vector<10000x1xi32> to vector<10000x1xf32>
    %mul3A_105 = vector.broadcast %convert_element_type3A_104 : vector<10000x1xf32> to vector<10000x128xf32>
    %mul3A_106 = arith.mulf %get3A_1, %mul3A_105 : vector<10000x128xf32>
    %reduce_sum3A_107 = arith.constant dense<0.000000e+00> : vector<128xf32>
    %reduce_sum3A_108 = vector.multi_reduction <add>, %mul3A_106, %reduce_sum3A_107 [0] : vector<10000x128xf32> to vector<128xf32>
    %broadcast_in_dim3A_109 = vector.shape_cast %reduce_sum3A_108 : vector<128xf32> to vector<1x128xf32>
    %eq3A_110 = arith.constant 11 : i32
    %eq3A_111 = vector.broadcast %eq3A_110 : i32 to vector<10000x1xi32>
    %eq3A_112 = arith.cmpi eq, %get3A_4, %eq3A_111 : vector<10000x1xi32>
    %convert_element_type3A_113 = arith.extui %eq3A_112 : vector<10000x1xi1> to vector<10000x1xi32>
    %convert_element_type3A_114 = arith.sitofp %convert_element_type3A_113 : vector<10000x1xi32> to vector<10000x1xf32>
    %mul3A_115 = vector.broadcast %convert_element_type3A_114 : vector<10000x1xf32> to vector<10000x128xf32>
    %mul3A_116 = arith.mulf %get3A_1, %mul3A_115 : vector<10000x128xf32>
    %reduce_sum3A_117 = arith.constant dense<0.000000e+00> : vector<128xf32>
    %reduce_sum3A_118 = vector.multi_reduction <add>, %mul3A_116, %reduce_sum3A_117 [0] : vector<10000x128xf32> to vector<128xf32>
    %broadcast_in_dim3A_119 = vector.shape_cast %reduce_sum3A_118 : vector<128xf32> to vector<1x128xf32>
    %eq3A_120 = arith.constant 12 : i32
    %eq3A_121 = vector.broadcast %eq3A_120 : i32 to vector<10000x1xi32>
    %eq3A_122 = arith.cmpi eq, %get3A_4, %eq3A_121 : vector<10000x1xi32>
    %convert_element_type3A_123 = arith.extui %eq3A_122 : vector<10000x1xi1> to vector<10000x1xi32>
    %convert_element_type3A_124 = arith.sitofp %convert_element_type3A_123 : vector<10000x1xi32> to vector<10000x1xf32>
    %mul3A_125 = vector.broadcast %convert_element_type3A_124 : vector<10000x1xf32> to vector<10000x128xf32>
    %mul3A_126 = arith.mulf %get3A_1, %mul3A_125 : vector<10000x128xf32>
    %reduce_sum3A_127 = arith.constant dense<0.000000e+00> : vector<128xf32>
    %reduce_sum3A_128 = vector.multi_reduction <add>, %mul3A_126, %reduce_sum3A_127 [0] : vector<10000x128xf32> to vector<128xf32>
    %broadcast_in_dim3A_129 = vector.shape_cast %reduce_sum3A_128 : vector<128xf32> to vector<1x128xf32>
    %eq3A_130 = arith.constant 13 : i32
    %eq3A_131 = vector.broadcast %eq3A_130 : i32 to vector<10000x1xi32>
    %eq3A_132 = arith.cmpi eq, %get3A_4, %eq3A_131 : vector<10000x1xi32>
    %convert_element_type3A_133 = arith.extui %eq3A_132 : vector<10000x1xi1> to vector<10000x1xi32>
    %convert_element_type3A_134 = arith.sitofp %convert_element_type3A_133 : vector<10000x1xi32> to vector<10000x1xf32>
    %mul3A_135 = vector.broadcast %convert_element_type3A_134 : vector<10000x1xf32> to vector<10000x128xf32>
    %mul3A_136 = arith.mulf %get3A_1, %mul3A_135 : vector<10000x128xf32>
    %reduce_sum3A_137 = arith.constant dense<0.000000e+00> : vector<128xf32>
    %reduce_sum3A_138 = vector.multi_reduction <add>, %mul3A_136, %reduce_sum3A_137 [0] : vector<10000x128xf32> to vector<128xf32>
    %broadcast_in_dim3A_139 = vector.shape_cast %reduce_sum3A_138 : vector<128xf32> to vector<1x128xf32>
    %eq3A_140 = arith.constant 14 : i32
    %eq3A_141 = vector.broadcast %eq3A_140 : i32 to vector<10000x1xi32>
    %eq3A_142 = arith.cmpi eq, %get3A_4, %eq3A_141 : vector<10000x1xi32>
    %convert_element_type3A_143 = arith.extui %eq3A_142 : vector<10000x1xi1> to vector<10000x1xi32>
    %convert_element_type3A_144 = arith.sitofp %convert_element_type3A_143 : vector<10000x1xi32> to vector<10000x1xf32>
    %mul3A_145 = vector.broadcast %convert_element_type3A_144 : vector<10000x1xf32> to vector<10000x128xf32>
    %mul3A_146 = arith.mulf %get3A_1, %mul3A_145 : vector<10000x128xf32>
    %reduce_sum3A_147 = arith.constant dense<0.000000e+00> : vector<128xf32>
    %reduce_sum3A_148 = vector.multi_reduction <add>, %mul3A_146, %reduce_sum3A_147 [0] : vector<10000x128xf32> to vector<128xf32>
    %broadcast_in_dim3A_149 = vector.shape_cast %reduce_sum3A_148 : vector<128xf32> to vector<1x128xf32>
    %eq3A_150 = arith.constant 15 : i32
    %eq3A_151 = vector.broadcast %eq3A_150 : i32 to vector<10000x1xi32>
    %eq3A_152 = arith.cmpi eq, %get3A_4, %eq3A_151 : vector<10000x1xi32>
    %convert_element_type3A_153 = arith.extui %eq3A_152 : vector<10000x1xi1> to vector<10000x1xi32>
    %convert_element_type3A_154 = arith.sitofp %convert_element_type3A_153 : vector<10000x1xi32> to vector<10000x1xf32>
    %mul3A_155 = vector.broadcast %convert_element_type3A_154 : vector<10000x1xf32> to vector<10000x128xf32>
    %mul3A_156 = arith.mulf %get3A_1, %mul3A_155 : vector<10000x128xf32>
    %reduce_sum3A_157 = arith.constant dense<0.000000e+00> : vector<128xf32>
    %reduce_sum3A_158 = vector.multi_reduction <add>, %mul3A_156, %reduce_sum3A_157 [0] : vector<10000x128xf32> to vector<128xf32>
    %broadcast_in_dim3A_159 = vector.shape_cast %reduce_sum3A_158 : vector<128xf32> to vector<1x128xf32>
    %concatenate3A = tpu.concatenate %broadcast_in_dim3A, %broadcast_in_dim3A_19, %broadcast_in_dim3A_29, %broadcast_in_dim3A_39, %broadcast_in_dim3A_49, %broadcast_in_dim3A_59, %broadcast_in_dim3A_69, %broadcast_in_dim3A_79, %broadcast_in_dim3A_89, %broadcast_in_dim3A_99, %broadcast_in_dim3A_109, %broadcast_in_dim3A_119, %broadcast_in_dim3A_129, %broadcast_in_dim3A_139, %broadcast_in_dim3A_149, %broadcast_in_dim3A_159 in 0 : vector<1x128xf32>, vector<1x128xf32>, vector<1x128xf32>, vector<1x128xf32>, vector<1x128xf32>, vector<1x128xf32>, vector<1x128xf32>, vector<1x128xf32>, vector<1x128xf32>, vector<1x128xf32>, vector<1x128xf32>, vector<1x128xf32>, vector<1x128xf32>, vector<1x128xf32>, vector<1x128xf32>, vector<1x128xf32> -> vector<16x128xf32>
    %get3A_160 = arith.constant 0 : index
    %get3A_161 = arith.constant 0 : index
    %get3A_162 = vector.load %arg2[%get3A_160, %get3A_161] : memref<128x128xf32, #tpu.memory_space<vmem>>, vector<128x128xf32>
    %dot_general3A = arith.constant dense<0.000000e+00> : vector<16x128xf32>
    %dot_general3A_163 = tpu.matmul %concatenate3A, %get3A_162, %dot_general3A {dimension_numbers = #tpu.dot_dimension_numbers<[1], [0], [0], [1], [0, 0, 1, 1], [], []>, transpose_lhs_hint = false} : vector<16x128xf32>, vector<128x128xf32>, vector<16x128xf32> -> vector<16x128xf32>
    %get3A_164 = arith.constant 0 : index
    %get3A_165 = arith.constant 0 : index
    %get3A_166 = vector.load %arg5[%get3A_164, %get3A_165] : memref<1x128xf32, #tpu.memory_space<vmem>>, vector<1x128xf32>
    %add3A = vector.broadcast %get3A_166 : vector<1x128xf32> to vector<16x128xf32>
    %add3A_167 = arith.addf %dot_general3A_163, %add3A : vector<16x128xf32>
    %gt3A = arith.constant 0.000000e+00 : f32
    %gt3A_168 = vector.broadcast %gt3A : f32 to vector<16x128xf32>
    %gt3A_169 = arith.cmpf ogt, %add3A_167, %gt3A_168 : vector<16x128xf32>
    %exp3A = math.exp %add3A_167 : vector<16x128xf32>
    %sub3A = arith.constant 1.000000e+00 : f32
    %sub3A_170 = vector.broadcast %sub3A : f32 to vector<16x128xf32>
    %sub3A_171 = arith.subf %exp3A, %sub3A_170 : vector<16x128xf32>
    %mul3A_172 = arith.constant 1.67326319 : f32
    %mul3A_173 = vector.broadcast %mul3A_172 : f32 to vector<16x128xf32>
    %mul3A_174 = arith.mulf %mul3A_173, %sub3A_171 : vector<16x128xf32>
    %select_n3A = arith.select %gt3A_169, %add3A_167, %mul3A_174 : vector<16x128xi1>, vector<16x128xf32>
    %mul3A_175 = arith.constant 1.05070102 : f32
    %mul3A_176 = vector.broadcast %mul3A_175 : f32 to vector<16x128xf32>
    %mul3A_177 = arith.mulf %mul3A_176, %select_n3A : vector<16x128xf32>
    %get3A_178 = arith.constant 0 : index
    %get3A_179 = arith.constant 0 : index
    %get3A_180 = vector.load %arg3[%get3A_178, %get3A_179] : memref<128x128xf32, #tpu.memory_space<vmem>>, vector<128x128xf32>
    %dot_general3A_181 = arith.constant dense<0.000000e+00> : vector<16x128xf32>
    %dot_general3A_182 = tpu.matmul %mul3A_177, %get3A_180, %dot_general3A_181 {dimension_numbers = #tpu.dot_dimension_numbers<[1], [0], [0], [1], [0, 0, 1, 1], [], []>, transpose_lhs_hint = false} : vector<16x128xf32>, vector<128x128xf32>, vector<16x128xf32> -> vector<16x128xf32>
    %get3A_183 = arith.constant 0 : index
    %get3A_184 = arith.constant 0 : index
    %get3A_185 = vector.load %arg6[%get3A_183, %get3A_184] : memref<1x128xf32, #tpu.memory_space<vmem>>, vector<1x128xf32>
    %add3A_186 = vector.broadcast %get3A_185 : vector<1x128xf32> to vector<16x128xf32>
    %add3A_187 = arith.addf %dot_general3A_182, %add3A_186 : vector<16x128xf32>
    %gt3A_188 = arith.constant 0.000000e+00 : f32
    %gt3A_189 = vector.broadcast %gt3A_188 : f32 to vector<16x128xf32>
    %gt3A_190 = arith.cmpf ogt, %add3A_187, %gt3A_189 : vector<16x128xf32>
    %exp3A_191 = math.exp %add3A_187 : vector<16x128xf32>
    %sub3A_192 = arith.constant 1.000000e+00 : f32
    %sub3A_193 = vector.broadcast %sub3A_192 : f32 to vector<16x128xf32>
    %sub3A_194 = arith.subf %exp3A_191, %sub3A_193 : vector<16x128xf32>
    %mul3A_195 = arith.constant 1.67326319 : f32
    %mul3A_196 = vector.broadcast %mul3A_195 : f32 to vector<16x128xf32>
    %mul3A_197 = arith.mulf %mul3A_196, %sub3A_194 : vector<16x128xf32>
    %select_n3A_198 = arith.select %gt3A_190, %add3A_187, %mul3A_197 : vector<16x128xi1>, vector<16x128xf32>
    %mul3A_199 = arith.constant 1.05070102 : f32
    %mul3A_200 = vector.broadcast %mul3A_199 : f32 to vector<16x128xf32>
    %mul3A_201 = arith.mulf %mul3A_200, %select_n3A_198 : vector<16x128xf32>
    %get3A_202 = arith.constant 0 : index
    %get3A_203 = arith.constant 0 : index
    %get3A_204 = vector.load %arg4[%get3A_202, %get3A_203] : memref<128x128xf32, #tpu.memory_space<vmem>>, vector<128x128xf32>
    %dot_general3A_205 = arith.constant dense<0.000000e+00> : vector<16x128xf32>
    %dot_general3A_206 = tpu.matmul %mul3A_201, %get3A_204, %dot_general3A_205 {dimension_numbers = #tpu.dot_dimension_numbers<[1], [0], [0], [1], [0, 0, 1, 1], [], []>, transpose_lhs_hint = false} : vector<16x128xf32>, vector<128x128xf32>, vector<16x128xf32> -> vector<16x128xf32>
    %get3A_207 = arith.constant 0 : index
    %get3A_208 = arith.constant 0 : index
    %get3A_209 = vector.load %arg7[%get3A_207, %get3A_208] : memref<1x128xf32, #tpu.memory_space<vmem>>, vector<1x128xf32>
    %add3A_210 = vector.broadcast %get3A_209 : vector<1x128xf32> to vector<16x128xf32>
    %add3A_211 = arith.addf %dot_general3A_206, %add3A_210 : vector<16x128xf32>
    %swap3A = arith.constant 0 : index
    %swap3A_212 = arith.constant 0 : index
    %swap3A_213 = vector.load %arg8[%swap3A, %swap3A_212] : memref<16x128xf32, #tpu.memory_space<vmem>>, vector<16x128xf32>
    tpu.vector_store %arg8[%swap3A, %swap3A_212], %add3A_211 {strides = array<i32>} : memref<16x128xf32, #tpu.memory_space<vmem>>, vector<16x128xf32>,
    return
  }
}

</mosaic_0001>

<sc_bundles>
// kernel: kernel.14.cloned.1.call-start
scs
__scs_entry_jumppad:
0x0: {  	(pc) =	sbr.rel $0x88, $3  }
0x1: {  	(tag) =	ssettag $0x0;
	lr =	simm.s32 $0x1  }
0x2: {  	[smem:$0x3F92] =	sst lr;
	_ =	strace $0xD0000000  }
0x3: {  	_ = 	snop  }
0x4: {  	_ = 	snop  }
0x5: {  	_ = 	snop  }
0x6: {  	_ = 	snop  }
0x7: {  	_ = 	snop  }
__scs_overlays_trampoline_lowered:
0x8: {  	[smem:$0x3FA1] =	sst s0  }
0x9: {  	[smem:$0x3FA2] =	sst s1  }
0xa: {  	[smem:$0x3FA3] =	sst s2  }
0xb: {  	[smem:$0x3FA4] =	sst s3  }
0xc: {  	[smem:$0x3FA5] =	sst s4  }
0xd: {  	[smem:$0x3FA6] =	sst s5  }
0xe: {  	[smem:$0x3FA7] =	sst s6  }
0xf: {  	[smem:$0x3FA8] =	sst s7  }
0x10: {  	[smem:$0x3FA9] =	sst s8  }
0x11: {  	[smem:$0x3FAA] =	sst s9;
	s0 =	simm.s32 @!p0 $0x0  }
0x12: {  	s1 =	sld [smem:$0x3F90];
	s0 =	simm.s32 @p0 $0x1  }
0x13: {  	[smem:$0x3FAB] =	sst s0;
	s0 =	simm.s32 @!p1 $0x0  }
0x14: {  	s2 =	sld [smem:$0x3F8F];
	s0 =	simm.s32 @p1 $0x1  }
0x15: {  	[smem:$0x3FAC] =	sst s0;
	s0 =	simm.s32 @!p2 $0x0  }
0x16: {  	s3 =	sld [smem:$0x3FDB];
	s0 =	simm.s32 @p2 $0x1  }
0x17: {  	s4 =	simm.s32 $0x1BF5;
	[smem:$0x3FAE] =	sst s0  }
0x18: {  	s0 =	sld [smem:$0x3F91];
	_ =	swait.ge [sflag:s4], $0x0  }
0x19: {  	s7 =	sld [smem:$0x3F92]  }
0x1a: {  	s8 =	sadd.s32 $0xFFFFE003, lr  }
0x1b: {  	s9 =	sadd.s32 $0xFFFFFEF7, lr;
	s5 =	simm.s32 $0xFFFFFFFF;
	p2 =	slt.u32 s8, $0xFFFFF086  }
0x1c: {  	p1 =	slt.u32 s9, $0xF7A;
	s5 =	simm.s32 @!p2 $0x0  }
0x1d: {  	s5 =	simm.s32 @p1 $0x1;
	p0 =	seq.s32 s7, s2  }
0x1e: {  	s7 =	smul.u32 @!p0 $0xF7A, s2;
	p2 =	seq.s32 @!p0 s5, $0x0  }
0x1f: {  	s9 =	smul.u32 $0xF7A, s1;
	s8 =	simm.s32 @!p0 $0x1BF5;
	p2 =	por !p2, p0  }
0x20: {  	[sflag:s8] =	ssyncset.s32 @!p0 $0xFFFFF086;
	s6 =	sadd.s32 @!p0 s3, s7;
	s7 =	simm.s32 @!p0 $0x108  }
0x21: {  	s3 =	sadd.s32 s3, s9;
	s6 =	sadd.s32 @!p0 $0x88, s6;
	s7 =	simm.s32 @p2 $0x1082  }
0x22: {  	[simem:s7], [sflag:s8] =	dma.local @!p0 [hbm:s6], $0xF7A  }
0x23: {  	s9 =	sor.u32 $0xD0000000, s2;
	s6 =	simm.s32 $0x108;
	_ =	swait.ge @!p0 [sflag:s8], $0x0  }
0x24: {  	s3 =	sadd.s32 $0x88, s3;
	s6 =	simm.s32 @!p1 $0x1082;
	[sflag:s4] =	ssyncset.s32 $0xFFFFF086  }
0x25: {  	[simem:s6], [sflag:s4] =	dma.local [hbm:s3], $0xF7A  }
0x26: {  	[smem:$0x3F92] =	sst s1;
	(tag) =	ssettag s2;
	_ =	strace s9  }
0x27: {  	s1 =	sld [smem:$0x3FA2]  }
0x28: {  	s2 =	sld [smem:$0x3FA3]  }
0x29: {  	s4 =	sld [smem:$0x3FA5]  }
0x2a: {  	p0 =	seq.s32 s5, $0x0;
	s5 =	sld [smem:$0x3FA6]  }
0x2b: {  	s6 =	sld [smem:$0x3FA7]  }
0x2c: {  	s7 =	sld [smem:$0x3FA8]  }
0x2d: {  	s3 =	simm.s32 $0x108;
	s8 =	sld [smem:$0x3FA9]  }
0x2e: {  	s3 =	simm.s32 @!p0 $0x1082;
	s9 =	sld [smem:$0x3FAA]  }
0x2f: {  	lr =	sadd.s32 s0, s3;
	s0 =	sld [smem:$0x3FA1]  }
0x30: {  	s3 =	sld [smem:$0x3FA4]  }
0x31: {  	[smem:$0x3FAD] =	sst s10  }
0x32: {  	s10 =	sld [smem:$0x3FAB];
	_ =	sdelay $0x3  }
0x33: {  	p0 =	seq.s32 s10, $0x1;
	s10 =	sld [smem:$0x3FAD];
	_ =	sdelay $0x3  }
0x34: {  	[smem:$0x3FAD] =	sst s10  }
0x35: {  	s10 =	sld [smem:$0x3FAC];
	_ =	sdelay $0x3  }
0x36: {  	p1 =	seq.s32 s10, $0x1;
	s10 =	sld [smem:$0x3FAD];
	_ =	sdelay $0x3  }
0x37: {  	[smem:$0x3FAD] =	sst s10  }
0x38: {  	s10 =	sld [smem:$0x3FAE]  }
0x39: {  	_ = 	snop;
	(pc) =	sbr.ind lr, $3  }
0x3a: {  	_ = 	snop  }
0x3b: {  	_ = 	snop  }
0x3c: {  	p2 =	seq.s32 s10, $0x1;
	s10 =	sld [smem:$0x3FAD]  }
0x3d: {  	_ =	shalt  }
0x3e: {  	_ =	shalt  }
0x3f: {  	_ =	shalt  }
0x40: {  	_ =	shalt  }
0x41: {  	_ =	shalt  }
0x42: {  	_ =	shalt  }
0x43: {  	_ =	shalt  }
0x44: {  	_ =	shalt  }
0x45: {  	_ =	shalt  }
0x46: {  	_ =	shalt  }
0x47: {  	_ =	shalt  }
0x48: {  	_ =	shalt  }
0x49: {  	_ =	shalt  }
0x4a: {  	_ =	shalt  }
0x4b: {  	_ =	shalt  }
0x4c: {  	_ =	shalt  }
0x4d: {  	_ =	shalt  }
0x4e: {  	_ =	shalt  }
0x4f: {  	_ =	shalt  }
0x50: {  	_ =	shalt  }
0x51: {  	_ =	shalt  }
0x52: {  	_ =	shalt  }
0x53: {  	_ =	shalt  }
0x54: {  	_ =	shalt  }
0x55: {  	_ =	shalt  }
0x56: {  	_ =	shalt  }
0x57: {  	_ =	shalt  }
0x58: {  	_ =	shalt  }
0x59: {  	_ =	shalt  }
0x5a: {  	_ =	shalt  }
0x5b: {  	_ =	shalt  }
0x5c: {  	_ =	shalt  }
0x5d: {  	_ =	shalt  }
0x5e: {  	_ =	shalt  }
0x5f: {  	_ =	shalt  }
0x60: {  	_ =	shalt  }
0x61: {  	_ =	shalt  }
0x62: {  	_ =	shalt  }
0x63: {  	_ =	shalt  }
0x64: {  	_ =	shalt  }
0x65: {  	_ =	shalt  }
0x66: {  	_ =	shalt  }
0x67: {  	_ =	shalt  }
0x68: {  	_ =	shalt  }
0x69: {  	_ =	shalt  }
0x6a: {  	_ =	shalt  }
0x6b: {  	_ =	shalt  }
0x6c: {  	_ =	shalt  }
0x6d: {  	_ =	shalt  }
0x6e: {  	_ =	shalt  }
0x6f: {  	_ =	shalt  }
0x70: {  	_ =	shalt  }
0x71: {  	_ =	shalt  }
0x72: {  	_ =	shalt  }
0x73: {  	_ =	shalt  }
0x74: {  	_ =	shalt  }
0x75: {  	_ =	shalt  }
0x76: {  	_ =	shalt  }
0x77: {  	_ =	shalt  }
0x78: {  	_ =	shalt  }
0x79: {  	_ =	shalt  }
0x7a: {  	_ =	shalt  }
0x7b: {  	_ =	shalt  }
0x7c: {  	_ =	shalt  }
0x7d: {  	_ =	shalt  }
0x7e: {  	_ =	shalt  }
0x7f: {  	_ =	shalt  }
0x80: {  	_ =	shalt  }
0x81: {  	_ =	shalt  }
0x82: {  	_ =	shalt  }
0x83: {  	_ =	shalt  }
0x84: {  	_ =	shalt  }
0x85: {  	_ =	shalt  }
0x86: {  	_ =	shalt  }
0x87: {  	_ =	shalt  }
.Lfunc_end0:
.L_simem_size_0:
called_computation_lowered:
.L_overlay_start_0:
0x88: {  	s2 =	sld [smem:$0x3FD9]  }
0x89: {  	s3 =	sld [smem:$0x3FFE];
	_ =	sdelay $0x1  }
0x8a: {  	s1 =	srdreg.scid  }
0x8b: {  	s0 =	sand.u32 $0x1, s1  }
0x8c: {  	s17 =	sshll.u32 s0, $0xA;
	s2 =	sadd.s32 s3, s2  }
0x8d: {  	s2 =	sadd.s32 s2, s17  }
0x8e: {  	[smem:$0x3FB9] =	sst s2  }
0x8f: {  	_ = 	snop  }
0x90: {  	s2 =	sld [smem:$0x3FC7]  }
0x91: {  	s18 =	sld [smem:$0x3FC6];
	(tm) =	ssettm $0x1  }
0x92: {  	s4 =	sld [smem:$0x3FFB];
	_ =	sdelay $0x3  }
0x93: {  	_ =	strace s4  }
0x94: {  	s4 =	sld [smem:$0x3FFC];
	_ =	sdelay $0x3  }
0x95: {  	_ =	strace s4  }
0x96: {  	s4 =	sld [smem:$0x3FFD];
	_ =	sdelay $0x3  }
0x97: {  	_ =	strace s4  }
0x98: {  	_ =	strace $0x8FFFFFFF  }
0x99: {  	s19 =	sld [smem:$0x3FDB];
	_ =	sdelay $0x1  }
0x9a: {  	s5 =	simm.s32 $_scs_section_size  }
0x9b: {  	s6 =	simm.s32 $_size__tile_overlayer_lowered;
	s7 =	simm.s32 $_tile_overlayer_lowered  }
0x9c: {  	s22 =	simm.s32 $0x1BFF;
	s21 =	sshll.u32 s7, $0x1;
	s4 =	sadd.s32 s5, s19  }
0x9d: {  	s8 =	simm.s32 $0x0;
	s20 =	sshll.u32 s6, $0x1;
	s6 =	sadd.s32 s21, s4  }
0x9e: {  	[timem:s8], [sflag:s22] =	dma.local [hbm:s6], s20  }
0x9f: {  	_ =	swait.ge [sflag:s22], s20  }
0xa0: {  	s5 =	ssub.s32 $0x0, s20;
	[sflag:s22] =	ssyncset.done $0x0  }
0xa1: {  	[sflag:s22] =	ssyncadd.s32 s5;
	_ =	sdelay $0x1  }
0xa2: {  	s23 =	simm.s32 $0x1B8B  }
0xa3: {  	_ =	swait.ge [sflag:s23], $0x1  }
0xa4: {  	[sflag:s23] =	ssyncset.done $0x0  }
0xa5: {  	s25 =	simm.s32 $0x1B8E;
	s24 =	sld [smem:$0x3FFE];
	[sflag:s23] =	ssyncadd.s32 $0xFFFFFFFF  }
0xa6: {  	s26 =	simm.s32 $execute0_lowered;
	[smem:$0x3FD2] =	sst s25  }
0xa7: {  	s6 =	sshll.u32 s26, $0x1;
	_ =	strace $0x80000046;
	[dreg:$0x1] =	wrdreg $0xFFFFFFFF  }
0xa8: {  	s28 =	simm.s32 $_size_execute0_lowered;
	s4 =	sadd.s32 s4, s6;
	[dreg:$0x0] =	wrdreg $0x0  }
0xa9: {  	s6 =	sshll.u32 s28, $0x1;
	[dreg:$0x2] =	wrdreg s4  }
0xaa: {  	[dreg:$0x3] =	wrdreg s6  }
0xab: {  	[dreg:$0x4] =	wrdreg $0xC0  }
0xac: {  	_ =	task [dreg:s8], $0x5FFFF  }
0xad: {  	[dreg:$0x1] =	wrdreg $0xFFFFFFFF  }
0xae: {  	[dreg:$0x0] =	wrdreg $0x60  }
0xaf: {  	[dreg:$0x2] =	wrdreg s24  }
0xb0: {  	[dreg:$0x3] =	wrdreg s2  }
0xb1: {  	[dreg:$0x4] =	wrdreg s18  }
0xb2: {  	[dreg:$0x5] =	wrdreg $0x0  }
0xb3: {  	[dreg:$0x6] =	wrdreg $0x9  }
0xb4: {  	_ =	task.clear_ibuf [dreg:s8], $0x7FFFF;
	_ =	strace $0x90000046  }
0xb5: {  	s29 =	simm.s32 $0x9;
	_ =	strace $0x80000048  }
0xb6: {  	_ =	swait.ge [sflag:s29], $0x1  }
0xb7: {  	[sflag:s29] =	ssyncadd.s32 $0xFFFFFFFF  }
0xb8: {  	_ =	strace $0x90000048  }
0xb9: {  	_ =	sfence  }
0xba: {  	s30 =	sld [smem:$0x0];
	_ =	sdelay $0x2  }
0xbb: {  	s31 =	sshll.u32 s1, $0xD;
	s1 =	sshrl.u32 s1, $0x2  }
0xbc: {  	s3 =	sand.u32 $0x4000, s31;
	s1 =	sadd.s32 s1, s30  }
0xbd: {  	s0 =	sor.u32 s3, s0;
	s1 =	sshll.u32 s1, $0x11  }
0xbe: {  	s0 =	sor.u32 s1, s0  }
0xbf: {  	s0 =	sadd.s32 $0x8F2B, s0  }
0xc0: {  	[sflag:s0] =	ssyncadd.remote.s32 $0x1  }
0xc1: {  	_ =	sfence.sel $0xFFFF  }
0xc2: {  	[dreg:$0x0] =	wrdreg $0xFFFFFFFF;
	(pc) =	sbr.abs _section_cstart, $3  }
0xc3: {  	[dreg:$0x1] =	wrdreg $0xFFFFFFFF  }
0xc4: {  	_ =	task.clear_ibuf [dreg:s8], $0x2FFFF;
	_ =	strace $0x9FFFFFFF  }
0xc5: {  	(tm) =	ssettm $0x7FFFFFFF  }
tec
execute0_lowered:
.L_overlay_start_1:
0x0: {  	(tag) =	ssettag $0x1  }
0x1: {  	s0 =	rddreg [dreg:$0x0]  }
0x2: {  	s1 =	rddreg [dreg:$0x1]  }
0x3: {  	s2 =	rddreg [dreg:$0x2]  }
0x4: {  	s3 =	rddreg [dreg:$0x3];
	s4 =	srdreg.scid;
	s5 =	simm.s32 $0x0  }
0x5: {  	s19 =	simm.s32 $0x14100;
	s20 =	simm.s32 $0x2;
	s21 =	simm.s32 $0x14000  }
0x6: {  	s22 =	simm.s32 $0x14080;
	s23 =	simm.s32 $0x50;
	s24 =	simm.s32 $0x16900  }
0x7: {  	s25 =	simm.s32 $0x1;
	s8 =	sand.u32 $0x1, s4;
	s4 =	stileid.u32  }
0x8: {  	[smem:$0x7FF] =	sst s5;
	s6 =	sadd.s32 $0x5800, s0;
	s7 =	smul.u32 $0x140000, s8  }
0x9: {  	s9 =	smul.u32 $0x14000, s4;
	_ =	strace $0x80000047;
	s11 =	ssub.s32 $0x2, s8  }
0xa: {  	s10 =	smul.u32 $0x50000, s4;
	s31 =	sshll.u32 s8, $0x4;
	s30 =	sshrl.u32 s11, $0x1  }
0xb: {  	s16 =	sor.u32 s4, s31;
	s9 =	sadd.s32 s9, s7;
	s7 =	sadd.s32 $0x2CA00, s0  }
0xc: {  	s10 =	sshrl.u32 s10, $0x2;
	s18 =	ssub.s32 s11, s30;
	s16 =	smul.u32 $0x4E20, s16  }
0xd: {  	s9 =	sshrl.u32 s9, $0x3;
	s8 =	sadd.s32 s10, s3;
	s18 =	smax.u32 s18, $0x1  }
0xe: {  	s0 =	sadd.s32 s9, s0;
	s9 =	sadd.s32 $0x2800, s8;
	s10 =	sadd.s32 $0x5000, s8  }
0xf: {  	s11 =	sadd.s32 $0x7800, s8;
	s12 =	sadd.s32 $0xA000, s8;
	s13 =	sadd.s32 $0xC800, s8  }
0x10: {  	v0 =	vimm.f32 $0.0e+00;
	s14 =	sadd.s32 $0xF000, s8;
	s15 =	sadd.s32 $0x11800, s8;
	s17 =	sadd.s32 $0x53C00, s0  }
.LBB2_1:
0x11: {  	s0 =	simm.s32 $0x0;
	s26 =	simm.s32 $0x200  }
.LBB2_2:
0x12: {  	p0 =	sne.s32 s26, $0x9E00;
	[tilespmem:s0+$0x14170] =	vst v0  }
0x13: {  	[tilespmem:s0+$0x14100] =	vst v0  }
0x14: {  	[tilespmem:s0+$0x14110] =	vst v0  }
.Ltmp0:
0x15: {  	[tilespmem:s0+$0x14120] =	vst v0;
	(pc) =	sbr.rel @p0 .LBB2_2-.Ltmp0, $4  }
0x16: {  	[tilespmem:s0+$0x14130] =	vst v0  }
0x17: {  	[tilespmem:s0+$0x14140] =	vst v0  }
0x18: {  	[tilespmem:s0+$0x14150] =	vst v0  }
0x19: {  	[tilespmem:s0+$0x14160] =	vst v0;
	s0 =	sshra.s32 s26, $0x2;
	s26 =	sadd.s32 $0x200, s26  }
0x1a: {  	[tilespmem:s0+$0x14170] =	vst v0  }
0x1b: {  	[tilespmem:s0+$0x14100] =	vst v0  }
0x1c: {  	[tilespmem:s0+$0x14110] =	vst v0  }
0x1d: {  	[tilespmem:s0+$0x14120] =	vst v0  }
0x1e: {  	[tilespmem:s0+$0x14130] =	vst v0  }
0x1f: {  	[tilespmem:s0+$0x14140] =	vst v0  }
0x20: {  	[tilespmem:s0+$0x14150] =	vst v0  }
0x21: {  	[tilespmem:s0+$0x14160] =	vst v0  }
0x22: {  	[spmem:s8] =	stream.linear.scatter [tilespmem:s19], [sflag:$0x2], $0x2800, $0x38;
	[tilespmem:$0x19100] =	vst v63  }
0x23: {  	_ =	swait.ge [sflag:s20], $0x2800  }
0x24: {  	[sflag:s20] =	ssyncset.done $0x0  }
0x25: {  	[sflag:s20] =	ssyncadd.s32 $0xFFFFD800  }
0x26: {  	[spmem:s9] =	stream.linear.scatter [tilespmem:s19], [sflag:$0x2], $0x2800, $0x38;
	[tilespmem:$0x19100] =	vst v63  }
0x27: {  	_ =	swait.ge [sflag:s20], $0x2800  }
0x28: {  	[sflag:s20] =	ssyncset.done $0x0  }
0x29: {  	[sflag:s20] =	ssyncadd.s32 $0xFFFFD800  }
0x2a: {  	[spmem:s10] =	stream.linear.scatter [tilespmem:s19], [sflag:$0x2], $0x2800, $0x38;
	[tilespmem:$0x19100] =	vst v63  }
0x2b: {  	_ =	swait.ge [sflag:s20], $0x2800  }
0x2c: {  	[sflag:s20] =	ssyncset.done $0x0  }
0x2d: {  	[sflag:s20] =	ssyncadd.s32 $0xFFFFD800  }
0x2e: {  	[spmem:s11] =	stream.linear.scatter [tilespmem:s19], [sflag:$0x2], $0x2800, $0x38;
	[tilespmem:$0x19100] =	vst v63  }
0x2f: {  	_ =	swait.ge [sflag:s20], $0x2800  }
0x30: {  	[sflag:s20] =	ssyncset.done $0x0  }
0x31: {  	[sflag:s20] =	ssyncadd.s32 $0xFFFFD800  }
0x32: {  	[spmem:s12] =	stream.linear.scatter [tilespmem:s19], [sflag:$0x2], $0x2800, $0x38;
	[tilespmem:$0x19100] =	vst v63  }
0x33: {  	_ =	swait.ge [sflag:s20], $0x2800  }
0x34: {  	[sflag:s20] =	ssyncset.done $0x0  }
0x35: {  	[sflag:s20] =	ssyncadd.s32 $0xFFFFD800  }
0x36: {  	[spmem:s13] =	stream.linear.scatter [tilespmem:s19], [sflag:$0x2], $0x2800, $0x38;
	[tilespmem:$0x19100] =	vst v63  }
0x37: {  	_ =	swait.ge [sflag:s20], $0x2800  }
0x38: {  	[sflag:s20] =	ssyncset.done $0x0  }
0x39: {  	[sflag:s20] =	ssyncadd.s32 $0xFFFFD800  }
0x3a: {  	[spmem:s14] =	stream.linear.scatter [tilespmem:s19], [sflag:$0x2], $0x2800, $0x38;
	[tilespmem:$0x19100] =	vst v63  }
0x3b: {  	_ =	swait.ge [sflag:s20], $0x2800  }
0x3c: {  	[sflag:s20] =	ssyncset.done $0x0  }
0x3d: {  	[sflag:s20] =	ssyncadd.s32 $0xFFFFD800  }
0x3e: {  	[spmem:s15] =	stream.linear.scatter [tilespmem:s19], [sflag:$0x2], $0x2800, $0x38;
	[tilespmem:$0x19100] =	vst v63  }
0x3f: {  	_ =	swait.ge [sflag:s20], $0x2800  }
0x40: {  	[sflag:s20] =	ssyncset.done $0x0  }
0x41: {  	[sflag:s20] =	ssyncadd.s32 $0xFFFFD800  }
0x42: {  	s26 =	simm.s32 $0x0;
	s28 =	simm.s32 $0x0;
	[bflag:$0x0] =	sbarrier.arrive $0xFFFF  }
.LBB2_4:
0x43: {  	s0 =	smul.u32 $0x50, s28;
	_ =	sdelay $0x1  }
0x44: {  	s0 =	sadd.s32 s16, s0  }
0x45: {  	s0 =	sshrl.u32 s0, $0x3  }
0x46: {  	s29 =	sadd.s32 s1, s0  }
0x47: {  	[tilespmem:s21], [sflag:$0x2] =	stream.linear.gather [hbm4b:s29+s26], $0x50, $0x38;
	[tilespmem:$0x19100] =	vst v63  }
0x48: {  	_ =	swait.ge [sflag:s20], $0x50  }
0x49: {  	[sflag:s20] =	ssyncset.done $0x0  }
0x4a: {  	s0 =	sadd.s32 s2, s0;
	[sflag:s20] =	ssyncadd.s32 $0xFFFFFFB0  }
0x4b: {  	[tilespmem:s22], [sflag:$0x2] =	stream.linear.gather [hbm4b:s0+s26], $0x50, $0x38;
	[tilespmem:$0x19100] =	vst v63  }
0x4c: {  	_ =	swait.ge [sflag:s20], $0x50  }
0x4d: {  	[sflag:s20] =	ssyncset.done $0x0  }
0x4e: {  	[sflag:s20] =	ssyncadd.s32 $0xFFFFFFB0  }
0x4f: {  	[tilespmem:s19], [sflag:$0x1] =	stream.indirect.gather [hbm4b:s6+s23], $0x80, s21, s23, $0xb8;
	[tilespmem:$0x19100] =	vst v63  }
0x50: {  	_ = 	snop  }
0x51: {  	[tilespmem:s24], [sflag:$0x1] =	stream.indirect.gather [hbm4b:s7+s23], $0x80, s22, s23, $0xb8;
	[tilespmem:$0x19100] =	vst v63  }
0x52: {  	_ =	swait.ge [sflag:s25], $0x2800  }
0x53: {  	[sflag:s25] =	ssyncset.done $0x0  }
0x54: {  	[sflag:s25] =	ssyncadd.s32 $0xFFFFD800  }
0x55: {  	_ =	swait.ge [sflag:s25], $0x2800  }
0x56: {  	[sflag:s25] =	ssyncset.done $0x0  }
0x57: {  	s29 =	simm.s32 $0x0;
	[sflag:s25] =	ssyncadd.s32 $0xFFFFD800  }
0x58: {  	v1 =	vld [tilespmem:s29+$0x16950]  }
0x59: {  	v2 =	vld [tilespmem:s29+$0x14150];
	_ =	sdelay $0x2  }
0x5a: {  	v3 =	vld [tilespmem:s29+$0x16970]  }
0x5b: {  	v4 =	vld [tilespmem:s29+$0x16940]  }
0x5c: {  	v5 =	vld [tilespmem:s29+$0x16930];
	v9 =	vadd.f32 v1, v2  }
0x5d: {  	v1 =	vld [tilespmem:s29+$0x14140]  }
0x5e: {  	v8 =	vld [tilespmem:s29+$0x16910];
	v6 =	vmul.f32 $1.442695020e+00, v9  }
0x5f: {  	v10 =	vld [tilespmem:s29+$0x14170]  }
0x60: {  	v11 =	vld [tilespmem:s29+$0x14130];
	(erf) = vpow2.f32 v6  }
0x61: {  	v12 =	vld [tilespmem:s29+$0x14110]  }
0x62: {  	v13 =	vld [tilespmem:s29+$0x16960];
	v7 =	vadd.f32 v4, v1  }
0x63: {  	v14 =	vld [tilespmem:s29+$0x14120]  }
0x64: {  	v2 =	vld [tilespmem:s29+$0x16920];
	v6 =	vadd.f32 v3, v10;
	v4 =	vmul.f32 $1.442695020e+00, v7  }
0x65: {  	v5 =	vadd.f32 v5, v11;
	v11 =	vld [tilespmem:s29+$0x14100]  }
0x66: {  	v10 =	vld [tilespmem:s29+$0x14160];
	v3 =	vmul.f32 $1.442695020e+00, v6;
	(erf) = vpow2.f32 v4  }
0x67: {  	v1 =	vld [tilespmem:s29+$0x16900];
	v4 =	vadd.f32 v8, v12;
	v8 =	vmul.f32 $1.442695020e+00, v5  }
0x68: {  	(erf) = vpow2.f32 v3  }
0x69: {  	v3 =	vadd.f32 v2, v14;
	v62 =	vmul.f32 $1.442695020e+00, v4;
	(erf) = vpow2.f32 v8;
	v61 =	vpop (erf)  }
0x6a: {  	v12 =	vadd.f32 $-1.000000000e+00, v61  }
0x6b: {  	v2 =	vadd.f32 v13, v10;
	v10 =	vmul.f32 $1.442695020e+00, v3;
	(erf) = vpow2.f32 v62  }
0x6c: {  	v1 =	vadd.f32 v1, v11;
	v11 =	vmul.f32 $1.673263190e+00, v12  }
0x6d: {  	vm0 =	vgt.f32 v9, $0.0e+00;
	v63 =	vmul.f32 $1.442695020e+00, v2  }
0x6e: {  	v8 =	vmul.f32 $1.442695020e+00, v1;
	(erf) = vpow2.f32 v10;
	v9 =	vsel vm0, v9, v11  }
0x6f: {  	s31 =	simm.s32 $0x200;
	s30 =	simm.s32 $0x400;
	(erf) = vpow2.f32 v63;
	v10 =	vpop (erf);
	v9 =	vmul.f32 $1.050701020e+00, v9  }
.LBB2_5:
0x70: {  	p0 =	sne.s32 s30, $0x9E00  }
0x71: {  	s0 =	sshra.s32 s31, $0x2;
	v10 =	vadd.f32 $-1.000000000e+00, v10;
	(erf) = vpow2.f32 v8;
	v8 =	vpop (erf);
	s31 =	smov.u32 s30;
	s30 =	sadd.s32 $0x200, s30  }
0x72: {  	v11 =	vld [tilespmem:s0+$0x16950];
	[tilespmem:s29+$0x14150] =	vst v9;
	v8 =	vadd.f32 $-1.000000000e+00, v8;
	v9 =	vpop (erf)  }
0x73: {  	vm0 =	vgt.f32 v5, $0.0e+00;
	v12 =	vld [tilespmem:s0+$0x14150];
	v9 =	vadd.f32 $-1.000000000e+00, v9;
	v10 =	vmul.f32 $1.673263190e+00, v10  }
0x74: {  	vm1 =	vgt.f32 v7, $0.0e+00;
	vm2 =	vgt.f32 v6, $0.0e+00;
	v13 =	vld [tilespmem:s0+$0x16970];
	v8 =	vmul.f32 $1.673263190e+00, v8;
	v14 =	vpop (erf)  }
0x75: {  	v15 =	vld [tilespmem:s0+$0x16940];
	v14 =	vadd.f32 $-1.000000000e+00, v14;
	v9 =	vmul.f32 $1.673263190e+00, v9;
	v7 =	vsel vm1, v7, v10  }
0x76: {  	vm1 =	vgt.f32 v4, $0.0e+00;
	v10 =	vld [tilespmem:s0+$0x16930];
	v16 =	vmul.f32 $1.050701020e+00, v7;
	v6 =	vsel vm2, v6, v8  }
0x77: {  	v8 =	vld [tilespmem:s0+$0x16920];
	v14 =	vmul.f32 $1.673263190e+00, v14;
	v5 =	vsel vm0, v5, v9;
	v17 =	vmul.f32 $1.050701020e+00, v6  }
0x78: {  	vm0 =	vgt.f32 v3, $0.0e+00;
	v9 =	vld [tilespmem:s0+$0x16910];
	v11 =	vadd.f32 v11, v12;
	v5 =	vmul.f32 $1.050701020e+00, v5;
	[tilespmem:s29+$0x14140] =	vst v16;
	v7 =	vpop (erf)  }
0x79: {  	vm2 =	vgt.f32 v1, $0.0e+00;
	v12 =	vld [tilespmem:s0+$0x14140];
	v4 =	vsel vm1, v4, v14;
	v7 =	vadd.f32 $-1.000000000e+00, v7;
	[tilespmem:s29+$0x14170] =	vst v17;
	v6 =	vpop (erf)  }
0x7a: {  	v14 =	vmul.f32 $1.442695020e+00, v11;
	v16 =	vld [tilespmem:s0+$0x14170];
	v4 =	vmul.f32 $1.050701020e+00, v4;
	[tilespmem:s29+$0x14130] =	vst v5;
	v5 =	vadd.f32 $-1.000000000e+00, v6;
	v6 =	vpop (erf)  }
0x7b: {  	vm1 =	vgt.f32 v2, $0.0e+00;
	v17 =	vld [tilespmem:s0+$0x14130];
	v6 =	vadd.f32 $-1.000000000e+00, v6;
	v7 =	vmul.f32 $1.673263190e+00, v7  }
0x7c: {  	(erf) = vpow2.f32 v14;
	[tilespmem:s29+$0x14110] =	vst v4;
	v4 =	vmul.f32 $1.673263190e+00, v5  }
0x7d: {  	v14 =	vld [tilespmem:s0+$0x14110];
	v5 =	vmul.f32 $1.673263190e+00, v6;
	v3 =	vsel vm0, v3, v7  }
0x7e: {  	v7 =	vadd.f32 v15, v12;
	v3 =	vmul.f32 $1.050701020e+00, v3;
	v2 =	vsel vm1, v2, v4  }
0x7f: {  	v12 =	vld [tilespmem:s0+$0x16900];
	v6 =	vadd.f32 v13, v16;
	v1 =	vsel vm2, v1, v5;
	v2 =	vmul.f32 $1.050701020e+00, v2  }
0x80: {  	v5 =	vadd.f32 v10, v17;
	v10 =	vmul.f32 $1.442695020e+00, v7;
	v13 =	vld [tilespmem:s0+$0x16960];
	v1 =	vmul.f32 $1.050701020e+00, v1;
	[tilespmem:s29+$0x14120] =	vst v3  }
0x81: {  	v3 =	vld [tilespmem:s0+$0x14120];
	v15 =	vmul.f32 $1.442695020e+00, v6;
	[tilespmem:s29+$0x14160] =	vst v2  }
0x82: {  	v4 =	vadd.f32 v9, v14;
	v14 =	vmul.f32 $1.442695020e+00, v5;
	v9 =	vld [tilespmem:s0+$0x14160];
	(erf) = vpow2.f32 v10;
	[tilespmem:s29+$0x14100] =	vst v1;
	s29 =	smov.u32 s0  }
0x83: {  	v1 =	vld [tilespmem:s29+$0x14100];
	(erf) = vpow2.f32 v15  }
0x84: {  	v10 =	vmul.f32 $1.442695020e+00, v4;
	(erf) = vpow2.f32 v14  }
0x85: {  	v2 =	vpop (erf)  }
0x86: {  	v3 =	vadd.f32 v8, v3;
	v8 =	vadd.f32 $-1.000000000e+00, v2;
	(erf) = vpow2.f32 v10  }
.Ltmp1:
0x87: {  	v2 =	vadd.f32 v13, v9;
	(pc) =	sbr.rel @p0 .LBB2_5-.Ltmp1, $4  }
0x88: {  	v1 =	vadd.f32 v12, v1;
	v9 =	vmul.f32 $1.442695020e+00, v3;
	v13 =	vmul.f32 $1.673263190e+00, v8  }
0x89: {  	vm0 =	vgt.f32 v11, $0.0e+00;
	v12 =	vmul.f32 $1.442695020e+00, v2  }
0x8a: {  	v8 =	vmul.f32 $1.442695020e+00, v1;
	v11 =	vsel vm0, v11, v13;
	(erf) = vpow2.f32 v9  }
0x8b: {  	v9 =	vmul.f32 $1.050701020e+00, v11;
	v10 =	vpop (erf);
	(erf) = vpow2.f32 v12  }
0x8c: {  	(erf) = vpow2.f32 v8;
	_ =	sdelay $0x1  }
0x8d: {  	s30 =	sshra.s32 s31, $0x2;
	v10 =	vadd.f32 $-1.000000000e+00, v10;
	v24 =	vpop (erf)  }
0x8e: {  	vm0 =	vgt.f32 v7, $0.0e+00;
	v11 =	vld [tilespmem:s30+$0x16950];
	[tilespmem:s29+$0x14150] =	vst v9;
	v9 =	vadd.f32 $-1.000000000e+00, v24;
	v25 =	vpop (erf)  }
0x8f: {  	vm4 =	vgt.f32 v6, $0.0e+00;
	v12 =	vld [tilespmem:s30+$0x14150];
	v10 =	vmul.f32 $1.673263190e+00, v10;
	v8 =	vadd.f32 $-1.000000000e+00, v25;
	v15 =	vpop (erf)  }
0x90: {  	vm5 =	vgt.f32 v5, $0.0e+00;
	v13 =	vld [tilespmem:s30+$0x16970];
	v9 =	vmul.f32 $1.673263190e+00, v9;
	v15 =	vadd.f32 $-1.000000000e+00, v15  }
0x91: {  	vm6 =	vgt.f32 v4, $0.0e+00;
	v14 =	vld [tilespmem:s30+$0x16940];
	v7 =	vsel vm0, v7, v10;
	v8 =	vmul.f32 $1.673263190e+00, v8  }
0x92: {  	v26 =	vld [tilespmem:s30+$0x16930];
	v7 =	vmul.f32 $1.050701020e+00, v7;
	v6 =	vsel vm4, v6, v9;
	v28 =	vmul.f32 $1.673263190e+00, v15;
	v30 =	vpop (erf)  }
0x93: {  	v16 =	vld [tilespmem:s30+$0x16920];
	v6 =	vmul.f32 $1.050701020e+00, v6;
	v5 =	vsel vm5, v5, v8;
	v31 =	vadd.f32 $-1.000000000e+00, v30;
	v33 =	vpop (erf)  }
0x94: {  	v27 =	vld [tilespmem:s30+$0x16910];
	[tilespmem:s29+$0x14140] =	vst v7;
	v5 =	vmul.f32 $1.050701020e+00, v5;
	v4 =	vsel vm6, v4, v28;
	v34 =	vadd.f32 $-1.000000000e+00, v33;
	v17 =	vpop (erf)  }
0x95: {  	v29 =	vld [tilespmem:s30+$0x14140];
	[tilespmem:s29+$0x14170] =	vst v6;
	v4 =	vmul.f32 $1.050701020e+00, v4;
	v6 =	vmul.f32 $1.673263190e+00, v31;
	v36 =	vadd.f32 $-1.000000000e+00, v17  }
0x96: {  	vm7 =	vgt.f32 v3, $0.0e+00;
	v32 =	vld [tilespmem:s30+$0x14170];
	[tilespmem:s29+$0x14130] =	vst v5;
	v5 =	vmul.f32 $1.673263190e+00, v34  }
0x97: {  	vm8 =	vgt.f32 v2, $0.0e+00;
	v35 =	vld [tilespmem:s30+$0x14130];
	[tilespmem:s29+$0x14110] =	vst v4;
	v3 =	vsel vm7, v3, v6;
	v4 =	vmul.f32 $1.673263190e+00, v36  }
0x98: {  	vm9 =	vgt.f32 v1, $0.0e+00;
	v37 =	vld [tilespmem:s30+$0x14110];
	v3 =	vmul.f32 $1.050701020e+00, v3;
	v2 =	vsel vm8, v2, v5  }
0x99: {  	v38 =	vadd.f32 v11, v12;
	v39 =	vld [tilespmem:s30+$0x16900];
	v2 =	vmul.f32 $1.050701020e+00, v2;
	v1 =	vsel vm9, v1, v4  }
0x9a: {  	v40 =	vld [tilespmem:s30+$0x16960];
	[tilespmem:s29+$0x14120] =	vst v3;
	v1 =	vmul.f32 $1.050701020e+00, v1  }
0x9b: {  	v12 =	vmul.f32 $1.442695020e+00, v38;
	v41 =	vadd.f32 v14, v29;
	v3 =	vld [tilespmem:s30+$0x14120];
	[tilespmem:s29+$0x14160] =	vst v2  }
0x9c: {  	v2 =	vadd.f32 v13, v32;
	v42 =	vld [tilespmem:s30+$0x14160];
	[tilespmem:s29+$0x14100] =	vst v1  }
0x9d: {  	(erf) = vpow2.f32 v12;
	v43 =	vadd.f32 v26, v35;
	v44 =	vmul.f32 $1.442695020e+00, v41;
	v45 =	vld [tilespmem:s30+$0x14100]  }
0x9e: {  	v9 =	vadd.f32 v27, v37;
	v1 =	vmul.f32 $1.442695020e+00, v2  }
0x9f: {  	v46 =	vmul.f32 $1.442695020e+00, v43;
	(erf) = vpow2.f32 v44  }
0xa0: {  	(erf) = vpow2.f32 v1;
	v1 =	vmul.f32 $1.442695020e+00, v9;
	v3 =	vadd.f32 v16, v3  }
0xa1: {  	(erf) = vpow2.f32 v46;
	v5 =	vadd.f32 v40, v42  }
0xa2: {  	(erf) = vpow2.f32 v1;
	v1 =	vadd.f32 v39, v45;
	v47 =	vmul.f32 $1.442695020e+00, v3  }
0xa3: {  	v49 =	vmul.f32 $1.442695020e+00, v5  }
0xa4: {  	v12 =	vmul.f32 $1.442695020e+00, v1;
	(erf) = vpow2.f32 v47  }
0xa5: {  	(erf) = vpow2.f32 v49  }
0xa6: {  	v48 =	vpop (erf);
	(erf) = vpow2.f32 v12  }
0xa7: {  	v10 =	vadd.f32 $-1.000000000e+00, v48  }
0xa8: {  	vm10 =	vgt.f32 v38, $0.0e+00;
	vm1 =	vgt.f32 v41, $0.0e+00;
	vm11 =	vgt.f32 v43, $0.0e+00;
	v51 =	vpop (erf)  }
0xa9: {  	vm2 =	vgt.f32 v2, $0.0e+00;
	v50 =	vmul.f32 $1.673263190e+00, v10;
	v52 =	vadd.f32 $-1.000000000e+00, v51;
	v53 =	vpop (erf)  }
0xaa: {  	vm12 =	vgt.f32 v9, $0.0e+00;
	vm13 =	vgt.f32 v3, $0.0e+00;
	v10 =	vadd.f32 $-1.000000000e+00, v53;
	v54 =	vpop (erf)  }
0xab: {  	v6 =	vsel vm10, v38, v50;
	v7 =	vmul.f32 $1.673263190e+00, v52;
	v11 =	vadd.f32 $-1.000000000e+00, v54  }
0xac: {  	vm14 =	vgt.f32 v5, $0.0e+00;
	v6 =	vmul.f32 $1.050701020e+00, v6;
	v55 =	vpop (erf);
	v10 =	vmul.f32 $1.673263190e+00, v10  }
0xad: {  	v4 =	vsel vm1, v41, v7;
	v12 =	vadd.f32 $-1.000000000e+00, v55;
	v11 =	vmul.f32 $1.673263190e+00, v11;
	v56 =	vpop (erf)  }
0xae: {  	v4 =	vmul.f32 $1.050701020e+00, v4;
	v2 =	vsel vm2, v2, v10;
	v7 =	vadd.f32 $-1.000000000e+00, v56;
	v58 =	vpop (erf)  }
0xaf: {  	v57 =	vmul.f32 $1.673263190e+00, v12;
	v8 =	vsel vm11, v43, v11;
	v11 =	vadd.f32 $-1.000000000e+00, v58;
	v59 =	vpop (erf)  }
0xb0: {  	[tilespmem:s30+$0x14150] =	vst v6;
	v2 =	vmul.f32 $1.050701020e+00, v2;
	v61 =	vadd.f32 $-1.000000000e+00, v59;
	v7 =	vmul.f32 $1.673263190e+00, v7  }
0xb1: {  	[tilespmem:s30+$0x14140] =	vst v4;
	v8 =	vmul.f32 $1.050701020e+00, v8;
	v60 =	vsel vm12, v9, v57;
	v63 =	vmul.f32 $1.673263190e+00, v11  }
0xb2: {  	v62 =	vmul.f32 $1.050701020e+00, v60;
	[tilespmem:s30+$0x14170] =	vst v2;
	v2 =	vmul.f32 $1.673263190e+00, v61;
	v3 =	vsel vm13, v3, v7  }
0xb3: {  	vm15 =	vgt.f32 v1, $0.0e+00;
	[tilespmem:s30+$0x14130] =	vst v8;
	v3 =	vmul.f32 $1.050701020e+00, v3;
	v5 =	vsel vm14, v5, v63  }
0xb4: {  	[tilespmem:s30+$0x14110] =	vst v62;
	v1 =	vsel vm15, v1, v2;
	v2 =	vmul.f32 $1.050701020e+00, v5  }
0xb5: {  	s28 =	sadd.s32 $0x1, s28;
	v1 =	vmul.f32 $1.050701020e+00, v1;
	[tilespmem:s30+$0x14120] =	vst v3  }
0xb6: {  	p0 =	sne.s32 s28, $0xFA;
	[tilespmem:s30+$0x14160] =	vst v2  }
.Ltmp2:
0xb7: {  	[tilespmem:s30+$0x14100] =	vst v1;
	(pc) =	sbr.rel @p0 .LBB2_4-.Ltmp2, $4  }
0xb8: {  	[spmem:s3] =	stream.indirect.scatter.add.f32 [tilespmem:s19], [sflag:$0x2], $0x80, s22, s23, $0xb8;
	[tilespmem:$0x19100] =	vst v63  }
0xb9: {  	_ =	swait.ge [sflag:s20], $0x2800  }
0xba: {  	[sflag:s20] =	ssyncset.done $0x0  }
0xbb: {  	[sflag:s20] =	ssyncadd.s32 $0xFFFFD800  }
0xbc: {  	s5 =	sadd.s32 $0x1, s5  }
0xbd: {  	s0 =	sshll.u32 s4, $0x6;
	[bflag:$0x0] =	sbarrier.arrive $0xFFFF;
	p0 =	sne.s32 s5, s18  }
.Ltmp3:
0xbe: {  	s26 =	sshrl.u32 s8, $0x3;
	s0 =	sor.u32 $0x1C02, s0;
	(pc) =	sbr.rel @p0 .LBB2_1-.Ltmp3, $4  }
0xbf: {  	[hbm:s17], [sflag:s0] =	dma.local [spmem:s26], $0x2800  }
0xc0: {  	_ =	swait.ge [sflag:s20], $0x2800  }
0xc1: {  	[sflag:s20] =	ssyncset.done $0x0  }
0xc2: {  	[sflag:s20] =	ssyncadd.s32 $0xFFFFD800  }
0xc3: {  	_ =	sfence.sel $0x180000  }
0xc4: {  	[bflag:$0x0] =	sbarrier.arrive $0xFFFF  }
0xc5: {  	_ =	strace $0x90000047  }
0xc6: {  	[bflag:$0x2] =	sbarrier.arrive $0xFFFF  }
0xc7: {  	p0 =	sne.s32 s4, $0x0;
	s0 =	rddreg [dreg:$0x4]  }
0xc8: {  	s0 =	sadd.s32 @!p0 $0x100000, s0  }
0xc9: {  	[sflag:s0] =	ssyncadd.tile.s32 @!p0 $0x1;
	_ =	shalt  }
.Lfunc_end2:
_tile_overlayer_lowered:
.L_overlay_start_2:
0xca: {  	(tag) =	ssettag $0x2  }
0xcb: {  	s0 =	rddreg [dreg:$0x0];
	s2 =	stileid.u32  }
0xcc: {  	s1 =	rddreg [dreg:$0x1];
	p0 =	sne.s32 s2, $0x0  }
0xcd: {  	s3 =	rddreg [dreg:$0x2];
	[bflag:$0x3] =	sbarrier.arrive $0xFFFF;
	s2 =	simm.s32 @!p0 $0x1C02  }
0xce: {  	[timem:s3], [sflag:s2] =	dma.local @!p0 [hbm:s0], s1  }
0xcf: {  	s0 =	simm.s32 @!p0 $0x2  }
0xd0: {  	_ =	swait.ge @!p0 [sflag:s0], s1  }
0xd1: {  	s1 =	ssub.s32 @!p0 $0x0, s1;
	[sflag:s0] =	ssyncset.done @!p0 $0x0  }
0xd2: {  	[sflag:s0] =	ssyncadd.s32 @!p0 s1  }
0xd3: {  	[bflag:$0x3] =	sbarrier.arrive $0xFFFF  }
0xd4: {  	_ =	shalt  }

// kernel: kernel.17.cloned.1.call-start
scs
__scs_entry_jumppad:
0x0: {  	(pc) =	sbr.rel $0x88, $3  }
0x1: {  	(tag) =	ssettag $0x0;
	lr =	simm.s32 $0x1  }
0x2: {  	[smem:$0x3F92] =	sst lr;
	_ =	strace $0xD0000000  }
0x3: {  	_ = 	snop  }
0x4: {  	_ = 	snop  }
0x5: {  	_ = 	snop  }
0x6: {  	_ = 	snop  }
0x7: {  	_ = 	snop  }
__scs_overlays_trampoline_lowered:
0x8: {  	[smem:$0x3FA1] =	sst s0  }
0x9: {  	[smem:$0x3FA2] =	sst s1  }
0xa: {  	[smem:$0x3FA3] =	sst s2  }
0xb: {  	[smem:$0x3FA4] =	sst s3  }
0xc: {  	[smem:$0x3FA5] =	sst s4  }
0xd: {  	[smem:$0x3FA6] =	sst s5  }
0xe: {  	[smem:$0x3FA7] =	sst s6  }
0xf: {  	[smem:$0x3FA8] =	sst s7  }
0x10: {  	[smem:$0x3FA9] =	sst s8  }
0x11: {  	[smem:$0x3FAA] =	sst s9;
	s0 =	simm.s32 @!p0 $0x0  }
0x12: {  	s1 =	sld [smem:$0x3F90];
	s0 =	simm.s32 @p0 $0x1  }
0x13: {  	[smem:$0x3FAB] =	sst s0;
	s0 =	simm.s32 @!p1 $0x0  }
0x14: {  	s2 =	sld [smem:$0x3F8F];
	s0 =	simm.s32 @p1 $0x1  }
0x15: {  	[smem:$0x3FAC] =	sst s0;
	s0 =	simm.s32 @!p2 $0x0  }
0x16: {  	s3 =	sld [smem:$0x3FDB];
	s0 =	simm.s32 @p2 $0x1  }
0x17: {  	s4 =	simm.s32 $0x1BF5;
	[smem:$0x3FAE] =	sst s0  }
0x18: {  	s0 =	sld [smem:$0x3F91];
	_ =	swait.ge [sflag:s4], $0x0  }
0x19: {  	s7 =	sld [smem:$0x3F92]  }
0x1a: {  	s8 =	sadd.s32 $0xFFFFE003, lr  }
0x1b: {  	s9 =	sadd.s32 $0xFFFFFEF7, lr;
	s5 =	simm.s32 $0xFFFFFFFF;
	p2 =	slt.u32 s8, $0xFFFFF086  }
0x1c: {  	p1 =	slt.u32 s9, $0xF7A;
	s5 =	simm.s32 @!p2 $0x0  }
0x1d: {  	s5 =	simm.s32 @p1 $0x1;
	p0 =	seq.s32 s7, s2  }
0x1e: {  	s7 =	smul.u32 @!p0 $0xF7A, s2;
	p2 =	seq.s32 @!p0 s5, $0x0  }
0x1f: {  	s9 =	smul.u32 $0xF7A, s1;
	s8 =	simm.s32 @!p0 $0x1BF5;
	p2 =	por !p2, p0  }
0x20: {  	[sflag:s8] =	ssyncset.s32 @!p0 $0xFFFFF086;
	s6 =	sadd.s32 @!p0 s3, s7;
	s7 =	simm.s32 @!p0 $0x108  }
0x21: {  	s3 =	sadd.s32 s3, s9;
	s6 =	sadd.s32 @!p0 $0x88, s6;
	s7 =	simm.s32 @p2 $0x1082  }
0x22: {  	[simem:s7], [sflag:s8] =	dma.local @!p0 [hbm:s6], $0xF7A  }
0x23: {  	s9 =	sor.u32 $0xD0000000, s2;
	s6 =	simm.s32 $0x108;
	_ =	swait.ge @!p0 [sflag:s8], $0x0  }
0x24: {  	s3 =	sadd.s32 $0x88, s3;
	s6 =	simm.s32 @!p1 $0x1082;
	[sflag:s4] =	ssyncset.s32 $0xFFFFF086  }
0x25: {  	[simem:s6], [sflag:s4] =	dma.local [hbm:s3], $0xF7A  }
0x26: {  	[smem:$0x3F92] =	sst s1;
	(tag) =	ssettag s2;
	_ =	strace s9  }
0x27: {  	s1 =	sld [smem:$0x3FA2]  }
0x28: {  	s2 =	sld [smem:$0x3FA3]  }
0x29: {  	s4 =	sld [smem:$0x3FA5]  }
0x2a: {  	p0 =	seq.s32 s5, $0x0;
	s5 =	sld [smem:$0x3FA6]  }
0x2b: {  	s6 =	sld [smem:$0x3FA7]  }
0x2c: {  	s7 =	sld [smem:$0x3FA8]  }
0x2d: {  	s3 =	simm.s32 $0x108;
	s8 =	sld [smem:$0x3FA9]  }
0x2e: {  	s3 =	simm.s32 @!p0 $0x1082;
	s9 =	sld [smem:$0x3FAA]  }
0x2f: {  	lr =	sadd.s32 s0, s3;
	s0 =	sld [smem:$0x3FA1]  }
0x30: {  	s3 =	sld [smem:$0x3FA4]  }
0x31: {  	[smem:$0x3FAD] =	sst s10  }
0x32: {  	s10 =	sld [smem:$0x3FAB];
	_ =	sdelay $0x3  }
0x33: {  	p0 =	seq.s32 s10, $0x1;
	s10 =	sld [smem:$0x3FAD];
	_ =	sdelay $0x3  }
0x34: {  	[smem:$0x3FAD] =	sst s10  }
0x35: {  	s10 =	sld [smem:$0x3FAC];
	_ =	sdelay $0x3  }
0x36: {  	p1 =	seq.s32 s10, $0x1;
	s10 =	sld [smem:$0x3FAD];
	_ =	sdelay $0x3  }
0x37: {  	[smem:$0x3FAD] =	sst s10  }
0x38: {  	s10 =	sld [smem:$0x3FAE]  }
0x39: {  	_ = 	snop;
	(pc) =	sbr.ind lr, $3  }
0x3a: {  	_ = 	snop  }
0x3b: {  	_ = 	snop  }
0x3c: {  	p2 =	seq.s32 s10, $0x1;
	s10 =	sld [smem:$0x3FAD]  }
0x3d: {  	_ =	shalt  }
0x3e: {  	_ =	shalt  }
0x3f: {  	_ =	shalt  }
0x40: {  	_ =	shalt  }
0x41: {  	_ =	shalt  }
0x42: {  	_ =	shalt  }
0x43: {  	_ =	shalt  }
0x44: {  	_ =	shalt  }
0x45: {  	_ =	shalt  }
0x46: {  	_ =	shalt  }
0x47: {  	_ =	shalt  }
0x48: {  	_ =	shalt  }
0x49: {  	_ =	shalt  }
0x4a: {  	_ =	shalt  }
0x4b: {  	_ =	shalt  }
0x4c: {  	_ =	shalt  }
0x4d: {  	_ =	shalt  }
0x4e: {  	_ =	shalt  }
0x4f: {  	_ =	shalt  }
0x50: {  	_ =	shalt  }
0x51: {  	_ =	shalt  }
0x52: {  	_ =	shalt  }
0x53: {  	_ =	shalt  }
0x54: {  	_ =	shalt  }
0x55: {  	_ =	shalt  }
0x56: {  	_ =	shalt  }
0x57: {  	_ =	shalt  }
0x58: {  	_ =	shalt  }
0x59: {  	_ =	shalt  }
0x5a: {  	_ =	shalt  }
0x5b: {  	_ =	shalt  }
0x5c: {  	_ =	shalt  }
0x5d: {  	_ =	shalt  }
0x5e: {  	_ =	shalt  }
0x5f: {  	_ =	shalt  }
0x60: {  	_ =	shalt  }
0x61: {  	_ =	shalt  }
0x62: {  	_ =	shalt  }
0x63: {  	_ =	shalt  }
0x64: {  	_ =	shalt  }
0x65: {  	_ =	shalt  }
0x66: {  	_ =	shalt  }
0x67: {  	_ =	shalt  }
0x68: {  	_ =	shalt  }
0x69: {  	_ =	shalt  }
0x6a: {  	_ =	shalt  }
0x6b: {  	_ =	shalt  }
0x6c: {  	_ =	shalt  }
0x6d: {  	_ =	shalt  }
0x6e: {  	_ =	shalt  }
0x6f: {  	_ =	shalt  }
0x70: {  	_ =	shalt  }
0x71: {  	_ =	shalt  }
0x72: {  	_ =	shalt  }
0x73: {  	_ =	shalt  }
0x74: {  	_ =	shalt  }
0x75: {  	_ =	shalt  }
0x76: {  	_ =	shalt  }
0x77: {  	_ =	shalt  }
0x78: {  	_ =	shalt  }
0x79: {  	_ =	shalt  }
0x7a: {  	_ =	shalt  }
0x7b: {  	_ =	shalt  }
0x7c: {  	_ =	shalt  }
0x7d: {  	_ =	shalt  }
0x7e: {  	_ =	shalt  }
0x7f: {  	_ =	shalt  }
0x80: {  	_ =	shalt  }
0x81: {  	_ =	shalt  }
0x82: {  	_ =	shalt  }
0x83: {  	_ =	shalt  }
0x84: {  	_ =	shalt  }
0x85: {  	_ =	shalt  }
0x86: {  	_ =	shalt  }
0x87: {  	_ =	shalt  }
.Lfunc_end0:
.L_simem_size_0:
called_computation.1_lowered:
.L_overlay_start_0:
0x88: {  	s2 =	sld [smem:$0x3FD9]  }
0x89: {  	s3 =	sld [smem:$0x3FFE];
	_ =	sdelay $0x1  }
0x8a: {  	s1 =	srdreg.scid  }
0x8b: {  	s0 =	sand.u32 $0x1, s1  }
0x8c: {  	s17 =	sshll.u32 s0, $0xA;
	s2 =	sadd.s32 s3, s2  }
0x8d: {  	s2 =	sadd.s32 s2, s17  }
0x8e: {  	[smem:$0x3FB9] =	sst s2  }
0x8f: {  	_ = 	snop  }
0x90: {  	s2 =	sld [smem:$0x3FC7]  }
0x91: {  	s18 =	sld [smem:$0x3FC6];
	(tm) =	ssettm $0x1  }
0x92: {  	s4 =	sld [smem:$0x3FFB];
	_ =	sdelay $0x3  }
0x93: {  	_ =	strace s4  }
0x94: {  	s4 =	sld [smem:$0x3FFC];
	_ =	sdelay $0x3  }
0x95: {  	_ =	strace s4  }
0x96: {  	s4 =	sld [smem:$0x3FFD];
	_ =	sdelay $0x3  }
0x97: {  	_ =	strace s4  }
0x98: {  	_ =	strace $0x8FFFFFFF  }
0x99: {  	s19 =	sld [smem:$0x3FDB];
	_ =	sdelay $0x1  }
0x9a: {  	s5 =	simm.s32 $_scs_section_size  }
0x9b: {  	s6 =	simm.s32 $_size__tile_overlayer_lowered;
	s7 =	simm.s32 $_tile_overlayer_lowered  }
0x9c: {  	s22 =	simm.s32 $0x1BFF;
	s21 =	sshll.u32 s7, $0x1;
	s4 =	sadd.s32 s5, s19  }
0x9d: {  	s8 =	simm.s32 $0x0;
	s20 =	sshll.u32 s6, $0x1;
	s6 =	sadd.s32 s21, s4  }
0x9e: {  	[timem:s8], [sflag:s22] =	dma.local [hbm:s6], s20  }
0x9f: {  	_ =	swait.ge [sflag:s22], s20  }
0xa0: {  	s5 =	ssub.s32 $0x0, s20;
	[sflag:s22] =	ssyncset.done $0x0  }
0xa1: {  	[sflag:s22] =	ssyncadd.s32 s5;
	_ =	sdelay $0x1  }
0xa2: {  	s23 =	simm.s32 $0x1B8B  }
0xa3: {  	_ =	swait.ge [sflag:s23], $0x1  }
0xa4: {  	[sflag:s23] =	ssyncset.done $0x0  }
0xa5: {  	s25 =	simm.s32 $0x1B8E;
	s24 =	sld [smem:$0x3FFE];
	[sflag:s23] =	ssyncadd.s32 $0xFFFFFFFF  }
0xa6: {  	s26 =	simm.s32 $execute0_lowered;
	[smem:$0x3FD2] =	sst s25  }
0xa7: {  	s6 =	sshll.u32 s26, $0x1;
	_ =	strace $0x80000049;
	[dreg:$0x1] =	wrdreg $0xFFFFFFFF  }
0xa8: {  	s28 =	simm.s32 $_size_execute0_lowered;
	s4 =	sadd.s32 s4, s6;
	[dreg:$0x0] =	wrdreg $0x0  }
0xa9: {  	s6 =	sshll.u32 s28, $0x1;
	[dreg:$0x2] =	wrdreg s4  }
0xaa: {  	[dreg:$0x3] =	wrdreg s6  }
0xab: {  	[dreg:$0x4] =	wrdreg $0xC0  }
0xac: {  	_ =	task [dreg:s8], $0x5FFFF  }
0xad: {  	[dreg:$0x1] =	wrdreg $0xFFFFFFFF  }
0xae: {  	[dreg:$0x0] =	wrdreg $0x60  }
0xaf: {  	[dreg:$0x2] =	wrdreg s24  }
0xb0: {  	[dreg:$0x3] =	wrdreg s2  }
0xb1: {  	[dreg:$0x4] =	wrdreg s18  }
0xb2: {  	[dreg:$0x5] =	wrdreg $0x0  }
0xb3: {  	[dreg:$0x6] =	wrdreg $0x9  }
0xb4: {  	_ =	task.clear_ibuf [dreg:s8], $0x7FFFF;
	_ =	strace $0x90000049  }
0xb5: {  	s29 =	simm.s32 $0x9;
	_ =	strace $0x8000004B  }
0xb6: {  	_ =	swait.ge [sflag:s29], $0x1  }
0xb7: {  	[sflag:s29] =	ssyncadd.s32 $0xFFFFFFFF  }
0xb8: {  	_ =	strace $0x9000004B  }
0xb9: {  	_ =	sfence  }
0xba: {  	s30 =	sld [smem:$0x0];
	_ =	sdelay $0x2  }
0xbb: {  	s31 =	sshll.u32 s1, $0xD;
	s1 =	sshrl.u32 s1, $0x2  }
0xbc: {  	s3 =	sand.u32 $0x4000, s31;
	s1 =	sadd.s32 s1, s30  }
0xbd: {  	s0 =	sor.u32 s3, s0;
	s1 =	sshll.u32 s1, $0x11  }
0xbe: {  	s0 =	sor.u32 s1, s0  }
0xbf: {  	s0 =	sadd.s32 $0x8F2B, s0  }
0xc0: {  	[sflag:s0] =	ssyncadd.remote.s32 $0x1  }
0xc1: {  	_ =	sfence.sel $0xFFFF  }
0xc2: {  	[dreg:$0x0] =	wrdreg $0xFFFFFFFF;
	(pc) =	sbr.abs _section_cstart, $3  }
0xc3: {  	[dreg:$0x1] =	wrdreg $0xFFFFFFFF  }
0xc4: {  	_ =	task.clear_ibuf [dreg:s8], $0x2FFFF;
	_ =	strace $0x9FFFFFFF  }
0xc5: {  	(tm) =	ssettm $0x7FFFFFFF  }
tec
execute0_lowered:
.L_overlay_start_1:
0x0: {  	(tag) =	ssettag $0x1  }
0x1: {  	s0 =	rddreg [dreg:$0x0]  }
0x2: {  	s1 =	rddreg [dreg:$0x1]  }
0x3: {  	s2 =	rddreg [dreg:$0x2]  }
0x4: {  	s3 =	rddreg [dreg:$0x3];
	s4 =	srdreg.scid;
	s5 =	simm.s32 $0x0  }
0x5: {  	s19 =	simm.s32 $0x14100;
	s20 =	simm.s32 $0x2;
	s21 =	simm.s32 $0x14000  }
0x6: {  	s22 =	simm.s32 $0x14080;
	s23 =	simm.s32 $0x50;
	s24 =	simm.s32 $0x16900  }
0x7: {  	s25 =	simm.s32 $0x1;
	s8 =	sand.u32 $0x1, s4;
	s4 =	stileid.u32  }
0x8: {  	[smem:$0x7FF] =	sst s5;
	s6 =	sadd.s32 $0x5800, s0;
	s7 =	smul.u32 $0x140000, s8  }
0x9: {  	s9 =	smul.u32 $0x14000, s4;
	_ =	strace $0x8000004A;
	s11 =	ssub.s32 $0x2, s8  }
0xa: {  	s10 =	smul.u32 $0x50000, s4;
	s31 =	sshll.u32 s8, $0x4;
	s30 =	sshrl.u32 s11, $0x1  }
0xb: {  	s16 =	sor.u32 s4, s31;
	s9 =	sadd.s32 s9, s7;
	s7 =	sadd.s32 $0x2CA00, s0  }
0xc: {  	s10 =	sshrl.u32 s10, $0x2;
	s18 =	ssub.s32 s11, s30;
	s16 =	smul.u32 $0x4E20, s16  }
0xd: {  	s9 =	sshrl.u32 s9, $0x3;
	s8 =	sadd.s32 s10, s3;
	s18 =	smax.u32 s18, $0x1  }
0xe: {  	s0 =	sadd.s32 s9, s0;
	s9 =	sadd.s32 $0x2800, s8;
	s10 =	sadd.s32 $0x5000, s8  }
0xf: {  	s11 =	sadd.s32 $0x7800, s8;
	s12 =	sadd.s32 $0xA000, s8;
	s13 =	sadd.s32 $0xC800, s8  }
0x10: {  	v0 =	vimm.f32 $0.0e+00;
	s14 =	sadd.s32 $0xF000, s8;
	s15 =	sadd.s32 $0x11800, s8;
	s17 =	sadd.s32 $0x53C00, s0  }
.LBB2_1:
0x11: {  	s0 =	simm.s32 $0x0;
	s26 =	simm.s32 $0x200  }
.LBB2_2:
0x12: {  	p0 =	sne.s32 s26, $0x9E00;
	[tilespmem:s0+$0x14170] =	vst v0  }
0x13: {  	[tilespmem:s0+$0x14100] =	vst v0  }
0x14: {  	[tilespmem:s0+$0x14110] =	vst v0  }
.Ltmp0:
0x15: {  	[tilespmem:s0+$0x14120] =	vst v0;
	(pc) =	sbr.rel @p0 .LBB2_2-.Ltmp0, $4  }
0x16: {  	[tilespmem:s0+$0x14130] =	vst v0  }
0x17: {  	[tilespmem:s0+$0x14140] =	vst v0  }
0x18: {  	[tilespmem:s0+$0x14150] =	vst v0  }
0x19: {  	[tilespmem:s0+$0x14160] =	vst v0;
	s0 =	sshra.s32 s26, $0x2;
	s26 =	sadd.s32 $0x200, s26  }
0x1a: {  	[tilespmem:s0+$0x14170] =	vst v0  }
0x1b: {  	[tilespmem:s0+$0x14100] =	vst v0  }
0x1c: {  	[tilespmem:s0+$0x14110] =	vst v0  }
0x1d: {  	[tilespmem:s0+$0x14120] =	vst v0  }
0x1e: {  	[tilespmem:s0+$0x14130] =	vst v0  }
0x1f: {  	[tilespmem:s0+$0x14140] =	vst v0  }
0x20: {  	[tilespmem:s0+$0x14150] =	vst v0  }
0x21: {  	[tilespmem:s0+$0x14160] =	vst v0  }
0x22: {  	[spmem:s8] =	stream.linear.scatter [tilespmem:s19], [sflag:$0x2], $0x2800, $0x38;
	[tilespmem:$0x19100] =	vst v63  }
0x23: {  	_ =	swait.ge [sflag:s20], $0x2800  }
0x24: {  	[sflag:s20] =	ssyncset.done $0x0  }
0x25: {  	[sflag:s20] =	ssyncadd.s32 $0xFFFFD800  }
0x26: {  	[spmem:s9] =	stream.linear.scatter [tilespmem:s19], [sflag:$0x2], $0x2800, $0x38;
	[tilespmem:$0x19100] =	vst v63  }
0x27: {  	_ =	swait.ge [sflag:s20], $0x2800  }
0x28: {  	[sflag:s20] =	ssyncset.done $0x0  }
0x29: {  	[sflag:s20] =	ssyncadd.s32 $0xFFFFD800  }
0x2a: {  	[spmem:s10] =	stream.linear.scatter [tilespmem:s19], [sflag:$0x2], $0x2800, $0x38;
	[tilespmem:$0x19100] =	vst v63  }
0x2b: {  	_ =	swait.ge [sflag:s20], $0x2800  }
0x2c: {  	[sflag:s20] =	ssyncset.done $0x0  }
0x2d: {  	[sflag:s20] =	ssyncadd.s32 $0xFFFFD800  }
0x2e: {  	[spmem:s11] =	stream.linear.scatter [tilespmem:s19], [sflag:$0x2], $0x2800, $0x38;
	[tilespmem:$0x19100] =	vst v63  }
0x2f: {  	_ =	swait.ge [sflag:s20], $0x2800  }
0x30: {  	[sflag:s20] =	ssyncset.done $0x0  }
0x31: {  	[sflag:s20] =	ssyncadd.s32 $0xFFFFD800  }
0x32: {  	[spmem:s12] =	stream.linear.scatter [tilespmem:s19], [sflag:$0x2], $0x2800, $0x38;
	[tilespmem:$0x19100] =	vst v63  }
0x33: {  	_ =	swait.ge [sflag:s20], $0x2800  }
0x34: {  	[sflag:s20] =	ssyncset.done $0x0  }
0x35: {  	[sflag:s20] =	ssyncadd.s32 $0xFFFFD800  }
0x36: {  	[spmem:s13] =	stream.linear.scatter [tilespmem:s19], [sflag:$0x2], $0x2800, $0x38;
	[tilespmem:$0x19100] =	vst v63  }
0x37: {  	_ =	swait.ge [sflag:s20], $0x2800  }
0x38: {  	[sflag:s20] =	ssyncset.done $0x0  }
0x39: {  	[sflag:s20] =	ssyncadd.s32 $0xFFFFD800  }
0x3a: {  	[spmem:s14] =	stream.linear.scatter [tilespmem:s19], [sflag:$0x2], $0x2800, $0x38;
	[tilespmem:$0x19100] =	vst v63  }
0x3b: {  	_ =	swait.ge [sflag:s20], $0x2800  }
0x3c: {  	[sflag:s20] =	ssyncset.done $0x0  }
0x3d: {  	[sflag:s20] =	ssyncadd.s32 $0xFFFFD800  }
0x3e: {  	[spmem:s15] =	stream.linear.scatter [tilespmem:s19], [sflag:$0x2], $0x2800, $0x38;
	[tilespmem:$0x19100] =	vst v63  }
0x3f: {  	_ =	swait.ge [sflag:s20], $0x2800  }
0x40: {  	[sflag:s20] =	ssyncset.done $0x0  }
0x41: {  	[sflag:s20] =	ssyncadd.s32 $0xFFFFD800  }
0x42: {  	s26 =	simm.s32 $0x0;
	s28 =	simm.s32 $0x0;
	[bflag:$0x0] =	sbarrier.arrive $0xFFFF  }
.LBB2_4:
0x43: {  	s0 =	smul.u32 $0x50, s28;
	_ =	sdelay $0x1  }
0x44: {  	s0 =	sadd.s32 s16, s0  }
0x45: {  	s0 =	sshrl.u32 s0, $0x3  }
0x46: {  	s29 =	sadd.s32 s1, s0  }
0x47: {  	[tilespmem:s21], [sflag:$0x2] =	stream.linear.gather [hbm4b:s29+s26], $0x50, $0x38;
	[tilespmem:$0x19100] =	vst v63  }
0x48: {  	_ =	swait.ge [sflag:s20], $0x50  }
0x49: {  	[sflag:s20] =	ssyncset.done $0x0  }
0x4a: {  	s0 =	sadd.s32 s2, s0;
	[sflag:s20] =	ssyncadd.s32 $0xFFFFFFB0  }
0x4b: {  	[tilespmem:s22], [sflag:$0x2] =	stream.linear.gather [hbm4b:s0+s26], $0x50, $0x38;
	[tilespmem:$0x19100] =	vst v63  }
0x4c: {  	_ =	swait.ge [sflag:s20], $0x50  }
0x4d: {  	[sflag:s20] =	ssyncset.done $0x0  }
0x4e: {  	[sflag:s20] =	ssyncadd.s32 $0xFFFFFFB0  }
0x4f: {  	[tilespmem:s19], [sflag:$0x1] =	stream.indirect.gather [hbm4b:s6+s23], $0x80, s21, s23, $0xb8;
	[tilespmem:$0x19100] =	vst v63  }
0x50: {  	_ = 	snop  }
0x51: {  	[tilespmem:s24], [sflag:$0x1] =	stream.indirect.gather [hbm4b:s7+s23], $0x80, s22, s23, $0xb8;
	[tilespmem:$0x19100] =	vst v63  }
0x52: {  	_ =	swait.ge [sflag:s25], $0x2800  }
0x53: {  	[sflag:s25] =	ssyncset.done $0x0  }
0x54: {  	[sflag:s25] =	ssyncadd.s32 $0xFFFFD800  }
0x55: {  	_ =	swait.ge [sflag:s25], $0x2800  }
0x56: {  	[sflag:s25] =	ssyncset.done $0x0  }
0x57: {  	s29 =	simm.s32 $0x0;
	[sflag:s25] =	ssyncadd.s32 $0xFFFFD800  }
0x58: {  	v1 =	vld [tilespmem:s29+$0x16950]  }
0x59: {  	v2 =	vld [tilespmem:s29+$0x14150];
	_ =	sdelay $0x2  }
0x5a: {  	v3 =	vld [tilespmem:s29+$0x16970]  }
0x5b: {  	v4 =	vld [tilespmem:s29+$0x16940]  }
0x5c: {  	v5 =	vld [tilespmem:s29+$0x16930];
	v9 =	vadd.f32 v1, v2  }
0x5d: {  	v1 =	vld [tilespmem:s29+$0x14140]  }
0x5e: {  	v8 =	vld [tilespmem:s29+$0x16910];
	v6 =	vmul.f32 $1.442695020e+00, v9  }
0x5f: {  	v10 =	vld [tilespmem:s29+$0x14170]  }
0x60: {  	v11 =	vld [tilespmem:s29+$0x14130];
	(erf) = vpow2.f32 v6  }
0x61: {  	v12 =	vld [tilespmem:s29+$0x14110]  }
0x62: {  	v13 =	vld [tilespmem:s29+$0x16960];
	v7 =	vadd.f32 v4, v1  }
0x63: {  	v14 =	vld [tilespmem:s29+$0x14120]  }
0x64: {  	v2 =	vld [tilespmem:s29+$0x16920];
	v6 =	vadd.f32 v3, v10;
	v4 =	vmul.f32 $1.442695020e+00, v7  }
0x65: {  	v5 =	vadd.f32 v5, v11;
	v11 =	vld [tilespmem:s29+$0x14100]  }
0x66: {  	v10 =	vld [tilespmem:s29+$0x14160];
	v3 =	vmul.f32 $1.442695020e+00, v6;
	(erf) = vpow2.f32 v4  }
0x67: {  	v1 =	vld [tilespmem:s29+$0x16900];
	v4 =	vadd.f32 v8, v12;
	v8 =	vmul.f32 $1.442695020e+00, v5  }
0x68: {  	(erf) = vpow2.f32 v3  }
0x69: {  	v3 =	vadd.f32 v2, v14;
	v62 =	vmul.f32 $1.442695020e+00, v4;
	(erf) = vpow2.f32 v8;
	v61 =	vpop (erf)  }
0x6a: {  	v12 =	vadd.f32 $-1.000000000e+00, v61  }
0x6b: {  	v2 =	vadd.f32 v13, v10;
	v10 =	vmul.f32 $1.442695020e+00, v3;
	(erf) = vpow2.f32 v62  }
0x6c: {  	v1 =	vadd.f32 v1, v11;
	v11 =	vmul.f32 $1.673263190e+00, v12  }
0x6d: {  	vm0 =	vgt.f32 v9, $0.0e+00;
	v63 =	vmul.f32 $1.442695020e+00, v2  }
0x6e: {  	v8 =	vmul.f32 $1.442695020e+00, v1;
	(erf) = vpow2.f32 v10;
	v9 =	vsel vm0, v9, v11  }
0x6f: {  	s31 =	simm.s32 $0x200;
	s30 =	simm.s32 $0x400;
	(erf) = vpow2.f32 v63;
	v10 =	vpop (erf);
	v9 =	vmul.f32 $1.050701020e+00, v9  }
.LBB2_5:
0x70: {  	p0 =	sne.s32 s30, $0x9E00  }
0x71: {  	s0 =	sshra.s32 s31, $0x2;
	v10 =	vadd.f32 $-1.000000000e+00, v10;
	(erf) = vpow2.f32 v8;
	v8 =	vpop (erf);
	s31 =	smov.u32 s30;
	s30 =	sadd.s32 $0x200, s30  }
0x72: {  	v11 =	vld [tilespmem:s0+$0x16950];
	[tilespmem:s29+$0x14150] =	vst v9;
	v8 =	vadd.f32 $-1.000000000e+00, v8;
	v9 =	vpop (erf)  }
0x73: {  	vm0 =	vgt.f32 v5, $0.0e+00;
	v12 =	vld [tilespmem:s0+$0x14150];
	v9 =	vadd.f32 $-1.000000000e+00, v9;
	v10 =	vmul.f32 $1.673263190e+00, v10  }
0x74: {  	vm1 =	vgt.f32 v7, $0.0e+00;
	vm2 =	vgt.f32 v6, $0.0e+00;
	v13 =	vld [tilespmem:s0+$0x16970];
	v8 =	vmul.f32 $1.673263190e+00, v8;
	v14 =	vpop (erf)  }
0x75: {  	v15 =	vld [tilespmem:s0+$0x16940];
	v14 =	vadd.f32 $-1.000000000e+00, v14;
	v9 =	vmul.f32 $1.673263190e+00, v9;
	v7 =	vsel vm1, v7, v10  }
0x76: {  	vm1 =	vgt.f32 v4, $0.0e+00;
	v10 =	vld [tilespmem:s0+$0x16930];
	v16 =	vmul.f32 $1.050701020e+00, v7;
	v6 =	vsel vm2, v6, v8  }
0x77: {  	v8 =	vld [tilespmem:s0+$0x16920];
	v14 =	vmul.f32 $1.673263190e+00, v14;
	v5 =	vsel vm0, v5, v9;
	v17 =	vmul.f32 $1.050701020e+00, v6  }
0x78: {  	vm0 =	vgt.f32 v3, $0.0e+00;
	v9 =	vld [tilespmem:s0+$0x16910];
	v11 =	vadd.f32 v11, v12;
	v5 =	vmul.f32 $1.050701020e+00, v5;
	[tilespmem:s29+$0x14140] =	vst v16;
	v7 =	vpop (erf)  }
0x79: {  	vm2 =	vgt.f32 v1, $0.0e+00;
	v12 =	vld [tilespmem:s0+$0x14140];
	v4 =	vsel vm1, v4, v14;
	v7 =	vadd.f32 $-1.000000000e+00, v7;
	[tilespmem:s29+$0x14170] =	vst v17;
	v6 =	vpop (erf)  }
0x7a: {  	v14 =	vmul.f32 $1.442695020e+00, v11;
	v16 =	vld [tilespmem:s0+$0x14170];
	v4 =	vmul.f32 $1.050701020e+00, v4;
	[tilespmem:s29+$0x14130] =	vst v5;
	v5 =	vadd.f32 $-1.000000000e+00, v6;
	v6 =	vpop (erf)  }
0x7b: {  	vm1 =	vgt.f32 v2, $0.0e+00;
	v17 =	vld [tilespmem:s0+$0x14130];
	v6 =	vadd.f32 $-1.000000000e+00, v6;
	v7 =	vmul.f32 $1.673263190e+00, v7  }
0x7c: {  	(erf) = vpow2.f32 v14;
	[tilespmem:s29+$0x14110] =	vst v4;
	v4 =	vmul.f32 $1.673263190e+00, v5  }
0x7d: {  	v14 =	vld [tilespmem:s0+$0x14110];
	v5 =	vmul.f32 $1.673263190e+00, v6;
	v3 =	vsel vm0, v3, v7  }
0x7e: {  	v7 =	vadd.f32 v15, v12;
	v3 =	vmul.f32 $1.050701020e+00, v3;
	v2 =	vsel vm1, v2, v4  }
0x7f: {  	v12 =	vld [tilespmem:s0+$0x16900];
	v6 =	vadd.f32 v13, v16;
	v1 =	vsel vm2, v1, v5;
	v2 =	vmul.f32 $1.050701020e+00, v2  }
0x80: {  	v5 =	vadd.f32 v10, v17;
	v10 =	vmul.f32 $1.442695020e+00, v7;
	v13 =	vld [tilespmem:s0+$0x16960];
	v1 =	vmul.f32 $1.050701020e+00, v1;
	[tilespmem:s29+$0x14120] =	vst v3  }
0x81: {  	v3 =	vld [tilespmem:s0+$0x14120];
	v15 =	vmul.f32 $1.442695020e+00, v6;
	[tilespmem:s29+$0x14160] =	vst v2  }
0x82: {  	v4 =	vadd.f32 v9, v14;
	v14 =	vmul.f32 $1.442695020e+00, v5;
	v9 =	vld [tilespmem:s0+$0x14160];
	(erf) = vpow2.f32 v10;
	[tilespmem:s29+$0x14100] =	vst v1;
	s29 =	smov.u32 s0  }
0x83: {  	v1 =	vld [tilespmem:s29+$0x14100];
	(erf) = vpow2.f32 v15  }
0x84: {  	v10 =	vmul.f32 $1.442695020e+00, v4;
	(erf) = vpow2.f32 v14  }
0x85: {  	v2 =	vpop (erf)  }
0x86: {  	v3 =	vadd.f32 v8, v3;
	v8 =	vadd.f32 $-1.000000000e+00, v2;
	(erf) = vpow2.f32 v10  }
.Ltmp1:
0x87: {  	v2 =	vadd.f32 v13, v9;
	(pc) =	sbr.rel @p0 .LBB2_5-.Ltmp1, $4  }
0x88: {  	v1 =	vadd.f32 v12, v1;
	v9 =	vmul.f32 $1.442695020e+00, v3;
	v13 =	vmul.f32 $1.673263190e+00, v8  }
0x89: {  	vm0 =	vgt.f32 v11, $0.0e+00;
	v12 =	vmul.f32 $1.442695020e+00, v2  }
0x8a: {  	v8 =	vmul.f32 $1.442695020e+00, v1;
	v11 =	vsel vm0, v11, v13;
	(erf) = vpow2.f32 v9  }
0x8b: {  	v9 =	vmul.f32 $1.050701020e+00, v11;
	v10 =	vpop (erf);
	(erf) = vpow2.f32 v12  }
0x8c: {  	(erf) = vpow2.f32 v8;
	_ =	sdelay $0x1  }
0x8d: {  	s30 =	sshra.s32 s31, $0x2;
	v10 =	vadd.f32 $-1.000000000e+00, v10;
	v24 =	vpop (erf)  }
0x8e: {  	vm0 =	vgt.f32 v7, $0.0e+00;
	v11 =	vld [tilespmem:s30+$0x16950];
	[tilespmem:s29+$0x14150] =	vst v9;
	v9 =	vadd.f32 $-1.000000000e+00, v24;
	v25 =	vpop (erf)  }
0x8f: {  	vm4 =	vgt.f32 v6, $0.0e+00;
	v12 =	vld [tilespmem:s30+$0x14150];
	v10 =	vmul.f32 $1.673263190e+00, v10;
	v8 =	vadd.f32 $-1.000000000e+00, v25;
	v15 =	vpop (erf)  }
0x90: {  	vm5 =	vgt.f32 v5, $0.0e+00;
	v13 =	vld [tilespmem:s30+$0x16970];
	v9 =	vmul.f32 $1.673263190e+00, v9;
	v15 =	vadd.f32 $-1.000000000e+00, v15  }
0x91: {  	vm6 =	vgt.f32 v4, $0.0e+00;
	v14 =	vld [tilespmem:s30+$0x16940];
	v7 =	vsel vm0, v7, v10;
	v8 =	vmul.f32 $1.673263190e+00, v8  }
0x92: {  	v26 =	vld [tilespmem:s30+$0x16930];
	v7 =	vmul.f32 $1.050701020e+00, v7;
	v6 =	vsel vm4, v6, v9;
	v28 =	vmul.f32 $1.673263190e+00, v15;
	v30 =	vpop (erf)  }
0x93: {  	v16 =	vld [tilespmem:s30+$0x16920];
	v6 =	vmul.f32 $1.050701020e+00, v6;
	v5 =	vsel vm5, v5, v8;
	v31 =	vadd.f32 $-1.000000000e+00, v30;
	v33 =	vpop (erf)  }
0x94: {  	v27 =	vld [tilespmem:s30+$0x16910];
	[tilespmem:s29+$0x14140] =	vst v7;
	v5 =	vmul.f32 $1.050701020e+00, v5;
	v4 =	vsel vm6, v4, v28;
	v34 =	vadd.f32 $-1.000000000e+00, v33;
	v17 =	vpop (erf)  }
0x95: {  	v29 =	vld [tilespmem:s30+$0x14140];
	[tilespmem:s29+$0x14170] =	vst v6;
	v4 =	vmul.f32 $1.050701020e+00, v4;
	v6 =	vmul.f32 $1.673263190e+00, v31;
	v36 =	vadd.f32 $-1.000000000e+00, v17  }
0x96: {  	vm7 =	vgt.f32 v3, $0.0e+00;
	v32 =	vld [tilespmem:s30+$0x14170];
	[tilespmem:s29+$0x14130] =	vst v5;
	v5 =	vmul.f32 $1.673263190e+00, v34  }
0x97: {  	vm8 =	vgt.f32 v2, $0.0e+00;
	v35 =	vld [tilespmem:s30+$0x14130];
	[tilespmem:s29+$0x14110] =	vst v4;
	v3 =	vsel vm7, v3, v6;
	v4 =	vmul.f32 $1.673263190e+00, v36  }
0x98: {  	vm9 =	vgt.f32 v1, $0.0e+00;
	v37 =	vld [tilespmem:s30+$0x14110];
	v3 =	vmul.f32 $1.050701020e+00, v3;
	v2 =	vsel vm8, v2, v5  }
0x99: {  	v38 =	vadd.f32 v11, v12;
	v39 =	vld [tilespmem:s30+$0x16900];
	v2 =	vmul.f32 $1.050701020e+00, v2;
	v1 =	vsel vm9, v1, v4  }
0x9a: {  	v40 =	vld [tilespmem:s30+$0x16960];
	[tilespmem:s29+$0x14120] =	vst v3;
	v1 =	vmul.f32 $1.050701020e+00, v1  }
0x9b: {  	v12 =	vmul.f32 $1.442695020e+00, v38;
	v41 =	vadd.f32 v14, v29;
	v3 =	vld [tilespmem:s30+$0x14120];
	[tilespmem:s29+$0x14160] =	vst v2  }
0x9c: {  	v2 =	vadd.f32 v13, v32;
	v42 =	vld [tilespmem:s30+$0x14160];
	[tilespmem:s29+$0x14100] =	vst v1  }
0x9d: {  	(erf) = vpow2.f32 v12;
	v43 =	vadd.f32 v26, v35;
	v44 =	vmul.f32 $1.442695020e+00, v41;
	v45 =	vld [tilespmem:s30+$0x14100]  }
0x9e: {  	v9 =	vadd.f32 v27, v37;
	v1 =	vmul.f32 $1.442695020e+00, v2  }
0x9f: {  	v46 =	vmul.f32 $1.442695020e+00, v43;
	(erf) = vpow2.f32 v44  }
0xa0: {  	(erf) = vpow2.f32 v1;
	v1 =	vmul.f32 $1.442695020e+00, v9;
	v3 =	vadd.f32 v16, v3  }
0xa1: {  	(erf) = vpow2.f32 v46;
	v5 =	vadd.f32 v40, v42  }
0xa2: {  	(erf) = vpow2.f32 v1;
	v1 =	vadd.f32 v39, v45;
	v47 =	vmul.f32 $1.442695020e+00, v3  }
0xa3: {  	v49 =	vmul.f32 $1.442695020e+00, v5  }
0xa4: {  	v12 =	vmul.f32 $1.442695020e+00, v1;
	(erf) = vpow2.f32 v47  }
0xa5: {  	(erf) = vpow2.f32 v49  }
0xa6: {  	v48 =	vpop (erf);
	(erf) = vpow2.f32 v12  }
0xa7: {  	v10 =	vadd.f32 $-1.000000000e+00, v48  }
0xa8: {  	vm10 =	vgt.f32 v38, $0.0e+00;
	vm1 =	vgt.f32 v41, $0.0e+00;
	vm11 =	vgt.f32 v43, $0.0e+00;
	v51 =	vpop (erf)  }
0xa9: {  	vm2 =	vgt.f32 v2, $0.0e+00;
	v50 =	vmul.f32 $1.673263190e+00, v10;
	v52 =	vadd.f32 $-1.000000000e+00, v51;
	v53 =	vpop (erf)  }
0xaa: {  	vm12 =	vgt.f32 v9, $0.0e+00;
	vm13 =	vgt.f32 v3, $0.0e+00;
	v10 =	vadd.f32 $-1.000000000e+00, v53;
	v54 =	vpop (erf)  }
0xab: {  	v6 =	vsel vm10, v38, v50;
	v7 =	vmul.f32 $1.673263190e+00, v52;
	v11 =	vadd.f32 $-1.000000000e+00, v54  }
0xac: {  	vm14 =	vgt.f32 v5, $0.0e+00;
	v6 =	vmul.f32 $1.050701020e+00, v6;
	v55 =	vpop (erf);
	v10 =	vmul.f32 $1.673263190e+00, v10  }
0xad: {  	v4 =	vsel vm1, v41, v7;
	v12 =	vadd.f32 $-1.000000000e+00, v55;
	v11 =	vmul.f32 $1.673263190e+00, v11;
	v56 =	vpop (erf)  }
0xae: {  	v4 =	vmul.f32 $1.050701020e+00, v4;
	v2 =	vsel vm2, v2, v10;
	v7 =	vadd.f32 $-1.000000000e+00, v56;
	v58 =	vpop (erf)  }
0xaf: {  	v57 =	vmul.f32 $1.673263190e+00, v12;
	v8 =	vsel vm11, v43, v11;
	v11 =	vadd.f32 $-1.000000000e+00, v58;
	v59 =	vpop (erf)  }
0xb0: {  	[tilespmem:s30+$0x14150] =	vst v6;
	v2 =	vmul.f32 $1.050701020e+00, v2;
	v61 =	vadd.f32 $-1.000000000e+00, v59;
	v7 =	vmul.f32 $1.673263190e+00, v7  }
0xb1: {  	[tilespmem:s30+$0x14140] =	vst v4;
	v8 =	vmul.f32 $1.050701020e+00, v8;
	v60 =	vsel vm12, v9, v57;
	v63 =	vmul.f32 $1.673263190e+00, v11  }
0xb2: {  	v62 =	vmul.f32 $1.050701020e+00, v60;
	[tilespmem:s30+$0x14170] =	vst v2;
	v2 =	vmul.f32 $1.673263190e+00, v61;
	v3 =	vsel vm13, v3, v7  }
0xb3: {  	vm15 =	vgt.f32 v1, $0.0e+00;
	[tilespmem:s30+$0x14130] =	vst v8;
	v3 =	vmul.f32 $1.050701020e+00, v3;
	v5 =	vsel vm14, v5, v63  }
0xb4: {  	[tilespmem:s30+$0x14110] =	vst v62;
	v1 =	vsel vm15, v1, v2;
	v2 =	vmul.f32 $1.050701020e+00, v5  }
0xb5: {  	s28 =	sadd.s32 $0x1, s28;
	v1 =	vmul.f32 $1.050701020e+00, v1;
	[tilespmem:s30+$0x14120] =	vst v3  }
0xb6: {  	p0 =	sne.s32 s28, $0xFA;
	[tilespmem:s30+$0x14160] =	vst v2  }
.Ltmp2:
0xb7: {  	[tilespmem:s30+$0x14100] =	vst v1;
	(pc) =	sbr.rel @p0 .LBB2_4-.Ltmp2, $4  }
0xb8: {  	[spmem:s3] =	stream.indirect.scatter.add.f32 [tilespmem:s19], [sflag:$0x2], $0x80, s22, s23, $0xb8;
	[tilespmem:$0x19100] =	vst v63  }
0xb9: {  	_ =	swait.ge [sflag:s20], $0x2800  }
0xba: {  	[sflag:s20] =	ssyncset.done $0x0  }
0xbb: {  	[sflag:s20] =	ssyncadd.s32 $0xFFFFD800  }
0xbc: {  	s5 =	sadd.s32 $0x1, s5  }
0xbd: {  	s0 =	sshll.u32 s4, $0x6;
	[bflag:$0x0] =	sbarrier.arrive $0xFFFF;
	p0 =	sne.s32 s5, s18  }
.Ltmp3:
0xbe: {  	s26 =	sshrl.u32 s8, $0x3;
	s0 =	sor.u32 $0x1C02, s0;
	(pc) =	sbr.rel @p0 .LBB2_1-.Ltmp3, $4  }
0xbf: {  	[hbm:s17], [sflag:s0] =	dma.local [spmem:s26], $0x2800  }
0xc0: {  	_ =	swait.ge [sflag:s20], $0x2800  }
0xc1: {  	[sflag:s20] =	ssyncset.done $0x0  }
0xc2: {  	[sflag:s20] =	ssyncadd.s32 $0xFFFFD800  }
0xc3: {  	_ =	sfence.sel $0x180000  }
0xc4: {  	[bflag:$0x0] =	sbarrier.arrive $0xFFFF  }
0xc5: {  	_ =	strace $0x9000004A  }
0xc6: {  	[bflag:$0x2] =	sbarrier.arrive $0xFFFF  }
0xc7: {  	p0 =	sne.s32 s4, $0x0;
	s0 =	rddreg [dreg:$0x4]  }
0xc8: {  	s0 =	sadd.s32 @!p0 $0x100000, s0  }
0xc9: {  	[sflag:s0] =	ssyncadd.tile.s32 @!p0 $0x1;
	_ =	shalt  }
.Lfunc_end2:
_tile_overlayer_lowered:
.L_overlay_start_2:
0xca: {  	(tag) =	ssettag $0x2  }
0xcb: {  	s0 =	rddreg [dreg:$0x0];
	s2 =	stileid.u32  }
0xcc: {  	s1 =	rddreg [dreg:$0x1];
	p0 =	sne.s32 s2, $0x0  }
0xcd: {  	s3 =	rddreg [dreg:$0x2];
	[bflag:$0x3] =	sbarrier.arrive $0xFFFF;
	s2 =	simm.s32 @!p0 $0x1C02  }
0xce: {  	[timem:s3], [sflag:s2] =	dma.local @!p0 [hbm:s0], s1  }
0xcf: {  	s0 =	simm.s32 @!p0 $0x2  }
0xd0: {  	_ =	swait.ge @!p0 [sflag:s0], s1  }
0xd1: {  	s1 =	ssub.s32 @!p0 $0x0, s1;
	[sflag:s0] =	ssyncset.done @!p0 $0x0  }
0xd2: {  	[sflag:s0] =	ssyncadd.s32 @!p0 s1  }
0xd3: {  	[bflag:$0x3] =	sbarrier.arrive $0xFFFF  }
0xd4: {  	_ =	shalt  }

// kernel: kernel.20.cloned.1.call-start
scs
__scs_entry_jumppad:
0x0: {  	(pc) =	sbr.rel $0x88, $3  }
0x1: {  	(tag) =	ssettag $0x0;
	lr =	simm.s32 $0x1  }
0x2: {  	[smem:$0x3F92] =	sst lr;
	_ =	strace $0xD0000000  }
0x3: {  	_ = 	snop  }
0x4: {  	_ = 	snop  }
0x5: {  	_ = 	snop  }
0x6: {  	_ = 	snop  }
0x7: {  	_ = 	snop  }
__scs_overlays_trampoline_lowered:
0x8: {  	[smem:$0x3FA1] =	sst s0  }
0x9: {  	[smem:$0x3FA2] =	sst s1  }
0xa: {  	[smem:$0x3FA3] =	sst s2  }
0xb: {  	[smem:$0x3FA4] =	sst s3  }
0xc: {  	[smem:$0x3FA5] =	sst s4  }
0xd: {  	[smem:$0x3FA6] =	sst s5  }
0xe: {  	[smem:$0x3FA7] =	sst s6  }
0xf: {  	[smem:$0x3FA8] =	sst s7  }
0x10: {  	[smem:$0x3FA9] =	sst s8  }
0x11: {  	[smem:$0x3FAA] =	sst s9;
	s0 =	simm.s32 @!p0 $0x0  }
0x12: {  	s1 =	sld [smem:$0x3F90];
	s0 =	simm.s32 @p0 $0x1  }
0x13: {  	[smem:$0x3FAB] =	sst s0;
	s0 =	simm.s32 @!p1 $0x0  }
0x14: {  	s2 =	sld [smem:$0x3F8F];
	s0 =	simm.s32 @p1 $0x1  }
0x15: {  	[smem:$0x3FAC] =	sst s0;
	s0 =	simm.s32 @!p2 $0x0  }
0x16: {  	s3 =	sld [smem:$0x3FDB];
	s0 =	simm.s32 @p2 $0x1  }
0x17: {  	s4 =	simm.s32 $0x1BF5;
	[smem:$0x3FAE] =	sst s0  }
0x18: {  	s0 =	sld [smem:$0x3F91];
	_ =	swait.ge [sflag:s4], $0x0  }
0x19: {  	s7 =	sld [smem:$0x3F92]  }
0x1a: {  	s8 =	sadd.s32 $0xFFFFE003, lr  }
0x1b: {  	s9 =	sadd.s32 $0xFFFFFEF7, lr;
	s5 =	simm.s32 $0xFFFFFFFF;
	p2 =	slt.u32 s8, $0xFFFFF086  }
0x1c: {  	p1 =	slt.u32 s9, $0xF7A;
	s5 =	simm.s32 @!p2 $0x0  }
0x1d: {  	s5 =	simm.s32 @p1 $0x1;
	p0 =	seq.s32 s7, s2  }
0x1e: {  	s7 =	smul.u32 @!p0 $0xF7A, s2;
	p2 =	seq.s32 @!p0 s5, $0x0  }
0x1f: {  	s9 =	smul.u32 $0xF7A, s1;
	s8 =	simm.s32 @!p0 $0x1BF5;
	p2 =	por !p2, p0  }
0x20: {  	[sflag:s8] =	ssyncset.s32 @!p0 $0xFFFFF086;
	s6 =	sadd.s32 @!p0 s3, s7;
	s7 =	simm.s32 @!p0 $0x108  }
0x21: {  	s3 =	sadd.s32 s3, s9;
	s6 =	sadd.s32 @!p0 $0x88, s6;
	s7 =	simm.s32 @p2 $0x1082  }
0x22: {  	[simem:s7], [sflag:s8] =	dma.local @!p0 [hbm:s6], $0xF7A  }
0x23: {  	s9 =	sor.u32 $0xD0000000, s2;
	s6 =	simm.s32 $0x108;
	_ =	swait.ge @!p0 [sflag:s8], $0x0  }
0x24: {  	s3 =	sadd.s32 $0x88, s3;
	s6 =	simm.s32 @!p1 $0x1082;
	[sflag:s4] =	ssyncset.s32 $0xFFFFF086  }
0x25: {  	[simem:s6], [sflag:s4] =	dma.local [hbm:s3], $0xF7A  }
0x26: {  	[smem:$0x3F92] =	sst s1;
	(tag) =	ssettag s2;
	_ =	strace s9  }
0x27: {  	s1 =	sld [smem:$0x3FA2]  }
0x28: {  	s2 =	sld [smem:$0x3FA3]  }
0x29: {  	s4 =	sld [smem:$0x3FA5]  }
0x2a: {  	p0 =	seq.s32 s5, $0x0;
	s5 =	sld [smem:$0x3FA6]  }
0x2b: {  	s6 =	sld [smem:$0x3FA7]  }
0x2c: {  	s7 =	sld [smem:$0x3FA8]  }
0x2d: {  	s3 =	simm.s32 $0x108;
	s8 =	sld [smem:$0x3FA9]  }
0x2e: {  	s3 =	simm.s32 @!p0 $0x1082;
	s9 =	sld [smem:$0x3FAA]  }
0x2f: {  	lr =	sadd.s32 s0, s3;
	s0 =	sld [smem:$0x3FA1]  }
0x30: {  	s3 =	sld [smem:$0x3FA4]  }
0x31: {  	[smem:$0x3FAD] =	sst s10  }
0x32: {  	s10 =	sld [smem:$0x3FAB];
	_ =	sdelay $0x3  }
0x33: {  	p0 =	seq.s32 s10, $0x1;
	s10 =	sld [smem:$0x3FAD];
	_ =	sdelay $0x3  }
0x34: {  	[smem:$0x3FAD] =	sst s10  }
0x35: {  	s10 =	sld [smem:$0x3FAC];
	_ =	sdelay $0x3  }
0x36: {  	p1 =	seq.s32 s10, $0x1;
	s10 =	sld [smem:$0x3FAD];
	_ =	sdelay $0x3  }
0x37: {  	[smem:$0x3FAD] =	sst s10  }
0x38: {  	s10 =	sld [smem:$0x3FAE]  }
0x39: {  	_ = 	snop;
	(pc) =	sbr.ind lr, $3  }
0x3a: {  	_ = 	snop  }
0x3b: {  	_ = 	snop  }
0x3c: {  	p2 =	seq.s32 s10, $0x1;
	s10 =	sld [smem:$0x3FAD]  }
0x3d: {  	_ =	shalt  }
0x3e: {  	_ =	shalt  }
0x3f: {  	_ =	shalt  }
0x40: {  	_ =	shalt  }
0x41: {  	_ =	shalt  }
0x42: {  	_ =	shalt  }
0x43: {  	_ =	shalt  }
0x44: {  	_ =	shalt  }
0x45: {  	_ =	shalt  }
0x46: {  	_ =	shalt  }
0x47: {  	_ =	shalt  }
0x48: {  	_ =	shalt  }
0x49: {  	_ =	shalt  }
0x4a: {  	_ =	shalt  }
0x4b: {  	_ =	shalt  }
0x4c: {  	_ =	shalt  }
0x4d: {  	_ =	shalt  }
0x4e: {  	_ =	shalt  }
0x4f: {  	_ =	shalt  }
0x50: {  	_ =	shalt  }
0x51: {  	_ =	shalt  }
0x52: {  	_ =	shalt  }
0x53: {  	_ =	shalt  }
0x54: {  	_ =	shalt  }
0x55: {  	_ =	shalt  }
0x56: {  	_ =	shalt  }
0x57: {  	_ =	shalt  }
0x58: {  	_ =	shalt  }
0x59: {  	_ =	shalt  }
0x5a: {  	_ =	shalt  }
0x5b: {  	_ =	shalt  }
0x5c: {  	_ =	shalt  }
0x5d: {  	_ =	shalt  }
0x5e: {  	_ =	shalt  }
0x5f: {  	_ =	shalt  }
0x60: {  	_ =	shalt  }
0x61: {  	_ =	shalt  }
0x62: {  	_ =	shalt  }
0x63: {  	_ =	shalt  }
0x64: {  	_ =	shalt  }
0x65: {  	_ =	shalt  }
0x66: {  	_ =	shalt  }
0x67: {  	_ =	shalt  }
0x68: {  	_ =	shalt  }
0x69: {  	_ =	shalt  }
0x6a: {  	_ =	shalt  }
0x6b: {  	_ =	shalt  }
0x6c: {  	_ =	shalt  }
0x6d: {  	_ =	shalt  }
0x6e: {  	_ =	shalt  }
0x6f: {  	_ =	shalt  }
0x70: {  	_ =	shalt  }
0x71: {  	_ =	shalt  }
0x72: {  	_ =	shalt  }
0x73: {  	_ =	shalt  }
0x74: {  	_ =	shalt  }
0x75: {  	_ =	shalt  }
0x76: {  	_ =	shalt  }
0x77: {  	_ =	shalt  }
0x78: {  	_ =	shalt  }
0x79: {  	_ =	shalt  }
0x7a: {  	_ =	shalt  }
0x7b: {  	_ =	shalt  }
0x7c: {  	_ =	shalt  }
0x7d: {  	_ =	shalt  }
0x7e: {  	_ =	shalt  }
0x7f: {  	_ =	shalt  }
0x80: {  	_ =	shalt  }
0x81: {  	_ =	shalt  }
0x82: {  	_ =	shalt  }
0x83: {  	_ =	shalt  }
0x84: {  	_ =	shalt  }
0x85: {  	_ =	shalt  }
0x86: {  	_ =	shalt  }
0x87: {  	_ =	shalt  }
.Lfunc_end0:
.L_simem_size_0:
called_computation.2_lowered:
.L_overlay_start_0:
0x88: {  	s2 =	sld [smem:$0x3FD9]  }
0x89: {  	s3 =	sld [smem:$0x3FFE];
	_ =	sdelay $0x1  }
0x8a: {  	s1 =	srdreg.scid  }
0x8b: {  	s0 =	sand.u32 $0x1, s1  }
0x8c: {  	s17 =	sshll.u32 s0, $0xA;
	s2 =	sadd.s32 s3, s2  }
0x8d: {  	s2 =	sadd.s32 s2, s17  }
0x8e: {  	[smem:$0x3FB9] =	sst s2  }
0x8f: {  	_ = 	snop  }
0x90: {  	s2 =	sld [smem:$0x3FC7]  }
0x91: {  	s18 =	sld [smem:$0x3FC6];
	(tm) =	ssettm $0x1  }
0x92: {  	s4 =	sld [smem:$0x3FFB];
	_ =	sdelay $0x3  }
0x93: {  	_ =	strace s4  }
0x94: {  	s4 =	sld [smem:$0x3FFC];
	_ =	sdelay $0x3  }
0x95: {  	_ =	strace s4  }
0x96: {  	s4 =	sld [smem:$0x3FFD];
	_ =	sdelay $0x3  }
0x97: {  	_ =	strace s4  }
0x98: {  	_ =	strace $0x8FFFFFFF  }
0x99: {  	s19 =	sld [smem:$0x3FDB];
	_ =	sdelay $0x1  }
0x9a: {  	s5 =	simm.s32 $_scs_section_size  }
0x9b: {  	s6 =	simm.s32 $_size__tile_overlayer_lowered;
	s7 =	simm.s32 $_tile_overlayer_lowered  }
0x9c: {  	s22 =	simm.s32 $0x1BFF;
	s21 =	sshll.u32 s7, $0x1;
	s4 =	sadd.s32 s5, s19  }
0x9d: {  	s8 =	simm.s32 $0x0;
	s20 =	sshll.u32 s6, $0x1;
	s6 =	sadd.s32 s21, s4  }
0x9e: {  	[timem:s8], [sflag:s22] =	dma.local [hbm:s6], s20  }
0x9f: {  	_ =	swait.ge [sflag:s22], s20  }
0xa0: {  	s5 =	ssub.s32 $0x0, s20;
	[sflag:s22] =	ssyncset.done $0x0  }
0xa1: {  	[sflag:s22] =	ssyncadd.s32 s5;
	_ =	sdelay $0x1  }
0xa2: {  	s23 =	simm.s32 $0x1B8B  }
0xa3: {  	_ =	swait.ge [sflag:s23], $0x1  }
0xa4: {  	[sflag:s23] =	ssyncset.done $0x0  }
0xa5: {  	s25 =	simm.s32 $0x1B8E;
	s24 =	sld [smem:$0x3FFE];
	[sflag:s23] =	ssyncadd.s32 $0xFFFFFFFF  }
0xa6: {  	s26 =	simm.s32 $execute0_lowered;
	[smem:$0x3FD2] =	sst s25  }
0xa7: {  	s6 =	sshll.u32 s26, $0x1;
	_ =	strace $0x8000004C;
	[dreg:$0x1] =	wrdreg $0xFFFFFFFF  }
0xa8: {  	s28 =	simm.s32 $_size_execute0_lowered;
	s4 =	sadd.s32 s4, s6;
	[dreg:$0x0] =	wrdreg $0x0  }
0xa9: {  	s6 =	sshll.u32 s28, $0x1;
	[dreg:$0x2] =	wrdreg s4  }
0xaa: {  	[dreg:$0x3] =	wrdreg s6  }
0xab: {  	[dreg:$0x4] =	wrdreg $0xC0  }
0xac: {  	_ =	task [dreg:s8], $0x5FFFF  }
0xad: {  	[dreg:$0x1] =	wrdreg $0xFFFFFFFF  }
0xae: {  	[dreg:$0x0] =	wrdreg $0x60  }
0xaf: {  	[dreg:$0x2] =	wrdreg s24  }
0xb0: {  	[dreg:$0x3] =	wrdreg s2  }
0xb1: {  	[dreg:$0x4] =	wrdreg s18  }
0xb2: {  	[dreg:$0x5] =	wrdreg $0x0  }
0xb3: {  	[dreg:$0x6] =	wrdreg $0x9  }
0xb4: {  	_ =	task.clear_ibuf [dreg:s8], $0x7FFFF;
	_ =	strace $0x9000004C  }
0xb5: {  	s29 =	simm.s32 $0x9;
	_ =	strace $0x8000004E  }
0xb6: {  	_ =	swait.ge [sflag:s29], $0x1  }
0xb7: {  	[sflag:s29] =	ssyncadd.s32 $0xFFFFFFFF  }
0xb8: {  	_ =	strace $0x9000004E  }
0xb9: {  	_ =	sfence  }
0xba: {  	s30 =	sld [smem:$0x0];
	_ =	sdelay $0x2  }
0xbb: {  	s31 =	sshll.u32 s1, $0xD;
	s1 =	sshrl.u32 s1, $0x2  }
0xbc: {  	s3 =	sand.u32 $0x4000, s31;
	s1 =	sadd.s32 s1, s30  }
0xbd: {  	s0 =	sor.u32 s3, s0;
	s1 =	sshll.u32 s1, $0x11  }
0xbe: {  	s0 =	sor.u32 s1, s0  }
0xbf: {  	s0 =	sadd.s32 $0x8F2B, s0  }
0xc0: {  	[sflag:s0] =	ssyncadd.remote.s32 $0x1  }
0xc1: {  	_ =	sfence.sel $0xFFFF  }
0xc2: {  	[dreg:$0x0] =	wrdreg $0xFFFFFFFF;
	(pc) =	sbr.abs _section_cstart, $3  }
0xc3: {  	[dreg:$0x1] =	wrdreg $0xFFFFFFFF  }
0xc4: {  	_ =	task.clear_ibuf [dreg:s8], $0x2FFFF;
	_ =	strace $0x9FFFFFFF  }
0xc5: {  	(tm) =	ssettm $0x7FFFFFFF  }
tec
execute0_lowered:
.L_overlay_start_1:
0x0: {  	(tag) =	ssettag $0x1  }
0x1: {  	s0 =	rddreg [dreg:$0x0]  }
0x2: {  	s1 =	rddreg [dreg:$0x1]  }
0x3: {  	s2 =	rddreg [dreg:$0x2]  }
0x4: {  	s3 =	rddreg [dreg:$0x3];
	s4 =	srdreg.scid;
	s5 =	simm.s32 $0x0  }
0x5: {  	s19 =	simm.s32 $0x14100;
	s20 =	simm.s32 $0x2;
	s21 =	simm.s32 $0x14000  }
0x6: {  	s22 =	simm.s32 $0x14080;
	s23 =	simm.s32 $0x50;
	s24 =	simm.s32 $0x16900  }
0x7: {  	s25 =	simm.s32 $0x1;
	s8 =	sand.u32 $0x1, s4;
	s4 =	stileid.u32  }
0x8: {  	[smem:$0x7FF] =	sst s5;
	s6 =	sadd.s32 $0x5800, s0;
	s7 =	smul.u32 $0x140000, s8  }
0x9: {  	s9 =	smul.u32 $0x14000, s4;
	_ =	strace $0x8000004D;
	s11 =	ssub.s32 $0x2, s8  }
0xa: {  	s10 =	smul.u32 $0x50000, s4;
	s31 =	sshll.u32 s8, $0x4;
	s30 =	sshrl.u32 s11, $0x1  }
0xb: {  	s16 =	sor.u32 s4, s31;
	s9 =	sadd.s32 s9, s7;
	s7 =	sadd.s32 $0x2CA00, s0  }
0xc: {  	s10 =	sshrl.u32 s10, $0x2;
	s18 =	ssub.s32 s11, s30;
	s16 =	smul.u32 $0x4E20, s16  }
0xd: {  	s9 =	sshrl.u32 s9, $0x3;
	s8 =	sadd.s32 s10, s3;
	s18 =	smax.u32 s18, $0x1  }
0xe: {  	s0 =	sadd.s32 s9, s0;
	s9 =	sadd.s32 $0x2800, s8;
	s10 =	sadd.s32 $0x5000, s8  }
0xf: {  	s11 =	sadd.s32 $0x7800, s8;
	s12 =	sadd.s32 $0xA000, s8;
	s13 =	sadd.s32 $0xC800, s8  }
0x10: {  	v0 =	vimm.f32 $0.0e+00;
	s14 =	sadd.s32 $0xF000, s8;
	s15 =	sadd.s32 $0x11800, s8;
	s17 =	sadd.s32 $0x53C00, s0  }
.LBB2_1:
0x11: {  	s0 =	simm.s32 $0x0;
	s26 =	simm.s32 $0x200  }
.LBB2_2:
0x12: {  	p0 =	sne.s32 s26, $0x9E00;
	[tilespmem:s0+$0x14170] =	vst v0  }
0x13: {  	[tilespmem:s0+$0x14100] =	vst v0  }
0x14: {  	[tilespmem:s0+$0x14110] =	vst v0  }
.Ltmp0:
0x15: {  	[tilespmem:s0+$0x14120] =	vst v0;
	(pc) =	sbr.rel @p0 .LBB2_2-.Ltmp0, $4  }
0x16: {  	[tilespmem:s0+$0x14130] =	vst v0  }
0x17: {  	[tilespmem:s0+$0x14140] =	vst v0  }
0x18: {  	[tilespmem:s0+$0x14150] =	vst v0  }
0x19: {  	[tilespmem:s0+$0x14160] =	vst v0;
	s0 =	sshra.s32 s26, $0x2;
	s26 =	sadd.s32 $0x200, s26  }
0x1a: {  	[tilespmem:s0+$0x14170] =	vst v0  }
0x1b: {  	[tilespmem:s0+$0x14100] =	vst v0  }
0x1c: {  	[tilespmem:s0+$0x14110] =	vst v0  }
0x1d: {  	[tilespmem:s0+$0x14120] =	vst v0  }
0x1e: {  	[tilespmem:s0+$0x14130] =	vst v0  }
0x1f: {  	[tilespmem:s0+$0x14140] =	vst v0  }
0x20: {  	[tilespmem:s0+$0x14150] =	vst v0  }
0x21: {  	[tilespmem:s0+$0x14160] =	vst v0  }
0x22: {  	[spmem:s8] =	stream.linear.scatter [tilespmem:s19], [sflag:$0x2], $0x2800, $0x38;
	[tilespmem:$0x19100] =	vst v63  }
0x23: {  	_ =	swait.ge [sflag:s20], $0x2800  }
0x24: {  	[sflag:s20] =	ssyncset.done $0x0  }
0x25: {  	[sflag:s20] =	ssyncadd.s32 $0xFFFFD800  }
0x26: {  	[spmem:s9] =	stream.linear.scatter [tilespmem:s19], [sflag:$0x2], $0x2800, $0x38;
	[tilespmem:$0x19100] =	vst v63  }
0x27: {  	_ =	swait.ge [sflag:s20], $0x2800  }
0x28: {  	[sflag:s20] =	ssyncset.done $0x0  }
0x29: {  	[sflag:s20] =	ssyncadd.s32 $0xFFFFD800  }
0x2a: {  	[spmem:s10] =	stream.linear.scatter [tilespmem:s19], [sflag:$0x2], $0x2800, $0x38;
	[tilespmem:$0x19100] =	vst v63  }
0x2b: {  	_ =	swait.ge [sflag:s20], $0x2800  }
0x2c: {  	[sflag:s20] =	ssyncset.done $0x0  }
0x2d: {  	[sflag:s20] =	ssyncadd.s32 $0xFFFFD800  }
0x2e: {  	[spmem:s11] =	stream.linear.scatter [tilespmem:s19], [sflag:$0x2], $0x2800, $0x38;
	[tilespmem:$0x19100] =	vst v63  }
0x2f: {  	_ =	swait.ge [sflag:s20], $0x2800  }
0x30: {  	[sflag:s20] =	ssyncset.done $0x0  }
0x31: {  	[sflag:s20] =	ssyncadd.s32 $0xFFFFD800  }
0x32: {  	[spmem:s12] =	stream.linear.scatter [tilespmem:s19], [sflag:$0x2], $0x2800, $0x38;
	[tilespmem:$0x19100] =	vst v63  }
0x33: {  	_ =	swait.ge [sflag:s20], $0x2800  }
0x34: {  	[sflag:s20] =	ssyncset.done $0x0  }
0x35: {  	[sflag:s20] =	ssyncadd.s32 $0xFFFFD800  }
0x36: {  	[spmem:s13] =	stream.linear.scatter [tilespmem:s19], [sflag:$0x2], $0x2800, $0x38;
	[tilespmem:$0x19100] =	vst v63  }
0x37: {  	_ =	swait.ge [sflag:s20], $0x2800  }
0x38: {  	[sflag:s20] =	ssyncset.done $0x0  }
0x39: {  	[sflag:s20] =	ssyncadd.s32 $0xFFFFD800  }
0x3a: {  	[spmem:s14] =	stream.linear.scatter [tilespmem:s19], [sflag:$0x2], $0x2800, $0x38;
	[tilespmem:$0x19100] =	vst v63  }
0x3b: {  	_ =	swait.ge [sflag:s20], $0x2800  }
0x3c: {  	[sflag:s20] =	ssyncset.done $0x0  }
0x3d: {  	[sflag:s20] =	ssyncadd.s32 $0xFFFFD800  }
0x3e: {  	[spmem:s15] =	stream.linear.scatter [tilespmem:s19], [sflag:$0x2], $0x2800, $0x38;
	[tilespmem:$0x19100] =	vst v63  }
0x3f: {  	_ =	swait.ge [sflag:s20], $0x2800  }
0x40: {  	[sflag:s20] =	ssyncset.done $0x0  }
0x41: {  	[sflag:s20] =	ssyncadd.s32 $0xFFFFD800  }
0x42: {  	s26 =	simm.s32 $0x0;
	s28 =	simm.s32 $0x0;
	[bflag:$0x0] =	sbarrier.arrive $0xFFFF  }
.LBB2_4:
0x43: {  	s0 =	smul.u32 $0x50, s28;
	_ =	sdelay $0x1  }
0x44: {  	s0 =	sadd.s32 s16, s0  }
0x45: {  	s0 =	sshrl.u32 s0, $0x3  }
0x46: {  	s29 =	sadd.s32 s1, s0  }
0x47: {  	[tilespmem:s21], [sflag:$0x2] =	stream.linear.gather [hbm4b:s29+s26], $0x50, $0x38;
	[tilespmem:$0x19100] =	vst v63  }
0x48: {  	_ =	swait.ge [sflag:s20], $0x50  }
0x49: {  	[sflag:s20] =	ssyncset.done $0x0  }
0x4a: {  	s0 =	sadd.s32 s2, s0;
	[sflag:s20] =	ssyncadd.s32 $0xFFFFFFB0  }
0x4b: {  	[tilespmem:s22], [sflag:$0x2] =	stream.linear.gather [hbm4b:s0+s26], $0x50, $0x38;
	[tilespmem:$0x19100] =	vst v63  }
0x4c: {  	_ =	swait.ge [sflag:s20], $0x50  }
0x4d: {  	[sflag:s20] =	ssyncset.done $0x0  }
0x4e: {  	[sflag:s20] =	ssyncadd.s32 $0xFFFFFFB0  }
0x4f: {  	[tilespmem:s19], [sflag:$0x1] =	stream.indirect.gather [hbm4b:s6+s23], $0x80, s21, s23, $0xb8;
	[tilespmem:$0x19100] =	vst v63  }
0x50: {  	_ = 	snop  }
0x51: {  	[tilespmem:s24], [sflag:$0x1] =	stream.indirect.gather [hbm4b:s7+s23], $0x80, s22, s23, $0xb8;
	[tilespmem:$0x19100] =	vst v63  }
0x52: {  	_ =	swait.ge [sflag:s25], $0x2800  }
0x53: {  	[sflag:s25] =	ssyncset.done $0x0  }
0x54: {  	[sflag:s25] =	ssyncadd.s32 $0xFFFFD800  }
0x55: {  	_ =	swait.ge [sflag:s25], $0x2800  }
0x56: {  	[sflag:s25] =	ssyncset.done $0x0  }
0x57: {  	s29 =	simm.s32 $0x0;
	[sflag:s25] =	ssyncadd.s32 $0xFFFFD800  }
0x58: {  	v1 =	vld [tilespmem:s29+$0x16950]  }
0x59: {  	v2 =	vld [tilespmem:s29+$0x14150];
	_ =	sdelay $0x2  }
0x5a: {  	v3 =	vld [tilespmem:s29+$0x16970]  }
0x5b: {  	v4 =	vld [tilespmem:s29+$0x16940]  }
0x5c: {  	v5 =	vld [tilespmem:s29+$0x16930];
	v9 =	vadd.f32 v1, v2  }
0x5d: {  	v1 =	vld [tilespmem:s29+$0x14140]  }
0x5e: {  	v8 =	vld [tilespmem:s29+$0x16910];
	v6 =	vmul.f32 $1.442695020e+00, v9  }
0x5f: {  	v10 =	vld [tilespmem:s29+$0x14170]  }
0x60: {  	v11 =	vld [tilespmem:s29+$0x14130];
	(erf) = vpow2.f32 v6  }
0x61: {  	v12 =	vld [tilespmem:s29+$0x14110]  }
0x62: {  	v13 =	vld [tilespmem:s29+$0x16960];
	v7 =	vadd.f32 v4, v1  }
0x63: {  	v14 =	vld [tilespmem:s29+$0x14120]  }
0x64: {  	v2 =	vld [tilespmem:s29+$0x16920];
	v6 =	vadd.f32 v3, v10;
	v4 =	vmul.f32 $1.442695020e+00, v7  }
0x65: {  	v5 =	vadd.f32 v5, v11;
	v11 =	vld [tilespmem:s29+$0x14100]  }
0x66: {  	v10 =	vld [tilespmem:s29+$0x14160];
	v3 =	vmul.f32 $1.442695020e+00, v6;
	(erf) = vpow2.f32 v4  }
0x67: {  	v1 =	vld [tilespmem:s29+$0x16900];
	v4 =	vadd.f32 v8, v12;
	v8 =	vmul.f32 $1.442695020e+00, v5  }
0x68: {  	(erf) = vpow2.f32 v3  }
0x69: {  	v3 =	vadd.f32 v2, v14;
	v62 =	vmul.f32 $1.442695020e+00, v4;
	(erf) = vpow2.f32 v8;
	v61 =	vpop (erf)  }
0x6a: {  	v12 =	vadd.f32 $-1.000000000e+00, v61  }
0x6b: {  	v2 =	vadd.f32 v13, v10;
	v10 =	vmul.f32 $1.442695020e+00, v3;
	(erf) = vpow2.f32 v62  }
0x6c: {  	v1 =	vadd.f32 v1, v11;
	v11 =	vmul.f32 $1.673263190e+00, v12  }
0x6d: {  	vm0 =	vgt.f32 v9, $0.0e+00;
	v63 =	vmul.f32 $1.442695020e+00, v2  }
0x6e: {  	v8 =	vmul.f32 $1.442695020e+00, v1;
	(erf) = vpow2.f32 v10;
	v9 =	vsel vm0, v9, v11  }
0x6f: {  	s31 =	simm.s32 $0x200;
	s30 =	simm.s32 $0x400;
	(erf) = vpow2.f32 v63;
	v10 =	vpop (erf);
	v9 =	vmul.f32 $1.050701020e+00, v9  }
.LBB2_5:
0x70: {  	p0 =	sne.s32 s30, $0x9E00  }
0x71: {  	s0 =	sshra.s32 s31, $0x2;
	v10 =	vadd.f32 $-1.000000000e+00, v10;
	(erf) = vpow2.f32 v8;
	v8 =	vpop (erf);
	s31 =	smov.u32 s30;
	s30 =	sadd.s32 $0x200, s30  }
0x72: {  	v11 =	vld [tilespmem:s0+$0x16950];
	[tilespmem:s29+$0x14150] =	vst v9;
	v8 =	vadd.f32 $-1.000000000e+00, v8;
	v9 =	vpop (erf)  }
0x73: {  	vm0 =	vgt.f32 v5, $0.0e+00;
	v12 =	vld [tilespmem:s0+$0x14150];
	v9 =	vadd.f32 $-1.000000000e+00, v9;
	v10 =	vmul.f32 $1.673263190e+00, v10  }
0x74: {  	vm1 =	vgt.f32 v7, $0.0e+00;
	vm2 =	vgt.f32 v6, $0.0e+00;
	v13 =	vld [tilespmem:s0+$0x16970];
	v8 =	vmul.f32 $1.673263190e+00, v8;
	v14 =	vpop (erf)  }
0x75: {  	v15 =	vld [tilespmem:s0+$0x16940];
	v14 =	vadd.f32 $-1.000000000e+00, v14;
	v9 =	vmul.f32 $1.673263190e+00, v9;
	v7 =	vsel vm1, v7, v10  }
0x76: {  	vm1 =	vgt.f32 v4, $0.0e+00;
	v10 =	vld [tilespmem:s0+$0x16930];
	v16 =	vmul.f32 $1.050701020e+00, v7;
	v6 =	vsel vm2, v6, v8  }
0x77: {  	v8 =	vld [tilespmem:s0+$0x16920];
	v14 =	vmul.f32 $1.673263190e+00, v14;
	v5 =	vsel vm0, v5, v9;
	v17 =	vmul.f32 $1.050701020e+00, v6  }
0x78: {  	vm0 =	vgt.f32 v3, $0.0e+00;
	v9 =	vld [tilespmem:s0+$0x16910];
	v11 =	vadd.f32 v11, v12;
	v5 =	vmul.f32 $1.050701020e+00, v5;
	[tilespmem:s29+$0x14140] =	vst v16;
	v7 =	vpop (erf)  }
0x79: {  	vm2 =	vgt.f32 v1, $0.0e+00;
	v12 =	vld [tilespmem:s0+$0x14140];
	v4 =	vsel vm1, v4, v14;
	v7 =	vadd.f32 $-1.000000000e+00, v7;
	[tilespmem:s29+$0x14170] =	vst v17;
	v6 =	vpop (erf)  }
0x7a: {  	v14 =	vmul.f32 $1.442695020e+00, v11;
	v16 =	vld [tilespmem:s0+$0x14170];
	v4 =	vmul.f32 $1.050701020e+00, v4;
	[tilespmem:s29+$0x14130] =	vst v5;
	v5 =	vadd.f32 $-1.000000000e+00, v6;
	v6 =	vpop (erf)  }
0x7b: {  	vm1 =	vgt.f32 v2, $0.0e+00;
	v17 =	vld [tilespmem:s0+$0x14130];
	v6 =	vadd.f32 $-1.000000000e+00, v6;
	v7 =	vmul.f32 $1.673263190e+00, v7  }
0x7c: {  	(erf) = vpow2.f32 v14;
	[tilespmem:s29+$0x14110] =	vst v4;
	v4 =	vmul.f32 $1.673263190e+00, v5  }
0x7d: {  	v14 =	vld [tilespmem:s0+$0x14110];
	v5 =	vmul.f32 $1.673263190e+00, v6;
	v3 =	vsel vm0, v3, v7  }
0x7e: {  	v7 =	vadd.f32 v15, v12;
	v3 =	vmul.f32 $1.050701020e+00, v3;
	v2 =	vsel vm1, v2, v4  }
0x7f: {  	v12 =	vld [tilespmem:s0+$0x16900];
	v6 =	vadd.f32 v13, v16;
	v1 =	vsel vm2, v1, v5;
	v2 =	vmul.f32 $1.050701020e+00, v2  }
0x80: {  	v5 =	vadd.f32 v10, v17;
	v10 =	vmul.f32 $1.442695020e+00, v7;
	v13 =	vld [tilespmem:s0+$0x16960];
	v1 =	vmul.f32 $1.050701020e+00, v1;
	[tilespmem:s29+$0x14120] =	vst v3  }
0x81: {  	v3 =	vld [tilespmem:s0+$0x14120];
	v15 =	vmul.f32 $1.442695020e+00, v6;
	[tilespmem:s29+$0x14160] =	vst v2  }
0x82: {  	v4 =	vadd.f32 v9, v14;
	v14 =	vmul.f32 $1.442695020e+00, v5;
	v9 =	vld [tilespmem:s0+$0x14160];
	(erf) = vpow2.f32 v10;
	[tilespmem:s29+$0x14100] =	vst v1;
	s29 =	smov.u32 s0  }
0x83: {  	v1 =	vld [tilespmem:s29+$0x14100];
	(erf) = vpow2.f32 v15  }
0x84: {  	v10 =	vmul.f32 $1.442695020e+00, v4;
	(erf) = vpow2.f32 v14  }
0x85: {  	v2 =	vpop (erf)  }
0x86: {  	v3 =	vadd.f32 v8, v3;
	v8 =	vadd.f32 $-1.000000000e+00, v2;
	(erf) = vpow2.f32 v10  }
.Ltmp1:
0x87: {  	v2 =	vadd.f32 v13, v9;
	(pc) =	sbr.rel @p0 .LBB2_5-.Ltmp1, $4  }
0x88: {  	v1 =	vadd.f32 v12, v1;
	v9 =	vmul.f32 $1.442695020e+00, v3;
	v13 =	vmul.f32 $1.673263190e+00, v8  }
0x89: {  	vm0 =	vgt.f32 v11, $0.0e+00;
	v12 =	vmul.f32 $1.442695020e+00, v2  }
0x8a: {  	v8 =	vmul.f32 $1.442695020e+00, v1;
	v11 =	vsel vm0, v11, v13;
	(erf) = vpow2.f32 v9  }
0x8b: {  	v9 =	vmul.f32 $1.050701020e+00, v11;
	v10 =	vpop (erf);
	(erf) = vpow2.f32 v12  }
0x8c: {  	(erf) = vpow2.f32 v8;
	_ =	sdelay $0x1  }
0x8d: {  	s30 =	sshra.s32 s31, $0x2;
	v10 =	vadd.f32 $-1.000000000e+00, v10;
	v24 =	vpop (erf)  }
0x8e: {  	vm0 =	vgt.f32 v7, $0.0e+00;
	v11 =	vld [tilespmem:s30+$0x16950];
	[tilespmem:s29+$0x14150] =	vst v9;
	v9 =	vadd.f32 $-1.000000000e+00, v24;
	v25 =	vpop (erf)  }
0x8f: {  	vm4 =	vgt.f32 v6, $0.0e+00;
	v12 =	vld [tilespmem:s30+$0x14150];
	v10 =	vmul.f32 $1.673263190e+00, v10;
	v8 =	vadd.f32 $-1.000000000e+00, v25;
	v15 =	vpop (erf)  }
0x90: {  	vm5 =	vgt.f32 v5, $0.0e+00;
	v13 =	vld [tilespmem:s30+$0x16970];
	v9 =	vmul.f32 $1.673263190e+00, v9;
	v15 =	vadd.f32 $-1.000000000e+00, v15  }
0x91: {  	vm6 =	vgt.f32 v4, $0.0e+00;
	v14 =	vld [tilespmem:s30+$0x16940];
	v7 =	vsel vm0, v7, v10;
	v8 =	vmul.f32 $1.673263190e+00, v8  }
0x92: {  	v26 =	vld [tilespmem:s30+$0x16930];
	v7 =	vmul.f32 $1.050701020e+00, v7;
	v6 =	vsel vm4, v6, v9;
	v28 =	vmul.f32 $1.673263190e+00, v15;
	v30 =	vpop (erf)  }
0x93: {  	v16 =	vld [tilespmem:s30+$0x16920];
	v6 =	vmul.f32 $1.050701020e+00, v6;
	v5 =	vsel vm5, v5, v8;
	v31 =	vadd.f32 $-1.000000000e+00, v30;
	v33 =	vpop (erf)  }
0x94: {  	v27 =	vld [tilespmem:s30+$0x16910];
	[tilespmem:s29+$0x14140] =	vst v7;
	v5 =	vmul.f32 $1.050701020e+00, v5;
	v4 =	vsel vm6, v4, v28;
	v34 =	vadd.f32 $-1.000000000e+00, v33;
	v17 =	vpop (erf)  }
0x95: {  	v29 =	vld [tilespmem:s30+$0x14140];
	[tilespmem:s29+$0x14170] =	vst v6;
	v4 =	vmul.f32 $1.050701020e+00, v4;
	v6 =	vmul.f32 $1.673263190e+00, v31;
	v36 =	vadd.f32 $-1.000000000e+00, v17  }
0x96: {  	vm7 =	vgt.f32 v3, $0.0e+00;
	v32 =	vld [tilespmem:s30+$0x14170];
	[tilespmem:s29+$0x14130] =	vst v5;
	v5 =	vmul.f32 $1.673263190e+00, v34  }
0x97: {  	vm8 =	vgt.f32 v2, $0.0e+00;
	v35 =	vld [tilespmem:s30+$0x14130];
	[tilespmem:s29+$0x14110] =	vst v4;
	v3 =	vsel vm7, v3, v6;
	v4 =	vmul.f32 $1.673263190e+00, v36  }
0x98: {  	vm9 =	vgt.f32 v1, $0.0e+00;
	v37 =	vld [tilespmem:s30+$0x14110];
	v3 =	vmul.f32 $1.050701020e+00, v3;
	v2 =	vsel vm8, v2, v5  }
0x99: {  	v38 =	vadd.f32 v11, v12;
	v39 =	vld [tilespmem:s30+$0x16900];
	v2 =	vmul.f32 $1.050701020e+00, v2;
	v1 =	vsel vm9, v1, v4  }
0x9a: {  	v40 =	vld [tilespmem:s30+$0x16960];
	[tilespmem:s29+$0x14120] =	vst v3;
	v1 =	vmul.f32 $1.050701020e+00, v1  }
0x9b: {  	v12 =	vmul.f32 $1.442695020e+00, v38;
	v41 =	vadd.f32 v14, v29;
	v3 =	vld [tilespmem:s30+$0x14120];
	[tilespmem:s29+$0x14160] =	vst v2  }
0x9c: {  	v2 =	vadd.f32 v13, v32;
	v42 =	vld [tilespmem:s30+$0x14160];
	[tilespmem:s29+$0x14100] =	vst v1  }
0x9d: {  	(erf) = vpow2.f32 v12;
	v43 =	vadd.f32 v26, v35;
	v44 =	vmul.f32 $1.442695020e+00, v41;
	v45 =	vld [tilespmem:s30+$0x14100]  }
0x9e: {  	v9 =	vadd.f32 v27, v37;
	v1 =	vmul.f32 $1.442695020e+00, v2  }
0x9f: {  	v46 =	vmul.f32 $1.442695020e+00, v43;
	(erf) = vpow2.f32 v44  }
0xa0: {  	(erf) = vpow2.f32 v1;
	v1 =	vmul.f32 $1.442695020e+00, v9;
	v3 =	vadd.f32 v16, v3  }
0xa1: {  	(erf) = vpow2.f32 v46;
	v5 =	vadd.f32 v40, v42  }
0xa2: {  	(erf) = vpow2.f32 v1;
	v1 =	vadd.f32 v39, v45;
	v47 =	vmul.f32 $1.442695020e+00, v3  }
0xa3: {  	v49 =	vmul.f32 $1.442695020e+00, v5  }
0xa4: {  	v12 =	vmul.f32 $1.442695020e+00, v1;
	(erf) = vpow2.f32 v47  }
0xa5: {  	(erf) = vpow2.f32 v49  }
0xa6: {  	v48 =	vpop (erf);
	(erf) = vpow2.f32 v12  }
0xa7: {  	v10 =	vadd.f32 $-1.000000000e+00, v48  }
0xa8: {  	vm10 =	vgt.f32 v38, $0.0e+00;
	vm1 =	vgt.f32 v41, $0.0e+00;
	vm11 =	vgt.f32 v43, $0.0e+00;
	v51 =	vpop (erf)  }
0xa9: {  	vm2 =	vgt.f32 v2, $0.0e+00;
	v50 =	vmul.f32 $1.673263190e+00, v10;
	v52 =	vadd.f32 $-1.000000000e+00, v51;
	v53 =	vpop (erf)  }
0xaa: {  	vm12 =	vgt.f32 v9, $0.0e+00;
	vm13 =	vgt.f32 v3, $0.0e+00;
	v10 =	vadd.f32 $-1.000000000e+00, v53;
	v54 =	vpop (erf)  }
0xab: {  	v6 =	vsel vm10, v38, v50;
	v7 =	vmul.f32 $1.673263190e+00, v52;
	v11 =	vadd.f32 $-1.000000000e+00, v54  }
0xac: {  	vm14 =	vgt.f32 v5, $0.0e+00;
	v6 =	vmul.f32 $1.050701020e+00, v6;
	v55 =	vpop (erf);
	v10 =	vmul.f32 $1.673263190e+00, v10  }
0xad: {  	v4 =	vsel vm1, v41, v7;
	v12 =	vadd.f32 $-1.000000000e+00, v55;
	v11 =	vmul.f32 $1.673263190e+00, v11;
	v56 =	vpop (erf)  }
0xae: {  	v4 =	vmul.f32 $1.050701020e+00, v4;
	v2 =	vsel vm2, v2, v10;
	v7 =	vadd.f32 $-1.000000000e+00, v56;
	v58 =	vpop (erf)  }
0xaf: {  	v57 =	vmul.f32 $1.673263190e+00, v12;
	v8 =	vsel vm11, v43, v11;
	v11 =	vadd.f32 $-1.000000000e+00, v58;
	v59 =	vpop (erf)  }
0xb0: {  	[tilespmem:s30+$0x14150] =	vst v6;
	v2 =	vmul.f32 $1.050701020e+00, v2;
	v61 =	vadd.f32 $-1.000000000e+00, v59;
	v7 =	vmul.f32 $1.673263190e+00, v7  }
0xb1: {  	[tilespmem:s30+$0x14140] =	vst v4;
	v8 =	vmul.f32 $1.050701020e+00, v8;
	v60 =	vsel vm12, v9, v57;
	v63 =	vmul.f32 $1.673263190e+00, v11  }
0xb2: {  	v62 =	vmul.f32 $1.050701020e+00, v60;
	[tilespmem:s30+$0x14170] =	vst v2;
	v2 =	vmul.f32 $1.673263190e+00, v61;
	v3 =	vsel vm13, v3, v7  }
0xb3: {  	vm15 =	vgt.f32 v1, $0.0e+00;
	[tilespmem:s30+$0x14130] =	vst v8;
	v3 =	vmul.f32 $1.050701020e+00, v3;
	v5 =	vsel vm14, v5, v63  }
0xb4: {  	[tilespmem:s30+$0x14110] =	vst v62;
	v1 =	vsel vm15, v1, v2;
	v2 =	vmul.f32 $1.050701020e+00, v5  }
0xb5: {  	s28 =	sadd.s32 $0x1, s28;
	v1 =	vmul.f32 $1.050701020e+00, v1;
	[tilespmem:s30+$0x14120] =	vst v3  }
0xb6: {  	p0 =	sne.s32 s28, $0xFA;
	[tilespmem:s30+$0x14160] =	vst v2  }
.Ltmp2:
0xb7: {  	[tilespmem:s30+$0x14100] =	vst v1;
	(pc) =	sbr.rel @p0 .LBB2_4-.Ltmp2, $4  }
0xb8: {  	[spmem:s3] =	stream.indirect.scatter.add.f32 [tilespmem:s19], [sflag:$0x2], $0x80, s22, s23, $0xb8;
	[tilespmem:$0x19100] =	vst v63  }
0xb9: {  	_ =	swait.ge [sflag:s20], $0x2800  }
0xba: {  	[sflag:s20] =	ssyncset.done $0x0  }
0xbb: {  	[sflag:s20] =	ssyncadd.s32 $0xFFFFD800  }
0xbc: {  	s5 =	sadd.s32 $0x1, s5  }
0xbd: {  	s0 =	sshll.u32 s4, $0x6;
	[bflag:$0x0] =	sbarrier.arrive $0xFFFF;
	p0 =	sne.s32 s5, s18  }
.Ltmp3:
0xbe: {  	s26 =	sshrl.u32 s8, $0x3;
	s0 =	sor.u32 $0x1C02, s0;
	(pc) =	sbr.rel @p0 .LBB2_1-.Ltmp3, $4  }
0xbf: {  	[hbm:s17], [sflag:s0] =	dma.local [spmem:s26], $0x2800  }
0xc0: {  	_ =	swait.ge [sflag:s20], $0x2800  }
0xc1: {  	[sflag:s20] =	ssyncset.done $0x0  }
0xc2: {  	[sflag:s20] =	ssyncadd.s32 $0xFFFFD800  }
0xc3: {  	_ =	sfence.sel $0x180000  }
0xc4: {  	[bflag:$0x0] =	sbarrier.arrive $0xFFFF  }
0xc5: {  	_ =	strace $0x9000004D  }
0xc6: {  	[bflag:$0x2] =	sbarrier.arrive $0xFFFF  }
0xc7: {  	p0 =	sne.s32 s4, $0x0;
	s0 =	rddreg [dreg:$0x4]  }
0xc8: {  	s0 =	sadd.s32 @!p0 $0x100000, s0  }
0xc9: {  	[sflag:s0] =	ssyncadd.tile.s32 @!p0 $0x1;
	_ =	shalt  }
.Lfunc_end2:
_tile_overlayer_lowered:
.L_overlay_start_2:
0xca: {  	(tag) =	ssettag $0x2  }
0xcb: {  	s0 =	rddreg [dreg:$0x0];
	s2 =	stileid.u32  }
0xcc: {  	s1 =	rddreg [dreg:$0x1];
	p0 =	sne.s32 s2, $0x0  }
0xcd: {  	s3 =	rddreg [dreg:$0x2];
	[bflag:$0x3] =	sbarrier.arrive $0xFFFF;
	s2 =	simm.s32 @!p0 $0x1C02  }
0xce: {  	[timem:s3], [sflag:s2] =	dma.local @!p0 [hbm:s0], s1  }
0xcf: {  	s0 =	simm.s32 @!p0 $0x2  }
0xd0: {  	_ =	swait.ge @!p0 [sflag:s0], s1  }
0xd1: {  	s1 =	ssub.s32 @!p0 $0x0, s1;
	[sflag:s0] =	ssyncset.done @!p0 $0x0  }
0xd2: {  	[sflag:s0] =	ssyncadd.s32 @!p0 s1  }
0xd3: {  	[bflag:$0x3] =	sbarrier.arrive $0xFFFF  }
0xd4: {  	_ =	shalt  }

// kernel: kernel.23.cloned.1.call-start
scs
__scs_entry_jumppad:
0x0: {  	(pc) =	sbr.rel $0x88, $3  }
0x1: {  	(tag) =	ssettag $0x0;
	lr =	simm.s32 $0x1  }
0x2: {  	[smem:$0x3F92] =	sst lr;
	_ =	strace $0xD0000000  }
0x3: {  	_ = 	snop  }
0x4: {  	_ = 	snop  }
0x5: {  	_ = 	snop  }
0x6: {  	_ = 	snop  }
0x7: {  	_ = 	snop  }
__scs_overlays_trampoline_lowered:
0x8: {  	[smem:$0x3FA1] =	sst s0  }
0x9: {  	[smem:$0x3FA2] =	sst s1  }
0xa: {  	[smem:$0x3FA3] =	sst s2  }
0xb: {  	[smem:$0x3FA4] =	sst s3  }
0xc: {  	[smem:$0x3FA5] =	sst s4  }
0xd: {  	[smem:$0x3FA6] =	sst s5  }
0xe: {  	[smem:$0x3FA7] =	sst s6  }
0xf: {  	[smem:$0x3FA8] =	sst s7  }
0x10: {  	[smem:$0x3FA9] =	sst s8  }
0x11: {  	[smem:$0x3FAA] =	sst s9;
	s0 =	simm.s32 @!p0 $0x0  }
0x12: {  	s1 =	sld [smem:$0x3F90];
	s0 =	simm.s32 @p0 $0x1  }
0x13: {  	[smem:$0x3FAB] =	sst s0;
	s0 =	simm.s32 @!p1 $0x0  }
0x14: {  	s2 =	sld [smem:$0x3F8F];
	s0 =	simm.s32 @p1 $0x1  }
0x15: {  	[smem:$0x3FAC] =	sst s0;
	s0 =	simm.s32 @!p2 $0x0  }
0x16: {  	s3 =	sld [smem:$0x3FDB];
	s0 =	simm.s32 @p2 $0x1  }
0x17: {  	s4 =	simm.s32 $0x1BF5;
	[smem:$0x3FAE] =	sst s0  }
0x18: {  	s0 =	sld [smem:$0x3F91];
	_ =	swait.ge [sflag:s4], $0x0  }
0x19: {  	s7 =	sld [smem:$0x3F92]  }
0x1a: {  	s8 =	sadd.s32 $0xFFFFE003, lr  }
0x1b: {  	s9 =	sadd.s32 $0xFFFFFEF7, lr;
	s5 =	simm.s32 $0xFFFFFFFF;
	p2 =	slt.u32 s8, $0xFFFFF086  }
0x1c: {  	p1 =	slt.u32 s9, $0xF7A;
	s5 =	simm.s32 @!p2 $0x0  }
0x1d: {  	s5 =	simm.s32 @p1 $0x1;
	p0 =	seq.s32 s7, s2  }
0x1e: {  	s7 =	smul.u32 @!p0 $0xF7A, s2;
	p2 =	seq.s32 @!p0 s5, $0x0  }
0x1f: {  	s9 =	smul.u32 $0xF7A, s1;
	s8 =	simm.s32 @!p0 $0x1BF5;
	p2 =	por !p2, p0  }
0x20: {  	[sflag:s8] =	ssyncset.s32 @!p0 $0xFFFFF086;
	s6 =	sadd.s32 @!p0 s3, s7;
	s7 =	simm.s32 @!p0 $0x108  }
0x21: {  	s3 =	sadd.s32 s3, s9;
	s6 =	sadd.s32 @!p0 $0x88, s6;
	s7 =	simm.s32 @p2 $0x1082  }
0x22: {  	[simem:s7], [sflag:s8] =	dma.local @!p0 [hbm:s6], $0xF7A  }
0x23: {  	s9 =	sor.u32 $0xD0000000, s2;
	s6 =	simm.s32 $0x108;
	_ =	swait.ge @!p0 [sflag:s8], $0x0  }
0x24: {  	s3 =	sadd.s32 $0x88, s3;
	s6 =	simm.s32 @!p1 $0x1082;
	[sflag:s4] =	ssyncset.s32 $0xFFFFF086  }
0x25: {  	[simem:s6], [sflag:s4] =	dma.local [hbm:s3], $0xF7A  }
0x26: {  	[smem:$0x3F92] =	sst s1;
	(tag) =	ssettag s2;
	_ =	strace s9  }
0x27: {  	s1 =	sld [smem:$0x3FA2]  }
0x28: {  	s2 =	sld [smem:$0x3FA3]  }
0x29: {  	s4 =	sld [smem:$0x3FA5]  }
0x2a: {  	p0 =	seq.s32 s5, $0x0;
	s5 =	sld [smem:$0x3FA6]  }
0x2b: {  	s6 =	sld [smem:$0x3FA7]  }
0x2c: {  	s7 =	sld [smem:$0x3FA8]  }
0x2d: {  	s3 =	simm.s32 $0x108;
	s8 =	sld [smem:$0x3FA9]  }
0x2e: {  	s3 =	simm.s32 @!p0 $0x1082;
	s9 =	sld [smem:$0x3FAA]  }
0x2f: {  	lr =	sadd.s32 s0, s3;
	s0 =	sld [smem:$0x3FA1]  }
0x30: {  	s3 =	sld [smem:$0x3FA4]  }
0x31: {  	[smem:$0x3FAD] =	sst s10  }
0x32: {  	s10 =	sld [smem:$0x3FAB];
	_ =	sdelay $0x3  }
0x33: {  	p0 =	seq.s32 s10, $0x1;
	s10 =	sld [smem:$0x3FAD];
	_ =	sdelay $0x3  }
0x34: {  	[smem:$0x3FAD] =	sst s10  }
0x35: {  	s10 =	sld [smem:$0x3FAC];
	_ =	sdelay $0x3  }
0x36: {  	p1 =	seq.s32 s10, $0x1;
	s10 =	sld [smem:$0x3FAD];
	_ =	sdelay $0x3  }
0x37: {  	[smem:$0x3FAD] =	sst s10  }
0x38: {  	s10 =	sld [smem:$0x3FAE]  }
0x39: {  	_ = 	snop;
	(pc) =	sbr.ind lr, $3  }
0x3a: {  	_ = 	snop  }
0x3b: {  	_ = 	snop  }
0x3c: {  	p2 =	seq.s32 s10, $0x1;
	s10 =	sld [smem:$0x3FAD]  }
0x3d: {  	_ =	shalt  }
0x3e: {  	_ =	shalt  }
0x3f: {  	_ =	shalt  }
0x40: {  	_ =	shalt  }
0x41: {  	_ =	shalt  }
0x42: {  	_ =	shalt  }
0x43: {  	_ =	shalt  }
0x44: {  	_ =	shalt  }
0x45: {  	_ =	shalt  }
0x46: {  	_ =	shalt  }
0x47: {  	_ =	shalt  }
0x48: {  	_ =	shalt  }
0x49: {  	_ =	shalt  }
0x4a: {  	_ =	shalt  }
0x4b: {  	_ =	shalt  }
0x4c: {  	_ =	shalt  }
0x4d: {  	_ =	shalt  }
0x4e: {  	_ =	shalt  }
0x4f: {  	_ =	shalt  }
0x50: {  	_ =	shalt  }
0x51: {  	_ =	shalt  }
0x52: {  	_ =	shalt  }
0x53: {  	_ =	shalt  }
0x54: {  	_ =	shalt  }
0x55: {  	_ =	shalt  }
0x56: {  	_ =	shalt  }
0x57: {  	_ =	shalt  }
0x58: {  	_ =	shalt  }
0x59: {  	_ =	shalt  }
0x5a: {  	_ =	shalt  }
0x5b: {  	_ =	shalt  }
0x5c: {  	_ =	shalt  }
0x5d: {  	_ =	shalt  }
0x5e: {  	_ =	shalt  }
0x5f: {  	_ =	shalt  }
0x60: {  	_ =	shalt  }
0x61: {  	_ =	shalt  }
0x62: {  	_ =	shalt  }
0x63: {  	_ =	shalt  }
0x64: {  	_ =	shalt  }
0x65: {  	_ =	shalt  }
0x66: {  	_ =	shalt  }
0x67: {  	_ =	shalt  }
0x68: {  	_ =	shalt  }
0x69: {  	_ =	shalt  }
0x6a: {  	_ =	shalt  }
0x6b: {  	_ =	shalt  }
0x6c: {  	_ =	shalt  }
0x6d: {  	_ =	shalt  }
0x6e: {  	_ =	shalt  }
0x6f: {  	_ =	shalt  }
0x70: {  	_ =	shalt  }
0x71: {  	_ =	shalt  }
0x72: {  	_ =	shalt  }
0x73: {  	_ =	shalt  }
0x74: {  	_ =	shalt  }
0x75: {  	_ =	shalt  }
0x76: {  	_ =	shalt  }
0x77: {  	_ =	shalt  }
0x78: {  	_ =	shalt  }
0x79: {  	_ =	shalt  }
0x7a: {  	_ =	shalt  }
0x7b: {  	_ =	shalt  }
0x7c: {  	_ =	shalt  }
0x7d: {  	_ =	shalt  }
0x7e: {  	_ =	shalt  }
0x7f: {  	_ =	shalt  }
0x80: {  	_ =	shalt  }
0x81: {  	_ =	shalt  }
0x82: {  	_ =	shalt  }
0x83: {  	_ =	shalt  }
0x84: {  	_ =	shalt  }
0x85: {  	_ =	shalt  }
0x86: {  	_ =	shalt  }
0x87: {  	_ =	shalt  }
.Lfunc_end0:
.L_simem_size_0:
called_computation.3_lowered:
.L_overlay_start_0:
0x88: {  	s2 =	sld [smem:$0x3FD9]  }
0x89: {  	s3 =	sld [smem:$0x3FFE];
	_ =	sdelay $0x1  }
0x8a: {  	s1 =	srdreg.scid  }
0x8b: {  	s0 =	sand.u32 $0x1, s1  }
0x8c: {  	s17 =	sshll.u32 s0, $0xA;
	s2 =	sadd.s32 s3, s2  }
0x8d: {  	s2 =	sadd.s32 s2, s17  }
0x8e: {  	[smem:$0x3FB9] =	sst s2  }
0x8f: {  	_ = 	snop  }
0x90: {  	s2 =	sld [smem:$0x3FC7]  }
0x91: {  	s18 =	sld [smem:$0x3FC6];
	(tm) =	ssettm $0x1  }
0x92: {  	s4 =	sld [smem:$0x3FFB];
	_ =	sdelay $0x3  }
0x93: {  	_ =	strace s4  }
0x94: {  	s4 =	sld [smem:$0x3FFC];
	_ =	sdelay $0x3  }
0x95: {  	_ =	strace s4  }
0x96: {  	s4 =	sld [smem:$0x3FFD];
	_ =	sdelay $0x3  }
0x97: {  	_ =	strace s4  }
0x98: {  	_ =	strace $0x8FFFFFFF  }
0x99: {  	s19 =	sld [smem:$0x3FDB];
	_ =	sdelay $0x1  }
0x9a: {  	s5 =	simm.s32 $_scs_section_size  }
0x9b: {  	s6 =	simm.s32 $_size__tile_overlayer_lowered;
	s7 =	simm.s32 $_tile_overlayer_lowered  }
0x9c: {  	s22 =	simm.s32 $0x1BFF;
	s21 =	sshll.u32 s7, $0x1;
	s4 =	sadd.s32 s5, s19  }
0x9d: {  	s8 =	simm.s32 $0x0;
	s20 =	sshll.u32 s6, $0x1;
	s6 =	sadd.s32 s21, s4  }
0x9e: {  	[timem:s8], [sflag:s22] =	dma.local [hbm:s6], s20  }
0x9f: {  	_ =	swait.ge [sflag:s22], s20  }
0xa0: {  	s5 =	ssub.s32 $0x0, s20;
	[sflag:s22] =	ssyncset.done $0x0  }
0xa1: {  	[sflag:s22] =	ssyncadd.s32 s5;
	_ =	sdelay $0x1  }
0xa2: {  	s23 =	simm.s32 $0x1B8B  }
0xa3: {  	_ =	swait.ge [sflag:s23], $0x1  }
0xa4: {  	[sflag:s23] =	ssyncset.done $0x0  }
0xa5: {  	s25 =	simm.s32 $0x1B8E;
	s24 =	sld [smem:$0x3FFE];
	[sflag:s23] =	ssyncadd.s32 $0xFFFFFFFF  }
0xa6: {  	s26 =	simm.s32 $execute0_lowered;
	[smem:$0x3FD2] =	sst s25  }
0xa7: {  	s6 =	sshll.u32 s26, $0x1;
	_ =	strace $0x8000004F;
	[dreg:$0x1] =	wrdreg $0xFFFFFFFF  }
0xa8: {  	s28 =	simm.s32 $_size_execute0_lowered;
	s4 =	sadd.s32 s4, s6;
	[dreg:$0x0] =	wrdreg $0x0  }
0xa9: {  	s6 =	sshll.u32 s28, $0x1;
	[dreg:$0x2] =	wrdreg s4  }
0xaa: {  	[dreg:$0x3] =	wrdreg s6  }
0xab: {  	[dreg:$0x4] =	wrdreg $0xC0  }
0xac: {  	_ =	task [dreg:s8], $0x5FFFF  }
0xad: {  	[dreg:$0x1] =	wrdreg $0xFFFFFFFF  }
0xae: {  	[dreg:$0x0] =	wrdreg $0x60  }
0xaf: {  	[dreg:$0x2] =	wrdreg s24  }
0xb0: {  	[dreg:$0x3] =	wrdreg s2  }
0xb1: {  	[dreg:$0x4] =	wrdreg s18  }
0xb2: {  	[dreg:$0x5] =	wrdreg $0x0  }
0xb3: {  	[dreg:$0x6] =	wrdreg $0x9  }
0xb4: {  	_ =	task.clear_ibuf [dreg:s8], $0x7FFFF;
	_ =	strace $0x9000004F  }
0xb5: {  	s29 =	simm.s32 $0x9;
	_ =	strace $0x80000051  }
0xb6: {  	_ =	swait.ge [sflag:s29], $0x1  }
0xb7: {  	[sflag:s29] =	ssyncadd.s32 $0xFFFFFFFF  }
0xb8: {  	_ =	strace $0x90000051  }
0xb9: {  	_ =	sfence  }
0xba: {  	s30 =	sld [smem:$0x0];
	_ =	sdelay $0x2  }
0xbb: {  	s31 =	sshll.u32 s1, $0xD;
	s1 =	sshrl.u32 s1, $0x2  }
0xbc: {  	s3 =	sand.u32 $0x4000, s31;
	s1 =	sadd.s32 s1, s30  }
0xbd: {  	s0 =	sor.u32 s3, s0;
	s1 =	sshll.u32 s1, $0x11  }
0xbe: {  	s0 =	sor.u32 s1, s0  }
0xbf: {  	s0 =	sadd.s32 $0x8F2B, s0  }
0xc0: {  	[sflag:s0] =	ssyncadd.remote.s32 $0x1  }
0xc1: {  	_ =	sfence.sel $0xFFFF  }
0xc2: {  	[dreg:$0x0] =	wrdreg $0xFFFFFFFF;
	(pc) =	sbr.abs _section_cstart, $3  }
0xc3: {  	[dreg:$0x1] =	wrdreg $0xFFFFFFFF  }
0xc4: {  	_ =	task.clear_ibuf [dreg:s8], $0x2FFFF;
	_ =	strace $0x9FFFFFFF  }
0xc5: {  	(tm) =	ssettm $0x7FFFFFFF  }
tec
execute0_lowered:
.L_overlay_start_1:
0x0: {  	(tag) =	ssettag $0x1  }
0x1: {  	s0 =	rddreg [dreg:$0x0]  }
0x2: {  	s1 =	rddreg [dreg:$0x1]  }
0x3: {  	s2 =	rddreg [dreg:$0x2]  }
0x4: {  	s3 =	rddreg [dreg:$0x3];
	s4 =	srdreg.scid;
	s5 =	simm.s32 $0x0  }
0x5: {  	s19 =	simm.s32 $0x14100;
	s20 =	simm.s32 $0x2;
	s21 =	simm.s32 $0x14000  }
0x6: {  	s22 =	simm.s32 $0x14080;
	s23 =	simm.s32 $0x50;
	s24 =	simm.s32 $0x16900  }
0x7: {  	s25 =	simm.s32 $0x1;
	s8 =	sand.u32 $0x1, s4;
	s4 =	stileid.u32  }
0x8: {  	[smem:$0x7FF] =	sst s5;
	s6 =	sadd.s32 $0x5800, s0;
	s7 =	smul.u32 $0x140000, s8  }
0x9: {  	s9 =	smul.u32 $0x14000, s4;
	_ =	strace $0x80000050;
	s11 =	ssub.s32 $0x2, s8  }
0xa: {  	s10 =	smul.u32 $0x50000, s4;
	s31 =	sshll.u32 s8, $0x4;
	s30 =	sshrl.u32 s11, $0x1  }
0xb: {  	s16 =	sor.u32 s4, s31;
	s9 =	sadd.s32 s9, s7;
	s7 =	sadd.s32 $0x2CA00, s0  }
0xc: {  	s10 =	sshrl.u32 s10, $0x2;
	s18 =	ssub.s32 s11, s30;
	s16 =	smul.u32 $0x4E20, s16  }
0xd: {  	s9 =	sshrl.u32 s9, $0x3;
	s8 =	sadd.s32 s10, s3;
	s18 =	smax.u32 s18, $0x1  }
0xe: {  	s0 =	sadd.s32 s9, s0;
	s9 =	sadd.s32 $0x2800, s8;
	s10 =	sadd.s32 $0x5000, s8  }
0xf: {  	s11 =	sadd.s32 $0x7800, s8;
	s12 =	sadd.s32 $0xA000, s8;
	s13 =	sadd.s32 $0xC800, s8  }
0x10: {  	v0 =	vimm.f32 $0.0e+00;
	s14 =	sadd.s32 $0xF000, s8;
	s15 =	sadd.s32 $0x11800, s8;
	s17 =	sadd.s32 $0x53C00, s0  }
.LBB2_1:
0x11: {  	s0 =	simm.s32 $0x0;
	s26 =	simm.s32 $0x200  }
.LBB2_2:
0x12: {  	p0 =	sne.s32 s26, $0x9E00;
	[tilespmem:s0+$0x14170] =	vst v0  }
0x13: {  	[tilespmem:s0+$0x14100] =	vst v0  }
0x14: {  	[tilespmem:s0+$0x14110] =	vst v0  }
.Ltmp0:
0x15: {  	[tilespmem:s0+$0x14120] =	vst v0;
	(pc) =	sbr.rel @p0 .LBB2_2-.Ltmp0, $4  }
0x16: {  	[tilespmem:s0+$0x14130] =	vst v0  }
0x17: {  	[tilespmem:s0+$0x14140] =	vst v0  }
0x18: {  	[tilespmem:s0+$0x14150] =	vst v0  }
0x19: {  	[tilespmem:s0+$0x14160] =	vst v0;
	s0 =	sshra.s32 s26, $0x2;
	s26 =	sadd.s32 $0x200, s26  }
0x1a: {  	[tilespmem:s0+$0x14170] =	vst v0  }
0x1b: {  	[tilespmem:s0+$0x14100] =	vst v0  }
0x1c: {  	[tilespmem:s0+$0x14110] =	vst v0  }
0x1d: {  	[tilespmem:s0+$0x14120] =	vst v0  }
0x1e: {  	[tilespmem:s0+$0x14130] =	vst v0  }
0x1f: {  	[tilespmem:s0+$0x14140] =	vst v0  }
0x20: {  	[tilespmem:s0+$0x14150] =	vst v0  }
0x21: {  	[tilespmem:s0+$0x14160] =	vst v0  }
0x22: {  	[spmem:s8] =	stream.linear.scatter [tilespmem:s19], [sflag:$0x2], $0x2800, $0x38;
	[tilespmem:$0x19100] =	vst v63  }
0x23: {  	_ =	swait.ge [sflag:s20], $0x2800  }
0x24: {  	[sflag:s20] =	ssyncset.done $0x0  }
0x25: {  	[sflag:s20] =	ssyncadd.s32 $0xFFFFD800  }
0x26: {  	[spmem:s9] =	stream.linear.scatter [tilespmem:s19], [sflag:$0x2], $0x2800, $0x38;
	[tilespmem:$0x19100] =	vst v63  }
0x27: {  	_ =	swait.ge [sflag:s20], $0x2800  }
0x28: {  	[sflag:s20] =	ssyncset.done $0x0  }
0x29: {  	[sflag:s20] =	ssyncadd.s32 $0xFFFFD800  }
0x2a: {  	[spmem:s10] =	stream.linear.scatter [tilespmem:s19], [sflag:$0x2], $0x2800, $0x38;
	[tilespmem:$0x19100] =	vst v63  }
0x2b: {  	_ =	swait.ge [sflag:s20], $0x2800  }
0x2c: {  	[sflag:s20] =	ssyncset.done $0x0  }
0x2d: {  	[sflag:s20] =	ssyncadd.s32 $0xFFFFD800  }
0x2e: {  	[spmem:s11] =	stream.linear.scatter [tilespmem:s19], [sflag:$0x2], $0x2800, $0x38;
	[tilespmem:$0x19100] =	vst v63  }
0x2f: {  	_ =	swait.ge [sflag:s20], $0x2800  }
0x30: {  	[sflag:s20] =	ssyncset.done $0x0  }
0x31: {  	[sflag:s20] =	ssyncadd.s32 $0xFFFFD800  }
0x32: {  	[spmem:s12] =	stream.linear.scatter [tilespmem:s19], [sflag:$0x2], $0x2800, $0x38;
	[tilespmem:$0x19100] =	vst v63  }
0x33: {  	_ =	swait.ge [sflag:s20], $0x2800  }
0x34: {  	[sflag:s20] =	ssyncset.done $0x0  }
0x35: {  	[sflag:s20] =	ssyncadd.s32 $0xFFFFD800  }
0x36: {  	[spmem:s13] =	stream.linear.scatter [tilespmem:s19], [sflag:$0x2], $0x2800, $0x38;
	[tilespmem:$0x19100] =	vst v63  }
0x37: {  	_ =	swait.ge [sflag:s20], $0x2800  }
0x38: {  	[sflag:s20] =	ssyncset.done $0x0  }
0x39: {  	[sflag:s20] =	ssyncadd.s32 $0xFFFFD800  }
0x3a: {  	[spmem:s14] =	stream.linear.scatter [tilespmem:s19], [sflag:$0x2], $0x2800, $0x38;
	[tilespmem:$0x19100] =	vst v63  }
0x3b: {  	_ =	swait.ge [sflag:s20], $0x2800  }
0x3c: {  	[sflag:s20] =	ssyncset.done $0x0  }
0x3d: {  	[sflag:s20] =	ssyncadd.s32 $0xFFFFD800  }
0x3e: {  	[spmem:s15] =	stream.linear.scatter [tilespmem:s19], [sflag:$0x2], $0x2800, $0x38;
	[tilespmem:$0x19100] =	vst v63  }
0x3f: {  	_ =	swait.ge [sflag:s20], $0x2800  }
0x40: {  	[sflag:s20] =	ssyncset.done $0x0  }
0x41: {  	[sflag:s20] =	ssyncadd.s32 $0xFFFFD800  }
0x42: {  	s26 =	simm.s32 $0x0;
	s28 =	simm.s32 $0x0;
	[bflag:$0x0] =	sbarrier.arrive $0xFFFF  }
.LBB2_4:
0x43: {  	s0 =	smul.u32 $0x50, s28;
	_ =	sdelay $0x1  }
0x44: {  	s0 =	sadd.s32 s16, s0  }
0x45: {  	s0 =	sshrl.u32 s0, $0x3  }
0x46: {  	s29 =	sadd.s32 s1, s0  }
0x47: {  	[tilespmem:s21], [sflag:$0x2] =	stream.linear.gather [hbm4b:s29+s26], $0x50, $0x38;
	[tilespmem:$0x19100] =	vst v63  }
0x48: {  	_ =	swait.ge [sflag:s20], $0x50  }
0x49: {  	[sflag:s20] =	ssyncset.done $0x0  }
0x4a: {  	s0 =	sadd.s32 s2, s0;
	[sflag:s20] =	ssyncadd.s32 $0xFFFFFFB0  }
0x4b: {  	[tilespmem:s22], [sflag:$0x2] =	stream.linear.gather [hbm4b:s0+s26], $0x50, $0x38;
	[tilespmem:$0x19100] =	vst v63  }
0x4c: {  	_ =	swait.ge [sflag:s20], $0x50  }
0x4d: {  	[sflag:s20] =	ssyncset.done $0x0  }
0x4e: {  	[sflag:s20] =	ssyncadd.s32 $0xFFFFFFB0  }
0x4f: {  	[tilespmem:s19], [sflag:$0x1] =	stream.indirect.gather [hbm4b:s6+s23], $0x80, s21, s23, $0xb8;
	[tilespmem:$0x19100] =	vst v63  }
0x50: {  	_ = 	snop  }
0x51: {  	[tilespmem:s24], [sflag:$0x1] =	stream.indirect.gather [hbm4b:s7+s23], $0x80, s22, s23, $0xb8;
	[tilespmem:$0x19100] =	vst v63  }
0x52: {  	_ =	swait.ge [sflag:s25], $0x2800  }
0x53: {  	[sflag:s25] =	ssyncset.done $0x0  }
0x54: {  	[sflag:s25] =	ssyncadd.s32 $0xFFFFD800  }
0x55: {  	_ =	swait.ge [sflag:s25], $0x2800  }
0x56: {  	[sflag:s25] =	ssyncset.done $0x0  }
0x57: {  	s29 =	simm.s32 $0x0;
	[sflag:s25] =	ssyncadd.s32 $0xFFFFD800  }
0x58: {  	v1 =	vld [tilespmem:s29+$0x16950]  }
0x59: {  	v2 =	vld [tilespmem:s29+$0x14150];
	_ =	sdelay $0x2  }
0x5a: {  	v3 =	vld [tilespmem:s29+$0x16970]  }
0x5b: {  	v4 =	vld [tilespmem:s29+$0x16940]  }
0x5c: {  	v5 =	vld [tilespmem:s29+$0x16930];
	v9 =	vadd.f32 v1, v2  }
0x5d: {  	v1 =	vld [tilespmem:s29+$0x14140]  }
0x5e: {  	v8 =	vld [tilespmem:s29+$0x16910];
	v6 =	vmul.f32 $1.442695020e+00, v9  }
0x5f: {  	v10 =	vld [tilespmem:s29+$0x14170]  }
0x60: {  	v11 =	vld [tilespmem:s29+$0x14130];
	(erf) = vpow2.f32 v6  }
0x61: {  	v12 =	vld [tilespmem:s29+$0x14110]  }
0x62: {  	v13 =	vld [tilespmem:s29+$0x16960];
	v7 =	vadd.f32 v4, v1  }
0x63: {  	v14 =	vld [tilespmem:s29+$0x14120]  }
0x64: {  	v2 =	vld [tilespmem:s29+$0x16920];
	v6 =	vadd.f32 v3, v10;
	v4 =	vmul.f32 $1.442695020e+00, v7  }
0x65: {  	v5 =	vadd.f32 v5, v11;
	v11 =	vld [tilespmem:s29+$0x14100]  }
0x66: {  	v10 =	vld [tilespmem:s29+$0x14160];
	v3 =	vmul.f32 $1.442695020e+00, v6;
	(erf) = vpow2.f32 v4  }
0x67: {  	v1 =	vld [tilespmem:s29+$0x16900];
	v4 =	vadd.f32 v8, v12;
	v8 =	vmul.f32 $1.442695020e+00, v5  }
0x68: {  	(erf) = vpow2.f32 v3  }
0x69: {  	v3 =	vadd.f32 v2, v14;
	v62 =	vmul.f32 $1.442695020e+00, v4;
	(erf) = vpow2.f32 v8;
	v61 =	vpop (erf)  }
0x6a: {  	v12 =	vadd.f32 $-1.000000000e+00, v61  }
0x6b: {  	v2 =	vadd.f32 v13, v10;
	v10 =	vmul.f32 $1.442695020e+00, v3;
	(erf) = vpow2.f32 v62  }
0x6c: {  	v1 =	vadd.f32 v1, v11;
	v11 =	vmul.f32 $1.673263190e+00, v12  }
0x6d: {  	vm0 =	vgt.f32 v9, $0.0e+00;
	v63 =	vmul.f32 $1.442695020e+00, v2  }
0x6e: {  	v8 =	vmul.f32 $1.442695020e+00, v1;
	(erf) = vpow2.f32 v10;
	v9 =	vsel vm0, v9, v11  }
0x6f: {  	s31 =	simm.s32 $0x200;
	s30 =	simm.s32 $0x400;
	(erf) = vpow2.f32 v63;
	v10 =	vpop (erf);
	v9 =	vmul.f32 $1.050701020e+00, v9  }
.LBB2_5:
0x70: {  	p0 =	sne.s32 s30, $0x9E00  }
0x71: {  	s0 =	sshra.s32 s31, $0x2;
	v10 =	vadd.f32 $-1.000000000e+00, v10;
	(erf) = vpow2.f32 v8;
	v8 =	vpop (erf);
	s31 =	smov.u32 s30;
	s30 =	sadd.s32 $0x200, s30  }
0x72: {  	v11 =	vld [tilespmem:s0+$0x16950];
	[tilespmem:s29+$0x14150] =	vst v9;
	v8 =	vadd.f32 $-1.000000000e+00, v8;
	v9 =	vpop (erf)  }
0x73: {  	vm0 =	vgt.f32 v5, $0.0e+00;
	v12 =	vld [tilespmem:s0+$0x14150];
	v9 =	vadd.f32 $-1.000000000e+00, v9;
	v10 =	vmul.f32 $1.673263190e+00, v10  }
0x74: {  	vm1 =	vgt.f32 v7, $0.0e+00;
	vm2 =	vgt.f32 v6, $0.0e+00;
	v13 =	vld [tilespmem:s0+$0x16970];
	v8 =	vmul.f32 $1.673263190e+00, v8;
	v14 =	vpop (erf)  }
0x75: {  	v15 =	vld [tilespmem:s0+$0x16940];
	v14 =	vadd.f32 $-1.000000000e+00, v14;
	v9 =	vmul.f32 $1.673263190e+00, v9;
	v7 =	vsel vm1, v7, v10  }
0x76: {  	vm1 =	vgt.f32 v4, $0.0e+00;
	v10 =	vld [tilespmem:s0+$0x16930];
	v16 =	vmul.f32 $1.050701020e+00, v7;
	v6 =	vsel vm2, v6, v8  }
0x77: {  	v8 =	vld [tilespmem:s0+$0x16920];
	v14 =	vmul.f32 $1.673263190e+00, v14;
	v5 =	vsel vm0, v5, v9;
	v17 =	vmul.f32 $1.050701020e+00, v6  }
0x78: {  	vm0 =	vgt.f32 v3, $0.0e+00;
	v9 =	vld [tilespmem:s0+$0x16910];
	v11 =	vadd.f32 v11, v12;
	v5 =	vmul.f32 $1.050701020e+00, v5;
	[tilespmem:s29+$0x14140] =	vst v16;
	v7 =	vpop (erf)  }
0x79: {  	vm2 =	vgt.f32 v1, $0.0e+00;
	v12 =	vld [tilespmem:s0+$0x14140];
	v4 =	vsel vm1, v4, v14;
	v7 =	vadd.f32 $-1.000000000e+00, v7;
	[tilespmem:s29+$0x14170] =	vst v17;
	v6 =	vpop (erf)  }
0x7a: {  	v14 =	vmul.f32 $1.442695020e+00, v11;
	v16 =	vld [tilespmem:s0+$0x14170];
	v4 =	vmul.f32 $1.050701020e+00, v4;
	[tilespmem:s29+$0x14130] =	vst v5;
	v5 =	vadd.f32 $-1.000000000e+00, v6;
	v6 =	vpop (erf)  }
0x7b: {  	vm1 =	vgt.f32 v2, $0.0e+00;
	v17 =	vld [tilespmem:s0+$0x14130];
	v6 =	vadd.f32 $-1.000000000e+00, v6;
	v7 =	vmul.f32 $1.673263190e+00, v7  }
0x7c: {  	(erf) = vpow2.f32 v14;
	[tilespmem:s29+$0x14110] =	vst v4;
	v4 =	vmul.f32 $1.673263190e+00, v5  }
0x7d: {  	v14 =	vld [tilespmem:s0+$0x14110];
	v5 =	vmul.f32 $1.673263190e+00, v6;
	v3 =	vsel vm0, v3, v7  }
0x7e: {  	v7 =	vadd.f32 v15, v12;
	v3 =	vmul.f32 $1.050701020e+00, v3;
	v2 =	vsel vm1, v2, v4  }
0x7f: {  	v12 =	vld [tilespmem:s0+$0x16900];
	v6 =	vadd.f32 v13, v16;
	v1 =	vsel vm2, v1, v5;
	v2 =	vmul.f32 $1.050701020e+00, v2  }
0x80: {  	v5 =	vadd.f32 v10, v17;
	v10 =	vmul.f32 $1.442695020e+00, v7;
	v13 =	vld [tilespmem:s0+$0x16960];
	v1 =	vmul.f32 $1.050701020e+00, v1;
	[tilespmem:s29+$0x14120] =	vst v3  }
0x81: {  	v3 =	vld [tilespmem:s0+$0x14120];
	v15 =	vmul.f32 $1.442695020e+00, v6;
	[tilespmem:s29+$0x14160] =	vst v2  }
0x82: {  	v4 =	vadd.f32 v9, v14;
	v14 =	vmul.f32 $1.442695020e+00, v5;
	v9 =	vld [tilespmem:s0+$0x14160];
	(erf) = vpow2.f32 v10;
	[tilespmem:s29+$0x14100] =	vst v1;
	s29 =	smov.u32 s0  }
0x83: {  	v1 =	vld [tilespmem:s29+$0x14100];
	(erf) = vpow2.f32 v15  }
0x84: {  	v10 =	vmul.f32 $1.442695020e+00, v4;
	(erf) = vpow2.f32 v14  }
0x85: {  	v2 =	vpop (erf)  }
0x86: {  	v3 =	vadd.f32 v8, v3;
	v8 =	vadd.f32 $-1.000000000e+00, v2;
	(erf) = vpow2.f32 v10  }
.Ltmp1:
0x87: {  	v2 =	vadd.f32 v13, v9;
	(pc) =	sbr.rel @p0 .LBB2_5-.Ltmp1, $4  }
0x88: {  	v1 =	vadd.f32 v12, v1;
	v9 =	vmul.f32 $1.442695020e+00, v3;
	v13 =	vmul.f32 $1.673263190e+00, v8  }
0x89: {  	vm0 =	vgt.f32 v11, $0.0e+00;
	v12 =	vmul.f32 $1.442695020e+00, v2  }
0x8a: {  	v8 =	vmul.f32 $1.442695020e+00, v1;
	v11 =	vsel vm0, v11, v13;
	(erf) = vpow2.f32 v9  }
0x8b: {  	v9 =	vmul.f32 $1.050701020e+00, v11;
	v10 =	vpop (erf);
	(erf) = vpow2.f32 v12  }
0x8c: {  	(erf) = vpow2.f32 v8;
	_ =	sdelay $0x1  }
0x8d: {  	s30 =	sshra.s32 s31, $0x2;
	v10 =	vadd.f32 $-1.000000000e+00, v10;
	v24 =	vpop (erf)  }
0x8e: {  	vm0 =	vgt.f32 v7, $0.0e+00;
	v11 =	vld [tilespmem:s30+$0x16950];
	[tilespmem:s29+$0x14150] =	vst v9;
	v9 =	vadd.f32 $-1.000000000e+00, v24;
	v25 =	vpop (erf)  }
0x8f: {  	vm4 =	vgt.f32 v6, $0.0e+00;
	v12 =	vld [tilespmem:s30+$0x14150];
	v10 =	vmul.f32 $1.673263190e+00, v10;
	v8 =	vadd.f32 $-1.000000000e+00, v25;
	v15 =	vpop (erf)  }
0x90: {  	vm5 =	vgt.f32 v5, $0.0e+00;
	v13 =	vld [tilespmem:s30+$0x16970];
	v9 =	vmul.f32 $1.673263190e+00, v9;
	v15 =	vadd.f32 $-1.000000000e+00, v15  }
0x91: {  	vm6 =	vgt.f32 v4, $0.0e+00;
	v14 =	vld [tilespmem:s30+$0x16940];
	v7 =	vsel vm0, v7, v10;
	v8 =	vmul.f32 $1.673263190e+00, v8  }
0x92: {  	v26 =	vld [tilespmem:s30+$0x16930];
	v7 =	vmul.f32 $1.050701020e+00, v7;
	v6 =	vsel vm4, v6, v9;
	v28 =	vmul.f32 $1.673263190e+00, v15;
	v30 =	vpop (erf)  }
0x93: {  	v16 =	vld [tilespmem:s30+$0x16920];
	v6 =	vmul.f32 $1.050701020e+00, v6;
	v5 =	vsel vm5, v5, v8;
	v31 =	vadd.f32 $-1.000000000e+00, v30;
	v33 =	vpop (erf)  }
0x94: {  	v27 =	vld [tilespmem:s30+$0x16910];
	[tilespmem:s29+$0x14140] =	vst v7;
	v5 =	vmul.f32 $1.050701020e+00, v5;
	v4 =	vsel vm6, v4, v28;
	v34 =	vadd.f32 $-1.000000000e+00, v33;
	v17 =	vpop (erf)  }
0x95: {  	v29 =	vld [tilespmem:s30+$0x14140];
	[tilespmem:s29+$0x14170] =	vst v6;
	v4 =	vmul.f32 $1.050701020e+00, v4;
	v6 =	vmul.f32 $1.673263190e+00, v31;
	v36 =	vadd.f32 $-1.000000000e+00, v17  }
0x96: {  	vm7 =	vgt.f32 v3, $0.0e+00;
	v32 =	vld [tilespmem:s30+$0x14170];
	[tilespmem:s29+$0x14130] =	vst v5;
	v5 =	vmul.f32 $1.673263190e+00, v34  }
0x97: {  	vm8 =	vgt.f32 v2, $0.0e+00;
	v35 =	vld [tilespmem:s30+$0x14130];
	[tilespmem:s29+$0x14110] =	vst v4;
	v3 =	vsel vm7, v3, v6;
	v4 =	vmul.f32 $1.673263190e+00, v36  }
0x98: {  	vm9 =	vgt.f32 v1, $0.0e+00;
	v37 =	vld [tilespmem:s30+$0x14110];
	v3 =	vmul.f32 $1.050701020e+00, v3;
	v2 =	vsel vm8, v2, v5  }
0x99: {  	v38 =	vadd.f32 v11, v12;
	v39 =	vld [tilespmem:s30+$0x16900];
	v2 =	vmul.f32 $1.050701020e+00, v2;
	v1 =	vsel vm9, v1, v4  }
0x9a: {  	v40 =	vld [tilespmem:s30+$0x16960];
	[tilespmem:s29+$0x14120] =	vst v3;
	v1 =	vmul.f32 $1.050701020e+00, v1  }
0x9b: {  	v12 =	vmul.f32 $1.442695020e+00, v38;
	v41 =	vadd.f32 v14, v29;
	v3 =	vld [tilespmem:s30+$0x14120];
	[tilespmem:s29+$0x14160] =	vst v2  }
0x9c: {  	v2 =	vadd.f32 v13, v32;
	v42 =	vld [tilespmem:s30+$0x14160];
	[tilespmem:s29+$0x14100] =	vst v1  }
0x9d: {  	(erf) = vpow2.f32 v12;
	v43 =	vadd.f32 v26, v35;
	v44 =	vmul.f32 $1.442695020e+00, v41;
	v45 =	vld [tilespmem:s30+$0x14100]  }
0x9e: {  	v9 =	vadd.f32 v27, v37;
	v1 =	vmul.f32 $1.442695020e+00, v2  }
0x9f: {  	v46 =	vmul.f32 $1.442695020e+00, v43;
	(erf) = vpow2.f32 v44  }
0xa0: {  	(erf) = vpow2.f32 v1;
	v1 =	vmul.f32 $1.442695020e+00, v9;
	v3 =	vadd.f32 v16, v3  }
0xa1: {  	(erf) = vpow2.f32 v46;
	v5 =	vadd.f32 v40, v42  }
0xa2: {  	(erf) = vpow2.f32 v1;
	v1 =	vadd.f32 v39, v45;
	v47 =	vmul.f32 $1.442695020e+00, v3  }
0xa3: {  	v49 =	vmul.f32 $1.442695020e+00, v5  }
0xa4: {  	v12 =	vmul.f32 $1.442695020e+00, v1;
	(erf) = vpow2.f32 v47  }
0xa5: {  	(erf) = vpow2.f32 v49  }
0xa6: {  	v48 =	vpop (erf);
	(erf) = vpow2.f32 v12  }
0xa7: {  	v10 =	vadd.f32 $-1.000000000e+00, v48  }
0xa8: {  	vm10 =	vgt.f32 v38, $0.0e+00;
	vm1 =	vgt.f32 v41, $0.0e+00;
	vm11 =	vgt.f32 v43, $0.0e+00;
	v51 =	vpop (erf)  }
0xa9: {  	vm2 =	vgt.f32 v2, $0.0e+00;
	v50 =	vmul.f32 $1.673263190e+00, v10;
	v52 =	vadd.f32 $-1.000000000e+00, v51;
	v53 =	vpop (erf)  }
0xaa: {  	vm12 =	vgt.f32 v9, $0.0e+00;
	vm13 =	vgt.f32 v3, $0.0e+00;
	v10 =	vadd.f32 $-1.000000000e+00, v53;
	v54 =	vpop (erf)  }
0xab: {  	v6 =	vsel vm10, v38, v50;
	v7 =	vmul.f32 $1.673263190e+00, v52;
	v11 =	vadd.f32 $-1.000000000e+00, v54  }
0xac: {  	vm14 =	vgt.f32 v5, $0.0e+00;
	v6 =	vmul.f32 $1.050701020e+00, v6;
	v55 =	vpop (erf);
	v10 =	vmul.f32 $1.673263190e+00, v10  }
0xad: {  	v4 =	vsel vm1, v41, v7;
	v12 =	vadd.f32 $-1.000000000e+00, v55;
	v11 =	vmul.f32 $1.673263190e+00, v11;
	v56 =	vpop (erf)  }
0xae: {  	v4 =	vmul.f32 $1.050701020e+00, v4;
	v2 =	vsel vm2, v2, v10;
	v7 =	vadd.f32 $-1.000000000e+00, v56;
	v58 =	vpop (erf)  }
0xaf: {  	v57 =	vmul.f32 $1.673263190e+00, v12;
	v8 =	vsel vm11, v43, v11;
	v11 =	vadd.f32 $-1.000000000e+00, v58;
	v59 =	vpop (erf)  }
0xb0: {  	[tilespmem:s30+$0x14150] =	vst v6;
	v2 =	vmul.f32 $1.050701020e+00, v2;
	v61 =	vadd.f32 $-1.000000000e+00, v59;
	v7 =	vmul.f32 $1.673263190e+00, v7  }
0xb1: {  	[tilespmem:s30+$0x14140] =	vst v4;
	v8 =	vmul.f32 $1.050701020e+00, v8;
	v60 =	vsel vm12, v9, v57;
	v63 =	vmul.f32 $1.673263190e+00, v11  }
0xb2: {  	v62 =	vmul.f32 $1.050701020e+00, v60;
	[tilespmem:s30+$0x14170] =	vst v2;
	v2 =	vmul.f32 $1.673263190e+00, v61;
	v3 =	vsel vm13, v3, v7  }
0xb3: {  	vm15 =	vgt.f32 v1, $0.0e+00;
	[tilespmem:s30+$0x14130] =	vst v8;
	v3 =	vmul.f32 $1.050701020e+00, v3;
	v5 =	vsel vm14, v5, v63  }
0xb4: {  	[tilespmem:s30+$0x14110] =	vst v62;
	v1 =	vsel vm15, v1, v2;
	v2 =	vmul.f32 $1.050701020e+00, v5  }
0xb5: {  	s28 =	sadd.s32 $0x1, s28;
	v1 =	vmul.f32 $1.050701020e+00, v1;
	[tilespmem:s30+$0x14120] =	vst v3  }
0xb6: {  	p0 =	sne.s32 s28, $0xFA;
	[tilespmem:s30+$0x14160] =	vst v2  }
.Ltmp2:
0xb7: {  	[tilespmem:s30+$0x14100] =	vst v1;
	(pc) =	sbr.rel @p0 .LBB2_4-.Ltmp2, $4  }
0xb8: {  	[spmem:s3] =	stream.indirect.scatter.add.f32 [tilespmem:s19], [sflag:$0x2], $0x80, s22, s23, $0xb8;
	[tilespmem:$0x19100] =	vst v63  }
0xb9: {  	_ =	swait.ge [sflag:s20], $0x2800  }
0xba: {  	[sflag:s20] =	ssyncset.done $0x0  }
0xbb: {  	[sflag:s20] =	ssyncadd.s32 $0xFFFFD800  }
0xbc: {  	s5 =	sadd.s32 $0x1, s5  }
0xbd: {  	s0 =	sshll.u32 s4, $0x6;
	[bflag:$0x0] =	sbarrier.arrive $0xFFFF;
	p0 =	sne.s32 s5, s18  }
.Ltmp3:
0xbe: {  	s26 =	sshrl.u32 s8, $0x3;
	s0 =	sor.u32 $0x1C02, s0;
	(pc) =	sbr.rel @p0 .LBB2_1-.Ltmp3, $4  }
0xbf: {  	[hbm:s17], [sflag:s0] =	dma.local [spmem:s26], $0x2800  }
0xc0: {  	_ =	swait.ge [sflag:s20], $0x2800  }
0xc1: {  	[sflag:s20] =	ssyncset.done $0x0  }
0xc2: {  	[sflag:s20] =	ssyncadd.s32 $0xFFFFD800  }
0xc3: {  	_ =	sfence.sel $0x180000  }
0xc4: {  	[bflag:$0x0] =	sbarrier.arrive $0xFFFF  }
0xc5: {  	_ =	strace $0x90000050  }
0xc6: {  	[bflag:$0x2] =	sbarrier.arrive $0xFFFF  }
0xc7: {  	p0 =	sne.s32 s4, $0x0;
	s0 =	rddreg [dreg:$0x4]  }
0xc8: {  	s0 =	sadd.s32 @!p0 $0x100000, s0  }
0xc9: {  	[sflag:s0] =	ssyncadd.tile.s32 @!p0 $0x1;
	_ =	shalt  }
.Lfunc_end2:
_tile_overlayer_lowered:
.L_overlay_start_2:
0xca: {  	(tag) =	ssettag $0x2  }
0xcb: {  	s0 =	rddreg [dreg:$0x0];
	s2 =	stileid.u32  }
0xcc: {  	s1 =	rddreg [dreg:$0x1];
	p0 =	sne.s32 s2, $0x0  }
0xcd: {  	s3 =	rddreg [dreg:$0x2];
	[bflag:$0x3] =	sbarrier.arrive $0xFFFF;
	s2 =	simm.s32 @!p0 $0x1C02  }
0xce: {  	[timem:s3], [sflag:s2] =	dma.local @!p0 [hbm:s0], s1  }
0xcf: {  	s0 =	simm.s32 @!p0 $0x2  }
0xd0: {  	_ =	swait.ge @!p0 [sflag:s0], s1  }
0xd1: {  	s1 =	ssub.s32 @!p0 $0x0, s1;
	[sflag:s0] =	ssyncset.done @!p0 $0x0  }
0xd2: {  	[sflag:s0] =	ssyncadd.s32 @!p0 s1  }
0xd3: {  	[bflag:$0x3] =	sbarrier.arrive $0xFFFF  }
0xd4: {  	_ =	shalt  }

// kernel: kernel.26.cloned.1.call-start
scs
__scs_entry_jumppad:
0x0: {  	(pc) =	sbr.rel $0x88, $3  }
0x1: {  	(tag) =	ssettag $0x0;
	lr =	simm.s32 $0x1  }
0x2: {  	[smem:$0x3F92] =	sst lr;
	_ =	strace $0xD0000000  }
0x3: {  	_ = 	snop  }
0x4: {  	_ = 	snop  }
0x5: {  	_ = 	snop  }
0x6: {  	_ = 	snop  }
0x7: {  	_ = 	snop  }
__scs_overlays_trampoline_lowered:
0x8: {  	[smem:$0x3FA1] =	sst s0  }
0x9: {  	[smem:$0x3FA2] =	sst s1  }
0xa: {  	[smem:$0x3FA3] =	sst s2  }
0xb: {  	[smem:$0x3FA4] =	sst s3  }
0xc: {  	[smem:$0x3FA5] =	sst s4  }
0xd: {  	[smem:$0x3FA6] =	sst s5  }
0xe: {  	[smem:$0x3FA7] =	sst s6  }
0xf: {  	[smem:$0x3FA8] =	sst s7  }
0x10: {  	[smem:$0x3FA9] =	sst s8  }
0x11: {  	[smem:$0x3FAA] =	sst s9;
	s0 =	simm.s32 @!p0 $0x0  }
0x12: {  	s1 =	sld [smem:$0x3F90];
	s0 =	simm.s32 @p0 $0x1  }
0x13: {  	[smem:$0x3FAB] =	sst s0;
	s0 =	simm.s32 @!p1 $0x0  }
0x14: {  	s2 =	sld [smem:$0x3F8F];
	s0 =	simm.s32 @p1 $0x1  }
0x15: {  	[smem:$0x3FAC] =	sst s0;
	s0 =	simm.s32 @!p2 $0x0  }
0x16: {  	s3 =	sld [smem:$0x3FDB];
	s0 =	simm.s32 @p2 $0x1  }
0x17: {  	s4 =	simm.s32 $0x1BF5;
	[smem:$0x3FAE] =	sst s0  }
0x18: {  	s0 =	sld [smem:$0x3F91];
	_ =	swait.ge [sflag:s4], $0x0  }
0x19: {  	s7 =	sld [smem:$0x3F92]  }
0x1a: {  	s8 =	sadd.s32 $0xFFFFE003, lr  }
0x1b: {  	s9 =	sadd.s32 $0xFFFFFEF7, lr;
	s5 =	simm.s32 $0xFFFFFFFF;
	p2 =	slt.u32 s8, $0xFFFFF086  }
0x1c: {  	p1 =	slt.u32 s9, $0xF7A;
	s5 =	simm.s32 @!p2 $0x0  }
0x1d: {  	s5 =	simm.s32 @p1 $0x1;
	p0 =	seq.s32 s7, s2  }
0x1e: {  	s7 =	smul.u32 @!p0 $0xF7A, s2;
	p2 =	seq.s32 @!p0 s5, $0x0  }
0x1f: {  	s9 =	smul.u32 $0xF7A, s1;
	s8 =	simm.s32 @!p0 $0x1BF5;
	p2 =	por !p2, p0  }
0x20: {  	[sflag:s8] =	ssyncset.s32 @!p0 $0xFFFFF086;
	s6 =	sadd.s32 @!p0 s3, s7;
	s7 =	simm.s32 @!p0 $0x108  }
0x21: {  	s3 =	sadd.s32 s3, s9;
	s6 =	sadd.s32 @!p0 $0x88, s6;
	s7 =	simm.s32 @p2 $0x1082  }
0x22: {  	[simem:s7], [sflag:s8] =	dma.local @!p0 [hbm:s6], $0xF7A  }
0x23: {  	s9 =	sor.u32 $0xD0000000, s2;
	s6 =	simm.s32 $0x108;
	_ =	swait.ge @!p0 [sflag:s8], $0x0  }
0x24: {  	s3 =	sadd.s32 $0x88, s3;
	s6 =	simm.s32 @!p1 $0x1082;
	[sflag:s4] =	ssyncset.s32 $0xFFFFF086  }
0x25: {  	[simem:s6], [sflag:s4] =	dma.local [hbm:s3], $0xF7A  }
0x26: {  	[smem:$0x3F92] =	sst s1;
	(tag) =	ssettag s2;
	_ =	strace s9  }
0x27: {  	s1 =	sld [smem:$0x3FA2]  }
0x28: {  	s2 =	sld [smem:$0x3FA3]  }
0x29: {  	s4 =	sld [smem:$0x3FA5]  }
0x2a: {  	p0 =	seq.s32 s5, $0x0;
	s5 =	sld [smem:$0x3FA6]  }
0x2b: {  	s6 =	sld [smem:$0x3FA7]  }
0x2c: {  	s7 =	sld [smem:$0x3FA8]  }
0x2d: {  	s3 =	simm.s32 $0x108;
	s8 =	sld [smem:$0x3FA9]  }
0x2e: {  	s3 =	simm.s32 @!p0 $0x1082;
	s9 =	sld [smem:$0x3FAA]  }
0x2f: {  	lr =	sadd.s32 s0, s3;
	s0 =	sld [smem:$0x3FA1]  }
0x30: {  	s3 =	sld [smem:$0x3FA4]  }
0x31: {  	[smem:$0x3FAD] =	sst s10  }
0x32: {  	s10 =	sld [smem:$0x3FAB];
	_ =	sdelay $0x3  }
0x33: {  	p0 =	seq.s32 s10, $0x1;
	s10 =	sld [smem:$0x3FAD];
	_ =	sdelay $0x3  }
0x34: {  	[smem:$0x3FAD] =	sst s10  }
0x35: {  	s10 =	sld [smem:$0x3FAC];
	_ =	sdelay $0x3  }
0x36: {  	p1 =	seq.s32 s10, $0x1;
	s10 =	sld [smem:$0x3FAD];
	_ =	sdelay $0x3  }
0x37: {  	[smem:$0x3FAD] =	sst s10  }
0x38: {  	s10 =	sld [smem:$0x3FAE]  }
0x39: {  	_ = 	snop;
	(pc) =	sbr.ind lr, $3  }
0x3a: {  	_ = 	snop  }
0x3b: {  	_ = 	snop  }
0x3c: {  	p2 =	seq.s32 s10, $0x1;
	s10 =	sld [smem:$0x3FAD]  }
0x3d: {  	_ =	shalt  }
0x3e: {  	_ =	shalt  }
0x3f: {  	_ =	shalt  }
0x40: {  	_ =	shalt  }
0x41: {  	_ =	shalt  }
0x42: {  	_ =	shalt  }
0x43: {  	_ =	shalt  }
0x44: {  	_ =	shalt  }
0x45: {  	_ =	shalt  }
0x46: {  	_ =	shalt  }
0x47: {  	_ =	shalt  }
0x48: {  	_ =	shalt  }
0x49: {  	_ =	shalt  }
0x4a: {  	_ =	shalt  }
0x4b: {  	_ =	shalt  }
0x4c: {  	_ =	shalt  }
0x4d: {  	_ =	shalt  }
0x4e: {  	_ =	shalt  }
0x4f: {  	_ =	shalt  }
0x50: {  	_ =	shalt  }
0x51: {  	_ =	shalt  }
0x52: {  	_ =	shalt  }
0x53: {  	_ =	shalt  }
0x54: {  	_ =	shalt  }
0x55: {  	_ =	shalt  }
0x56: {  	_ =	shalt  }
0x57: {  	_ =	shalt  }
0x58: {  	_ =	shalt  }
0x59: {  	_ =	shalt  }
0x5a: {  	_ =	shalt  }
0x5b: {  	_ =	shalt  }
0x5c: {  	_ =	shalt  }
0x5d: {  	_ =	shalt  }
0x5e: {  	_ =	shalt  }
0x5f: {  	_ =	shalt  }
0x60: {  	_ =	shalt  }
0x61: {  	_ =	shalt  }
0x62: {  	_ =	shalt  }
0x63: {  	_ =	shalt  }
0x64: {  	_ =	shalt  }
0x65: {  	_ =	shalt  }
0x66: {  	_ =	shalt  }
0x67: {  	_ =	shalt  }
0x68: {  	_ =	shalt  }
0x69: {  	_ =	shalt  }
0x6a: {  	_ =	shalt  }
0x6b: {  	_ =	shalt  }
0x6c: {  	_ =	shalt  }
0x6d: {  	_ =	shalt  }
0x6e: {  	_ =	shalt  }
0x6f: {  	_ =	shalt  }
0x70: {  	_ =	shalt  }
0x71: {  	_ =	shalt  }
0x72: {  	_ =	shalt  }
0x73: {  	_ =	shalt  }
0x74: {  	_ =	shalt  }
0x75: {  	_ =	shalt  }
0x76: {  	_ =	shalt  }
0x77: {  	_ =	shalt  }
0x78: {  	_ =	shalt  }
0x79: {  	_ =	shalt  }
0x7a: {  	_ =	shalt  }
0x7b: {  	_ =	shalt  }
0x7c: {  	_ =	shalt  }
0x7d: {  	_ =	shalt  }
0x7e: {  	_ =	shalt  }
0x7f: {  	_ =	shalt  }
0x80: {  	_ =	shalt  }
0x81: {  	_ =	shalt  }
0x82: {  	_ =	shalt  }
0x83: {  	_ =	shalt  }
0x84: {  	_ =	shalt  }
0x85: {  	_ =	shalt  }
0x86: {  	_ =	shalt  }
0x87: {  	_ =	shalt  }
.Lfunc_end0:
.L_simem_size_0:
called_computation.4_lowered:
.L_overlay_start_0:
0x88: {  	s2 =	sld [smem:$0x3FD9]  }
0x89: {  	s3 =	sld [smem:$0x3FFE];
	_ =	sdelay $0x1  }
0x8a: {  	s1 =	srdreg.scid  }
0x8b: {  	s0 =	sand.u32 $0x1, s1  }
0x8c: {  	s17 =	sshll.u32 s0, $0xA;
	s2 =	sadd.s32 s3, s2  }
0x8d: {  	s2 =	sadd.s32 s2, s17  }
0x8e: {  	[smem:$0x3FB9] =	sst s2  }
0x8f: {  	_ = 	snop  }
0x90: {  	s2 =	sld [smem:$0x3FC7]  }
0x91: {  	s18 =	sld [smem:$0x3FC6];
	(tm) =	ssettm $0x1  }
0x92: {  	s4 =	sld [smem:$0x3FFB];
	_ =	sdelay $0x3  }
0x93: {  	_ =	strace s4  }
0x94: {  	s4 =	sld [smem:$0x3FFC];
	_ =	sdelay $0x3  }
0x95: {  	_ =	strace s4  }
0x96: {  	s4 =	sld [smem:$0x3FFD];
	_ =	sdelay $0x3  }
0x97: {  	_ =	strace s4  }
0x98: {  	_ =	strace $0x8FFFFFFF  }
0x99: {  	s19 =	sld [smem:$0x3FDB];
	_ =	sdelay $0x1  }
0x9a: {  	s5 =	simm.s32 $_scs_section_size  }
0x9b: {  	s6 =	simm.s32 $_size__tile_overlayer_lowered;
	s7 =	simm.s32 $_tile_overlayer_lowered  }
0x9c: {  	s22 =	simm.s32 $0x1BFF;
	s21 =	sshll.u32 s7, $0x1;
	s4 =	sadd.s32 s5, s19  }
0x9d: {  	s8 =	simm.s32 $0x0;
	s20 =	sshll.u32 s6, $0x1;
	s6 =	sadd.s32 s21, s4  }
0x9e: {  	[timem:s8], [sflag:s22] =	dma.local [hbm:s6], s20  }
0x9f: {  	_ =	swait.ge [sflag:s22], s20  }
0xa0: {  	s5 =	ssub.s32 $0x0, s20;
	[sflag:s22] =	ssyncset.done $0x0  }
0xa1: {  	[sflag:s22] =	ssyncadd.s32 s5;
	_ =	sdelay $0x1  }
0xa2: {  	s23 =	simm.s32 $0x1B8B  }
0xa3: {  	_ =	swait.ge [sflag:s23], $0x1  }
0xa4: {  	[sflag:s23] =	ssyncset.done $0x0  }
0xa5: {  	s25 =	simm.s32 $0x1B8E;
	s24 =	sld [smem:$0x3FFE];
	[sflag:s23] =	ssyncadd.s32 $0xFFFFFFFF  }
0xa6: {  	s26 =	simm.s32 $execute0_lowered;
	[smem:$0x3FD2] =	sst s25  }
0xa7: {  	s6 =	sshll.u32 s26, $0x1;
	_ =	strace $0x80000052;
	[dreg:$0x1] =	wrdreg $0xFFFFFFFF  }
0xa8: {  	s28 =	simm.s32 $_size_execute0_lowered;
	s4 =	sadd.s32 s4, s6;
	[dreg:$0x0] =	wrdreg $0x0  }
0xa9: {  	s6 =	sshll.u32 s28, $0x1;
	[dreg:$0x2] =	wrdreg s4  }
0xaa: {  	[dreg:$0x3] =	wrdreg s6  }
0xab: {  	[dreg:$0x4] =	wrdreg $0xC0  }
0xac: {  	_ =	task [dreg:s8], $0x5FFFF  }
0xad: {  	[dreg:$0x1] =	wrdreg $0xFFFFFFFF  }
0xae: {  	[dreg:$0x0] =	wrdreg $0x60  }
0xaf: {  	[dreg:$0x2] =	wrdreg s24  }
0xb0: {  	[dreg:$0x3] =	wrdreg s2  }
0xb1: {  	[dreg:$0x4] =	wrdreg s18  }
0xb2: {  	[dreg:$0x5] =	wrdreg $0x0  }
0xb3: {  	[dreg:$0x6] =	wrdreg $0x9  }
0xb4: {  	_ =	task.clear_ibuf [dreg:s8], $0x7FFFF;
	_ =	strace $0x90000052  }
0xb5: {  	s29 =	simm.s32 $0x9;
	_ =	strace $0x80000054  }
0xb6: {  	_ =	swait.ge [sflag:s29], $0x1  }
0xb7: {  	[sflag:s29] =	ssyncadd.s32 $0xFFFFFFFF  }
0xb8: {  	_ =	strace $0x90000054  }
0xb9: {  	_ =	sfence  }
0xba: {  	s30 =	sld [smem:$0x0];
	_ =	sdelay $0x2  }
0xbb: {  	s31 =	sshll.u32 s1, $0xD;
	s1 =	sshrl.u32 s1, $0x2  }
0xbc: {  	s3 =	sand.u32 $0x4000, s31;
	s1 =	sadd.s32 s1, s30  }
0xbd: {  	s0 =	sor.u32 s3, s0;
	s1 =	sshll.u32 s1, $0x11  }
0xbe: {  	s0 =	sor.u32 s1, s0  }
0xbf: {  	s0 =	sadd.s32 $0x8F2B, s0  }
0xc0: {  	[sflag:s0] =	ssyncadd.remote.s32 $0x1  }
0xc1: {  	_ =	sfence.sel $0xFFFF  }
0xc2: {  	[dreg:$0x0] =	wrdreg $0xFFFFFFFF;
	(pc) =	sbr.abs _section_cstart, $3  }
0xc3: {  	[dreg:$0x1] =	wrdreg $0xFFFFFFFF  }
0xc4: {  	_ =	task.clear_ibuf [dreg:s8], $0x2FFFF;
	_ =	strace $0x9FFFFFFF  }
0xc5: {  	(tm) =	ssettm $0x7FFFFFFF  }
tec
execute0_lowered:
.L_overlay_start_1:
0x0: {  	(tag) =	ssettag $0x1  }
0x1: {  	s0 =	rddreg [dreg:$0x0]  }
0x2: {  	s1 =	rddreg [dreg:$0x1]  }
0x3: {  	s2 =	rddreg [dreg:$0x2]  }
0x4: {  	s3 =	rddreg [dreg:$0x3];
	s4 =	srdreg.scid;
	s5 =	simm.s32 $0x0  }
0x5: {  	s19 =	simm.s32 $0x14100;
	s20 =	simm.s32 $0x2;
	s21 =	simm.s32 $0x14000  }
0x6: {  	s22 =	simm.s32 $0x14080;
	s23 =	simm.s32 $0x50;
	s24 =	simm.s32 $0x16900  }
0x7: {  	s25 =	simm.s32 $0x1;
	s8 =	sand.u32 $0x1, s4;
	s4 =	stileid.u32  }
0x8: {  	[smem:$0x7FF] =	sst s5;
	s6 =	sadd.s32 $0x5800, s0;
	s7 =	smul.u32 $0x140000, s8  }
0x9: {  	s9 =	smul.u32 $0x14000, s4;
	_ =	strace $0x80000053;
	s11 =	ssub.s32 $0x2, s8  }
0xa: {  	s10 =	smul.u32 $0x50000, s4;
	s31 =	sshll.u32 s8, $0x4;
	s30 =	sshrl.u32 s11, $0x1  }
0xb: {  	s16 =	sor.u32 s4, s31;
	s9 =	sadd.s32 s9, s7;
	s7 =	sadd.s32 $0x2CA00, s0  }
0xc: {  	s10 =	sshrl.u32 s10, $0x2;
	s18 =	ssub.s32 s11, s30;
	s16 =	smul.u32 $0x4E20, s16  }
0xd: {  	s9 =	sshrl.u32 s9, $0x3;
	s8 =	sadd.s32 s10, s3;
	s18 =	smax.u32 s18, $0x1  }
0xe: {  	s0 =	sadd.s32 s9, s0;
	s9 =	sadd.s32 $0x2800, s8;
	s10 =	sadd.s32 $0x5000, s8  }
0xf: {  	s11 =	sadd.s32 $0x7800, s8;
	s12 =	sadd.s32 $0xA000, s8;
	s13 =	sadd.s32 $0xC800, s8  }
0x10: {  	v0 =	vimm.f32 $0.0e+00;
	s14 =	sadd.s32 $0xF000, s8;
	s15 =	sadd.s32 $0x11800, s8;
	s17 =	sadd.s32 $0x53C00, s0  }
.LBB2_1:
0x11: {  	s0 =	simm.s32 $0x0;
	s26 =	simm.s32 $0x200  }
.LBB2_2:
0x12: {  	p0 =	sne.s32 s26, $0x9E00;
	[tilespmem:s0+$0x14170] =	vst v0  }
0x13: {  	[tilespmem:s0+$0x14100] =	vst v0  }
0x14: {  	[tilespmem:s0+$0x14110] =	vst v0  }
.Ltmp0:
0x15: {  	[tilespmem:s0+$0x14120] =	vst v0;
	(pc) =	sbr.rel @p0 .LBB2_2-.Ltmp0, $4  }
0x16: {  	[tilespmem:s0+$0x14130] =	vst v0  }
0x17: {  	[tilespmem:s0+$0x14140] =	vst v0  }
0x18: {  	[tilespmem:s0+$0x14150] =	vst v0  }
0x19: {  	[tilespmem:s0+$0x14160] =	vst v0;
	s0 =	sshra.s32 s26, $0x2;
	s26 =	sadd.s32 $0x200, s26  }
0x1a: {  	[tilespmem:s0+$0x14170] =	vst v0  }
0x1b: {  	[tilespmem:s0+$0x14100] =	vst v0  }
0x1c: {  	[tilespmem:s0+$0x14110] =	vst v0  }
0x1d: {  	[tilespmem:s0+$0x14120] =	vst v0  }
0x1e: {  	[tilespmem:s0+$0x14130] =	vst v0  }
0x1f: {  	[tilespmem:s0+$0x14140] =	vst v0  }
0x20: {  	[tilespmem:s0+$0x14150] =	vst v0  }
0x21: {  	[tilespmem:s0+$0x14160] =	vst v0  }
0x22: {  	[spmem:s8] =	stream.linear.scatter [tilespmem:s19], [sflag:$0x2], $0x2800, $0x38;
	[tilespmem:$0x19100] =	vst v63  }
0x23: {  	_ =	swait.ge [sflag:s20], $0x2800  }
0x24: {  	[sflag:s20] =	ssyncset.done $0x0  }
0x25: {  	[sflag:s20] =	ssyncadd.s32 $0xFFFFD800  }
0x26: {  	[spmem:s9] =	stream.linear.scatter [tilespmem:s19], [sflag:$0x2], $0x2800, $0x38;
	[tilespmem:$0x19100] =	vst v63  }
0x27: {  	_ =	swait.ge [sflag:s20], $0x2800  }
0x28: {  	[sflag:s20] =	ssyncset.done $0x0  }
0x29: {  	[sflag:s20] =	ssyncadd.s32 $0xFFFFD800  }
0x2a: {  	[spmem:s10] =	stream.linear.scatter [tilespmem:s19], [sflag:$0x2], $0x2800, $0x38;
	[tilespmem:$0x19100] =	vst v63  }
0x2b: {  	_ =	swait.ge [sflag:s20], $0x2800  }
0x2c: {  	[sflag:s20] =	ssyncset.done $0x0  }
0x2d: {  	[sflag:s20] =	ssyncadd.s32 $0xFFFFD800  }
0x2e: {  	[spmem:s11] =	stream.linear.scatter [tilespmem:s19], [sflag:$0x2], $0x2800, $0x38;
	[tilespmem:$0x19100] =	vst v63  }
0x2f: {  	_ =	swait.ge [sflag:s20], $0x2800  }
0x30: {  	[sflag:s20] =	ssyncset.done $0x0  }
0x31: {  	[sflag:s20] =	ssyncadd.s32 $0xFFFFD800  }
0x32: {  	[spmem:s12] =	stream.linear.scatter [tilespmem:s19], [sflag:$0x2], $0x2800, $0x38;
	[tilespmem:$0x19100] =	vst v63  }
0x33: {  	_ =	swait.ge [sflag:s20], $0x2800  }
0x34: {  	[sflag:s20] =	ssyncset.done $0x0  }
0x35: {  	[sflag:s20] =	ssyncadd.s32 $0xFFFFD800  }
0x36: {  	[spmem:s13] =	stream.linear.scatter [tilespmem:s19], [sflag:$0x2], $0x2800, $0x38;
	[tilespmem:$0x19100] =	vst v63  }
0x37: {  	_ =	swait.ge [sflag:s20], $0x2800  }
0x38: {  	[sflag:s20] =	ssyncset.done $0x0  }
0x39: {  	[sflag:s20] =	ssyncadd.s32 $0xFFFFD800  }
0x3a: {  	[spmem:s14] =	stream.linear.scatter [tilespmem:s19], [sflag:$0x2], $0x2800, $0x38;
	[tilespmem:$0x19100] =	vst v63  }
0x3b: {  	_ =	swait.ge [sflag:s20], $0x2800  }
0x3c: {  	[sflag:s20] =	ssyncset.done $0x0  }
0x3d: {  	[sflag:s20] =	ssyncadd.s32 $0xFFFFD800  }
0x3e: {  	[spmem:s15] =	stream.linear.scatter [tilespmem:s19], [sflag:$0x2], $0x2800, $0x38;
	[tilespmem:$0x19100] =	vst v63  }
0x3f: {  	_ =	swait.ge [sflag:s20], $0x2800  }
0x40: {  	[sflag:s20] =	ssyncset.done $0x0  }
0x41: {  	[sflag:s20] =	ssyncadd.s32 $0xFFFFD800  }
0x42: {  	s26 =	simm.s32 $0x0;
	s28 =	simm.s32 $0x0;
	[bflag:$0x0] =	sbarrier.arrive $0xFFFF  }
.LBB2_4:
0x43: {  	s0 =	smul.u32 $0x50, s28;
	_ =	sdelay $0x1  }
0x44: {  	s0 =	sadd.s32 s16, s0  }
0x45: {  	s0 =	sshrl.u32 s0, $0x3  }
0x46: {  	s29 =	sadd.s32 s1, s0  }
0x47: {  	[tilespmem:s21], [sflag:$0x2] =	stream.linear.gather [hbm4b:s29+s26], $0x50, $0x38;
	[tilespmem:$0x19100] =	vst v63  }
0x48: {  	_ =	swait.ge [sflag:s20], $0x50  }
0x49: {  	[sflag:s20] =	ssyncset.done $0x0  }
0x4a: {  	s0 =	sadd.s32 s2, s0;
	[sflag:s20] =	ssyncadd.s32 $0xFFFFFFB0  }
0x4b: {  	[tilespmem:s22], [sflag:$0x2] =	stream.linear.gather [hbm4b:s0+s26], $0x50, $0x38;
	[tilespmem:$0x19100] =	vst v63  }
0x4c: {  	_ =	swait.ge [sflag:s20], $0x50  }
0x4d: {  	[sflag:s20] =	ssyncset.done $0x0  }
0x4e: {  	[sflag:s20] =	ssyncadd.s32 $0xFFFFFFB0  }
0x4f: {  	[tilespmem:s19], [sflag:$0x1] =	stream.indirect.gather [hbm4b:s6+s23], $0x80, s21, s23, $0xb8;
	[tilespmem:$0x19100] =	vst v63  }
0x50: {  	_ = 	snop  }
0x51: {  	[tilespmem:s24], [sflag:$0x1] =	stream.indirect.gather [hbm4b:s7+s23], $0x80, s22, s23, $0xb8;
	[tilespmem:$0x19100] =	vst v63  }
0x52: {  	_ =	swait.ge [sflag:s25], $0x2800  }
0x53: {  	[sflag:s25] =	ssyncset.done $0x0  }
0x54: {  	[sflag:s25] =	ssyncadd.s32 $0xFFFFD800  }
0x55: {  	_ =	swait.ge [sflag:s25], $0x2800  }
0x56: {  	[sflag:s25] =	ssyncset.done $0x0  }
0x57: {  	s29 =	simm.s32 $0x0;
	[sflag:s25] =	ssyncadd.s32 $0xFFFFD800  }
0x58: {  	v1 =	vld [tilespmem:s29+$0x16950]  }
0x59: {  	v2 =	vld [tilespmem:s29+$0x14150];
	_ =	sdelay $0x2  }
0x5a: {  	v3 =	vld [tilespmem:s29+$0x16970]  }
0x5b: {  	v4 =	vld [tilespmem:s29+$0x16940]  }
0x5c: {  	v5 =	vld [tilespmem:s29+$0x16930];
	v9 =	vadd.f32 v1, v2  }
0x5d: {  	v1 =	vld [tilespmem:s29+$0x14140]  }
0x5e: {  	v8 =	vld [tilespmem:s29+$0x16910];
	v6 =	vmul.f32 $1.442695020e+00, v9  }
0x5f: {  	v10 =	vld [tilespmem:s29+$0x14170]  }
0x60: {  	v11 =	vld [tilespmem:s29+$0x14130];
	(erf) = vpow2.f32 v6  }
0x61: {  	v12 =	vld [tilespmem:s29+$0x14110]  }
0x62: {  	v13 =	vld [tilespmem:s29+$0x16960];
	v7 =	vadd.f32 v4, v1  }
0x63: {  	v14 =	vld [tilespmem:s29+$0x14120]  }
0x64: {  	v2 =	vld [tilespmem:s29+$0x16920];
	v6 =	vadd.f32 v3, v10;
	v4 =	vmul.f32 $1.442695020e+00, v7  }
0x65: {  	v5 =	vadd.f32 v5, v11;
	v11 =	vld [tilespmem:s29+$0x14100]  }
0x66: {  	v10 =	vld [tilespmem:s29+$0x14160];
	v3 =	vmul.f32 $1.442695020e+00, v6;
	(erf) = vpow2.f32 v4  }
0x67: {  	v1 =	vld [tilespmem:s29+$0x16900];
	v4 =	vadd.f32 v8, v12;
	v8 =	vmul.f32 $1.442695020e+00, v5  }
0x68: {  	(erf) = vpow2.f32 v3  }
0x69: {  	v3 =	vadd.f32 v2, v14;
	v62 =	vmul.f32 $1.442695020e+00, v4;
	(erf) = vpow2.f32 v8;
	v61 =	vpop (erf)  }
0x6a: {  	v12 =	vadd.f32 $-1.000000000e+00, v61  }
0x6b: {  	v2 =	vadd.f32 v13, v10;
	v10 =	vmul.f32 $1.442695020e+00, v3;
	(erf) = vpow2.f32 v62  }
0x6c: {  	v1 =	vadd.f32 v1, v11;
	v11 =	vmul.f32 $1.673263190e+00, v12  }
0x6d: {  	vm0 =	vgt.f32 v9, $0.0e+00;
	v63 =	vmul.f32 $1.442695020e+00, v2  }
0x6e: {  	v8 =	vmul.f32 $1.442695020e+00, v1;
	(erf) = vpow2.f32 v10;
	v9 =	vsel vm0, v9, v11  }
0x6f: {  	s31 =	simm.s32 $0x200;
	s30 =	simm.s32 $0x400;
	(erf) = vpow2.f32 v63;
	v10 =	vpop (erf);
	v9 =	vmul.f32 $1.050701020e+00, v9  }
.LBB2_5:
0x70: {  	p0 =	sne.s32 s30, $0x9E00  }
0x71: {  	s0 =	sshra.s32 s31, $0x2;
	v10 =	vadd.f32 $-1.000000000e+00, v10;
	(erf) = vpow2.f32 v8;
	v8 =	vpop (erf);
	s31 =	smov.u32 s30;
	s30 =	sadd.s32 $0x200, s30  }
0x72: {  	v11 =	vld [tilespmem:s0+$0x16950];
	[tilespmem:s29+$0x14150] =	vst v9;
	v8 =	vadd.f32 $-1.000000000e+00, v8;
	v9 =	vpop (erf)  }
0x73: {  	vm0 =	vgt.f32 v5, $0.0e+00;
	v12 =	vld [tilespmem:s0+$0x14150];
	v9 =	vadd.f32 $-1.000000000e+00, v9;
	v10 =	vmul.f32 $1.673263190e+00, v10  }
0x74: {  	vm1 =	vgt.f32 v7, $0.0e+00;
	vm2 =	vgt.f32 v6, $0.0e+00;
	v13 =	vld [tilespmem:s0+$0x16970];
	v8 =	vmul.f32 $1.673263190e+00, v8;
	v14 =	vpop (erf)  }
0x75: {  	v15 =	vld [tilespmem:s0+$0x16940];
	v14 =	vadd.f32 $-1.000000000e+00, v14;
	v9 =	vmul.f32 $1.673263190e+00, v9;
	v7 =	vsel vm1, v7, v10  }
0x76: {  	vm1 =	vgt.f32 v4, $0.0e+00;
	v10 =	vld [tilespmem:s0+$0x16930];
	v16 =	vmul.f32 $1.050701020e+00, v7;
	v6 =	vsel vm2, v6, v8  }
0x77: {  	v8 =	vld [tilespmem:s0+$0x16920];
	v14 =	vmul.f32 $1.673263190e+00, v14;
	v5 =	vsel vm0, v5, v9;
	v17 =	vmul.f32 $1.050701020e+00, v6  }
0x78: {  	vm0 =	vgt.f32 v3, $0.0e+00;
	v9 =	vld [tilespmem:s0+$0x16910];
	v11 =	vadd.f32 v11, v12;
	v5 =	vmul.f32 $1.050701020e+00, v5;
	[tilespmem:s29+$0x14140] =	vst v16;
	v7 =	vpop (erf)  }
0x79: {  	vm2 =	vgt.f32 v1, $0.0e+00;
	v12 =	vld [tilespmem:s0+$0x14140];
	v4 =	vsel vm1, v4, v14;
	v7 =	vadd.f32 $-1.000000000e+00, v7;
	[tilespmem:s29+$0x14170] =	vst v17;
	v6 =	vpop (erf)  }
0x7a: {  	v14 =	vmul.f32 $1.442695020e+00, v11;
	v16 =	vld [tilespmem:s0+$0x14170];
	v4 =	vmul.f32 $1.050701020e+00, v4;
	[tilespmem:s29+$0x14130] =	vst v5;
	v5 =	vadd.f32 $-1.000000000e+00, v6;
	v6 =	vpop (erf)  }
0x7b: {  	vm1 =	vgt.f32 v2, $0.0e+00;
	v17 =	vld [tilespmem:s0+$0x14130];
	v6 =	vadd.f32 $-1.000000000e+00, v6;
	v7 =	vmul.f32 $1.673263190e+00, v7  }
0x7c: {  	(erf) = vpow2.f32 v14;
	[tilespmem:s29+$0x14110] =	vst v4;
	v4 =	vmul.f32 $1.673263190e+00, v5  }
0x7d: {  	v14 =	vld [tilespmem:s0+$0x14110];
	v5 =	vmul.f32 $1.673263190e+00, v6;
	v3 =	vsel vm0, v3, v7  }
0x7e: {  	v7 =	vadd.f32 v15, v12;
	v3 =	vmul.f32 $1.050701020e+00, v3;
	v2 =	vsel vm1, v2, v4  }
0x7f: {  	v12 =	vld [tilespmem:s0+$0x16900];
	v6 =	vadd.f32 v13, v16;
	v1 =	vsel vm2, v1, v5;
	v2 =	vmul.f32 $1.050701020e+00, v2  }
0x80: {  	v5 =	vadd.f32 v10, v17;
	v10 =	vmul.f32 $1.442695020e+00, v7;
	v13 =	vld [tilespmem:s0+$0x16960];
	v1 =	vmul.f32 $1.050701020e+00, v1;
	[tilespmem:s29+$0x14120] =	vst v3  }
0x81: {  	v3 =	vld [tilespmem:s0+$0x14120];
	v15 =	vmul.f32 $1.442695020e+00, v6;
	[tilespmem:s29+$0x14160] =	vst v2  }
0x82: {  	v4 =	vadd.f32 v9, v14;
	v14 =	vmul.f32 $1.442695020e+00, v5;
	v9 =	vld [tilespmem:s0+$0x14160];
	(erf) = vpow2.f32 v10;
	[tilespmem:s29+$0x14100] =	vst v1;
	s29 =	smov.u32 s0  }
0x83: {  	v1 =	vld [tilespmem:s29+$0x14100];
	(erf) = vpow2.f32 v15  }
0x84: {  	v10 =	vmul.f32 $1.442695020e+00, v4;
	(erf) = vpow2.f32 v14  }
0x85: {  	v2 =	vpop (erf)  }
0x86: {  	v3 =	vadd.f32 v8, v3;
	v8 =	vadd.f32 $-1.000000000e+00, v2;
	(erf) = vpow2.f32 v10  }
.Ltmp1:
0x87: {  	v2 =	vadd.f32 v13, v9;
	(pc) =	sbr.rel @p0 .LBB2_5-.Ltmp1, $4  }
0x88: {  	v1 =	vadd.f32 v12, v1;
	v9 =	vmul.f32 $1.442695020e+00, v3;
	v13 =	vmul.f32 $1.673263190e+00, v8  }
0x89: {  	vm0 =	vgt.f32 v11, $0.0e+00;
	v12 =	vmul.f32 $1.442695020e+00, v2  }
0x8a: {  	v8 =	vmul.f32 $1.442695020e+00, v1;
	v11 =	vsel vm0, v11, v13;
	(erf) = vpow2.f32 v9  }
0x8b: {  	v9 =	vmul.f32 $1.050701020e+00, v11;
	v10 =	vpop (erf);
	(erf) = vpow2.f32 v12  }
0x8c: {  	(erf) = vpow2.f32 v8;
	_ =	sdelay $0x1  }
0x8d: {  	s30 =	sshra.s32 s31, $0x2;
	v10 =	vadd.f32 $-1.000000000e+00, v10;
	v24 =	vpop (erf)  }
0x8e: {  	vm0 =	vgt.f32 v7, $0.0e+00;
	v11 =	vld [tilespmem:s30+$0x16950];
	[tilespmem:s29+$0x14150] =	vst v9;
	v9 =	vadd.f32 $-1.000000000e+00, v24;
	v25 =	vpop (erf)  }
0x8f: {  	vm4 =	vgt.f32 v6, $0.0e+00;
	v12 =	vld [tilespmem:s30+$0x14150];
	v10 =	vmul.f32 $1.673263190e+00, v10;
	v8 =	vadd.f32 $-1.000000000e+00, v25;
	v15 =	vpop (erf)  }
0x90: {  	vm5 =	vgt.f32 v5, $0.0e+00;
	v13 =	vld [tilespmem:s30+$0x16970];
	v9 =	vmul.f32 $1.673263190e+00, v9;
	v15 =	vadd.f32 $-1.000000000e+00, v15  }
0x91: {  	vm6 =	vgt.f32 v4, $0.0e+00;
	v14 =	vld [tilespmem:s30+$0x16940];
	v7 =	vsel vm0, v7, v10;
	v8 =	vmul.f32 $1.673263190e+00, v8  }
0x92: {  	v26 =	vld [tilespmem:s30+$0x16930];
	v7 =	vmul.f32 $1.050701020e+00, v7;
	v6 =	vsel vm4, v6, v9;
	v28 =	vmul.f32 $1.673263190e+00, v15;
	v30 =	vpop (erf)  }
0x93: {  	v16 =	vld [tilespmem:s30+$0x16920];
	v6 =	vmul.f32 $1.050701020e+00, v6;
	v5 =	vsel vm5, v5, v8;
	v31 =	vadd.f32 $-1.000000000e+00, v30;
	v33 =	vpop (erf)  }
0x94: {  	v27 =	vld [tilespmem:s30+$0x16910];
	[tilespmem:s29+$0x14140] =	vst v7;
	v5 =	vmul.f32 $1.050701020e+00, v5;
	v4 =	vsel vm6, v4, v28;
	v34 =	vadd.f32 $-1.000000000e+00, v33;
	v17 =	vpop (erf)  }
0x95: {  	v29 =	vld [tilespmem:s30+$0x14140];
	[tilespmem:s29+$0x14170] =	vst v6;
	v4 =	vmul.f32 $1.050701020e+00, v4;
	v6 =	vmul.f32 $1.673263190e+00, v31;
	v36 =	vadd.f32 $-1.000000000e+00, v17  }
0x96: {  	vm7 =	vgt.f32 v3, $0.0e+00;
	v32 =	vld [tilespmem:s30+$0x14170];
	[tilespmem:s29+$0x14130] =	vst v5;
	v5 =	vmul.f32 $1.673263190e+00, v34  }
0x97: {  	vm8 =	vgt.f32 v2, $0.0e+00;
	v35 =	vld [tilespmem:s30+$0x14130];
	[tilespmem:s29+$0x14110] =	vst v4;
	v3 =	vsel vm7, v3, v6;
	v4 =	vmul.f32 $1.673263190e+00, v36  }
0x98: {  	vm9 =	vgt.f32 v1, $0.0e+00;
	v37 =	vld [tilespmem:s30+$0x14110];
	v3 =	vmul.f32 $1.050701020e+00, v3;
	v2 =	vsel vm8, v2, v5  }
0x99: {  	v38 =	vadd.f32 v11, v12;
	v39 =	vld [tilespmem:s30+$0x16900];
	v2 =	vmul.f32 $1.050701020e+00, v2;
	v1 =	vsel vm9, v1, v4  }
0x9a: {  	v40 =	vld [tilespmem:s30+$0x16960];
	[tilespmem:s29+$0x14120] =	vst v3;
	v1 =	vmul.f32 $1.050701020e+00, v1  }
0x9b: {  	v12 =	vmul.f32 $1.442695020e+00, v38;
	v41 =	vadd.f32 v14, v29;
	v3 =	vld [tilespmem:s30+$0x14120];
	[tilespmem:s29+$0x14160] =	vst v2  }
0x9c: {  	v2 =	vadd.f32 v13, v32;
	v42 =	vld [tilespmem:s30+$0x14160];
	[tilespmem:s29+$0x14100] =	vst v1  }
0x9d: {  	(erf) = vpow2.f32 v12;
	v43 =	vadd.f32 v26, v35;
	v44 =	vmul.f32 $1.442695020e+00, v41;
	v45 =	vld [tilespmem:s30+$0x14100]  }
0x9e: {  	v9 =	vadd.f32 v27, v37;
	v1 =	vmul.f32 $1.442695020e+00, v2  }
0x9f: {  	v46 =	vmul.f32 $1.442695020e+00, v43;
	(erf) = vpow2.f32 v44  }
0xa0: {  	(erf) = vpow2.f32 v1;
	v1 =	vmul.f32 $1.442695020e+00, v9;
	v3 =	vadd.f32 v16, v3  }
0xa1: {  	(erf) = vpow2.f32 v46;
	v5 =	vadd.f32 v40, v42  }
0xa2: {  	(erf) = vpow2.f32 v1;
	v1 =	vadd.f32 v39, v45;
	v47 =	vmul.f32 $1.442695020e+00, v3  }
0xa3: {  	v49 =	vmul.f32 $1.442695020e+00, v5  }
0xa4: {  	v12 =	vmul.f32 $1.442695020e+00, v1;
	(erf) = vpow2.f32 v47  }
0xa5: {  	(erf) = vpow2.f32 v49  }
0xa6: {  	v48 =	vpop (erf);
	(erf) = vpow2.f32 v12  }
0xa7: {  	v10 =	vadd.f32 $-1.000000000e+00, v48  }
0xa8: {  	vm10 =	vgt.f32 v38, $0.0e+00;
	vm1 =	vgt.f32 v41, $0.0e+00;
	vm11 =	vgt.f32 v43, $0.0e+00;
	v51 =	vpop (erf)  }
0xa9: {  	vm2 =	vgt.f32 v2, $0.0e+00;
	v50 =	vmul.f32 $1.673263190e+00, v10;
	v52 =	vadd.f32 $-1.000000000e+00, v51;
	v53 =	vpop (erf)  }
0xaa: {  	vm12 =	vgt.f32 v9, $0.0e+00;
	vm13 =	vgt.f32 v3, $0.0e+00;
	v10 =	vadd.f32 $-1.000000000e+00, v53;
	v54 =	vpop (erf)  }
0xab: {  	v6 =	vsel vm10, v38, v50;
	v7 =	vmul.f32 $1.673263190e+00, v52;
	v11 =	vadd.f32 $-1.000000000e+00, v54  }
0xac: {  	vm14 =	vgt.f32 v5, $0.0e+00;
	v6 =	vmul.f32 $1.050701020e+00, v6;
	v55 =	vpop (erf);
	v10 =	vmul.f32 $1.673263190e+00, v10  }
0xad: {  	v4 =	vsel vm1, v41, v7;
	v12 =	vadd.f32 $-1.000000000e+00, v55;
	v11 =	vmul.f32 $1.673263190e+00, v11;
	v56 =	vpop (erf)  }
0xae: {  	v4 =	vmul.f32 $1.050701020e+00, v4;
	v2 =	vsel vm2, v2, v10;
	v7 =	vadd.f32 $-1.000000000e+00, v56;
	v58 =	vpop (erf)  }
0xaf: {  	v57 =	vmul.f32 $1.673263190e+00, v12;
	v8 =	vsel vm11, v43, v11;
	v11 =	vadd.f32 $-1.000000000e+00, v58;
	v59 =	vpop (erf)  }
0xb0: {  	[tilespmem:s30+$0x14150] =	vst v6;
	v2 =	vmul.f32 $1.050701020e+00, v2;
	v61 =	vadd.f32 $-1.000000000e+00, v59;
	v7 =	vmul.f32 $1.673263190e+00, v7  }
0xb1: {  	[tilespmem:s30+$0x14140] =	vst v4;
	v8 =	vmul.f32 $1.050701020e+00, v8;
	v60 =	vsel vm12, v9, v57;
	v63 =	vmul.f32 $1.673263190e+00, v11  }
0xb2: {  	v62 =	vmul.f32 $1.050701020e+00, v60;
	[tilespmem:s30+$0x14170] =	vst v2;
	v2 =	vmul.f32 $1.673263190e+00, v61;
	v3 =	vsel vm13, v3, v7  }
0xb3: {  	vm15 =	vgt.f32 v1, $0.0e+00;
	[tilespmem:s30+$0x14130] =	vst v8;
	v3 =	vmul.f32 $1.050701020e+00, v3;
	v5 =	vsel vm14, v5, v63  }
0xb4: {  	[tilespmem:s30+$0x14110] =	vst v62;
	v1 =	vsel vm15, v1, v2;
	v2 =	vmul.f32 $1.050701020e+00, v5  }
0xb5: {  	s28 =	sadd.s32 $0x1, s28;
	v1 =	vmul.f32 $1.050701020e+00, v1;
	[tilespmem:s30+$0x14120] =	vst v3  }
0xb6: {  	p0 =	sne.s32 s28, $0xFA;
	[tilespmem:s30+$0x14160] =	vst v2  }
.Ltmp2:
0xb7: {  	[tilespmem:s30+$0x14100] =	vst v1;
	(pc) =	sbr.rel @p0 .LBB2_4-.Ltmp2, $4  }
0xb8: {  	[spmem:s3] =	stream.indirect.scatter.add.f32 [tilespmem:s19], [sflag:$0x2], $0x80, s22, s23, $0xb8;
	[tilespmem:$0x19100] =	vst v63  }
0xb9: {  	_ =	swait.ge [sflag:s20], $0x2800  }
0xba: {  	[sflag:s20] =	ssyncset.done $0x0  }
0xbb: {  	[sflag:s20] =	ssyncadd.s32 $0xFFFFD800  }
0xbc: {  	s5 =	sadd.s32 $0x1, s5  }
0xbd: {  	s0 =	sshll.u32 s4, $0x6;
	[bflag:$0x0] =	sbarrier.arrive $0xFFFF;
	p0 =	sne.s32 s5, s18  }
.Ltmp3:
0xbe: {  	s26 =	sshrl.u32 s8, $0x3;
	s0 =	sor.u32 $0x1C02, s0;
	(pc) =	sbr.rel @p0 .LBB2_1-.Ltmp3, $4  }
0xbf: {  	[hbm:s17], [sflag:s0] =	dma.local [spmem:s26], $0x2800  }
0xc0: {  	_ =	swait.ge [sflag:s20], $0x2800  }
0xc1: {  	[sflag:s20] =	ssyncset.done $0x0  }
0xc2: {  	[sflag:s20] =	ssyncadd.s32 $0xFFFFD800  }
0xc3: {  	_ =	sfence.sel $0x180000  }
0xc4: {  	[bflag:$0x0] =	sbarrier.arrive $0xFFFF  }
0xc5: {  	_ =	strace $0x90000053  }
0xc6: {  	[bflag:$0x2] =	sbarrier.arrive $0xFFFF  }
0xc7: {  	p0 =	sne.s32 s4, $0x0;
	s0 =	rddreg [dreg:$0x4]  }
0xc8: {  	s0 =	sadd.s32 @!p0 $0x100000, s0  }
0xc9: {  	[sflag:s0] =	ssyncadd.tile.s32 @!p0 $0x1;
	_ =	shalt  }
.Lfunc_end2:
_tile_overlayer_lowered:
.L_overlay_start_2:
0xca: {  	(tag) =	ssettag $0x2  }
0xcb: {  	s0 =	rddreg [dreg:$0x0];
	s2 =	stileid.u32  }
0xcc: {  	s1 =	rddreg [dreg:$0x1];
	p0 =	sne.s32 s2, $0x0  }
0xcd: {  	s3 =	rddreg [dreg:$0x2];
	[bflag:$0x3] =	sbarrier.arrive $0xFFFF;
	s2 =	simm.s32 @!p0 $0x1C02  }
0xce: {  	[timem:s3], [sflag:s2] =	dma.local @!p0 [hbm:s0], s1  }
0xcf: {  	s0 =	simm.s32 @!p0 $0x2  }
0xd0: {  	_ =	swait.ge @!p0 [sflag:s0], s1  }
0xd1: {  	s1 =	ssub.s32 @!p0 $0x0, s1;
	[sflag:s0] =	ssyncset.done @!p0 $0x0  }
0xd2: {  	[sflag:s0] =	ssyncadd.s32 @!p0 s1  }
0xd3: {  	[bflag:$0x3] =	sbarrier.arrive $0xFFFF  }
0xd4: {  	_ =	shalt  }

</sc_bundles>
